<compile_context>
chip_gen: v7x
topology: tpu7x:2x2x1
jax: 0.10.2.dev20260603
libtpu: 0.0.44.dev20260713+nightly
codegen_flags: <defaults>
</compile_context>

<pallas_src>
import functools

import jax
import jax.numpy as jnp
import numpy as np
from jax import lax
from jax.experimental import pallas as pl
from jax.experimental.pallas import tpu as pltpu
from jax.experimental.pallas import tpu_sc as plsc

N = 10000
D = 128
H = 128
G = 64

NC = 2
NS = 16
NW = NC * NS
CHUNK = 128
ACC_ROWS = 10240
RPT = ACC_ROWS // NS
ZBLK = 640
DUMMY = N

_NEG_INF = float("-inf")


def _make_spmm(width, cpt, k=1, compact_out=False):
    mesh = plsc.VectorSubcoreMesh(core_axis_name="c", subcore_axis_name="s")
    out = jax.ShapeDtypeStruct((ACC_ROWS, 1 if compact_out else width),
                               jnp.float32)
    hcpt = cpt // 2
    ecpo = k * CHUNK
    oph = hcpt // k

    @functools.partial(
        pl.kernel,
        out_type=(out, out),
        mesh=mesh,
        compiler_params=pltpu.CompilerParams(use_tc_tiling_on_sc=(width == 128)),
        scratch_types=[
            pltpu.VMEM((oph, ecpo), jnp.int32),
            pltpu.VMEM((oph, ecpo), jnp.int32),
            pltpu.VMEM((ecpo, width), jnp.float32),
            pltpu.VMEM((ecpo, width), jnp.float32),
            pltpu.VMEM_SHARED((ACC_ROWS, width), jnp.float32),
            pltpu.SemaphoreType.DMA,
            pltpu.SemaphoreType.DMA,
        ],
    )
    def spmm(s_hbm, src_hbm, dst_hbm, z_hbm, out0, out1,
             src_v, dst_v, rows_a, rows_b, acc_sh, sem_a, sem_b):
        cid = lax.axis_index("c")
        sid = lax.axis_index("s")
        wid = cid * NS + sid
        base = sid * RPT

        @pl.loop(0, RPT // ZBLK)
        def _(i):
            pltpu.async_copy(z_hbm, acc_sh.at[pl.ds(base + i * ZBLK, ZBLK)],
                             sem_a)

        @pl.loop(0, RPT // ZBLK)
        def _(i):
            pltpu.make_async_copy(
                z_hbm, acc_sh.at[pl.ds(base + i * ZBLK, ZBLK)], sem_a).wait()

        plsc.subcore_barrier()

        @pl.loop(0, 2)
        def _(h):
            pltpu.sync_copy(
                src_hbm.at[wid, pl.ds(h * oph, oph)], src_v)
            pltpu.sync_copy(
                dst_hbm.at[wid, pl.ds(h * oph, oph)], dst_v)
            pltpu.async_copy(s_hbm.at[src_v.at[0]], rows_a, sem_a)

            @pl.loop(0, oph, step=2)
            def _(j):
                pltpu.async_copy(s_hbm.at[src_v.at[j + 1]], rows_b, sem_b)
                pltpu.make_async_copy(
                    s_hbm.at[src_v.at[j]], rows_a, sem_a).wait()
                pltpu.sync_copy(rows_a, acc_sh.at[dst_v.at[j]], add=True)

                @pl.when(j + 2 < oph)
                def _():
                    pltpu.async_copy(s_hbm.at[src_v.at[j + 2]], rows_a, sem_a)

                pltpu.make_async_copy(
                    s_hbm.at[src_v.at[j + 1]], rows_b, sem_b).wait()
                pltpu.sync_copy(rows_b, acc_sh.at[dst_v.at[j + 1]], add=True)

        plsc.subcore_barrier()

        if compact_out:
            asrc = acc_sh.at[pl.ds(base, RPT), pl.ds(0, 1)]
        else:
            asrc = acc_sh.at[pl.ds(base, RPT)]

        @pl.when(cid == 0)
        def _():
            pltpu.sync_copy(asrc, out0.at[pl.ds(base, RPT)])

        @pl.when(cid == 1)
        def _():
            pltpu.sync_copy(asrc, out1.at[pl.ds(base, RPT)])

    return spmm


def _dense_kernel(x_ref, w_ref, b_ref, o_ref):
    o_ref[...] = (
        jnp.dot(x_ref[...], w_ref[...], preferred_element_type=jnp.float32)
        + b_ref[...]
    )


def _relu_dense_kernel(p0_ref, p1_ref, w_ref, b_ref, g_ref, s_ref):
    g = jnp.maximum(p0_ref[...] + p1_ref[...], 0.0)
    g_ref[...] = g
    s_ref[...] = (
        jnp.dot(g, w_ref[...], preferred_element_type=jnp.float32) + b_ref[...]
    )


def _relu_score_kernel(p0_ref, p1_ref, g1_ref, g2_ref, wa_ref, ba_ref,
                       g3_ref, s16_ref):
    g3 = jnp.maximum(p0_ref[...] + p1_ref[...], 0.0)
    g3_ref[...] = g3
    sp = jnp.sum(
        g1_ref[...] * wa_ref[0:1, :]
        + g2_ref[...] * wa_ref[1:2, :]
        + g3 * wa_ref[2:3, :],
        axis=1,
        keepdims=True,
    ) + ba_ref[0, 0]
    nr = sp.shape[0] // 8
    s16_ref[...] = jnp.broadcast_to(
        sp.reshape(nr, 8)[:, :, None], (nr, 8, 16)).reshape(nr, 128)


def _final_kernel(g1_ref, g2_ref, g3_ref, ps0_ref, ps1_ref, gi_ref,
                  wf_ref, bf_ref, o_ref, sum_s, max_s, cnt_s):
    t = jnp.tanh(ps0_ref[:N, 0:1] + ps1_ref[:N, 0:1])
    sum_s[...] = jnp.zeros((G, 3 * H), jnp.float32)
    max_s[...] = jnp.full((G, 3 * H), _NEG_INF, jnp.float32)
    cnt_s[...] = jnp.zeros((G, 128), jnp.float32)
    giota = lax.broadcasted_iota(jnp.int32, (G, 1), 0)
    giota_row = lax.broadcasted_iota(jnp.int32, (1, G), 1)
    dn = (((0,), (0,)), ((), ()))

    BS = 500
    for b in range(N // BS):
        lo = b * BS
        tb = t[lo:lo + BS]
        r1 = g1_ref[lo:lo + BS] * tb
        r2 = g2_ref[lo:lo + BS] * tb
        r3 = g3_ref[lo:lo + BS] * tb
        gib = gi_ref[lo:lo + BS]
        onehot = (gib == giota_row).astype(jnp.float32)
        sum_s[:, 0:H] += lax.dot_general(
            onehot, r1, dn, preferred_element_type=jnp.float32)
        sum_s[:, H:2 * H] += lax.dot_general(
            onehot, r2, dn, preferred_element_type=jnp.float32)
        sum_s[:, 2 * H:3 * H] += lax.dot_general(
            onehot, r3, dn, preferred_element_type=jnp.float32)
        cnt_s[...] = cnt_s[...] + jnp.sum(onehot, axis=0, keepdims=True).T
        glo = jnp.min(gib)
        ghi = jnp.max(gib)

        def body(g, carry, r1=r1, r2=r2, r3=r3, gib=gib):
            m = gib == g
            sel = giota == g
            c1 = jnp.max(jnp.where(m, r1, _NEG_INF), axis=0, keepdims=True)
            c2 = jnp.max(jnp.where(m, r2, _NEG_INF), axis=0, keepdims=True)
            c3 = jnp.max(jnp.where(m, r3, _NEG_INF), axis=0, keepdims=True)
            cmax = jnp.concatenate([c1, c2, c3], axis=1)
            max_s[...] = jnp.maximum(max_s[...], jnp.where(sel, cmax, _NEG_INF))
            return carry

        lax.fori_loop(glo, ghi + 1, body, 0)

    avg = sum_s[...] / jnp.maximum(cnt_s[:, 0:1], 1.0)
    mx = max_s[...]
    mx = jnp.where(jnp.isfinite(mx), mx, 0.0)
    pooled = jnp.concatenate([avg, mx], axis=1)
    o_ref[...] = jnp.maximum(
        jnp.dot(pooled, wf_ref[...], preferred_element_type=jnp.float32)
        + bf_ref[...],
        0.0,
    )


def _edge_prep_kernel(e_ref, p_ref, so_ref, do_ref):
    so_ref[...] = jnp.concatenate([e_ref[0], p_ref[0]], axis=0)
    do_ref[...] = jnp.concatenate([e_ref[1], p_ref[1]], axis=0)


def kernel(edge_index, input_feature, graph_indicator,
           W1, b1, W2, b2, W3, b3, Wa, ba, Wf, bf):
    E = edge_index.shape[1]
    cpt = -(-E // (NW * CHUNK))
    cpt = (cpt + 3) // 4 * 4
    pad = NW * cpt * CHUNK - E
    pad_iota = np.arange(pad, dtype=np.int32)
    pad_src = pad_iota % N
    pad_dst = DUMMY + pad_iota % (ACC_ROWS - N)
    tot = NW * cpt
    if E % CHUNK == 0:
        pads = jnp.asarray(
            np.stack([pad_src, pad_dst]).reshape(2, pad // CHUNK, CHUNK))
        srcf, dstf = pl.pallas_call(
            _edge_prep_kernel,
            out_shape=[jax.ShapeDtypeStruct((tot, CHUNK), jnp.int32)] * 2,
        )(edge_index.reshape(2, E // CHUNK, CHUNK), pads)
        src, dst = srcf.reshape(-1), dstf.reshape(-1)
    else:
        src = jnp.concatenate([edge_index[0], jnp.asarray(pad_src)])
        dst = jnp.concatenate([edge_index[1], jnp.asarray(pad_dst)])
    src_r = src.reshape(NW, cpt, CHUNK)
    dst_r = dst.reshape(NW, cpt, CHUNK)
    src_r2 = src.reshape(NW, cpt // 4, 4 * CHUNK)
    dst_r2 = dst.reshape(NW, cpt // 4, 4 * CHUNK)

    spmm128 = _make_spmm(H, cpt)
    spmm16 = _make_spmm(16, cpt, k=4)

    f32 = jnp.float32
    full = lambda shape: jax.ShapeDtypeStruct(shape, f32)
    z128 = jnp.zeros((ZBLK, H), f32)
    z16 = jnp.zeros((ZBLK, 16), f32)

    s1 = pl.pallas_call(_dense_kernel, out_shape=full((N, H)))(
        input_feature, W1, b1.reshape(1, H))
    p0, p1 = spmm128(s1, src_r, dst_r, z128)

    g1, s2 = pl.pallas_call(
        _relu_dense_kernel,
        out_shape=(full((ACC_ROWS, H)), full((ACC_ROWS, H))),
    )(p0, p1, W2, b2.reshape(1, H))
    p0, p1 = spmm128(s2, src_r, dst_r, z128)

    g2, s3 = pl.pallas_call(
        _relu_dense_kernel,
        out_shape=(full((ACC_ROWS, H)), full((ACC_ROWS, H))),
    )(p0, p1, W3, b3.reshape(1, H))
    p0, p1 = spmm128(s3, src_r, dst_r, z128)

    g3, s16f = pl.pallas_call(
        _relu_score_kernel,
        out_shape=(full((ACC_ROWS, H)), full((ACC_ROWS // 8, H))),
    )(p0, p1, g1, g2, Wa.reshape(3, H), ba.reshape(1, 1))
    ps0, ps1 = spmm16(s16f.reshape(ACC_ROWS, 16), src_r2, dst_r2, z16)

    out = pl.pallas_call(
        _final_kernel,
        out_shape=full((G, D)),
        scratch_shapes=[
            pltpu.VMEM((G, 3 * H), f32),
            pltpu.VMEM((G, 3 * H), f32),
            pltpu.VMEM((G, 128), f32),
        ],
    )(g1, g2, g3, ps0, ps1, graph_indicator.reshape(N, 1),
      Wf, bf.reshape(1, D))
    return out

# --- scband reference (transcript-rebuilt; emitter-appended) ---
"""Pipeline reference for scband-sagpool-58334245814482 (READ-ONLY COPY).

The authoritative reference and input builder live on the scoring server;
editing this copy changes nothing except your own understanding.
"""

import jax, jax.numpy as jnp
import numpy as np

N = 10000
E = 320000
G = 64
D = 128
H = 128


def setup_inputs(seed: int = 0):
    key = jax.random.key(seed)
    ks = jax.random.split(key, 10)
    inp = {}
    inp["edge_index"] = jax.random.randint(ks[0], (2, E), 0, N, dtype=jnp.int32)
    inp["input_feature"] = jax.random.normal(ks[1], (N, D), dtype=jnp.float32)
    inp["graph_indicator"] = jnp.sort(jax.random.randint(ks[2], (N,), 0, G, dtype=jnp.int32))
    inp["W1"] = jax.random.normal(ks[3], (D, H), dtype=jnp.float32) / np.sqrt(D)
    inp["b1"] = jnp.zeros((H,), dtype=jnp.float32)
    inp["W2"] = jax.random.normal(ks[4], (H, H), dtype=jnp.float32) / np.sqrt(H)
    inp["b2"] = jnp.zeros((H,), dtype=jnp.float32)
    inp["W3"] = jax.random.normal(ks[5], (H, H), dtype=jnp.float32) / np.sqrt(H)
    inp["b3"] = jnp.zeros((H,), dtype=jnp.float32)
    inp["Wa"] = jax.random.normal(ks[6], (3 * H, 1), dtype=jnp.float32) / np.sqrt(3 * H)
    inp["ba"] = jnp.zeros((1,), dtype=jnp.float32)
    inp["Wf"] = jax.random.normal(ks[7], (3 * H * 2, D), dtype=jnp.float32) / np.sqrt(3 * H * 2)
    inp["bf"] = jnp.zeros((D,), dtype=jnp.float32)
    return inp


def _gcn(x, W, b, src, dst, n):
    # GraphConvolution: support = x @ W + b ; out = A @ support (sparse spmm via gather + scatter-add)
    support = x @ W + b
    return jax.ops.segment_sum(support[src], dst, num_segments=n)


def reference(edge_index, input_feature, graph_indicator, W1, b1, W2, b2, W3, b3, Wa, ba, Wf, bf):
    src = edge_index[0]
    dst = edge_index[1]
    g1 = jax.nn.relu(_gcn(input_feature, W1, b1, src, dst, N))
    g2 = jax.nn.relu(_gcn(g1, W2, b2, src, dst, N))
    g3 = jax.nn.relu(_gcn(g2, W3, b3, src, dst, N))
    feat = jnp.concatenate([g1, g2, g3], axis=1)  # [N, 3H]
    # SelfAttentionPooling: GCN score layer -> tanh gate on features
    score = _gcn(feat, Wa, ba, src, dst, N)  # [N, 1]
    pool = feat * jnp.tanh(score)
    # global_avg_pool / global_max_pool over graph_indicator segments
    ones = jnp.ones((N, 1), dtype=pool.dtype)
    counts = jax.ops.segment_sum(ones, graph_indicator, num_segments=G)
    avg = jax.ops.segment_sum(pool, graph_indicator, num_segments=G) / jnp.maximum(counts, 1.0)
    mx = jax.ops.segment_max(pool, graph_indicator, num_segments=G)
    mx = jnp.where(jnp.isfinite(mx), mx, 0.0)
    pooled = jnp.concatenate([avg, mx], axis=1)  # [G, 6H]
    return jax.nn.relu(pooled @ Wf + bf)  # [G, D]

if __name__ == "__main__":
    import jax
    _d = setup_inputs()
    print(jax.jit(kernel)(*tuple(_d.values())))

</pallas_src>

<mosaic_0001>
#map = affine_map<(d0, d1) -> (0, 0)>
#map1 = affine_map<(d0, d1) -> (0, 0, 0)>
module attributes {stable_mosaic.version = 14 : i64} {
  func.func @spmm(%arg0: i32, %arg1: i32, %arg2: memref<10000x128xf32, #tpu.memory_space<hbm>>, %arg3: memref<32x80x128xi32, #tpu.memory_space<hbm>>, %arg4: memref<32x80x128xi32, #tpu.memory_space<hbm>>, %arg5: memref<640x128xf32, #tpu.memory_space<hbm>>, %arg6: memref<10240x128xf32, #tpu.memory_space<hbm>>, %arg7: memref<10240x128xf32, #tpu.memory_space<hbm>>, %arg8: memref<40x128xi32, #tpu.memory_space<vmem>>, %arg9: memref<40x128xi32, #tpu.memory_space<vmem>>, %arg10: memref<128x128xf32, #tpu.memory_space<vmem>>, %arg11: memref<128x128xf32, #tpu.memory_space<vmem>>, %arg12: memref<10240x128xf32, #tpu.memory_space<vmem_shared>>, %arg13: memref<!tpu.dma_semaphore, #tpu.memory_space<semaphore_mem>>, %arg14: memref<!tpu.dma_semaphore, #tpu.memory_space<semaphore_mem>>) attributes {dimension_semantics = [#tpu.dimension_semantics<core_parallel>, #tpu.dimension_semantics<subcore_parallel>], iteration_bounds = array<i64: 2, 16>, scalar_prefetch = 0 : i64, scratch_operands = 7 : i64, tpu.core_type = #tpu.core_type<sc_vector_subcore>, window_params = [{transform_indices = #map}, {transform_indices = #map1}, {transform_indices = #map1}, {transform_indices = #map}, {transform_indices = #map}, {transform_indices = #map}]} {
    %mul3A = arith.constant 16 : i32
    %mul3A_0 = arith.muli %arg0, %mul3A : i32
    %add3A = arith.addi %mul3A_0, %arg1 : i32
    %mul3A_1 = arith.constant 640 : i32
    %mul3A_2 = arith.muli %arg1, %mul3A_1 : i32
    %scan3A = arith.constant 0 : i32
    %mul3A_3 = arith.constant 1 : i32
    %mul3A_4 = arith.muli %scan3A, %mul3A_3 : i32
    %add3A_5 = arith.constant 0 : i32
    %add3A_6 = arith.addi %add3A_5, %mul3A_4 : i32
    %mul3A_7 = arith.constant 640 : i32
    %mul3A_8 = arith.muli %add3A_6, %mul3A_7 : i32
    %add3A_9 = arith.addi %mul3A_2, %mul3A_8 : i32
    %dma_start3A = arith.constant 0 : i32
    %dma_start3A_10 = tpu.memref_slice %arg12[%add3A_9, %dma_start3A] : memref<10240x128xf32, #tpu.memory_space<vmem_shared>> -> memref<640x128xf32, #tpu.memory_space<vmem_shared>>
    tpu.enqueue_dma source(%arg5 : memref<640x128xf32, #tpu.memory_space<hbm>>) target(%dma_start3A_10 : memref<640x128xf32, #tpu.memory_space<vmem_shared>>) target_semaphore(%arg13 : memref<!tpu.dma_semaphore, #tpu.memory_space<semaphore_mem>>)
    %scan3A_11 = arith.constant 1 : i32
    %scan3A_12 = arith.constant 0 : i32
    %mul3A_13 = arith.constant 1 : i32
    %mul3A_14 = arith.muli %scan3A_12, %mul3A_13 : i32
    %add3A_15 = arith.constant 0 : i32
    %add3A_16 = arith.addi %add3A_15, %mul3A_14 : i32
    %mul3A_17 = arith.constant 640 : i32
    %mul3A_18 = arith.muli %add3A_16, %mul3A_17 : i32
    %add3A_19 = arith.addi %mul3A_2, %mul3A_18 : i32
    %dma_wait3A = arith.constant 0 : i32
    %dma_wait3A_20 = tpu.memref_slice %arg12[%add3A_19, %dma_wait3A] : memref<10240x128xf32, #tpu.memory_space<vmem_shared>> -> memref<640x128xf32, #tpu.memory_space<vmem_shared>>
    tpu.wait_dma2 semaphore(%arg13 : memref<!tpu.dma_semaphore, #tpu.memory_space<semaphore_mem>>) src(%arg5 : memref<640x128xf32, #tpu.memory_space<hbm>>) dst(%dma_wait3A_20 : memref<640x128xf32, #tpu.memory_space<vmem_shared>>)
    %scan3A_21 = arith.constant 1 : i32
    %barrier3A = arith.constant 0 : index
    tpu.barrier barrier_id(%barrier3A)
    %scan3A_22 = arith.constant 0 : i32
    %scan3A_23 = arith.constant 2 : i32
    %scan3A_24 = arith.addi %scan3A_22, %scan3A_23 : i32
    %scan3A_25 = arith.constant 1 : i32
    scf.for %scan3A_35 = %scan3A_22 to %scan3A_24 step %scan3A_25  : i32 {
      %mul3A_36 = arith.constant 1 : i32
      %mul3A_37 = arith.muli %scan3A_35, %mul3A_36 : i32
      %add3A_38 = arith.constant 0 : i32
      %add3A_39 = arith.addi %add3A_38, %mul3A_37 : i32
      %mul3A_40 = arith.constant 40 : i32
      %mul3A_41 = arith.muli %add3A_39, %mul3A_40 : i32
      "tpu.region"() ({
        %run_scoped3A = tpu.sem_alloc : memref<!tpu.dma_semaphore, #tpu.memory_space<semaphore_mem>>
        %dma_start3A_56 = arith.constant 0 : i32
        %dma_start3A_57 = tpu.memref_slice %arg3[%add3A, %mul3A_41, %dma_start3A_56] : memref<32x80x128xi32, #tpu.memory_space<hbm>> -> memref<1x40x128xi32, #tpu.memory_space<hbm>>
        %dma_start3A_58 = tpu.memref_squeeze %dma_start3A_57 : memref<1x40x128xi32, #tpu.memory_space<hbm>> -> memref<40x128xi32, #tpu.memory_space<hbm>>
        %dma_start3A_59 = arith.constant 0 : i32
        %dma_start3A_60 = tpu.memref_slice %arg3[%add3A, %mul3A_41, %dma_start3A_59] : memref<32x80x128xi32, #tpu.memory_space<hbm>> -> memref<1x40x128xi32, #tpu.memory_space<hbm>>
        %dma_start3A_61 = tpu.memref_squeeze %dma_start3A_60 : memref<1x40x128xi32, #tpu.memory_space<hbm>> -> memref<40x128xi32, #tpu.memory_space<hbm>>
        tpu.enqueue_dma source(%dma_start3A_61 : memref<40x128xi32, #tpu.memory_space<hbm>>) target(%arg8 : memref<40x128xi32, #tpu.memory_space<vmem>>) target_semaphore(%run_scoped3A : memref<!tpu.dma_semaphore, #tpu.memory_space<semaphore_mem>>)
        %dma_wait3A_62 = arith.constant 0 : i32
        %dma_wait3A_63 = tpu.memref_slice %arg3[%add3A, %mul3A_41, %dma_wait3A_62] : memref<32x80x128xi32, #tpu.memory_space<hbm>> -> memref<1x40x128xi32, #tpu.memory_space<hbm>>
        %dma_wait3A_64 = tpu.memref_squeeze %dma_wait3A_63 : memref<1x40x128xi32, #tpu.memory_space<hbm>> -> memref<40x128xi32, #tpu.memory_space<hbm>>
        %dma_wait3A_65 = arith.constant 0 : i32
        %dma_wait3A_66 = tpu.memref_slice %arg3[%add3A, %mul3A_41, %dma_wait3A_65] : memref<32x80x128xi32, #tpu.memory_space<hbm>> -> memref<1x40x128xi32, #tpu.memory_space<hbm>>
        %dma_wait3A_67 = tpu.memref_squeeze %dma_wait3A_66 : memref<1x40x128xi32, #tpu.memory_space<hbm>> -> memref<40x128xi32, #tpu.memory_space<hbm>>
        tpu.wait_dma2 semaphore(%run_scoped3A : memref<!tpu.dma_semaphore, #tpu.memory_space<semaphore_mem>>) src(%dma_wait3A_67 : memref<40x128xi32, #tpu.memory_space<hbm>>) dst(%arg8 : memref<40x128xi32, #tpu.memory_space<vmem>>)
        tpu.yield
      }) : () -> ()
      %mul3A_42 = arith.constant 40 : i32
      %mul3A_43 = arith.muli %add3A_39, %mul3A_42 : i32
      "tpu.region"() ({
        %run_scoped3A = tpu.sem_alloc : memref<!tpu.dma_semaphore, #tpu.memory_space<semaphore_mem>>
        %dma_start3A_56 = arith.constant 0 : i32
        %dma_start3A_57 = tpu.memref_slice %arg4[%add3A, %mul3A_43, %dma_start3A_56] : memref<32x80x128xi32, #tpu.memory_space<hbm>> -> memref<1x40x128xi32, #tpu.memory_space<hbm>>
        %dma_start3A_58 = tpu.memref_squeeze %dma_start3A_57 : memref<1x40x128xi32, #tpu.memory_space<hbm>> -> memref<40x128xi32, #tpu.memory_space<hbm>>
        %dma_start3A_59 = arith.constant 0 : i32
        %dma_start3A_60 = tpu.memref_slice %arg4[%add3A, %mul3A_43, %dma_start3A_59] : memref<32x80x128xi32, #tpu.memory_space<hbm>> -> memref<1x40x128xi32, #tpu.memory_space<hbm>>
        %dma_start3A_61 = tpu.memref_squeeze %dma_start3A_60 : memref<1x40x128xi32, #tpu.memory_space<hbm>> -> memref<40x128xi32, #tpu.memory_space<hbm>>
        tpu.enqueue_dma source(%dma_start3A_61 : memref<40x128xi32, #tpu.memory_space<hbm>>) target(%arg9 : memref<40x128xi32, #tpu.memory_space<vmem>>) target_semaphore(%run_scoped3A : memref<!tpu.dma_semaphore, #tpu.memory_space<semaphore_mem>>)
        %dma_wait3A_62 = arith.constant 0 : i32
        %dma_wait3A_63 = tpu.memref_slice %arg4[%add3A, %mul3A_43, %dma_wait3A_62] : memref<32x80x128xi32, #tpu.memory_space<hbm>> -> memref<1x40x128xi32, #tpu.memory_space<hbm>>
        %dma_wait3A_64 = tpu.memref_squeeze %dma_wait3A_63 : memref<1x40x128xi32, #tpu.memory_space<hbm>> -> memref<40x128xi32, #tpu.memory_space<hbm>>
        %dma_wait3A_65 = arith.constant 0 : i32
        %dma_wait3A_66 = tpu.memref_slice %arg4[%add3A, %mul3A_43, %dma_wait3A_65] : memref<32x80x128xi32, #tpu.memory_space<hbm>> -> memref<1x40x128xi32, #tpu.memory_space<hbm>>
        %dma_wait3A_67 = tpu.memref_squeeze %dma_wait3A_66 : memref<1x40x128xi32, #tpu.memory_space<hbm>> -> memref<40x128xi32, #tpu.memory_space<hbm>>
        tpu.wait_dma2 semaphore(%run_scoped3A : memref<!tpu.dma_semaphore, #tpu.memory_space<semaphore_mem>>) src(%dma_wait3A_67 : memref<40x128xi32, #tpu.memory_space<hbm>>) dst(%arg9 : memref<40x128xi32, #tpu.memory_space<vmem>>)
        tpu.yield
      }) : () -> ()
      %dma_start3A_44 = arith.constant 0 : i32
      %dma_start3A_45 = arith.constant 0 : i32
      %dma_start3A_46 = tpu.memref_slice %arg8[%dma_start3A_44, %dma_start3A_45] : memref<40x128xi32, #tpu.memory_space<vmem>> -> memref<1x128xi32, #tpu.memory_space<vmem>>
      %dma_start3A_47 = tpu.memref_squeeze %dma_start3A_46 : memref<1x128xi32, #tpu.memory_space<vmem>> -> memref<128xi32, #tpu.memory_space<vmem>>
      %dma_start3A_48 = arith.constant 0 : i32
      %dma_start3A_49 = arith.constant 0 : i32
      %dma_start3A_50 = tpu.memref_slice %arg2[%dma_start3A_48, %dma_start3A_49] : memref<10000x128xf32, #tpu.memory_space<hbm>> -> memref<10000x128xf32, #tpu.memory_space<hbm>>
      tpu.enqueue_indirect_dma source(%dma_start3A_50 : memref<10000x128xf32, #tpu.memory_space<hbm>>) target(%arg10 : memref<128x128xf32, #tpu.memory_space<vmem>>) offsets(%dma_start3A_47 : memref<128xi32, #tpu.memory_space<vmem>>) semaphore(%arg13 : memref<!tpu.dma_semaphore, #tpu.memory_space<semaphore_mem>>)
      %scan3A_51 = arith.constant 0 : i32
      %scan3A_52 = arith.constant 20 : i32
      %scan3A_53 = arith.addi %scan3A_51, %scan3A_52 : i32
      %scan3A_54 = arith.constant 1 : i32
      scf.for %scan3A_56 = %scan3A_51 to %scan3A_53 step %scan3A_54  : i32 {
        %mul3A_57 = arith.constant 2 : i32
        %mul3A_58 = arith.muli %scan3A_56, %mul3A_57 : i32
        %add3A_59 = arith.constant 0 : i32
        %add3A_60 = arith.addi %add3A_59, %mul3A_58 : i32
        %add3A_61 = arith.constant 1 : i32
        %add3A_62 = arith.addi %add3A_60, %add3A_61 : i32
        %dma_start3A_63 = arith.constant 0 : i32
        %dma_start3A_64 = tpu.memref_slice %arg8[%add3A_62, %dma_start3A_63] : memref<40x128xi32, #tpu.memory_space<vmem>> -> memref<1x128xi32, #tpu.memory_space<vmem>>
        %dma_start3A_65 = tpu.memref_squeeze %dma_start3A_64 : memref<1x128xi32, #tpu.memory_space<vmem>> -> memref<128xi32, #tpu.memory_space<vmem>>
        %dma_start3A_66 = arith.constant 0 : i32
        %dma_start3A_67 = arith.constant 0 : i32
        %dma_start3A_68 = tpu.memref_slice %arg2[%dma_start3A_66, %dma_start3A_67] : memref<10000x128xf32, #tpu.memory_space<hbm>> -> memref<10000x128xf32, #tpu.memory_space<hbm>>
        tpu.enqueue_indirect_dma source(%dma_start3A_68 : memref<10000x128xf32, #tpu.memory_space<hbm>>) target(%arg11 : memref<128x128xf32, #tpu.memory_space<vmem>>) offsets(%dma_start3A_65 : memref<128xi32, #tpu.memory_space<vmem>>) semaphore(%arg14 : memref<!tpu.dma_semaphore, #tpu.memory_space<semaphore_mem>>)
        %dma_wait3A_69 = arith.constant 0 : i32
        %dma_wait3A_70 = tpu.memref_slice %arg8[%add3A_60, %dma_wait3A_69] : memref<40x128xi32, #tpu.memory_space<vmem>> -> memref<1x128xi32, #tpu.memory_space<vmem>>
        %dma_wait3A_71 = tpu.memref_squeeze %dma_wait3A_70 : memref<1x128xi32, #tpu.memory_space<vmem>> -> memref<128xi32, #tpu.memory_space<vmem>>
        %dma_wait3A_72 = arith.constant 0 : i32
        %dma_wait3A_73 = arith.constant 0 : i32
        %dma_wait3A_74 = tpu.memref_slice %arg2[%dma_wait3A_72, %dma_wait3A_73] : memref<10000x128xf32, #tpu.memory_space<hbm>> -> memref<10000x128xf32, #tpu.memory_space<hbm>>
        tpu.wait_indirect_dma semaphore(%arg13 : memref<!tpu.dma_semaphore, #tpu.memory_space<semaphore_mem>>) src(%dma_wait3A_74 : memref<10000x128xf32, #tpu.memory_space<hbm>>) dst(%arg10 : memref<128x128xf32, #tpu.memory_space<vmem>>)
        "tpu.region"() ({
          %run_scoped3A = tpu.sem_alloc : memref<!tpu.dma_semaphore, #tpu.memory_space<semaphore_mem>>
          %dma_start3A_91 = arith.constant 0 : i32
          %dma_start3A_92 = tpu.memref_slice %arg9[%add3A_60, %dma_start3A_91] : memref<40x128xi32, #tpu.memory_space<vmem>> -> memref<1x128xi32, #tpu.memory_space<vmem>>
          %dma_start3A_93 = tpu.memref_squeeze %dma_start3A_92 : memref<1x128xi32, #tpu.memory_space<vmem>> -> memref<128xi32, #tpu.memory_space<vmem>>
          %dma_start3A_94 = arith.constant 0 : i32
          %dma_start3A_95 = arith.constant 0 : i32
          %dma_start3A_96 = tpu.memref_slice %arg12[%dma_start3A_94, %dma_start3A_95] : memref<10240x128xf32, #tpu.memory_space<vmem_shared>> -> memref<10240x128xf32, #tpu.memory_space<vmem_shared>>
          tpu.enqueue_indirect_dma source(%arg10 : memref<128x128xf32, #tpu.memory_space<vmem>>) target(%dma_start3A_96 : memref<10240x128xf32, #tpu.memory_space<vmem_shared>>) offsets(%dma_start3A_93 : memref<128xi32, #tpu.memory_space<vmem>>) semaphore(%run_scoped3A : memref<!tpu.dma_semaphore, #tpu.memory_space<semaphore_mem>>) {add = true}
          %dma_wait3A_97 = arith.constant 0 : i32
          %dma_wait3A_98 = tpu.memref_slice %arg9[%add3A_60, %dma_wait3A_97] : memref<40x128xi32, #tpu.memory_space<vmem>> -> memref<1x128xi32, #tpu.memory_space<vmem>>
          %dma_wait3A_99 = tpu.memref_squeeze %dma_wait3A_98 : memref<1x128xi32, #tpu.memory_space<vmem>> -> memref<128xi32, #tpu.memory_space<vmem>>
          %dma_wait3A_100 = arith.constant 0 : i32
          %dma_wait3A_101 = arith.constant 0 : i32
          %dma_wait3A_102 = tpu.memref_slice %arg12[%dma_wait3A_100, %dma_wait3A_101] : memref<10240x128xf32, #tpu.memory_space<vmem_shared>> -> memref<10240x128xf32, #tpu.memory_space<vmem_shared>>
          tpu.wait_indirect_dma semaphore(%run_scoped3A : memref<!tpu.dma_semaphore, #tpu.memory_space<semaphore_mem>>) src(%arg10 : memref<128x128xf32, #tpu.memory_space<vmem>>) dst(%dma_wait3A_102 : memref<10240x128xf32, #tpu.memory_space<vmem_shared>>)
          tpu.yield
        }) : () -> ()
        %add3A_75 = arith.constant 2 : i32
        %add3A_76 = arith.addi %add3A_60, %add3A_75 : i32
        %lt3A = arith.constant 40 : i32
        %lt3A_77 = arith.cmpi slt, %add3A_76, %lt3A : i32
        %convert_element_type3A_78 = arith.extui %lt3A_77 : i1 to i32
        %cond3A_79 = arith.constant 0 : i32
        %cond3A_80 = arith.cmpi ne, %convert_element_type3A_78, %cond3A_79 : i32
        scf.if %cond3A_80 {
          %add3A_91 = arith.constant 2 : i32
          %add3A_92 = arith.addi %add3A_60, %add3A_91 : i32
          %dma_start3A_93 = arith.constant 0 : i32
          %dma_start3A_94 = tpu.memref_slice %arg8[%add3A_92, %dma_start3A_93] : memref<40x128xi32, #tpu.memory_space<vmem>> -> memref<1x128xi32, #tpu.memory_space<vmem>>
          %dma_start3A_95 = tpu.memref_squeeze %dma_start3A_94 : memref<1x128xi32, #tpu.memory_space<vmem>> -> memref<128xi32, #tpu.memory_space<vmem>>
          %dma_start3A_96 = arith.constant 0 : i32
          %dma_start3A_97 = arith.constant 0 : i32
          %dma_start3A_98 = tpu.memref_slice %arg2[%dma_start3A_96, %dma_start3A_97] : memref<10000x128xf32, #tpu.memory_space<hbm>> -> memref<10000x128xf32, #tpu.memory_space<hbm>>
          tpu.enqueue_indirect_dma source(%dma_start3A_98 : memref<10000x128xf32, #tpu.memory_space<hbm>>) target(%arg10 : memref<128x128xf32, #tpu.memory_space<vmem>>) offsets(%dma_start3A_95 : memref<128xi32, #tpu.memory_space<vmem>>) semaphore(%arg13 : memref<!tpu.dma_semaphore, #tpu.memory_space<semaphore_mem>>)
        } else {
        }
        %add3A_81 = arith.constant 1 : i32
        %add3A_82 = arith.addi %add3A_60, %add3A_81 : i32
        %dma_wait3A_83 = arith.constant 0 : i32
        %dma_wait3A_84 = tpu.memref_slice %arg8[%add3A_82, %dma_wait3A_83] : memref<40x128xi32, #tpu.memory_space<vmem>> -> memref<1x128xi32, #tpu.memory_space<vmem>>
        %dma_wait3A_85 = tpu.memref_squeeze %dma_wait3A_84 : memref<1x128xi32, #tpu.memory_space<vmem>> -> memref<128xi32, #tpu.memory_space<vmem>>
        %dma_wait3A_86 = arith.constant 0 : i32
        %dma_wait3A_87 = arith.constant 0 : i32
        %dma_wait3A_88 = tpu.memref_slice %arg2[%dma_wait3A_86, %dma_wait3A_87] : memref<10000x128xf32, #tpu.memory_space<hbm>> -> memref<10000x128xf32, #tpu.memory_space<hbm>>
        tpu.wait_indirect_dma semaphore(%arg14 : memref<!tpu.dma_semaphore, #tpu.memory_space<semaphore_mem>>) src(%dma_wait3A_88 : memref<10000x128xf32, #tpu.memory_space<hbm>>) dst(%arg11 : memref<128x128xf32, #tpu.memory_space<vmem>>)
        %add3A_89 = arith.constant 1 : i32
        %add3A_90 = arith.addi %add3A_60, %add3A_89 : i32
        "tpu.region"() ({
          %run_scoped3A = tpu.sem_alloc : memref<!tpu.dma_semaphore, #tpu.memory_space<semaphore_mem>>
          %dma_start3A_91 = arith.constant 0 : i32
          %dma_start3A_92 = tpu.memref_slice %arg9[%add3A_90, %dma_start3A_91] : memref<40x128xi32, #tpu.memory_space<vmem>> -> memref<1x128xi32, #tpu.memory_space<vmem>>
          %dma_start3A_93 = tpu.memref_squeeze %dma_start3A_92 : memref<1x128xi32, #tpu.memory_space<vmem>> -> memref<128xi32, #tpu.memory_space<vmem>>
          %dma_start3A_94 = arith.constant 0 : i32
          %dma_start3A_95 = arith.constant 0 : i32
          %dma_start3A_96 = tpu.memref_slice %arg12[%dma_start3A_94, %dma_start3A_95] : memref<10240x128xf32, #tpu.memory_space<vmem_shared>> -> memref<10240x128xf32, #tpu.memory_space<vmem_shared>>
          tpu.enqueue_indirect_dma source(%arg11 : memref<128x128xf32, #tpu.memory_space<vmem>>) target(%dma_start3A_96 : memref<10240x128xf32, #tpu.memory_space<vmem_shared>>) offsets(%dma_start3A_93 : memref<128xi32, #tpu.memory_space<vmem>>) semaphore(%run_scoped3A : memref<!tpu.dma_semaphore, #tpu.memory_space<semaphore_mem>>) {add = true}
          %dma_wait3A_97 = arith.constant 0 : i32
          %dma_wait3A_98 = tpu.memref_slice %arg9[%add3A_90, %dma_wait3A_97] : memref<40x128xi32, #tpu.memory_space<vmem>> -> memref<1x128xi32, #tpu.memory_space<vmem>>
          %dma_wait3A_99 = tpu.memref_squeeze %dma_wait3A_98 : memref<1x128xi32, #tpu.memory_space<vmem>> -> memref<128xi32, #tpu.memory_space<vmem>>
          %dma_wait3A_100 = arith.constant 0 : i32
          %dma_wait3A_101 = arith.constant 0 : i32
          %dma_wait3A_102 = tpu.memref_slice %arg12[%dma_wait3A_100, %dma_wait3A_101] : memref<10240x128xf32, #tpu.memory_space<vmem_shared>> -> memref<10240x128xf32, #tpu.memory_space<vmem_shared>>
          tpu.wait_indirect_dma semaphore(%run_scoped3A : memref<!tpu.dma_semaphore, #tpu.memory_space<semaphore_mem>>) src(%arg11 : memref<128x128xf32, #tpu.memory_space<vmem>>) dst(%dma_wait3A_102 : memref<10240x128xf32, #tpu.memory_space<vmem_shared>>)
          tpu.yield
        }) : () -> ()
      }
      %scan3A_55 = arith.constant 20 : i32
    }
    %scan3A_26 = arith.constant 2 : i32
    %barrier3A_27 = arith.constant 0 : index
    tpu.barrier barrier_id(%barrier3A_27)
    %eq3A = arith.constant 0 : i32
    %eq3A_28 = arith.cmpi eq, %arg0, %eq3A : i32
    %convert_element_type3A = arith.extui %eq3A_28 : i1 to i32
    %cond3A = arith.constant 0 : i32
    %cond3A_29 = arith.cmpi ne, %convert_element_type3A, %cond3A : i32
    scf.if %cond3A_29 {
      "tpu.region"() ({
        %run_scoped3A = tpu.sem_alloc : memref<!tpu.dma_semaphore, #tpu.memory_space<semaphore_mem>>
        %dma_start3A_35 = arith.constant 0 : i32
        %dma_start3A_36 = tpu.memref_slice %arg6[%mul3A_2, %dma_start3A_35] : memref<10240x128xf32, #tpu.memory_space<hbm>> -> memref<640x128xf32, #tpu.memory_space<hbm>>
        %dma_start3A_37 = arith.constant 0 : i32
        %dma_start3A_38 = tpu.memref_slice %arg12[%mul3A_2, %dma_start3A_37] : memref<10240x128xf32, #tpu.memory_space<vmem_shared>> -> memref<640x128xf32, #tpu.memory_space<vmem_shared>>
        tpu.enqueue_dma source(%dma_start3A_38 : memref<640x128xf32, #tpu.memory_space<vmem_shared>>) target(%dma_start3A_36 : memref<640x128xf32, #tpu.memory_space<hbm>>) target_semaphore(%run_scoped3A : memref<!tpu.dma_semaphore, #tpu.memory_space<semaphore_mem>>)
        %dma_wait3A_39 = arith.constant 0 : i32
        %dma_wait3A_40 = tpu.memref_slice %arg6[%mul3A_2, %dma_wait3A_39] : memref<10240x128xf32, #tpu.memory_space<hbm>> -> memref<640x128xf32, #tpu.memory_space<hbm>>
        %dma_wait3A_41 = arith.constant 0 : i32
        %dma_wait3A_42 = tpu.memref_slice %arg12[%mul3A_2, %dma_wait3A_41] : memref<10240x128xf32, #tpu.memory_space<vmem_shared>> -> memref<640x128xf32, #tpu.memory_space<vmem_shared>>
        tpu.wait_dma2 semaphore(%run_scoped3A : memref<!tpu.dma_semaphore, #tpu.memory_space<semaphore_mem>>) src(%dma_wait3A_42 : memref<640x128xf32, #tpu.memory_space<vmem_shared>>) dst(%dma_wait3A_40 : memref<640x128xf32, #tpu.memory_space<hbm>>)
        tpu.yield
      }) : () -> ()
    } else {
    }
    %eq3A_30 = arith.constant 1 : i32
    %eq3A_31 = arith.cmpi eq, %arg0, %eq3A_30 : i32
    %convert_element_type3A_32 = arith.extui %eq3A_31 : i1 to i32
    %cond3A_33 = arith.constant 0 : i32
    %cond3A_34 = arith.cmpi ne, %convert_element_type3A_32, %cond3A_33 : i32
    scf.if %cond3A_34 {
      "tpu.region"() ({
        %run_scoped3A = tpu.sem_alloc : memref<!tpu.dma_semaphore, #tpu.memory_space<semaphore_mem>>
        %dma_start3A_35 = arith.constant 0 : i32
        %dma_start3A_36 = tpu.memref_slice %arg7[%mul3A_2, %dma_start3A_35] : memref<10240x128xf32, #tpu.memory_space<hbm>> -> memref<640x128xf32, #tpu.memory_space<hbm>>
        %dma_start3A_37 = arith.constant 0 : i32
        %dma_start3A_38 = tpu.memref_slice %arg12[%mul3A_2, %dma_start3A_37] : memref<10240x128xf32, #tpu.memory_space<vmem_shared>> -> memref<640x128xf32, #tpu.memory_space<vmem_shared>>
        tpu.enqueue_dma source(%dma_start3A_38 : memref<640x128xf32, #tpu.memory_space<vmem_shared>>) target(%dma_start3A_36 : memref<640x128xf32, #tpu.memory_space<hbm>>) target_semaphore(%run_scoped3A : memref<!tpu.dma_semaphore, #tpu.memory_space<semaphore_mem>>)
        %dma_wait3A_39 = arith.constant 0 : i32
        %dma_wait3A_40 = tpu.memref_slice %arg7[%mul3A_2, %dma_wait3A_39] : memref<10240x128xf32, #tpu.memory_space<hbm>> -> memref<640x128xf32, #tpu.memory_space<hbm>>
        %dma_wait3A_41 = arith.constant 0 : i32
        %dma_wait3A_42 = tpu.memref_slice %arg12[%mul3A_2, %dma_wait3A_41] : memref<10240x128xf32, #tpu.memory_space<vmem_shared>> -> memref<640x128xf32, #tpu.memory_space<vmem_shared>>
        tpu.wait_dma2 semaphore(%run_scoped3A : memref<!tpu.dma_semaphore, #tpu.memory_space<semaphore_mem>>) src(%dma_wait3A_42 : memref<640x128xf32, #tpu.memory_space<vmem_shared>>) dst(%dma_wait3A_40 : memref<640x128xf32, #tpu.memory_space<hbm>>)
        tpu.yield
      }) : () -> ()
    } else {
    }
    return
  }
}

#map = affine_map<(d0, d1) -> (0, 0)>
#map1 = affine_map<(d0, d1) -> (0, 0, 0)>
module attributes {stable_mosaic.version = 14 : i64} {
  func.func @spmm(%arg0: i32, %arg1: i32, %arg2: memref<10240x128xf32, #tpu.memory_space<hbm>>, %arg3: memref<32x80x128xi32, #tpu.memory_space<hbm>>, %arg4: memref<32x80x128xi32, #tpu.memory_space<hbm>>, %arg5: memref<640x128xf32, #tpu.memory_space<hbm>>, %arg6: memref<10240x128xf32, #tpu.memory_space<hbm>>, %arg7: memref<10240x128xf32, #tpu.memory_space<hbm>>, %arg8: memref<40x128xi32, #tpu.memory_space<vmem>>, %arg9: memref<40x128xi32, #tpu.memory_space<vmem>>, %arg10: memref<128x128xf32, #tpu.memory_space<vmem>>, %arg11: memref<128x128xf32, #tpu.memory_space<vmem>>, %arg12: memref<10240x128xf32, #tpu.memory_space<vmem_shared>>, %arg13: memref<!tpu.dma_semaphore, #tpu.memory_space<semaphore_mem>>, %arg14: memref<!tpu.dma_semaphore, #tpu.memory_space<semaphore_mem>>) attributes {dimension_semantics = [#tpu.dimension_semantics<core_parallel>, #tpu.dimension_semantics<subcore_parallel>], iteration_bounds = array<i64: 2, 16>, scalar_prefetch = 0 : i64, scratch_operands = 7 : i64, tpu.core_type = #tpu.core_type<sc_vector_subcore>, window_params = [{transform_indices = #map}, {transform_indices = #map1}, {transform_indices = #map1}, {transform_indices = #map}, {transform_indices = #map}, {transform_indices = #map}]} {
    %mul3A = arith.constant 16 : i32
    %mul3A_0 = arith.muli %arg0, %mul3A : i32
    %add3A = arith.addi %mul3A_0, %arg1 : i32
    %mul3A_1 = arith.constant 640 : i32
    %mul3A_2 = arith.muli %arg1, %mul3A_1 : i32
    %scan3A = arith.constant 0 : i32
    %mul3A_3 = arith.constant 1 : i32
    %mul3A_4 = arith.muli %scan3A, %mul3A_3 : i32
    %add3A_5 = arith.constant 0 : i32
    %add3A_6 = arith.addi %add3A_5, %mul3A_4 : i32
    %mul3A_7 = arith.constant 640 : i32
    %mul3A_8 = arith.muli %add3A_6, %mul3A_7 : i32
    %add3A_9 = arith.addi %mul3A_2, %mul3A_8 : i32
    %dma_start3A = arith.constant 0 : i32
    %dma_start3A_10 = tpu.memref_slice %arg12[%add3A_9, %dma_start3A] : memref<10240x128xf32, #tpu.memory_space<vmem_shared>> -> memref<640x128xf32, #tpu.memory_space<vmem_shared>>
    tpu.enqueue_dma source(%arg5 : memref<640x128xf32, #tpu.memory_space<hbm>>) target(%dma_start3A_10 : memref<640x128xf32, #tpu.memory_space<vmem_shared>>) target_semaphore(%arg13 : memref<!tpu.dma_semaphore, #tpu.memory_space<semaphore_mem>>)
    %scan3A_11 = arith.constant 1 : i32
    %scan3A_12 = arith.constant 0 : i32
    %mul3A_13 = arith.constant 1 : i32
    %mul3A_14 = arith.muli %scan3A_12, %mul3A_13 : i32
    %add3A_15 = arith.constant 0 : i32
    %add3A_16 = arith.addi %add3A_15, %mul3A_14 : i32
    %mul3A_17 = arith.constant 640 : i32
    %mul3A_18 = arith.muli %add3A_16, %mul3A_17 : i32
    %add3A_19 = arith.addi %mul3A_2, %mul3A_18 : i32
    %dma_wait3A = arith.constant 0 : i32
    %dma_wait3A_20 = tpu.memref_slice %arg12[%add3A_19, %dma_wait3A] : memref<10240x128xf32, #tpu.memory_space<vmem_shared>> -> memref<640x128xf32, #tpu.memory_space<vmem_shared>>
    tpu.wait_dma2 semaphore(%arg13 : memref<!tpu.dma_semaphore, #tpu.memory_space<semaphore_mem>>) src(%arg5 : memref<640x128xf32, #tpu.memory_space<hbm>>) dst(%dma_wait3A_20 : memref<640x128xf32, #tpu.memory_space<vmem_shared>>)
    %scan3A_21 = arith.constant 1 : i32
    %barrier3A = arith.constant 0 : index
    tpu.barrier barrier_id(%barrier3A)
    %scan3A_22 = arith.constant 0 : i32
    %scan3A_23 = arith.constant 2 : i32
    %scan3A_24 = arith.addi %scan3A_22, %scan3A_23 : i32
    %scan3A_25 = arith.constant 1 : i32
    scf.for %scan3A_35 = %scan3A_22 to %scan3A_24 step %scan3A_25  : i32 {
      %mul3A_36 = arith.constant 1 : i32
      %mul3A_37 = arith.muli %scan3A_35, %mul3A_36 : i32
      %add3A_38 = arith.constant 0 : i32
      %add3A_39 = arith.addi %add3A_38, %mul3A_37 : i32
      %mul3A_40 = arith.constant 40 : i32
      %mul3A_41 = arith.muli %add3A_39, %mul3A_40 : i32
      "tpu.region"() ({
        %run_scoped3A = tpu.sem_alloc : memref<!tpu.dma_semaphore, #tpu.memory_space<semaphore_mem>>
        %dma_start3A_56 = arith.constant 0 : i32
        %dma_start3A_57 = tpu.memref_slice %arg3[%add3A, %mul3A_41, %dma_start3A_56] : memref<32x80x128xi32, #tpu.memory_space<hbm>> -> memref<1x40x128xi32, #tpu.memory_space<hbm>>
        %dma_start3A_58 = tpu.memref_squeeze %dma_start3A_57 : memref<1x40x128xi32, #tpu.memory_space<hbm>> -> memref<40x128xi32, #tpu.memory_space<hbm>>
        %dma_start3A_59 = arith.constant 0 : i32
        %dma_start3A_60 = tpu.memref_slice %arg3[%add3A, %mul3A_41, %dma_start3A_59] : memref<32x80x128xi32, #tpu.memory_space<hbm>> -> memref<1x40x128xi32, #tpu.memory_space<hbm>>
        %dma_start3A_61 = tpu.memref_squeeze %dma_start3A_60 : memref<1x40x128xi32, #tpu.memory_space<hbm>> -> memref<40x128xi32, #tpu.memory_space<hbm>>
        tpu.enqueue_dma source(%dma_start3A_61 : memref<40x128xi32, #tpu.memory_space<hbm>>) target(%arg8 : memref<40x128xi32, #tpu.memory_space<vmem>>) target_semaphore(%run_scoped3A : memref<!tpu.dma_semaphore, #tpu.memory_space<semaphore_mem>>)
        %dma_wait3A_62 = arith.constant 0 : i32
        %dma_wait3A_63 = tpu.memref_slice %arg3[%add3A, %mul3A_41, %dma_wait3A_62] : memref<32x80x128xi32, #tpu.memory_space<hbm>> -> memref<1x40x128xi32, #tpu.memory_space<hbm>>
        %dma_wait3A_64 = tpu.memref_squeeze %dma_wait3A_63 : memref<1x40x128xi32, #tpu.memory_space<hbm>> -> memref<40x128xi32, #tpu.memory_space<hbm>>
        %dma_wait3A_65 = arith.constant 0 : i32
        %dma_wait3A_66 = tpu.memref_slice %arg3[%add3A, %mul3A_41, %dma_wait3A_65] : memref<32x80x128xi32, #tpu.memory_space<hbm>> -> memref<1x40x128xi32, #tpu.memory_space<hbm>>
        %dma_wait3A_67 = tpu.memref_squeeze %dma_wait3A_66 : memref<1x40x128xi32, #tpu.memory_space<hbm>> -> memref<40x128xi32, #tpu.memory_space<hbm>>
        tpu.wait_dma2 semaphore(%run_scoped3A : memref<!tpu.dma_semaphore, #tpu.memory_space<semaphore_mem>>) src(%dma_wait3A_67 : memref<40x128xi32, #tpu.memory_space<hbm>>) dst(%arg8 : memref<40x128xi32, #tpu.memory_space<vmem>>)
        tpu.yield
      }) : () -> ()
      %mul3A_42 = arith.constant 40 : i32
      %mul3A_43 = arith.muli %add3A_39, %mul3A_42 : i32
      "tpu.region"() ({
        %run_scoped3A = tpu.sem_alloc : memref<!tpu.dma_semaphore, #tpu.memory_space<semaphore_mem>>
        %dma_start3A_56 = arith.constant 0 : i32
        %dma_start3A_57 = tpu.memref_slice %arg4[%add3A, %mul3A_43, %dma_start3A_56] : memref<32x80x128xi32, #tpu.memory_space<hbm>> -> memref<1x40x128xi32, #tpu.memory_space<hbm>>
        %dma_start3A_58 = tpu.memref_squeeze %dma_start3A_57 : memref<1x40x128xi32, #tpu.memory_space<hbm>> -> memref<40x128xi32, #tpu.memory_space<hbm>>
        %dma_start3A_59 = arith.constant 0 : i32
        %dma_start3A_60 = tpu.memref_slice %arg4[%add3A, %mul3A_43, %dma_start3A_59] : memref<32x80x128xi32, #tpu.memory_space<hbm>> -> memref<1x40x128xi32, #tpu.memory_space<hbm>>
        %dma_start3A_61 = tpu.memref_squeeze %dma_start3A_60 : memref<1x40x128xi32, #tpu.memory_space<hbm>> -> memref<40x128xi32, #tpu.memory_space<hbm>>
        tpu.enqueue_dma source(%dma_start3A_61 : memref<40x128xi32, #tpu.memory_space<hbm>>) target(%arg9 : memref<40x128xi32, #tpu.memory_space<vmem>>) target_semaphore(%run_scoped3A : memref<!tpu.dma_semaphore, #tpu.memory_space<semaphore_mem>>)
        %dma_wait3A_62 = arith.constant 0 : i32
        %dma_wait3A_63 = tpu.memref_slice %arg4[%add3A, %mul3A_43, %dma_wait3A_62] : memref<32x80x128xi32, #tpu.memory_space<hbm>> -> memref<1x40x128xi32, #tpu.memory_space<hbm>>
        %dma_wait3A_64 = tpu.memref_squeeze %dma_wait3A_63 : memref<1x40x128xi32, #tpu.memory_space<hbm>> -> memref<40x128xi32, #tpu.memory_space<hbm>>
        %dma_wait3A_65 = arith.constant 0 : i32
        %dma_wait3A_66 = tpu.memref_slice %arg4[%add3A, %mul3A_43, %dma_wait3A_65] : memref<32x80x128xi32, #tpu.memory_space<hbm>> -> memref<1x40x128xi32, #tpu.memory_space<hbm>>
        %dma_wait3A_67 = tpu.memref_squeeze %dma_wait3A_66 : memref<1x40x128xi32, #tpu.memory_space<hbm>> -> memref<40x128xi32, #tpu.memory_space<hbm>>
        tpu.wait_dma2 semaphore(%run_scoped3A : memref<!tpu.dma_semaphore, #tpu.memory_space<semaphore_mem>>) src(%dma_wait3A_67 : memref<40x128xi32, #tpu.memory_space<hbm>>) dst(%arg9 : memref<40x128xi32, #tpu.memory_space<vmem>>)
        tpu.yield
      }) : () -> ()
      %dma_start3A_44 = arith.constant 0 : i32
      %dma_start3A_45 = arith.constant 0 : i32
      %dma_start3A_46 = tpu.memref_slice %arg8[%dma_start3A_44, %dma_start3A_45] : memref<40x128xi32, #tpu.memory_space<vmem>> -> memref<1x128xi32, #tpu.memory_space<vmem>>
      %dma_start3A_47 = tpu.memref_squeeze %dma_start3A_46 : memref<1x128xi32, #tpu.memory_space<vmem>> -> memref<128xi32, #tpu.memory_space<vmem>>
      %dma_start3A_48 = arith.constant 0 : i32
      %dma_start3A_49 = arith.constant 0 : i32
      %dma_start3A_50 = tpu.memref_slice %arg2[%dma_start3A_48, %dma_start3A_49] : memref<10240x128xf32, #tpu.memory_space<hbm>> -> memref<10240x128xf32, #tpu.memory_space<hbm>>
      tpu.enqueue_indirect_dma source(%dma_start3A_50 : memref<10240x128xf32, #tpu.memory_space<hbm>>) target(%arg10 : memref<128x128xf32, #tpu.memory_space<vmem>>) offsets(%dma_start3A_47 : memref<128xi32, #tpu.memory_space<vmem>>) semaphore(%arg13 : memref<!tpu.dma_semaphore, #tpu.memory_space<semaphore_mem>>)
      %scan3A_51 = arith.constant 0 : i32
      %scan3A_52 = arith.constant 20 : i32
      %scan3A_53 = arith.addi %scan3A_51, %scan3A_52 : i32
      %scan3A_54 = arith.constant 1 : i32
      scf.for %scan3A_56 = %scan3A_51 to %scan3A_53 step %scan3A_54  : i32 {
        %mul3A_57 = arith.constant 2 : i32
        %mul3A_58 = arith.muli %scan3A_56, %mul3A_57 : i32
        %add3A_59 = arith.constant 0 : i32
        %add3A_60 = arith.addi %add3A_59, %mul3A_58 : i32
        %add3A_61 = arith.constant 1 : i32
        %add3A_62 = arith.addi %add3A_60, %add3A_61 : i32
        %dma_start3A_63 = arith.constant 0 : i32
        %dma_start3A_64 = tpu.memref_slice %arg8[%add3A_62, %dma_start3A_63] : memref<40x128xi32, #tpu.memory_space<vmem>> -> memref<1x128xi32, #tpu.memory_space<vmem>>
        %dma_start3A_65 = tpu.memref_squeeze %dma_start3A_64 : memref<1x128xi32, #tpu.memory_space<vmem>> -> memref<128xi32, #tpu.memory_space<vmem>>
        %dma_start3A_66 = arith.constant 0 : i32
        %dma_start3A_67 = arith.constant 0 : i32
        %dma_start3A_68 = tpu.memref_slice %arg2[%dma_start3A_66, %dma_start3A_67] : memref<10240x128xf32, #tpu.memory_space<hbm>> -> memref<10240x128xf32, #tpu.memory_space<hbm>>
        tpu.enqueue_indirect_dma source(%dma_start3A_68 : memref<10240x128xf32, #tpu.memory_space<hbm>>) target(%arg11 : memref<128x128xf32, #tpu.memory_space<vmem>>) offsets(%dma_start3A_65 : memref<128xi32, #tpu.memory_space<vmem>>) semaphore(%arg14 : memref<!tpu.dma_semaphore, #tpu.memory_space<semaphore_mem>>)
        %dma_wait3A_69 = arith.constant 0 : i32
        %dma_wait3A_70 = tpu.memref_slice %arg8[%add3A_60, %dma_wait3A_69] : memref<40x128xi32, #tpu.memory_space<vmem>> -> memref<1x128xi32, #tpu.memory_space<vmem>>
        %dma_wait3A_71 = tpu.memref_squeeze %dma_wait3A_70 : memref<1x128xi32, #tpu.memory_space<vmem>> -> memref<128xi32, #tpu.memory_space<vmem>>
        %dma_wait3A_72 = arith.constant 0 : i32
        %dma_wait3A_73 = arith.constant 0 : i32
        %dma_wait3A_74 = tpu.memref_slice %arg2[%dma_wait3A_72, %dma_wait3A_73] : memref<10240x128xf32, #tpu.memory_space<hbm>> -> memref<10240x128xf32, #tpu.memory_space<hbm>>
        tpu.wait_indirect_dma semaphore(%arg13 : memref<!tpu.dma_semaphore, #tpu.memory_space<semaphore_mem>>) src(%dma_wait3A_74 : memref<10240x128xf32, #tpu.memory_space<hbm>>) dst(%arg10 : memref<128x128xf32, #tpu.memory_space<vmem>>)
        "tpu.region"() ({
          %run_scoped3A = tpu.sem_alloc : memref<!tpu.dma_semaphore, #tpu.memory_space<semaphore_mem>>
          %dma_start3A_91 = arith.constant 0 : i32
          %dma_start3A_92 = tpu.memref_slice %arg9[%add3A_60, %dma_start3A_91] : memref<40x128xi32, #tpu.memory_space<vmem>> -> memref<1x128xi32, #tpu.memory_space<vmem>>
          %dma_start3A_93 = tpu.memref_squeeze %dma_start3A_92 : memref<1x128xi32, #tpu.memory_space<vmem>> -> memref<128xi32, #tpu.memory_space<vmem>>
          %dma_start3A_94 = arith.constant 0 : i32
          %dma_start3A_95 = arith.constant 0 : i32
          %dma_start3A_96 = tpu.memref_slice %arg12[%dma_start3A_94, %dma_start3A_95] : memref<10240x128xf32, #tpu.memory_space<vmem_shared>> -> memref<10240x128xf32, #tpu.memory_space<vmem_shared>>
          tpu.enqueue_indirect_dma source(%arg10 : memref<128x128xf32, #tpu.memory_space<vmem>>) target(%dma_start3A_96 : memref<10240x128xf32, #tpu.memory_space<vmem_shared>>) offsets(%dma_start3A_93 : memref<128xi32, #tpu.memory_space<vmem>>) semaphore(%run_scoped3A : memref<!tpu.dma_semaphore, #tpu.memory_space<semaphore_mem>>) {add = true}
          %dma_wait3A_97 = arith.constant 0 : i32
          %dma_wait3A_98 = tpu.memref_slice %arg9[%add3A_60, %dma_wait3A_97] : memref<40x128xi32, #tpu.memory_space<vmem>> -> memref<1x128xi32, #tpu.memory_space<vmem>>
          %dma_wait3A_99 = tpu.memref_squeeze %dma_wait3A_98 : memref<1x128xi32, #tpu.memory_space<vmem>> -> memref<128xi32, #tpu.memory_space<vmem>>
          %dma_wait3A_100 = arith.constant 0 : i32
          %dma_wait3A_101 = arith.constant 0 : i32
          %dma_wait3A_102 = tpu.memref_slice %arg12[%dma_wait3A_100, %dma_wait3A_101] : memref<10240x128xf32, #tpu.memory_space<vmem_shared>> -> memref<10240x128xf32, #tpu.memory_space<vmem_shared>>
          tpu.wait_indirect_dma semaphore(%run_scoped3A : memref<!tpu.dma_semaphore, #tpu.memory_space<semaphore_mem>>) src(%arg10 : memref<128x128xf32, #tpu.memory_space<vmem>>) dst(%dma_wait3A_102 : memref<10240x128xf32, #tpu.memory_space<vmem_shared>>)
          tpu.yield
        }) : () -> ()
        %add3A_75 = arith.constant 2 : i32
        %add3A_76 = arith.addi %add3A_60, %add3A_75 : i32
        %lt3A = arith.constant 40 : i32
        %lt3A_77 = arith.cmpi slt, %add3A_76, %lt3A : i32
        %convert_element_type3A_78 = arith.extui %lt3A_77 : i1 to i32
        %cond3A_79 = arith.constant 0 : i32
        %cond3A_80 = arith.cmpi ne, %convert_element_type3A_78, %cond3A_79 : i32
        scf.if %cond3A_80 {
          %add3A_91 = arith.constant 2 : i32
          %add3A_92 = arith.addi %add3A_60, %add3A_91 : i32
          %dma_start3A_93 = arith.constant 0 : i32
          %dma_start3A_94 = tpu.memref_slice %arg8[%add3A_92, %dma_start3A_93] : memref<40x128xi32, #tpu.memory_space<vmem>> -> memref<1x128xi32, #tpu.memory_space<vmem>>
          %dma_start3A_95 = tpu.memref_squeeze %dma_start3A_94 : memref<1x128xi32, #tpu.memory_space<vmem>> -> memref<128xi32, #tpu.memory_space<vmem>>
          %dma_start3A_96 = arith.constant 0 : i32
          %dma_start3A_97 = arith.constant 0 : i32
          %dma_start3A_98 = tpu.memref_slice %arg2[%dma_start3A_96, %dma_start3A_97] : memref<10240x128xf32, #tpu.memory_space<hbm>> -> memref<10240x128xf32, #tpu.memory_space<hbm>>
          tpu.enqueue_indirect_dma source(%dma_start3A_98 : memref<10240x128xf32, #tpu.memory_space<hbm>>) target(%arg10 : memref<128x128xf32, #tpu.memory_space<vmem>>) offsets(%dma_start3A_95 : memref<128xi32, #tpu.memory_space<vmem>>) semaphore(%arg13 : memref<!tpu.dma_semaphore, #tpu.memory_space<semaphore_mem>>)
        } else {
        }
        %add3A_81 = arith.constant 1 : i32
        %add3A_82 = arith.addi %add3A_60, %add3A_81 : i32
        %dma_wait3A_83 = arith.constant 0 : i32
        %dma_wait3A_84 = tpu.memref_slice %arg8[%add3A_82, %dma_wait3A_83] : memref<40x128xi32, #tpu.memory_space<vmem>> -> memref<1x128xi32, #tpu.memory_space<vmem>>
        %dma_wait3A_85 = tpu.memref_squeeze %dma_wait3A_84 : memref<1x128xi32, #tpu.memory_space<vmem>> -> memref<128xi32, #tpu.memory_space<vmem>>
        %dma_wait3A_86 = arith.constant 0 : i32
        %dma_wait3A_87 = arith.constant 0 : i32
        %dma_wait3A_88 = tpu.memref_slice %arg2[%dma_wait3A_86, %dma_wait3A_87] : memref<10240x128xf32, #tpu.memory_space<hbm>> -> memref<10240x128xf32, #tpu.memory_space<hbm>>
        tpu.wait_indirect_dma semaphore(%arg14 : memref<!tpu.dma_semaphore, #tpu.memory_space<semaphore_mem>>) src(%dma_wait3A_88 : memref<10240x128xf32, #tpu.memory_space<hbm>>) dst(%arg11 : memref<128x128xf32, #tpu.memory_space<vmem>>)
        %add3A_89 = arith.constant 1 : i32
        %add3A_90 = arith.addi %add3A_60, %add3A_89 : i32
        "tpu.region"() ({
          %run_scoped3A = tpu.sem_alloc : memref<!tpu.dma_semaphore, #tpu.memory_space<semaphore_mem>>
          %dma_start3A_91 = arith.constant 0 : i32
          %dma_start3A_92 = tpu.memref_slice %arg9[%add3A_90, %dma_start3A_91] : memref<40x128xi32, #tpu.memory_space<vmem>> -> memref<1x128xi32, #tpu.memory_space<vmem>>
          %dma_start3A_93 = tpu.memref_squeeze %dma_start3A_92 : memref<1x128xi32, #tpu.memory_space<vmem>> -> memref<128xi32, #tpu.memory_space<vmem>>
          %dma_start3A_94 = arith.constant 0 : i32
          %dma_start3A_95 = arith.constant 0 : i32
          %dma_start3A_96 = tpu.memref_slice %arg12[%dma_start3A_94, %dma_start3A_95] : memref<10240x128xf32, #tpu.memory_space<vmem_shared>> -> memref<10240x128xf32, #tpu.memory_space<vmem_shared>>
          tpu.enqueue_indirect_dma source(%arg11 : memref<128x128xf32, #tpu.memory_space<vmem>>) target(%dma_start3A_96 : memref<10240x128xf32, #tpu.memory_space<vmem_shared>>) offsets(%dma_start3A_93 : memref<128xi32, #tpu.memory_space<vmem>>) semaphore(%run_scoped3A : memref<!tpu.dma_semaphore, #tpu.memory_space<semaphore_mem>>) {add = true}
          %dma_wait3A_97 = arith.constant 0 : i32
          %dma_wait3A_98 = tpu.memref_slice %arg9[%add3A_90, %dma_wait3A_97] : memref<40x128xi32, #tpu.memory_space<vmem>> -> memref<1x128xi32, #tpu.memory_space<vmem>>
          %dma_wait3A_99 = tpu.memref_squeeze %dma_wait3A_98 : memref<1x128xi32, #tpu.memory_space<vmem>> -> memref<128xi32, #tpu.memory_space<vmem>>
          %dma_wait3A_100 = arith.constant 0 : i32
          %dma_wait3A_101 = arith.constant 0 : i32
          %dma_wait3A_102 = tpu.memref_slice %arg12[%dma_wait3A_100, %dma_wait3A_101] : memref<10240x128xf32, #tpu.memory_space<vmem_shared>> -> memref<10240x128xf32, #tpu.memory_space<vmem_shared>>
          tpu.wait_indirect_dma semaphore(%run_scoped3A : memref<!tpu.dma_semaphore, #tpu.memory_space<semaphore_mem>>) src(%arg11 : memref<128x128xf32, #tpu.memory_space<vmem>>) dst(%dma_wait3A_102 : memref<10240x128xf32, #tpu.memory_space<vmem_shared>>)
          tpu.yield
        }) : () -> ()
      }
      %scan3A_55 = arith.constant 20 : i32
    }
    %scan3A_26 = arith.constant 2 : i32
    %barrier3A_27 = arith.constant 0 : index
    tpu.barrier barrier_id(%barrier3A_27)
    %eq3A = arith.constant 0 : i32
    %eq3A_28 = arith.cmpi eq, %arg0, %eq3A : i32
    %convert_element_type3A = arith.extui %eq3A_28 : i1 to i32
    %cond3A = arith.constant 0 : i32
    %cond3A_29 = arith.cmpi ne, %convert_element_type3A, %cond3A : i32
    scf.if %cond3A_29 {
      "tpu.region"() ({
        %run_scoped3A = tpu.sem_alloc : memref<!tpu.dma_semaphore, #tpu.memory_space<semaphore_mem>>
        %dma_start3A_35 = arith.constant 0 : i32
        %dma_start3A_36 = tpu.memref_slice %arg6[%mul3A_2, %dma_start3A_35] : memref<10240x128xf32, #tpu.memory_space<hbm>> -> memref<640x128xf32, #tpu.memory_space<hbm>>
        %dma_start3A_37 = arith.constant 0 : i32
        %dma_start3A_38 = tpu.memref_slice %arg12[%mul3A_2, %dma_start3A_37] : memref<10240x128xf32, #tpu.memory_space<vmem_shared>> -> memref<640x128xf32, #tpu.memory_space<vmem_shared>>
        tpu.enqueue_dma source(%dma_start3A_38 : memref<640x128xf32, #tpu.memory_space<vmem_shared>>) target(%dma_start3A_36 : memref<640x128xf32, #tpu.memory_space<hbm>>) target_semaphore(%run_scoped3A : memref<!tpu.dma_semaphore, #tpu.memory_space<semaphore_mem>>)
        %dma_wait3A_39 = arith.constant 0 : i32
        %dma_wait3A_40 = tpu.memref_slice %arg6[%mul3A_2, %dma_wait3A_39] : memref<10240x128xf32, #tpu.memory_space<hbm>> -> memref<640x128xf32, #tpu.memory_space<hbm>>
        %dma_wait3A_41 = arith.constant 0 : i32
        %dma_wait3A_42 = tpu.memref_slice %arg12[%mul3A_2, %dma_wait3A_41] : memref<10240x128xf32, #tpu.memory_space<vmem_shared>> -> memref<640x128xf32, #tpu.memory_space<vmem_shared>>
        tpu.wait_dma2 semaphore(%run_scoped3A : memref<!tpu.dma_semaphore, #tpu.memory_space<semaphore_mem>>) src(%dma_wait3A_42 : memref<640x128xf32, #tpu.memory_space<vmem_shared>>) dst(%dma_wait3A_40 : memref<640x128xf32, #tpu.memory_space<hbm>>)
        tpu.yield
      }) : () -> ()
    } else {
    }
    %eq3A_30 = arith.constant 1 : i32
    %eq3A_31 = arith.cmpi eq, %arg0, %eq3A_30 : i32
    %convert_element_type3A_32 = arith.extui %eq3A_31 : i1 to i32
    %cond3A_33 = arith.constant 0 : i32
    %cond3A_34 = arith.cmpi ne, %convert_element_type3A_32, %cond3A_33 : i32
    scf.if %cond3A_34 {
      "tpu.region"() ({
        %run_scoped3A = tpu.sem_alloc : memref<!tpu.dma_semaphore, #tpu.memory_space<semaphore_mem>>
        %dma_start3A_35 = arith.constant 0 : i32
        %dma_start3A_36 = tpu.memref_slice %arg7[%mul3A_2, %dma_start3A_35] : memref<10240x128xf32, #tpu.memory_space<hbm>> -> memref<640x128xf32, #tpu.memory_space<hbm>>
        %dma_start3A_37 = arith.constant 0 : i32
        %dma_start3A_38 = tpu.memref_slice %arg12[%mul3A_2, %dma_start3A_37] : memref<10240x128xf32, #tpu.memory_space<vmem_shared>> -> memref<640x128xf32, #tpu.memory_space<vmem_shared>>
        tpu.enqueue_dma source(%dma_start3A_38 : memref<640x128xf32, #tpu.memory_space<vmem_shared>>) target(%dma_start3A_36 : memref<640x128xf32, #tpu.memory_space<hbm>>) target_semaphore(%run_scoped3A : memref<!tpu.dma_semaphore, #tpu.memory_space<semaphore_mem>>)
        %dma_wait3A_39 = arith.constant 0 : i32
        %dma_wait3A_40 = tpu.memref_slice %arg7[%mul3A_2, %dma_wait3A_39] : memref<10240x128xf32, #tpu.memory_space<hbm>> -> memref<640x128xf32, #tpu.memory_space<hbm>>
        %dma_wait3A_41 = arith.constant 0 : i32
        %dma_wait3A_42 = tpu.memref_slice %arg12[%mul3A_2, %dma_wait3A_41] : memref<10240x128xf32, #tpu.memory_space<vmem_shared>> -> memref<640x128xf32, #tpu.memory_space<vmem_shared>>
        tpu.wait_dma2 semaphore(%run_scoped3A : memref<!tpu.dma_semaphore, #tpu.memory_space<semaphore_mem>>) src(%dma_wait3A_42 : memref<640x128xf32, #tpu.memory_space<vmem_shared>>) dst(%dma_wait3A_40 : memref<640x128xf32, #tpu.memory_space<hbm>>)
        tpu.yield
      }) : () -> ()
    } else {
    }
    return
  }
}

#map = affine_map<(d0, d1) -> (0, 0)>
#map1 = affine_map<(d0, d1) -> (0, 0, 0)>
module attributes {stable_mosaic.version = 14 : i64} {
  func.func @spmm(%arg0: i32, %arg1: i32, %arg2: memref<10240x128xf32, #tpu.memory_space<hbm>>, %arg3: memref<32x80x128xi32, #tpu.memory_space<hbm>>, %arg4: memref<32x80x128xi32, #tpu.memory_space<hbm>>, %arg5: memref<640x128xf32, #tpu.memory_space<hbm>>, %arg6: memref<10240x128xf32, #tpu.memory_space<hbm>>, %arg7: memref<10240x128xf32, #tpu.memory_space<hbm>>, %arg8: memref<40x128xi32, #tpu.memory_space<vmem>>, %arg9: memref<40x128xi32, #tpu.memory_space<vmem>>, %arg10: memref<128x128xf32, #tpu.memory_space<vmem>>, %arg11: memref<128x128xf32, #tpu.memory_space<vmem>>, %arg12: memref<10240x128xf32, #tpu.memory_space<vmem_shared>>, %arg13: memref<!tpu.dma_semaphore, #tpu.memory_space<semaphore_mem>>, %arg14: memref<!tpu.dma_semaphore, #tpu.memory_space<semaphore_mem>>) attributes {dimension_semantics = [#tpu.dimension_semantics<core_parallel>, #tpu.dimension_semantics<subcore_parallel>], iteration_bounds = array<i64: 2, 16>, scalar_prefetch = 0 : i64, scratch_operands = 7 : i64, tpu.core_type = #tpu.core_type<sc_vector_subcore>, window_params = [{transform_indices = #map}, {transform_indices = #map1}, {transform_indices = #map1}, {transform_indices = #map}, {transform_indices = #map}, {transform_indices = #map}]} {
    %mul3A = arith.constant 16 : i32
    %mul3A_0 = arith.muli %arg0, %mul3A : i32
    %add3A = arith.addi %mul3A_0, %arg1 : i32
    %mul3A_1 = arith.constant 640 : i32
    %mul3A_2 = arith.muli %arg1, %mul3A_1 : i32
    %scan3A = arith.constant 0 : i32
    %mul3A_3 = arith.constant 1 : i32
    %mul3A_4 = arith.muli %scan3A, %mul3A_3 : i32
    %add3A_5 = arith.constant 0 : i32
    %add3A_6 = arith.addi %add3A_5, %mul3A_4 : i32
    %mul3A_7 = arith.constant 640 : i32
    %mul3A_8 = arith.muli %add3A_6, %mul3A_7 : i32
    %add3A_9 = arith.addi %mul3A_2, %mul3A_8 : i32
    %dma_start3A = arith.constant 0 : i32
    %dma_start3A_10 = tpu.memref_slice %arg12[%add3A_9, %dma_start3A] : memref<10240x128xf32, #tpu.memory_space<vmem_shared>> -> memref<640x128xf32, #tpu.memory_space<vmem_shared>>
    tpu.enqueue_dma source(%arg5 : memref<640x128xf32, #tpu.memory_space<hbm>>) target(%dma_start3A_10 : memref<640x128xf32, #tpu.memory_space<vmem_shared>>) target_semaphore(%arg13 : memref<!tpu.dma_semaphore, #tpu.memory_space<semaphore_mem>>)
    %scan3A_11 = arith.constant 1 : i32
    %scan3A_12 = arith.constant 0 : i32
    %mul3A_13 = arith.constant 1 : i32
    %mul3A_14 = arith.muli %scan3A_12, %mul3A_13 : i32
    %add3A_15 = arith.constant 0 : i32
    %add3A_16 = arith.addi %add3A_15, %mul3A_14 : i32
    %mul3A_17 = arith.constant 640 : i32
    %mul3A_18 = arith.muli %add3A_16, %mul3A_17 : i32
    %add3A_19 = arith.addi %mul3A_2, %mul3A_18 : i32
    %dma_wait3A = arith.constant 0 : i32
    %dma_wait3A_20 = tpu.memref_slice %arg12[%add3A_19, %dma_wait3A] : memref<10240x128xf32, #tpu.memory_space<vmem_shared>> -> memref<640x128xf32, #tpu.memory_space<vmem_shared>>
    tpu.wait_dma2 semaphore(%arg13 : memref<!tpu.dma_semaphore, #tpu.memory_space<semaphore_mem>>) src(%arg5 : memref<640x128xf32, #tpu.memory_space<hbm>>) dst(%dma_wait3A_20 : memref<640x128xf32, #tpu.memory_space<vmem_shared>>)
    %scan3A_21 = arith.constant 1 : i32
    %barrier3A = arith.constant 0 : index
    tpu.barrier barrier_id(%barrier3A)
    %scan3A_22 = arith.constant 0 : i32
    %scan3A_23 = arith.constant 2 : i32
    %scan3A_24 = arith.addi %scan3A_22, %scan3A_23 : i32
    %scan3A_25 = arith.constant 1 : i32
    scf.for %scan3A_35 = %scan3A_22 to %scan3A_24 step %scan3A_25  : i32 {
      %mul3A_36 = arith.constant 1 : i32
      %mul3A_37 = arith.muli %scan3A_35, %mul3A_36 : i32
      %add3A_38 = arith.constant 0 : i32
      %add3A_39 = arith.addi %add3A_38, %mul3A_37 : i32
      %mul3A_40 = arith.constant 40 : i32
      %mul3A_41 = arith.muli %add3A_39, %mul3A_40 : i32
      "tpu.region"() ({
        %run_scoped3A = tpu.sem_alloc : memref<!tpu.dma_semaphore, #tpu.memory_space<semaphore_mem>>
        %dma_start3A_56 = arith.constant 0 : i32
        %dma_start3A_57 = tpu.memref_slice %arg3[%add3A, %mul3A_41, %dma_start3A_56] : memref<32x80x128xi32, #tpu.memory_space<hbm>> -> memref<1x40x128xi32, #tpu.memory_space<hbm>>
        %dma_start3A_58 = tpu.memref_squeeze %dma_start3A_57 : memref<1x40x128xi32, #tpu.memory_space<hbm>> -> memref<40x128xi32, #tpu.memory_space<hbm>>
        %dma_start3A_59 = arith.constant 0 : i32
        %dma_start3A_60 = tpu.memref_slice %arg3[%add3A, %mul3A_41, %dma_start3A_59] : memref<32x80x128xi32, #tpu.memory_space<hbm>> -> memref<1x40x128xi32, #tpu.memory_space<hbm>>
        %dma_start3A_61 = tpu.memref_squeeze %dma_start3A_60 : memref<1x40x128xi32, #tpu.memory_space<hbm>> -> memref<40x128xi32, #tpu.memory_space<hbm>>
        tpu.enqueue_dma source(%dma_start3A_61 : memref<40x128xi32, #tpu.memory_space<hbm>>) target(%arg8 : memref<40x128xi32, #tpu.memory_space<vmem>>) target_semaphore(%run_scoped3A : memref<!tpu.dma_semaphore, #tpu.memory_space<semaphore_mem>>)
        %dma_wait3A_62 = arith.constant 0 : i32
        %dma_wait3A_63 = tpu.memref_slice %arg3[%add3A, %mul3A_41, %dma_wait3A_62] : memref<32x80x128xi32, #tpu.memory_space<hbm>> -> memref<1x40x128xi32, #tpu.memory_space<hbm>>
        %dma_wait3A_64 = tpu.memref_squeeze %dma_wait3A_63 : memref<1x40x128xi32, #tpu.memory_space<hbm>> -> memref<40x128xi32, #tpu.memory_space<hbm>>
        %dma_wait3A_65 = arith.constant 0 : i32
        %dma_wait3A_66 = tpu.memref_slice %arg3[%add3A, %mul3A_41, %dma_wait3A_65] : memref<32x80x128xi32, #tpu.memory_space<hbm>> -> memref<1x40x128xi32, #tpu.memory_space<hbm>>
        %dma_wait3A_67 = tpu.memref_squeeze %dma_wait3A_66 : memref<1x40x128xi32, #tpu.memory_space<hbm>> -> memref<40x128xi32, #tpu.memory_space<hbm>>
        tpu.wait_dma2 semaphore(%run_scoped3A : memref<!tpu.dma_semaphore, #tpu.memory_space<semaphore_mem>>) src(%dma_wait3A_67 : memref<40x128xi32, #tpu.memory_space<hbm>>) dst(%arg8 : memref<40x128xi32, #tpu.memory_space<vmem>>)
        tpu.yield
      }) : () -> ()
      %mul3A_42 = arith.constant 40 : i32
      %mul3A_43 = arith.muli %add3A_39, %mul3A_42 : i32
      "tpu.region"() ({
        %run_scoped3A = tpu.sem_alloc : memref<!tpu.dma_semaphore, #tpu.memory_space<semaphore_mem>>
        %dma_start3A_56 = arith.constant 0 : i32
        %dma_start3A_57 = tpu.memref_slice %arg4[%add3A, %mul3A_43, %dma_start3A_56] : memref<32x80x128xi32, #tpu.memory_space<hbm>> -> memref<1x40x128xi32, #tpu.memory_space<hbm>>
        %dma_start3A_58 = tpu.memref_squeeze %dma_start3A_57 : memref<1x40x128xi32, #tpu.memory_space<hbm>> -> memref<40x128xi32, #tpu.memory_space<hbm>>
        %dma_start3A_59 = arith.constant 0 : i32
        %dma_start3A_60 = tpu.memref_slice %arg4[%add3A, %mul3A_43, %dma_start3A_59] : memref<32x80x128xi32, #tpu.memory_space<hbm>> -> memref<1x40x128xi32, #tpu.memory_space<hbm>>
        %dma_start3A_61 = tpu.memref_squeeze %dma_start3A_60 : memref<1x40x128xi32, #tpu.memory_space<hbm>> -> memref<40x128xi32, #tpu.memory_space<hbm>>
        tpu.enqueue_dma source(%dma_start3A_61 : memref<40x128xi32, #tpu.memory_space<hbm>>) target(%arg9 : memref<40x128xi32, #tpu.memory_space<vmem>>) target_semaphore(%run_scoped3A : memref<!tpu.dma_semaphore, #tpu.memory_space<semaphore_mem>>)
        %dma_wait3A_62 = arith.constant 0 : i32
        %dma_wait3A_63 = tpu.memref_slice %arg4[%add3A, %mul3A_43, %dma_wait3A_62] : memref<32x80x128xi32, #tpu.memory_space<hbm>> -> memref<1x40x128xi32, #tpu.memory_space<hbm>>
        %dma_wait3A_64 = tpu.memref_squeeze %dma_wait3A_63 : memref<1x40x128xi32, #tpu.memory_space<hbm>> -> memref<40x128xi32, #tpu.memory_space<hbm>>
        %dma_wait3A_65 = arith.constant 0 : i32
        %dma_wait3A_66 = tpu.memref_slice %arg4[%add3A, %mul3A_43, %dma_wait3A_65] : memref<32x80x128xi32, #tpu.memory_space<hbm>> -> memref<1x40x128xi32, #tpu.memory_space<hbm>>
        %dma_wait3A_67 = tpu.memref_squeeze %dma_wait3A_66 : memref<1x40x128xi32, #tpu.memory_space<hbm>> -> memref<40x128xi32, #tpu.memory_space<hbm>>
        tpu.wait_dma2 semaphore(%run_scoped3A : memref<!tpu.dma_semaphore, #tpu.memory_space<semaphore_mem>>) src(%dma_wait3A_67 : memref<40x128xi32, #tpu.memory_space<hbm>>) dst(%arg9 : memref<40x128xi32, #tpu.memory_space<vmem>>)
        tpu.yield
      }) : () -> ()
      %dma_start3A_44 = arith.constant 0 : i32
      %dma_start3A_45 = arith.constant 0 : i32
      %dma_start3A_46 = tpu.memref_slice %arg8[%dma_start3A_44, %dma_start3A_45] : memref<40x128xi32, #tpu.memory_space<vmem>> -> memref<1x128xi32, #tpu.memory_space<vmem>>
      %dma_start3A_47 = tpu.memref_squeeze %dma_start3A_46 : memref<1x128xi32, #tpu.memory_space<vmem>> -> memref<128xi32, #tpu.memory_space<vmem>>
      %dma_start3A_48 = arith.constant 0 : i32
      %dma_start3A_49 = arith.constant 0 : i32
      %dma_start3A_50 = tpu.memref_slice %arg2[%dma_start3A_48, %dma_start3A_49] : memref<10240x128xf32, #tpu.memory_space<hbm>> -> memref<10240x128xf32, #tpu.memory_space<hbm>>
      tpu.enqueue_indirect_dma source(%dma_start3A_50 : memref<10240x128xf32, #tpu.memory_space<hbm>>) target(%arg10 : memref<128x128xf32, #tpu.memory_space<vmem>>) offsets(%dma_start3A_47 : memref<128xi32, #tpu.memory_space<vmem>>) semaphore(%arg13 : memref<!tpu.dma_semaphore, #tpu.memory_space<semaphore_mem>>)
      %scan3A_51 = arith.constant 0 : i32
      %scan3A_52 = arith.constant 20 : i32
      %scan3A_53 = arith.addi %scan3A_51, %scan3A_52 : i32
      %scan3A_54 = arith.constant 1 : i32
      scf.for %scan3A_56 = %scan3A_51 to %scan3A_53 step %scan3A_54  : i32 {
        %mul3A_57 = arith.constant 2 : i32
        %mul3A_58 = arith.muli %scan3A_56, %mul3A_57 : i32
        %add3A_59 = arith.constant 0 : i32
        %add3A_60 = arith.addi %add3A_59, %mul3A_58 : i32
        %add3A_61 = arith.constant 1 : i32
        %add3A_62 = arith.addi %add3A_60, %add3A_61 : i32
        %dma_start3A_63 = arith.constant 0 : i32
        %dma_start3A_64 = tpu.memref_slice %arg8[%add3A_62, %dma_start3A_63] : memref<40x128xi32, #tpu.memory_space<vmem>> -> memref<1x128xi32, #tpu.memory_space<vmem>>
        %dma_start3A_65 = tpu.memref_squeeze %dma_start3A_64 : memref<1x128xi32, #tpu.memory_space<vmem>> -> memref<128xi32, #tpu.memory_space<vmem>>
        %dma_start3A_66 = arith.constant 0 : i32
        %dma_start3A_67 = arith.constant 0 : i32
        %dma_start3A_68 = tpu.memref_slice %arg2[%dma_start3A_66, %dma_start3A_67] : memref<10240x128xf32, #tpu.memory_space<hbm>> -> memref<10240x128xf32, #tpu.memory_space<hbm>>
        tpu.enqueue_indirect_dma source(%dma_start3A_68 : memref<10240x128xf32, #tpu.memory_space<hbm>>) target(%arg11 : memref<128x128xf32, #tpu.memory_space<vmem>>) offsets(%dma_start3A_65 : memref<128xi32, #tpu.memory_space<vmem>>) semaphore(%arg14 : memref<!tpu.dma_semaphore, #tpu.memory_space<semaphore_mem>>)
        %dma_wait3A_69 = arith.constant 0 : i32
        %dma_wait3A_70 = tpu.memref_slice %arg8[%add3A_60, %dma_wait3A_69] : memref<40x128xi32, #tpu.memory_space<vmem>> -> memref<1x128xi32, #tpu.memory_space<vmem>>
        %dma_wait3A_71 = tpu.memref_squeeze %dma_wait3A_70 : memref<1x128xi32, #tpu.memory_space<vmem>> -> memref<128xi32, #tpu.memory_space<vmem>>
        %dma_wait3A_72 = arith.constant 0 : i32
        %dma_wait3A_73 = arith.constant 0 : i32
        %dma_wait3A_74 = tpu.memref_slice %arg2[%dma_wait3A_72, %dma_wait3A_73] : memref<10240x128xf32, #tpu.memory_space<hbm>> -> memref<10240x128xf32, #tpu.memory_space<hbm>>
        tpu.wait_indirect_dma semaphore(%arg13 : memref<!tpu.dma_semaphore, #tpu.memory_space<semaphore_mem>>) src(%dma_wait3A_74 : memref<10240x128xf32, #tpu.memory_space<hbm>>) dst(%arg10 : memref<128x128xf32, #tpu.memory_space<vmem>>)
        "tpu.region"() ({
          %run_scoped3A = tpu.sem_alloc : memref<!tpu.dma_semaphore, #tpu.memory_space<semaphore_mem>>
          %dma_start3A_91 = arith.constant 0 : i32
          %dma_start3A_92 = tpu.memref_slice %arg9[%add3A_60, %dma_start3A_91] : memref<40x128xi32, #tpu.memory_space<vmem>> -> memref<1x128xi32, #tpu.memory_space<vmem>>
          %dma_start3A_93 = tpu.memref_squeeze %dma_start3A_92 : memref<1x128xi32, #tpu.memory_space<vmem>> -> memref<128xi32, #tpu.memory_space<vmem>>
          %dma_start3A_94 = arith.constant 0 : i32
          %dma_start3A_95 = arith.constant 0 : i32
          %dma_start3A_96 = tpu.memref_slice %arg12[%dma_start3A_94, %dma_start3A_95] : memref<10240x128xf32, #tpu.memory_space<vmem_shared>> -> memref<10240x128xf32, #tpu.memory_space<vmem_shared>>
          tpu.enqueue_indirect_dma source(%arg10 : memref<128x128xf32, #tpu.memory_space<vmem>>) target(%dma_start3A_96 : memref<10240x128xf32, #tpu.memory_space<vmem_shared>>) offsets(%dma_start3A_93 : memref<128xi32, #tpu.memory_space<vmem>>) semaphore(%run_scoped3A : memref<!tpu.dma_semaphore, #tpu.memory_space<semaphore_mem>>) {add = true}
          %dma_wait3A_97 = arith.constant 0 : i32
          %dma_wait3A_98 = tpu.memref_slice %arg9[%add3A_60, %dma_wait3A_97] : memref<40x128xi32, #tpu.memory_space<vmem>> -> memref<1x128xi32, #tpu.memory_space<vmem>>
          %dma_wait3A_99 = tpu.memref_squeeze %dma_wait3A_98 : memref<1x128xi32, #tpu.memory_space<vmem>> -> memref<128xi32, #tpu.memory_space<vmem>>
          %dma_wait3A_100 = arith.constant 0 : i32
          %dma_wait3A_101 = arith.constant 0 : i32
          %dma_wait3A_102 = tpu.memref_slice %arg12[%dma_wait3A_100, %dma_wait3A_101] : memref<10240x128xf32, #tpu.memory_space<vmem_shared>> -> memref<10240x128xf32, #tpu.memory_space<vmem_shared>>
          tpu.wait_indirect_dma semaphore(%run_scoped3A : memref<!tpu.dma_semaphore, #tpu.memory_space<semaphore_mem>>) src(%arg10 : memref<128x128xf32, #tpu.memory_space<vmem>>) dst(%dma_wait3A_102 : memref<10240x128xf32, #tpu.memory_space<vmem_shared>>)
          tpu.yield
        }) : () -> ()
        %add3A_75 = arith.constant 2 : i32
        %add3A_76 = arith.addi %add3A_60, %add3A_75 : i32
        %lt3A = arith.constant 40 : i32
        %lt3A_77 = arith.cmpi slt, %add3A_76, %lt3A : i32
        %convert_element_type3A_78 = arith.extui %lt3A_77 : i1 to i32
        %cond3A_79 = arith.constant 0 : i32
        %cond3A_80 = arith.cmpi ne, %convert_element_type3A_78, %cond3A_79 : i32
        scf.if %cond3A_80 {
          %add3A_91 = arith.constant 2 : i32
          %add3A_92 = arith.addi %add3A_60, %add3A_91 : i32
          %dma_start3A_93 = arith.constant 0 : i32
          %dma_start3A_94 = tpu.memref_slice %arg8[%add3A_92, %dma_start3A_93] : memref<40x128xi32, #tpu.memory_space<vmem>> -> memref<1x128xi32, #tpu.memory_space<vmem>>
          %dma_start3A_95 = tpu.memref_squeeze %dma_start3A_94 : memref<1x128xi32, #tpu.memory_space<vmem>> -> memref<128xi32, #tpu.memory_space<vmem>>
          %dma_start3A_96 = arith.constant 0 : i32
          %dma_start3A_97 = arith.constant 0 : i32
          %dma_start3A_98 = tpu.memref_slice %arg2[%dma_start3A_96, %dma_start3A_97] : memref<10240x128xf32, #tpu.memory_space<hbm>> -> memref<10240x128xf32, #tpu.memory_space<hbm>>
          tpu.enqueue_indirect_dma source(%dma_start3A_98 : memref<10240x128xf32, #tpu.memory_space<hbm>>) target(%arg10 : memref<128x128xf32, #tpu.memory_space<vmem>>) offsets(%dma_start3A_95 : memref<128xi32, #tpu.memory_space<vmem>>) semaphore(%arg13 : memref<!tpu.dma_semaphore, #tpu.memory_space<semaphore_mem>>)
        } else {
        }
        %add3A_81 = arith.constant 1 : i32
        %add3A_82 = arith.addi %add3A_60, %add3A_81 : i32
        %dma_wait3A_83 = arith.constant 0 : i32
        %dma_wait3A_84 = tpu.memref_slice %arg8[%add3A_82, %dma_wait3A_83] : memref<40x128xi32, #tpu.memory_space<vmem>> -> memref<1x128xi32, #tpu.memory_space<vmem>>
        %dma_wait3A_85 = tpu.memref_squeeze %dma_wait3A_84 : memref<1x128xi32, #tpu.memory_space<vmem>> -> memref<128xi32, #tpu.memory_space<vmem>>
        %dma_wait3A_86 = arith.constant 0 : i32
        %dma_wait3A_87 = arith.constant 0 : i32
        %dma_wait3A_88 = tpu.memref_slice %arg2[%dma_wait3A_86, %dma_wait3A_87] : memref<10240x128xf32, #tpu.memory_space<hbm>> -> memref<10240x128xf32, #tpu.memory_space<hbm>>
        tpu.wait_indirect_dma semaphore(%arg14 : memref<!tpu.dma_semaphore, #tpu.memory_space<semaphore_mem>>) src(%dma_wait3A_88 : memref<10240x128xf32, #tpu.memory_space<hbm>>) dst(%arg11 : memref<128x128xf32, #tpu.memory_space<vmem>>)
        %add3A_89 = arith.constant 1 : i32
        %add3A_90 = arith.addi %add3A_60, %add3A_89 : i32
        "tpu.region"() ({
          %run_scoped3A = tpu.sem_alloc : memref<!tpu.dma_semaphore, #tpu.memory_space<semaphore_mem>>
          %dma_start3A_91 = arith.constant 0 : i32
          %dma_start3A_92 = tpu.memref_slice %arg9[%add3A_90, %dma_start3A_91] : memref<40x128xi32, #tpu.memory_space<vmem>> -> memref<1x128xi32, #tpu.memory_space<vmem>>
          %dma_start3A_93 = tpu.memref_squeeze %dma_start3A_92 : memref<1x128xi32, #tpu.memory_space<vmem>> -> memref<128xi32, #tpu.memory_space<vmem>>
          %dma_start3A_94 = arith.constant 0 : i32
          %dma_start3A_95 = arith.constant 0 : i32
          %dma_start3A_96 = tpu.memref_slice %arg12[%dma_start3A_94, %dma_start3A_95] : memref<10240x128xf32, #tpu.memory_space<vmem_shared>> -> memref<10240x128xf32, #tpu.memory_space<vmem_shared>>
          tpu.enqueue_indirect_dma source(%arg11 : memref<128x128xf32, #tpu.memory_space<vmem>>) target(%dma_start3A_96 : memref<10240x128xf32, #tpu.memory_space<vmem_shared>>) offsets(%dma_start3A_93 : memref<128xi32, #tpu.memory_space<vmem>>) semaphore(%run_scoped3A : memref<!tpu.dma_semaphore, #tpu.memory_space<semaphore_mem>>) {add = true}
          %dma_wait3A_97 = arith.constant 0 : i32
          %dma_wait3A_98 = tpu.memref_slice %arg9[%add3A_90, %dma_wait3A_97] : memref<40x128xi32, #tpu.memory_space<vmem>> -> memref<1x128xi32, #tpu.memory_space<vmem>>
          %dma_wait3A_99 = tpu.memref_squeeze %dma_wait3A_98 : memref<1x128xi32, #tpu.memory_space<vmem>> -> memref<128xi32, #tpu.memory_space<vmem>>
          %dma_wait3A_100 = arith.constant 0 : i32
          %dma_wait3A_101 = arith.constant 0 : i32
          %dma_wait3A_102 = tpu.memref_slice %arg12[%dma_wait3A_100, %dma_wait3A_101] : memref<10240x128xf32, #tpu.memory_space<vmem_shared>> -> memref<10240x128xf32, #tpu.memory_space<vmem_shared>>
          tpu.wait_indirect_dma semaphore(%run_scoped3A : memref<!tpu.dma_semaphore, #tpu.memory_space<semaphore_mem>>) src(%arg11 : memref<128x128xf32, #tpu.memory_space<vmem>>) dst(%dma_wait3A_102 : memref<10240x128xf32, #tpu.memory_space<vmem_shared>>)
          tpu.yield
        }) : () -> ()
      }
      %scan3A_55 = arith.constant 20 : i32
    }
    %scan3A_26 = arith.constant 2 : i32
    %barrier3A_27 = arith.constant 0 : index
    tpu.barrier barrier_id(%barrier3A_27)
    %eq3A = arith.constant 0 : i32
    %eq3A_28 = arith.cmpi eq, %arg0, %eq3A : i32
    %convert_element_type3A = arith.extui %eq3A_28 : i1 to i32
    %cond3A = arith.constant 0 : i32
    %cond3A_29 = arith.cmpi ne, %convert_element_type3A, %cond3A : i32
    scf.if %cond3A_29 {
      "tpu.region"() ({
        %run_scoped3A = tpu.sem_alloc : memref<!tpu.dma_semaphore, #tpu.memory_space<semaphore_mem>>
        %dma_start3A_35 = arith.constant 0 : i32
        %dma_start3A_36 = tpu.memref_slice %arg6[%mul3A_2, %dma_start3A_35] : memref<10240x128xf32, #tpu.memory_space<hbm>> -> memref<640x128xf32, #tpu.memory_space<hbm>>
        %dma_start3A_37 = arith.constant 0 : i32
        %dma_start3A_38 = tpu.memref_slice %arg12[%mul3A_2, %dma_start3A_37] : memref<10240x128xf32, #tpu.memory_space<vmem_shared>> -> memref<640x128xf32, #tpu.memory_space<vmem_shared>>
        tpu.enqueue_dma source(%dma_start3A_38 : memref<640x128xf32, #tpu.memory_space<vmem_shared>>) target(%dma_start3A_36 : memref<640x128xf32, #tpu.memory_space<hbm>>) target_semaphore(%run_scoped3A : memref<!tpu.dma_semaphore, #tpu.memory_space<semaphore_mem>>)
        %dma_wait3A_39 = arith.constant 0 : i32
        %dma_wait3A_40 = tpu.memref_slice %arg6[%mul3A_2, %dma_wait3A_39] : memref<10240x128xf32, #tpu.memory_space<hbm>> -> memref<640x128xf32, #tpu.memory_space<hbm>>
        %dma_wait3A_41 = arith.constant 0 : i32
        %dma_wait3A_42 = tpu.memref_slice %arg12[%mul3A_2, %dma_wait3A_41] : memref<10240x128xf32, #tpu.memory_space<vmem_shared>> -> memref<640x128xf32, #tpu.memory_space<vmem_shared>>
        tpu.wait_dma2 semaphore(%run_scoped3A : memref<!tpu.dma_semaphore, #tpu.memory_space<semaphore_mem>>) src(%dma_wait3A_42 : memref<640x128xf32, #tpu.memory_space<vmem_shared>>) dst(%dma_wait3A_40 : memref<640x128xf32, #tpu.memory_space<hbm>>)
        tpu.yield
      }) : () -> ()
    } else {
    }
    %eq3A_30 = arith.constant 1 : i32
    %eq3A_31 = arith.cmpi eq, %arg0, %eq3A_30 : i32
    %convert_element_type3A_32 = arith.extui %eq3A_31 : i1 to i32
    %cond3A_33 = arith.constant 0 : i32
    %cond3A_34 = arith.cmpi ne, %convert_element_type3A_32, %cond3A_33 : i32
    scf.if %cond3A_34 {
      "tpu.region"() ({
        %run_scoped3A = tpu.sem_alloc : memref<!tpu.dma_semaphore, #tpu.memory_space<semaphore_mem>>
        %dma_start3A_35 = arith.constant 0 : i32
        %dma_start3A_36 = tpu.memref_slice %arg7[%mul3A_2, %dma_start3A_35] : memref<10240x128xf32, #tpu.memory_space<hbm>> -> memref<640x128xf32, #tpu.memory_space<hbm>>
        %dma_start3A_37 = arith.constant 0 : i32
        %dma_start3A_38 = tpu.memref_slice %arg12[%mul3A_2, %dma_start3A_37] : memref<10240x128xf32, #tpu.memory_space<vmem_shared>> -> memref<640x128xf32, #tpu.memory_space<vmem_shared>>
        tpu.enqueue_dma source(%dma_start3A_38 : memref<640x128xf32, #tpu.memory_space<vmem_shared>>) target(%dma_start3A_36 : memref<640x128xf32, #tpu.memory_space<hbm>>) target_semaphore(%run_scoped3A : memref<!tpu.dma_semaphore, #tpu.memory_space<semaphore_mem>>)
        %dma_wait3A_39 = arith.constant 0 : i32
        %dma_wait3A_40 = tpu.memref_slice %arg7[%mul3A_2, %dma_wait3A_39] : memref<10240x128xf32, #tpu.memory_space<hbm>> -> memref<640x128xf32, #tpu.memory_space<hbm>>
        %dma_wait3A_41 = arith.constant 0 : i32
        %dma_wait3A_42 = tpu.memref_slice %arg12[%mul3A_2, %dma_wait3A_41] : memref<10240x128xf32, #tpu.memory_space<vmem_shared>> -> memref<640x128xf32, #tpu.memory_space<vmem_shared>>
        tpu.wait_dma2 semaphore(%run_scoped3A : memref<!tpu.dma_semaphore, #tpu.memory_space<semaphore_mem>>) src(%dma_wait3A_42 : memref<640x128xf32, #tpu.memory_space<vmem_shared>>) dst(%dma_wait3A_40 : memref<640x128xf32, #tpu.memory_space<hbm>>)
        tpu.yield
      }) : () -> ()
    } else {
    }
    return
  }
}

#map = affine_map<(d0, d1) -> (0, 0)>
#map1 = affine_map<(d0, d1) -> (0, 0, 0)>
module attributes {stable_mosaic.version = 14 : i64} {
  func.func @spmm(%arg0: i32, %arg1: i32, %arg2: memref<10240x16xf32, #tpu.memory_space<hbm>>, %arg3: memref<32x20x512xi32, #tpu.memory_space<hbm>>, %arg4: memref<32x20x512xi32, #tpu.memory_space<hbm>>, %arg5: memref<640x16xf32, #tpu.memory_space<hbm>>, %arg6: memref<10240x16xf32, #tpu.memory_space<hbm>>, %arg7: memref<10240x16xf32, #tpu.memory_space<hbm>>, %arg8: memref<10x512xi32, #tpu.memory_space<vmem>>, %arg9: memref<10x512xi32, #tpu.memory_space<vmem>>, %arg10: memref<512x16xf32, #tpu.memory_space<vmem>>, %arg11: memref<512x16xf32, #tpu.memory_space<vmem>>, %arg12: memref<10240x16xf32, #tpu.memory_space<vmem_shared>>, %arg13: memref<!tpu.dma_semaphore, #tpu.memory_space<semaphore_mem>>, %arg14: memref<!tpu.dma_semaphore, #tpu.memory_space<semaphore_mem>>) attributes {dimension_semantics = [#tpu.dimension_semantics<core_parallel>, #tpu.dimension_semantics<subcore_parallel>], iteration_bounds = array<i64: 2, 16>, scalar_prefetch = 0 : i64, scratch_operands = 7 : i64, tpu.core_type = #tpu.core_type<sc_vector_subcore>, window_params = [{transform_indices = #map}, {transform_indices = #map1}, {transform_indices = #map1}, {transform_indices = #map}, {transform_indices = #map}, {transform_indices = #map}]} {
    %mul3A = arith.constant 16 : i32
    %mul3A_0 = arith.muli %arg0, %mul3A : i32
    %add3A = arith.addi %mul3A_0, %arg1 : i32
    %mul3A_1 = arith.constant 640 : i32
    %mul3A_2 = arith.muli %arg1, %mul3A_1 : i32
    %scan3A = arith.constant 0 : i32
    %mul3A_3 = arith.constant 1 : i32
    %mul3A_4 = arith.muli %scan3A, %mul3A_3 : i32
    %add3A_5 = arith.constant 0 : i32
    %add3A_6 = arith.addi %add3A_5, %mul3A_4 : i32
    %mul3A_7 = arith.constant 640 : i32
    %mul3A_8 = arith.muli %add3A_6, %mul3A_7 : i32
    %add3A_9 = arith.addi %mul3A_2, %mul3A_8 : i32
    %dma_start3A = arith.constant 0 : i32
    %dma_start3A_10 = tpu.memref_slice %arg12[%add3A_9, %dma_start3A] : memref<10240x16xf32, #tpu.memory_space<vmem_shared>> -> memref<640x16xf32, #tpu.memory_space<vmem_shared>>
    tpu.enqueue_dma source(%arg5 : memref<640x16xf32, #tpu.memory_space<hbm>>) target(%dma_start3A_10 : memref<640x16xf32, #tpu.memory_space<vmem_shared>>) target_semaphore(%arg13 : memref<!tpu.dma_semaphore, #tpu.memory_space<semaphore_mem>>)
    %scan3A_11 = arith.constant 1 : i32
    %scan3A_12 = arith.constant 0 : i32
    %mul3A_13 = arith.constant 1 : i32
    %mul3A_14 = arith.muli %scan3A_12, %mul3A_13 : i32
    %add3A_15 = arith.constant 0 : i32
    %add3A_16 = arith.addi %add3A_15, %mul3A_14 : i32
    %mul3A_17 = arith.constant 640 : i32
    %mul3A_18 = arith.muli %add3A_16, %mul3A_17 : i32
    %add3A_19 = arith.addi %mul3A_2, %mul3A_18 : i32
    %dma_wait3A = arith.constant 0 : i32
    %dma_wait3A_20 = tpu.memref_slice %arg12[%add3A_19, %dma_wait3A] : memref<10240x16xf32, #tpu.memory_space<vmem_shared>> -> memref<640x16xf32, #tpu.memory_space<vmem_shared>>
    tpu.wait_dma2 semaphore(%arg13 : memref<!tpu.dma_semaphore, #tpu.memory_space<semaphore_mem>>) src(%arg5 : memref<640x16xf32, #tpu.memory_space<hbm>>) dst(%dma_wait3A_20 : memref<640x16xf32, #tpu.memory_space<vmem_shared>>)
    %scan3A_21 = arith.constant 1 : i32
    %barrier3A = arith.constant 0 : index
    tpu.barrier barrier_id(%barrier3A)
    %scan3A_22 = arith.constant 0 : i32
    %scan3A_23 = arith.constant 2 : i32
    %scan3A_24 = arith.addi %scan3A_22, %scan3A_23 : i32
    %scan3A_25 = arith.constant 1 : i32
    scf.for %scan3A_35 = %scan3A_22 to %scan3A_24 step %scan3A_25  : i32 {
      %mul3A_36 = arith.constant 1 : i32
      %mul3A_37 = arith.muli %scan3A_35, %mul3A_36 : i32
      %add3A_38 = arith.constant 0 : i32
      %add3A_39 = arith.addi %add3A_38, %mul3A_37 : i32
      %mul3A_40 = arith.constant 10 : i32
      %mul3A_41 = arith.muli %add3A_39, %mul3A_40 : i32
      "tpu.region"() ({
        %run_scoped3A = tpu.sem_alloc : memref<!tpu.dma_semaphore, #tpu.memory_space<semaphore_mem>>
        %dma_start3A_56 = arith.constant 0 : i32
        %dma_start3A_57 = tpu.memref_slice %arg3[%add3A, %mul3A_41, %dma_start3A_56] : memref<32x20x512xi32, #tpu.memory_space<hbm>> -> memref<1x10x512xi32, #tpu.memory_space<hbm>>
        %dma_start3A_58 = tpu.memref_squeeze %dma_start3A_57 : memref<1x10x512xi32, #tpu.memory_space<hbm>> -> memref<10x512xi32, #tpu.memory_space<hbm>>
        %dma_start3A_59 = arith.constant 0 : i32
        %dma_start3A_60 = tpu.memref_slice %arg3[%add3A, %mul3A_41, %dma_start3A_59] : memref<32x20x512xi32, #tpu.memory_space<hbm>> -> memref<1x10x512xi32, #tpu.memory_space<hbm>>
        %dma_start3A_61 = tpu.memref_squeeze %dma_start3A_60 : memref<1x10x512xi32, #tpu.memory_space<hbm>> -> memref<10x512xi32, #tpu.memory_space<hbm>>
        tpu.enqueue_dma source(%dma_start3A_61 : memref<10x512xi32, #tpu.memory_space<hbm>>) target(%arg8 : memref<10x512xi32, #tpu.memory_space<vmem>>) target_semaphore(%run_scoped3A : memref<!tpu.dma_semaphore, #tpu.memory_space<semaphore_mem>>)
        %dma_wait3A_62 = arith.constant 0 : i32
        %dma_wait3A_63 = tpu.memref_slice %arg3[%add3A, %mul3A_41, %dma_wait3A_62] : memref<32x20x512xi32, #tpu.memory_space<hbm>> -> memref<1x10x512xi32, #tpu.memory_space<hbm>>
        %dma_wait3A_64 = tpu.memref_squeeze %dma_wait3A_63 : memref<1x10x512xi32, #tpu.memory_space<hbm>> -> memref<10x512xi32, #tpu.memory_space<hbm>>
        %dma_wait3A_65 = arith.constant 0 : i32
        %dma_wait3A_66 = tpu.memref_slice %arg3[%add3A, %mul3A_41, %dma_wait3A_65] : memref<32x20x512xi32, #tpu.memory_space<hbm>> -> memref<1x10x512xi32, #tpu.memory_space<hbm>>
        %dma_wait3A_67 = tpu.memref_squeeze %dma_wait3A_66 : memref<1x10x512xi32, #tpu.memory_space<hbm>> -> memref<10x512xi32, #tpu.memory_space<hbm>>
        tpu.wait_dma2 semaphore(%run_scoped3A : memref<!tpu.dma_semaphore, #tpu.memory_space<semaphore_mem>>) src(%dma_wait3A_67 : memref<10x512xi32, #tpu.memory_space<hbm>>) dst(%arg8 : memref<10x512xi32, #tpu.memory_space<vmem>>)
        tpu.yield
      }) : () -> ()
      %mul3A_42 = arith.constant 10 : i32
      %mul3A_43 = arith.muli %add3A_39, %mul3A_42 : i32
      "tpu.region"() ({
        %run_scoped3A = tpu.sem_alloc : memref<!tpu.dma_semaphore, #tpu.memory_space<semaphore_mem>>
        %dma_start3A_56 = arith.constant 0 : i32
        %dma_start3A_57 = tpu.memref_slice %arg4[%add3A, %mul3A_43, %dma_start3A_56] : memref<32x20x512xi32, #tpu.memory_space<hbm>> -> memref<1x10x512xi32, #tpu.memory_space<hbm>>
        %dma_start3A_58 = tpu.memref_squeeze %dma_start3A_57 : memref<1x10x512xi32, #tpu.memory_space<hbm>> -> memref<10x512xi32, #tpu.memory_space<hbm>>
        %dma_start3A_59 = arith.constant 0 : i32
        %dma_start3A_60 = tpu.memref_slice %arg4[%add3A, %mul3A_43, %dma_start3A_59] : memref<32x20x512xi32, #tpu.memory_space<hbm>> -> memref<1x10x512xi32, #tpu.memory_space<hbm>>
        %dma_start3A_61 = tpu.memref_squeeze %dma_start3A_60 : memref<1x10x512xi32, #tpu.memory_space<hbm>> -> memref<10x512xi32, #tpu.memory_space<hbm>>
        tpu.enqueue_dma source(%dma_start3A_61 : memref<10x512xi32, #tpu.memory_space<hbm>>) target(%arg9 : memref<10x512xi32, #tpu.memory_space<vmem>>) target_semaphore(%run_scoped3A : memref<!tpu.dma_semaphore, #tpu.memory_space<semaphore_mem>>)
        %dma_wait3A_62 = arith.constant 0 : i32
        %dma_wait3A_63 = tpu.memref_slice %arg4[%add3A, %mul3A_43, %dma_wait3A_62] : memref<32x20x512xi32, #tpu.memory_space<hbm>> -> memref<1x10x512xi32, #tpu.memory_space<hbm>>
        %dma_wait3A_64 = tpu.memref_squeeze %dma_wait3A_63 : memref<1x10x512xi32, #tpu.memory_space<hbm>> -> memref<10x512xi32, #tpu.memory_space<hbm>>
        %dma_wait3A_65 = arith.constant 0 : i32
        %dma_wait3A_66 = tpu.memref_slice %arg4[%add3A, %mul3A_43, %dma_wait3A_65] : memref<32x20x512xi32, #tpu.memory_space<hbm>> -> memref<1x10x512xi32, #tpu.memory_space<hbm>>
        %dma_wait3A_67 = tpu.memref_squeeze %dma_wait3A_66 : memref<1x10x512xi32, #tpu.memory_space<hbm>> -> memref<10x512xi32, #tpu.memory_space<hbm>>
        tpu.wait_dma2 semaphore(%run_scoped3A : memref<!tpu.dma_semaphore, #tpu.memory_space<semaphore_mem>>) src(%dma_wait3A_67 : memref<10x512xi32, #tpu.memory_space<hbm>>) dst(%arg9 : memref<10x512xi32, #tpu.memory_space<vmem>>)
        tpu.yield
      }) : () -> ()
      %dma_start3A_44 = arith.constant 0 : i32
      %dma_start3A_45 = arith.constant 0 : i32
      %dma_start3A_46 = tpu.memref_slice %arg8[%dma_start3A_44, %dma_start3A_45] : memref<10x512xi32, #tpu.memory_space<vmem>> -> memref<1x512xi32, #tpu.memory_space<vmem>>
      %dma_start3A_47 = tpu.memref_squeeze %dma_start3A_46 : memref<1x512xi32, #tpu.memory_space<vmem>> -> memref<512xi32, #tpu.memory_space<vmem>>
      %dma_start3A_48 = arith.constant 0 : i32
      %dma_start3A_49 = arith.constant 0 : i32
      %dma_start3A_50 = tpu.memref_slice %arg2[%dma_start3A_48, %dma_start3A_49] : memref<10240x16xf32, #tpu.memory_space<hbm>> -> memref<10240x16xf32, #tpu.memory_space<hbm>>
      tpu.enqueue_indirect_dma source(%dma_start3A_50 : memref<10240x16xf32, #tpu.memory_space<hbm>>) target(%arg10 : memref<512x16xf32, #tpu.memory_space<vmem>>) offsets(%dma_start3A_47 : memref<512xi32, #tpu.memory_space<vmem>>) semaphore(%arg13 : memref<!tpu.dma_semaphore, #tpu.memory_space<semaphore_mem>>)
      %scan3A_51 = arith.constant 0 : i32
      %scan3A_52 = arith.constant 5 : i32
      %scan3A_53 = arith.addi %scan3A_51, %scan3A_52 : i32
      %scan3A_54 = arith.constant 1 : i32
      scf.for %scan3A_56 = %scan3A_51 to %scan3A_53 step %scan3A_54  : i32 {
        %mul3A_57 = arith.constant 2 : i32
        %mul3A_58 = arith.muli %scan3A_56, %mul3A_57 : i32
        %add3A_59 = arith.constant 0 : i32
        %add3A_60 = arith.addi %add3A_59, %mul3A_58 : i32
        %add3A_61 = arith.constant 1 : i32
        %add3A_62 = arith.addi %add3A_60, %add3A_61 : i32
        %dma_start3A_63 = arith.constant 0 : i32
        %dma_start3A_64 = tpu.memref_slice %arg8[%add3A_62, %dma_start3A_63] : memref<10x512xi32, #tpu.memory_space<vmem>> -> memref<1x512xi32, #tpu.memory_space<vmem>>
        %dma_start3A_65 = tpu.memref_squeeze %dma_start3A_64 : memref<1x512xi32, #tpu.memory_space<vmem>> -> memref<512xi32, #tpu.memory_space<vmem>>
        %dma_start3A_66 = arith.constant 0 : i32
        %dma_start3A_67 = arith.constant 0 : i32
        %dma_start3A_68 = tpu.memref_slice %arg2[%dma_start3A_66, %dma_start3A_67] : memref<10240x16xf32, #tpu.memory_space<hbm>> -> memref<10240x16xf32, #tpu.memory_space<hbm>>
        tpu.enqueue_indirect_dma source(%dma_start3A_68 : memref<10240x16xf32, #tpu.memory_space<hbm>>) target(%arg11 : memref<512x16xf32, #tpu.memory_space<vmem>>) offsets(%dma_start3A_65 : memref<512xi32, #tpu.memory_space<vmem>>) semaphore(%arg14 : memref<!tpu.dma_semaphore, #tpu.memory_space<semaphore_mem>>)
        %dma_wait3A_69 = arith.constant 0 : i32
        %dma_wait3A_70 = tpu.memref_slice %arg8[%add3A_60, %dma_wait3A_69] : memref<10x512xi32, #tpu.memory_space<vmem>> -> memref<1x512xi32, #tpu.memory_space<vmem>>
        %dma_wait3A_71 = tpu.memref_squeeze %dma_wait3A_70 : memref<1x512xi32, #tpu.memory_space<vmem>> -> memref<512xi32, #tpu.memory_space<vmem>>
        %dma_wait3A_72 = arith.constant 0 : i32
        %dma_wait3A_73 = arith.constant 0 : i32
        %dma_wait3A_74 = tpu.memref_slice %arg2[%dma_wait3A_72, %dma_wait3A_73] : memref<10240x16xf32, #tpu.memory_space<hbm>> -> memref<10240x16xf32, #tpu.memory_space<hbm>>
        tpu.wait_indirect_dma semaphore(%arg13 : memref<!tpu.dma_semaphore, #tpu.memory_space<semaphore_mem>>) src(%dma_wait3A_74 : memref<10240x16xf32, #tpu.memory_space<hbm>>) dst(%arg10 : memref<512x16xf32, #tpu.memory_space<vmem>>)
        "tpu.region"() ({
          %run_scoped3A = tpu.sem_alloc : memref<!tpu.dma_semaphore, #tpu.memory_space<semaphore_mem>>
          %dma_start3A_91 = arith.constant 0 : i32
          %dma_start3A_92 = tpu.memref_slice %arg9[%add3A_60, %dma_start3A_91] : memref<10x512xi32, #tpu.memory_space<vmem>> -> memref<1x512xi32, #tpu.memory_space<vmem>>
          %dma_start3A_93 = tpu.memref_squeeze %dma_start3A_92 : memref<1x512xi32, #tpu.memory_space<vmem>> -> memref<512xi32, #tpu.memory_space<vmem>>
          %dma_start3A_94 = arith.constant 0 : i32
          %dma_start3A_95 = arith.constant 0 : i32
          %dma_start3A_96 = tpu.memref_slice %arg12[%dma_start3A_94, %dma_start3A_95] : memref<10240x16xf32, #tpu.memory_space<vmem_shared>> -> memref<10240x16xf32, #tpu.memory_space<vmem_shared>>
          tpu.enqueue_indirect_dma source(%arg10 : memref<512x16xf32, #tpu.memory_space<vmem>>) target(%dma_start3A_96 : memref<10240x16xf32, #tpu.memory_space<vmem_shared>>) offsets(%dma_start3A_93 : memref<512xi32, #tpu.memory_space<vmem>>) semaphore(%run_scoped3A : memref<!tpu.dma_semaphore, #tpu.memory_space<semaphore_mem>>) {add = true}
          %dma_wait3A_97 = arith.constant 0 : i32
          %dma_wait3A_98 = tpu.memref_slice %arg9[%add3A_60, %dma_wait3A_97] : memref<10x512xi32, #tpu.memory_space<vmem>> -> memref<1x512xi32, #tpu.memory_space<vmem>>
          %dma_wait3A_99 = tpu.memref_squeeze %dma_wait3A_98 : memref<1x512xi32, #tpu.memory_space<vmem>> -> memref<512xi32, #tpu.memory_space<vmem>>
          %dma_wait3A_100 = arith.constant 0 : i32
          %dma_wait3A_101 = arith.constant 0 : i32
          %dma_wait3A_102 = tpu.memref_slice %arg12[%dma_wait3A_100, %dma_wait3A_101] : memref<10240x16xf32, #tpu.memory_space<vmem_shared>> -> memref<10240x16xf32, #tpu.memory_space<vmem_shared>>
          tpu.wait_indirect_dma semaphore(%run_scoped3A : memref<!tpu.dma_semaphore, #tpu.memory_space<semaphore_mem>>) src(%arg10 : memref<512x16xf32, #tpu.memory_space<vmem>>) dst(%dma_wait3A_102 : memref<10240x16xf32, #tpu.memory_space<vmem_shared>>)
          tpu.yield
        }) : () -> ()
        %add3A_75 = arith.constant 2 : i32
        %add3A_76 = arith.addi %add3A_60, %add3A_75 : i32
        %lt3A = arith.constant 10 : i32
        %lt3A_77 = arith.cmpi slt, %add3A_76, %lt3A : i32
        %convert_element_type3A_78 = arith.extui %lt3A_77 : i1 to i32
        %cond3A_79 = arith.constant 0 : i32
        %cond3A_80 = arith.cmpi ne, %convert_element_type3A_78, %cond3A_79 : i32
        scf.if %cond3A_80 {
          %add3A_91 = arith.constant 2 : i32
          %add3A_92 = arith.addi %add3A_60, %add3A_91 : i32
          %dma_start3A_93 = arith.constant 0 : i32
          %dma_start3A_94 = tpu.memref_slice %arg8[%add3A_92, %dma_start3A_93] : memref<10x512xi32, #tpu.memory_space<vmem>> -> memref<1x512xi32, #tpu.memory_space<vmem>>
          %dma_start3A_95 = tpu.memref_squeeze %dma_start3A_94 : memref<1x512xi32, #tpu.memory_space<vmem>> -> memref<512xi32, #tpu.memory_space<vmem>>
          %dma_start3A_96 = arith.constant 0 : i32
          %dma_start3A_97 = arith.constant 0 : i32
          %dma_start3A_98 = tpu.memref_slice %arg2[%dma_start3A_96, %dma_start3A_97] : memref<10240x16xf32, #tpu.memory_space<hbm>> -> memref<10240x16xf32, #tpu.memory_space<hbm>>
          tpu.enqueue_indirect_dma source(%dma_start3A_98 : memref<10240x16xf32, #tpu.memory_space<hbm>>) target(%arg10 : memref<512x16xf32, #tpu.memory_space<vmem>>) offsets(%dma_start3A_95 : memref<512xi32, #tpu.memory_space<vmem>>) semaphore(%arg13 : memref<!tpu.dma_semaphore, #tpu.memory_space<semaphore_mem>>)
        } else {
        }
        %add3A_81 = arith.constant 1 : i32
        %add3A_82 = arith.addi %add3A_60, %add3A_81 : i32
        %dma_wait3A_83 = arith.constant 0 : i32
        %dma_wait3A_84 = tpu.memref_slice %arg8[%add3A_82, %dma_wait3A_83] : memref<10x512xi32, #tpu.memory_space<vmem>> -> memref<1x512xi32, #tpu.memory_space<vmem>>
        %dma_wait3A_85 = tpu.memref_squeeze %dma_wait3A_84 : memref<1x512xi32, #tpu.memory_space<vmem>> -> memref<512xi32, #tpu.memory_space<vmem>>
        %dma_wait3A_86 = arith.constant 0 : i32
        %dma_wait3A_87 = arith.constant 0 : i32
        %dma_wait3A_88 = tpu.memref_slice %arg2[%dma_wait3A_86, %dma_wait3A_87] : memref<10240x16xf32, #tpu.memory_space<hbm>> -> memref<10240x16xf32, #tpu.memory_space<hbm>>
        tpu.wait_indirect_dma semaphore(%arg14 : memref<!tpu.dma_semaphore, #tpu.memory_space<semaphore_mem>>) src(%dma_wait3A_88 : memref<10240x16xf32, #tpu.memory_space<hbm>>) dst(%arg11 : memref<512x16xf32, #tpu.memory_space<vmem>>)
        %add3A_89 = arith.constant 1 : i32
        %add3A_90 = arith.addi %add3A_60, %add3A_89 : i32
        "tpu.region"() ({
          %run_scoped3A = tpu.sem_alloc : memref<!tpu.dma_semaphore, #tpu.memory_space<semaphore_mem>>
          %dma_start3A_91 = arith.constant 0 : i32
          %dma_start3A_92 = tpu.memref_slice %arg9[%add3A_90, %dma_start3A_91] : memref<10x512xi32, #tpu.memory_space<vmem>> -> memref<1x512xi32, #tpu.memory_space<vmem>>
          %dma_start3A_93 = tpu.memref_squeeze %dma_start3A_92 : memref<1x512xi32, #tpu.memory_space<vmem>> -> memref<512xi32, #tpu.memory_space<vmem>>
          %dma_start3A_94 = arith.constant 0 : i32
          %dma_start3A_95 = arith.constant 0 : i32
          %dma_start3A_96 = tpu.memref_slice %arg12[%dma_start3A_94, %dma_start3A_95] : memref<10240x16xf32, #tpu.memory_space<vmem_shared>> -> memref<10240x16xf32, #tpu.memory_space<vmem_shared>>
          tpu.enqueue_indirect_dma source(%arg11 : memref<512x16xf32, #tpu.memory_space<vmem>>) target(%dma_start3A_96 : memref<10240x16xf32, #tpu.memory_space<vmem_shared>>) offsets(%dma_start3A_93 : memref<512xi32, #tpu.memory_space<vmem>>) semaphore(%run_scoped3A : memref<!tpu.dma_semaphore, #tpu.memory_space<semaphore_mem>>) {add = true}
          %dma_wait3A_97 = arith.constant 0 : i32
          %dma_wait3A_98 = tpu.memref_slice %arg9[%add3A_90, %dma_wait3A_97] : memref<10x512xi32, #tpu.memory_space<vmem>> -> memref<1x512xi32, #tpu.memory_space<vmem>>
          %dma_wait3A_99 = tpu.memref_squeeze %dma_wait3A_98 : memref<1x512xi32, #tpu.memory_space<vmem>> -> memref<512xi32, #tpu.memory_space<vmem>>
          %dma_wait3A_100 = arith.constant 0 : i32
          %dma_wait3A_101 = arith.constant 0 : i32
          %dma_wait3A_102 = tpu.memref_slice %arg12[%dma_wait3A_100, %dma_wait3A_101] : memref<10240x16xf32, #tpu.memory_space<vmem_shared>> -> memref<10240x16xf32, #tpu.memory_space<vmem_shared>>
          tpu.wait_indirect_dma semaphore(%run_scoped3A : memref<!tpu.dma_semaphore, #tpu.memory_space<semaphore_mem>>) src(%arg11 : memref<512x16xf32, #tpu.memory_space<vmem>>) dst(%dma_wait3A_102 : memref<10240x16xf32, #tpu.memory_space<vmem_shared>>)
          tpu.yield
        }) : () -> ()
      }
      %scan3A_55 = arith.constant 5 : i32
    }
    %scan3A_26 = arith.constant 2 : i32
    %barrier3A_27 = arith.constant 0 : index
    tpu.barrier barrier_id(%barrier3A_27)
    %eq3A = arith.constant 0 : i32
    %eq3A_28 = arith.cmpi eq, %arg0, %eq3A : i32
    %convert_element_type3A = arith.extui %eq3A_28 : i1 to i32
    %cond3A = arith.constant 0 : i32
    %cond3A_29 = arith.cmpi ne, %convert_element_type3A, %cond3A : i32
    scf.if %cond3A_29 {
      "tpu.region"() ({
        %run_scoped3A = tpu.sem_alloc : memref<!tpu.dma_semaphore, #tpu.memory_space<semaphore_mem>>
        %dma_start3A_35 = arith.constant 0 : i32
        %dma_start3A_36 = tpu.memref_slice %arg6[%mul3A_2, %dma_start3A_35] : memref<10240x16xf32, #tpu.memory_space<hbm>> -> memref<640x16xf32, #tpu.memory_space<hbm>>
        %dma_start3A_37 = arith.constant 0 : i32
        %dma_start3A_38 = tpu.memref_slice %arg12[%mul3A_2, %dma_start3A_37] : memref<10240x16xf32, #tpu.memory_space<vmem_shared>> -> memref<640x16xf32, #tpu.memory_space<vmem_shared>>
        tpu.enqueue_dma source(%dma_start3A_38 : memref<640x16xf32, #tpu.memory_space<vmem_shared>>) target(%dma_start3A_36 : memref<640x16xf32, #tpu.memory_space<hbm>>) target_semaphore(%run_scoped3A : memref<!tpu.dma_semaphore, #tpu.memory_space<semaphore_mem>>)
        %dma_wait3A_39 = arith.constant 0 : i32
        %dma_wait3A_40 = tpu.memref_slice %arg6[%mul3A_2, %dma_wait3A_39] : memref<10240x16xf32, #tpu.memory_space<hbm>> -> memref<640x16xf32, #tpu.memory_space<hbm>>
        %dma_wait3A_41 = arith.constant 0 : i32
        %dma_wait3A_42 = tpu.memref_slice %arg12[%mul3A_2, %dma_wait3A_41] : memref<10240x16xf32, #tpu.memory_space<vmem_shared>> -> memref<640x16xf32, #tpu.memory_space<vmem_shared>>
        tpu.wait_dma2 semaphore(%run_scoped3A : memref<!tpu.dma_semaphore, #tpu.memory_space<semaphore_mem>>) src(%dma_wait3A_42 : memref<640x16xf32, #tpu.memory_space<vmem_shared>>) dst(%dma_wait3A_40 : memref<640x16xf32, #tpu.memory_space<hbm>>)
        tpu.yield
      }) : () -> ()
    } else {
    }
    %eq3A_30 = arith.constant 1 : i32
    %eq3A_31 = arith.cmpi eq, %arg0, %eq3A_30 : i32
    %convert_element_type3A_32 = arith.extui %eq3A_31 : i1 to i32
    %cond3A_33 = arith.constant 0 : i32
    %cond3A_34 = arith.cmpi ne, %convert_element_type3A_32, %cond3A_33 : i32
    scf.if %cond3A_34 {
      "tpu.region"() ({
        %run_scoped3A = tpu.sem_alloc : memref<!tpu.dma_semaphore, #tpu.memory_space<semaphore_mem>>
        %dma_start3A_35 = arith.constant 0 : i32
        %dma_start3A_36 = tpu.memref_slice %arg7[%mul3A_2, %dma_start3A_35] : memref<10240x16xf32, #tpu.memory_space<hbm>> -> memref<640x16xf32, #tpu.memory_space<hbm>>
        %dma_start3A_37 = arith.constant 0 : i32
        %dma_start3A_38 = tpu.memref_slice %arg12[%mul3A_2, %dma_start3A_37] : memref<10240x16xf32, #tpu.memory_space<vmem_shared>> -> memref<640x16xf32, #tpu.memory_space<vmem_shared>>
        tpu.enqueue_dma source(%dma_start3A_38 : memref<640x16xf32, #tpu.memory_space<vmem_shared>>) target(%dma_start3A_36 : memref<640x16xf32, #tpu.memory_space<hbm>>) target_semaphore(%run_scoped3A : memref<!tpu.dma_semaphore, #tpu.memory_space<semaphore_mem>>)
        %dma_wait3A_39 = arith.constant 0 : i32
        %dma_wait3A_40 = tpu.memref_slice %arg7[%mul3A_2, %dma_wait3A_39] : memref<10240x16xf32, #tpu.memory_space<hbm>> -> memref<640x16xf32, #tpu.memory_space<hbm>>
        %dma_wait3A_41 = arith.constant 0 : i32
        %dma_wait3A_42 = tpu.memref_slice %arg12[%mul3A_2, %dma_wait3A_41] : memref<10240x16xf32, #tpu.memory_space<vmem_shared>> -> memref<640x16xf32, #tpu.memory_space<vmem_shared>>
        tpu.wait_dma2 semaphore(%run_scoped3A : memref<!tpu.dma_semaphore, #tpu.memory_space<semaphore_mem>>) src(%dma_wait3A_42 : memref<640x16xf32, #tpu.memory_space<vmem_shared>>) dst(%dma_wait3A_40 : memref<640x16xf32, #tpu.memory_space<hbm>>)
        tpu.yield
      }) : () -> ()
    } else {
    }
    return
  }
}

module attributes {stable_mosaic.version = 14 : i64} {
  func.func @_edge_prep_kernel(%arg0: memref<2x2500x128xi32, #tpu.memory_space<vmem>>, %arg1: memref<2x60x128xi32, #tpu.memory_space<vmem>>, %arg2: memref<2560x128xi32, #tpu.memory_space<vmem>>, %arg3: memref<2560x128xi32, #tpu.memory_space<vmem>>) attributes {dimension_semantics = [], scalar_prefetch = 0 : i64, scratch_operands = 0 : i64, tpu.core_type = #tpu.core_type<tc>} {
    %get3A = arith.constant 0 : index
    %get3A_0 = arith.constant 0 : index
    %get3A_1 = arith.constant 0 : index
    %get3A_2 = vector.load %arg0[%get3A, %get3A_0, %get3A_1] : memref<2x2500x128xi32, #tpu.memory_space<vmem>>, vector<1x2500x128xi32>
    %get3A_3 = vector.shape_cast %get3A_2 : vector<1x2500x128xi32> to vector<2500x128xi32>
    %get3A_4 = arith.constant 0 : index
    %get3A_5 = arith.constant 0 : index
    %get3A_6 = arith.constant 0 : index
    %get3A_7 = vector.load %arg1[%get3A_4, %get3A_5, %get3A_6] : memref<2x60x128xi32, #tpu.memory_space<vmem>>, vector<1x60x128xi32>
    %get3A_8 = vector.shape_cast %get3A_7 : vector<1x60x128xi32> to vector<60x128xi32>
    %concatenate3A = tpu.concatenate %get3A_3, %get3A_8 in 0 : vector<2500x128xi32>, vector<60x128xi32> -> vector<2560x128xi32>
    %swap3A = arith.constant 0 : index
    %swap3A_9 = arith.constant 0 : index
    %swap3A_10 = vector.load %arg2[%swap3A, %swap3A_9] : memref<2560x128xi32, #tpu.memory_space<vmem>>, vector<2560x128xi32>
    tpu.vector_store %arg2[%swap3A, %swap3A_9], %concatenate3A {strides = array<i32>} : memref<2560x128xi32, #tpu.memory_space<vmem>>, vector<2560x128xi32>,
    %get3A_11 = arith.constant 1 : index
    %get3A_12 = arith.constant 0 : index
    %get3A_13 = arith.constant 0 : index
    %get3A_14 = vector.load %arg0[%get3A_11, %get3A_12, %get3A_13] : memref<2x2500x128xi32, #tpu.memory_space<vmem>>, vector<1x2500x128xi32>
    %get3A_15 = vector.shape_cast %get3A_14 : vector<1x2500x128xi32> to vector<2500x128xi32>
    %get3A_16 = arith.constant 1 : index
    %get3A_17 = arith.constant 0 : index
    %get3A_18 = arith.constant 0 : index
    %get3A_19 = vector.load %arg1[%get3A_16, %get3A_17, %get3A_18] : memref<2x60x128xi32, #tpu.memory_space<vmem>>, vector<1x60x128xi32>
    %get3A_20 = vector.shape_cast %get3A_19 : vector<1x60x128xi32> to vector<60x128xi32>
    %concatenate3A_21 = tpu.concatenate %get3A_15, %get3A_20 in 0 : vector<2500x128xi32>, vector<60x128xi32> -> vector<2560x128xi32>
    %swap3A_22 = arith.constant 0 : index
    %swap3A_23 = arith.constant 0 : index
    %swap3A_24 = vector.load %arg3[%swap3A_22, %swap3A_23] : memref<2560x128xi32, #tpu.memory_space<vmem>>, vector<2560x128xi32>
    tpu.vector_store %arg3[%swap3A_22, %swap3A_23], %concatenate3A_21 {strides = array<i32>} : memref<2560x128xi32, #tpu.memory_space<vmem>>, vector<2560x128xi32>,
    return
  }
}

module attributes {stable_mosaic.version = 14 : i64} {
  func.func @_dense_kernel(%arg0: memref<10000x128xf32, #tpu.memory_space<vmem>>, %arg1: memref<128x128xf32, #tpu.memory_space<vmem>>, %arg2: memref<1x128xf32, #tpu.memory_space<vmem>>, %arg3: memref<10000x128xf32, #tpu.memory_space<vmem>>) attributes {dimension_semantics = [], scalar_prefetch = 0 : i64, scratch_operands = 0 : i64, tpu.core_type = #tpu.core_type<tc>} {
    %get3A = arith.constant 0 : index
    %get3A_0 = arith.constant 0 : index
    %get3A_1 = vector.load %arg0[%get3A, %get3A_0] : memref<10000x128xf32, #tpu.memory_space<vmem>>, vector<10000x128xf32>
    %get3A_2 = arith.constant 0 : index
    %get3A_3 = arith.constant 0 : index
    %get3A_4 = vector.load %arg1[%get3A_2, %get3A_3] : memref<128x128xf32, #tpu.memory_space<vmem>>, vector<128x128xf32>
    %dot_general3A = arith.constant dense<0.000000e+00> : vector<10000x128xf32>
    %dot_general3A_5 = tpu.matmul %get3A_1, %get3A_4, %dot_general3A {dimension_numbers = #tpu.dot_dimension_numbers<[1], [0], [0], [1], [0, 0, 1, 1], [], []>, transpose_lhs_hint = false} : vector<10000x128xf32>, vector<128x128xf32>, vector<10000x128xf32> -> vector<10000x128xf32>
    %get3A_6 = arith.constant 0 : index
    %get3A_7 = arith.constant 0 : index
    %get3A_8 = vector.load %arg2[%get3A_6, %get3A_7] : memref<1x128xf32, #tpu.memory_space<vmem>>, vector<1x128xf32>
    %add3A = vector.broadcast %get3A_8 : vector<1x128xf32> to vector<10000x128xf32>
    %add3A_9 = arith.addf %dot_general3A_5, %add3A : vector<10000x128xf32>
    %swap3A = arith.constant 0 : index
    %swap3A_10 = arith.constant 0 : index
    %swap3A_11 = vector.load %arg3[%swap3A, %swap3A_10] : memref<10000x128xf32, #tpu.memory_space<vmem>>, vector<10000x128xf32>
    tpu.vector_store %arg3[%swap3A, %swap3A_10], %add3A_9 {strides = array<i32>} : memref<10000x128xf32, #tpu.memory_space<vmem>>, vector<10000x128xf32>,
    return
  }
}

module attributes {stable_mosaic.version = 14 : i64} {
  func.func @_relu_dense_kernel(%arg0: memref<10240x128xf32, #tpu.memory_space<vmem>>, %arg1: memref<10240x128xf32, #tpu.memory_space<vmem>>, %arg2: memref<128x128xf32, #tpu.memory_space<vmem>>, %arg3: memref<1x128xf32, #tpu.memory_space<vmem>>, %arg4: memref<10240x128xf32, #tpu.memory_space<vmem>>, %arg5: memref<10240x128xf32, #tpu.memory_space<vmem>>) attributes {dimension_semantics = [], scalar_prefetch = 0 : i64, scratch_operands = 0 : i64, tpu.core_type = #tpu.core_type<tc>} {
    %get3A = arith.constant 0 : index
    %get3A_0 = arith.constant 0 : index
    %get3A_1 = vector.load %arg0[%get3A, %get3A_0] : memref<10240x128xf32, #tpu.memory_space<vmem>>, vector<10240x128xf32>
    %get3A_2 = arith.constant 0 : index
    %get3A_3 = arith.constant 0 : index
    %get3A_4 = vector.load %arg1[%get3A_2, %get3A_3] : memref<10240x128xf32, #tpu.memory_space<vmem>>, vector<10240x128xf32>
    %add3A = arith.addf %get3A_1, %get3A_4 : vector<10240x128xf32>
    %max3A = arith.constant 0.000000e+00 : f32
    %max3A_5 = vector.broadcast %max3A : f32 to vector<10240x128xf32>
    %max3A_6 = arith.maximumf %add3A, %max3A_5 : vector<10240x128xf32>
    %swap3A = arith.constant 0 : index
    %swap3A_7 = arith.constant 0 : index
    %swap3A_8 = vector.load %arg4[%swap3A, %swap3A_7] : memref<10240x128xf32, #tpu.memory_space<vmem>>, vector<10240x128xf32>
    tpu.vector_store %arg4[%swap3A, %swap3A_7], %max3A_6 {strides = array<i32>} : memref<10240x128xf32, #tpu.memory_space<vmem>>, vector<10240x128xf32>,
    %get3A_9 = arith.constant 0 : index
    %get3A_10 = arith.constant 0 : index
    %get3A_11 = vector.load %arg2[%get3A_9, %get3A_10] : memref<128x128xf32, #tpu.memory_space<vmem>>, vector<128x128xf32>
    %dot_general3A = arith.constant dense<0.000000e+00> : vector<10240x128xf32>
    %dot_general3A_12 = tpu.matmul %max3A_6, %get3A_11, %dot_general3A {dimension_numbers = #tpu.dot_dimension_numbers<[1], [0], [0], [1], [0, 0, 1, 1], [], []>, transpose_lhs_hint = false} : vector<10240x128xf32>, vector<128x128xf32>, vector<10240x128xf32> -> vector<10240x128xf32>
    %get3A_13 = arith.constant 0 : index
    %get3A_14 = arith.constant 0 : index
    %get3A_15 = vector.load %arg3[%get3A_13, %get3A_14] : memref<1x128xf32, #tpu.memory_space<vmem>>, vector<1x128xf32>
    %add3A_16 = vector.broadcast %get3A_15 : vector<1x128xf32> to vector<10240x128xf32>
    %add3A_17 = arith.addf %dot_general3A_12, %add3A_16 : vector<10240x128xf32>
    %swap3A_18 = arith.constant 0 : index
    %swap3A_19 = arith.constant 0 : index
    %swap3A_20 = vector.load %arg5[%swap3A_18, %swap3A_19] : memref<10240x128xf32, #tpu.memory_space<vmem>>, vector<10240x128xf32>
    tpu.vector_store %arg5[%swap3A_18, %swap3A_19], %add3A_17 {strides = array<i32>} : memref<10240x128xf32, #tpu.memory_space<vmem>>, vector<10240x128xf32>,
    return
  }
}

module attributes {stable_mosaic.version = 14 : i64} {
  func.func @_relu_score_kernel(%arg0: memref<10240x128xf32, #tpu.memory_space<vmem>>, %arg1: memref<10240x128xf32, #tpu.memory_space<vmem>>, %arg2: memref<10240x128xf32, #tpu.memory_space<vmem>>, %arg3: memref<10240x128xf32, #tpu.memory_space<vmem>>, %arg4: memref<3x128xf32, #tpu.memory_space<vmem>>, %arg5: memref<1x1xf32, #tpu.memory_space<vmem>>, %arg6: memref<10240x128xf32, #tpu.memory_space<vmem>>, %arg7: memref<1280x128xf32, #tpu.memory_space<vmem>>) attributes {dimension_semantics = [], scalar_prefetch = 0 : i64, scratch_operands = 0 : i64, tpu.core_type = #tpu.core_type<tc>} {
    %get3A = arith.constant 0 : index
    %get3A_0 = arith.constant 0 : index
    %get3A_1 = vector.load %arg0[%get3A, %get3A_0] : memref<10240x128xf32, #tpu.memory_space<vmem>>, vector<10240x128xf32>
    %get3A_2 = arith.constant 0 : index
    %get3A_3 = arith.constant 0 : index
    %get3A_4 = vector.load %arg1[%get3A_2, %get3A_3] : memref<10240x128xf32, #tpu.memory_space<vmem>>, vector<10240x128xf32>
    %add3A = arith.addf %get3A_1, %get3A_4 : vector<10240x128xf32>
    %max3A = arith.constant 0.000000e+00 : f32
    %max3A_5 = vector.broadcast %max3A : f32 to vector<10240x128xf32>
    %max3A_6 = arith.maximumf %add3A, %max3A_5 : vector<10240x128xf32>
    %swap3A = arith.constant 0 : index
    %swap3A_7 = arith.constant 0 : index
    %swap3A_8 = vector.load %arg6[%swap3A, %swap3A_7] : memref<10240x128xf32, #tpu.memory_space<vmem>>, vector<10240x128xf32>
    tpu.vector_store %arg6[%swap3A, %swap3A_7], %max3A_6 {strides = array<i32>} : memref<10240x128xf32, #tpu.memory_space<vmem>>, vector<10240x128xf32>,
    %get3A_9 = arith.constant 0 : index
    %get3A_10 = arith.constant 0 : index
    %get3A_11 = vector.load %arg2[%get3A_9, %get3A_10] : memref<10240x128xf32, #tpu.memory_space<vmem>>, vector<10240x128xf32>
    %get3A_12 = arith.constant 0 : index
    %get3A_13 = arith.constant 0 : index
    %get3A_14 = vector.load %arg4[%get3A_12, %get3A_13] : memref<3x128xf32, #tpu.memory_space<vmem>>, vector<1x128xf32>
    %mul3A = vector.broadcast %get3A_14 : vector<1x128xf32> to vector<10240x128xf32>
    %mul3A_15 = arith.mulf %get3A_11, %mul3A : vector<10240x128xf32>
    %get3A_16 = arith.constant 0 : index
    %get3A_17 = arith.constant 0 : index
    %get3A_18 = vector.load %arg3[%get3A_16, %get3A_17] : memref<10240x128xf32, #tpu.memory_space<vmem>>, vector<10240x128xf32>
    %get3A_19 = arith.constant 1 : index
    %get3A_20 = arith.constant 0 : index
    %get3A_21 = vector.load %arg4[%get3A_19, %get3A_20] : memref<3x128xf32, #tpu.memory_space<vmem>>, vector<1x128xf32>
    %mul3A_22 = vector.broadcast %get3A_21 : vector<1x128xf32> to vector<10240x128xf32>
    %mul3A_23 = arith.mulf %get3A_18, %mul3A_22 : vector<10240x128xf32>
    %add3A_24 = arith.addf %mul3A_15, %mul3A_23 : vector<10240x128xf32>
    %get3A_25 = arith.constant 2 : index
    %get3A_26 = arith.constant 0 : index
    %get3A_27 = vector.load %arg4[%get3A_25, %get3A_26] : memref<3x128xf32, #tpu.memory_space<vmem>>, vector<1x128xf32>
    %mul3A_28 = vector.broadcast %get3A_27 : vector<1x128xf32> to vector<10240x128xf32>
    %mul3A_29 = arith.mulf %max3A_6, %mul3A_28 : vector<10240x128xf32>
    %add3A_30 = arith.addf %add3A_24, %mul3A_29 : vector<10240x128xf32>
    %reduce_sum3A = arith.constant dense<0.000000e+00> : vector<10240xf32>
    %reduce_sum3A_31 = vector.multi_reduction <add>, %add3A_30, %reduce_sum3A [1] : vector<10240x128xf32> to vector<10240xf32>
    %broadcast_in_dim3A = vector.shape_cast %reduce_sum3A_31 : vector<10240xf32> to vector<10240x1xf32>
    %get3A_32 = arith.constant 0 : index
    %get3A_33 = arith.constant 0 : index
    %get3A_34 = vector.load %arg5[%get3A_32, %get3A_33] : memref<1x1xf32, #tpu.memory_space<vmem>>, vector<1x1xf32>
    %get3A_35 = vector.extract %get3A_34[0, 0] : f32 from vector<1x1xf32>
    %add3A_36 = vector.broadcast %get3A_35 : f32 to vector<10240x1xf32>
    %add3A_37 = arith.addf %broadcast_in_dim3A, %add3A_36 : vector<10240x1xf32>
    %reshape3A = vector.shape_cast %add3A_37 : vector<10240x1xf32> to vector<1280x8xf32>
    %broadcast_in_dim3A_38 = vector.shape_cast %reshape3A : vector<1280x8xf32> to vector<1280x8x1xf32>
    %broadcast_in_dim3A_39 = vector.shape_cast %broadcast_in_dim3A_38 : vector<1280x8x1xf32> to vector<1280x8x1xf32>
    %broadcast_in_dim3A_40 = vector.broadcast %broadcast_in_dim3A_39 : vector<1280x8x1xf32> to vector<1280x8x16xf32>
    %reshape3A_41 = vector.shape_cast %broadcast_in_dim3A_40 : vector<1280x8x16xf32> to vector<1280x128xf32>
    %swap3A_42 = arith.constant 0 : index
    %swap3A_43 = arith.constant 0 : index
    %swap3A_44 = vector.load %arg7[%swap3A_42, %swap3A_43] : memref<1280x128xf32, #tpu.memory_space<vmem>>, vector<1280x128xf32>
    tpu.vector_store %arg7[%swap3A_42, %swap3A_43], %reshape3A_41 {strides = array<i32>} : memref<1280x128xf32, #tpu.memory_space<vmem>>, vector<1280x128xf32>,
    return
  }
}

module attributes {stable_mosaic.version = 14 : i64} {
  func.func @_final_kernel(%arg0: memref<10240x128xf32, #tpu.memory_space<vmem>>, %arg1: memref<10240x128xf32, #tpu.memory_space<vmem>>, %arg2: memref<10240x128xf32, #tpu.memory_space<vmem>>, %arg3: memref<10240x16xf32, #tpu.memory_space<vmem>>, %arg4: memref<10240x16xf32, #tpu.memory_space<vmem>>, %arg5: memref<10000x1xi32, #tpu.memory_space<vmem>>, %arg6: memref<768x128xf32, #tpu.memory_space<vmem>>, %arg7: memref<1x128xf32, #tpu.memory_space<vmem>>, %arg8: memref<64x128xf32, #tpu.memory_space<vmem>>, %arg9: memref<64x384xf32, #tpu.memory_space<vmem>>, %arg10: memref<64x384xf32, #tpu.memory_space<vmem>>, %arg11: memref<64x128xf32, #tpu.memory_space<vmem>>) attributes {dimension_semantics = [], scalar_prefetch = 0 : i64, scratch_operands = 3 : i64, tpu.core_type = #tpu.core_type<tc>} {
    %get3A = arith.constant 0 : index
    %get3A_0 = arith.constant 0 : index
    %get3A_1 = vector.load %arg3[%get3A, %get3A_0] : memref<10240x16xf32, #tpu.memory_space<vmem>>, vector<10000x1xf32>
    %get3A_2 = arith.constant 0 : index
    %get3A_3 = arith.constant 0 : index
    %get3A_4 = vector.load %arg4[%get3A_2, %get3A_3] : memref<10240x16xf32, #tpu.memory_space<vmem>>, vector<10000x1xf32>
    %add3A = arith.addf %get3A_1, %get3A_4 : vector<10000x1xf32>
    %tanh3A = math.tanh %add3A : vector<10000x1xf32>
    %broadcast_in_dim3A = arith.constant 0.000000e+00 : f32
    %broadcast_in_dim3A_5 = vector.broadcast %broadcast_in_dim3A : f32 to vector<64x384xf32>
    %swap3A = arith.constant 0 : index
    %swap3A_6 = arith.constant 0 : index
    %swap3A_7 = vector.load %arg9[%swap3A, %swap3A_6] : memref<64x384xf32, #tpu.memory_space<vmem>>, vector<64x384xf32>
    tpu.vector_store %arg9[%swap3A, %swap3A_6], %broadcast_in_dim3A_5 {strides = array<i32>} : memref<64x384xf32, #tpu.memory_space<vmem>>, vector<64x384xf32>,
    %broadcast_in_dim3A_8 = arith.constant 0xFF800000 : f32
    %broadcast_in_dim3A_9 = vector.broadcast %broadcast_in_dim3A_8 : f32 to vector<64x384xf32>
    %swap3A_10 = arith.constant 0 : index
    %swap3A_11 = arith.constant 0 : index
    %swap3A_12 = vector.load %arg10[%swap3A_10, %swap3A_11] : memref<64x384xf32, #tpu.memory_space<vmem>>, vector<64x384xf32>
    tpu.vector_store %arg10[%swap3A_10, %swap3A_11], %broadcast_in_dim3A_9 {strides = array<i32>} : memref<64x384xf32, #tpu.memory_space<vmem>>, vector<64x384xf32>,
    %broadcast_in_dim3A_13 = arith.constant 0.000000e+00 : f32
    %broadcast_in_dim3A_14 = vector.broadcast %broadcast_in_dim3A_13 : f32 to vector<64x128xf32>
    %swap3A_15 = arith.constant 0 : index
    %swap3A_16 = arith.constant 0 : index
    %swap3A_17 = vector.load %arg11[%swap3A_15, %swap3A_16] : memref<64x128xf32, #tpu.memory_space<vmem>>, vector<64x128xf32>
    tpu.vector_store %arg11[%swap3A_15, %swap3A_16], %broadcast_in_dim3A_14 {strides = array<i32>} : memref<64x128xf32, #tpu.memory_space<vmem>>, vector<64x128xf32>,
    %iota3A = tpu.iota {dimensions = array<i32: 0>} : vector<64x1xi32>
    %iota3A_18 = tpu.iota {dimensions = array<i32: 1>} : vector<1x64xi32>
    %slice3A = vector.extract_strided_slice %tanh3A {offsets = [0, 0], sizes = [500, 1], strides = [1, 1]} : vector<10000x1xf32> to vector<500x1xf32>
    %get3A_19 = arith.constant 0 : index
    %get3A_20 = arith.constant 0 : index
    %get3A_21 = vector.load %arg0[%get3A_19, %get3A_20] : memref<10240x128xf32, #tpu.memory_space<vmem>>, vector<500x128xf32>
    %mul3A = vector.broadcast %slice3A : vector<500x1xf32> to vector<500x128xf32>
    %mul3A_22 = arith.mulf %get3A_21, %mul3A : vector<500x128xf32>
    %get3A_23 = arith.constant 0 : index
    %get3A_24 = arith.constant 0 : index
    %get3A_25 = vector.load %arg1[%get3A_23, %get3A_24] : memref<10240x128xf32, #tpu.memory_space<vmem>>, vector<500x128xf32>
    %mul3A_26 = vector.broadcast %slice3A : vector<500x1xf32> to vector<500x128xf32>
    %mul3A_27 = arith.mulf %get3A_25, %mul3A_26 : vector<500x128xf32>
    %get3A_28 = arith.constant 0 : index
    %get3A_29 = arith.constant 0 : index
    %get3A_30 = vector.load %arg2[%get3A_28, %get3A_29] : memref<10240x128xf32, #tpu.memory_space<vmem>>, vector<500x128xf32>
    %mul3A_31 = vector.broadcast %slice3A : vector<500x1xf32> to vector<500x128xf32>
    %mul3A_32 = arith.mulf %get3A_30, %mul3A_31 : vector<500x128xf32>
    %get3A_33 = arith.constant 0 : index
    %get3A_34 = arith.constant 0 : index
    %get3A_35 = vector.load %arg5[%get3A_33, %get3A_34] : memref<10000x1xi32, #tpu.memory_space<vmem>>, vector<500x1xi32>
    %eq3A = vector.broadcast %get3A_35 : vector<500x1xi32> to vector<500x64xi32>
    %eq3A_36 = vector.broadcast %iota3A_18 : vector<1x64xi32> to vector<500x64xi32>
    %eq3A_37 = arith.cmpi eq, %eq3A, %eq3A_36 : vector<500x64xi32>
    %convert_element_type3A = arith.extui %eq3A_37 : vector<500x64xi1> to vector<500x64xi32>
    %convert_element_type3A_38 = arith.sitofp %convert_element_type3A : vector<500x64xi32> to vector<500x64xf32>
    %get3A_39 = arith.constant 0 : index
    %get3A_40 = arith.constant 0 : index
    %get3A_41 = vector.load %arg9[%get3A_39, %get3A_40] : memref<64x384xf32, #tpu.memory_space<vmem>>, vector<64x128xf32>
    %dot_general3A = arith.constant dense<0.000000e+00> : vector<64x128xf32>
    %dot_general3A_42 = tpu.matmul %convert_element_type3A_38, %mul3A_22, %dot_general3A {dimension_numbers = #tpu.dot_dimension_numbers<[0], [0], [1], [1], [0, 1, 1, 1], [], []>, transpose_lhs_hint = false} : vector<500x64xf32>, vector<500x128xf32>, vector<64x128xf32> -> vector<64x128xf32>
    %add3A_43 = arith.addf %get3A_41, %dot_general3A_42 : vector<64x128xf32>
    %swap3A_44 = arith.constant 0 : index
    %swap3A_45 = arith.constant 0 : index
    %swap3A_46 = vector.load %arg9[%swap3A_44, %swap3A_45] : memref<64x384xf32, #tpu.memory_space<vmem>>, vector<64x128xf32>
    tpu.vector_store %arg9[%swap3A_44, %swap3A_45], %add3A_43 {strides = array<i32>} : memref<64x384xf32, #tpu.memory_space<vmem>>, vector<64x128xf32>,
    %get3A_47 = arith.constant 0 : index
    %get3A_48 = arith.constant 128 : index
    %get3A_49 = vector.load %arg9[%get3A_47, %get3A_48] : memref<64x384xf32, #tpu.memory_space<vmem>>, vector<64x128xf32>
    %dot_general3A_50 = arith.constant dense<0.000000e+00> : vector<64x128xf32>
    %dot_general3A_51 = tpu.matmul %convert_element_type3A_38, %mul3A_27, %dot_general3A_50 {dimension_numbers = #tpu.dot_dimension_numbers<[0], [0], [1], [1], [0, 1, 1, 1], [], []>, transpose_lhs_hint = false} : vector<500x64xf32>, vector<500x128xf32>, vector<64x128xf32> -> vector<64x128xf32>
    %add3A_52 = arith.addf %get3A_49, %dot_general3A_51 : vector<64x128xf32>
    %swap3A_53 = arith.constant 0 : index
    %swap3A_54 = arith.constant 128 : index
    %swap3A_55 = vector.load %arg9[%swap3A_53, %swap3A_54] : memref<64x384xf32, #tpu.memory_space<vmem>>, vector<64x128xf32>
    tpu.vector_store %arg9[%swap3A_53, %swap3A_54], %add3A_52 {strides = array<i32>} : memref<64x384xf32, #tpu.memory_space<vmem>>, vector<64x128xf32>,
    %get3A_56 = arith.constant 0 : index
    %get3A_57 = arith.constant 256 : index
    %get3A_58 = vector.load %arg9[%get3A_56, %get3A_57] : memref<64x384xf32, #tpu.memory_space<vmem>>, vector<64x128xf32>
    %dot_general3A_59 = arith.constant dense<0.000000e+00> : vector<64x128xf32>
    %dot_general3A_60 = tpu.matmul %convert_element_type3A_38, %mul3A_32, %dot_general3A_59 {dimension_numbers = #tpu.dot_dimension_numbers<[0], [0], [1], [1], [0, 1, 1, 1], [], []>, transpose_lhs_hint = false} : vector<500x64xf32>, vector<500x128xf32>, vector<64x128xf32> -> vector<64x128xf32>
    %add3A_61 = arith.addf %get3A_58, %dot_general3A_60 : vector<64x128xf32>
    %swap3A_62 = arith.constant 0 : index
    %swap3A_63 = arith.constant 256 : index
    %swap3A_64 = vector.load %arg9[%swap3A_62, %swap3A_63] : memref<64x384xf32, #tpu.memory_space<vmem>>, vector<64x128xf32>
    tpu.vector_store %arg9[%swap3A_62, %swap3A_63], %add3A_61 {strides = array<i32>} : memref<64x384xf32, #tpu.memory_space<vmem>>, vector<64x128xf32>,
    %get3A_65 = arith.constant 0 : index
    %get3A_66 = arith.constant 0 : index
    %get3A_67 = vector.load %arg11[%get3A_65, %get3A_66] : memref<64x128xf32, #tpu.memory_space<vmem>>, vector<64x128xf32>
    %reduce_sum3A = arith.constant dense<0.000000e+00> : vector<64xf32>
    %reduce_sum3A_68 = vector.multi_reduction <add>, %convert_element_type3A_38, %reduce_sum3A [0] : vector<500x64xf32> to vector<64xf32>
    %broadcast_in_dim3A_69 = vector.shape_cast %reduce_sum3A_68 : vector<64xf32> to vector<1x64xf32>
    %transpose3A = tpu.transpose %broadcast_in_dim3A_69, [1, 0] : vector<1x64xf32> -> vector<64x1xf32>
    %add3A_70 = vector.broadcast %transpose3A : vector<64x1xf32> to vector<64x128xf32>
    %add3A_71 = arith.addf %get3A_67, %add3A_70 : vector<64x128xf32>
    %swap3A_72 = arith.constant 0 : index
    %swap3A_73 = arith.constant 0 : index
    %swap3A_74 = vector.load %arg11[%swap3A_72, %swap3A_73] : memref<64x128xf32, #tpu.memory_space<vmem>>, vector<64x128xf32>
    tpu.vector_store %arg11[%swap3A_72, %swap3A_73], %add3A_71 {strides = array<i32>} : memref<64x128xf32, #tpu.memory_space<vmem>>, vector<64x128xf32>,
    %reduce_min3A = vector.shape_cast %get3A_35 : vector<500x1xi32> to vector<1x500x1xi32>
    %reduce_min3A_75 = arith.constant dense<2147483647> : vector<1xi32>
    %reduce_min3A_76 = vector.multi_reduction <minsi>, %reduce_min3A, %reduce_min3A_75 [1, 2] : vector<1x500x1xi32> to vector<1xi32>
    %reduce_min3A_77 = vector.shape_cast %reduce_min3A_76 : vector<1xi32> to vector<1x1x1xi32>
    %reduce_min3A_78 = vector.extract %reduce_min3A_77[0, 0, 0] : i32 from vector<1x1x1xi32>
    %reduce_max3A = vector.shape_cast %get3A_35 : vector<500x1xi32> to vector<1x500x1xi32>
    %reduce_max3A_79 = arith.constant dense<-2147483648> : vector<1xi32>
    %reduce_max3A_80 = vector.multi_reduction <maxsi>, %reduce_max3A, %reduce_max3A_79 [1, 2] : vector<1x500x1xi32> to vector<1xi32>
    %reduce_max3A_81 = vector.shape_cast %reduce_max3A_80 : vector<1xi32> to vector<1x1x1xi32>
    %reduce_max3A_82 = vector.extract %reduce_max3A_81[0, 0, 0] : i32 from vector<1x1x1xi32>
    %add3A_83 = arith.constant 1 : i32
    %add3A_84 = arith.addi %reduce_max3A_82, %add3A_83 : i32
    %while3A = arith.constant 0 : i32
    %while3A_85 = arith.subi %add3A_84, %reduce_min3A_78 : i32
    %while3A_86 = arith.addi %reduce_min3A_78, %while3A_85 : i32
    %while3A_87 = arith.constant 1 : i32
    %while3A_88 = arith.divsi %while3A_85, %while3A_87 : i32
    %while3A_89 = arith.muli %while3A_88, %while3A_87 : i32
    %while3A_90 = arith.addi %reduce_min3A_78, %while3A_89 : i32
    %while3A_91 = arith.constant 1 : i32
    scf.for %while3A_1720 = %reduce_min3A_78 to %while3A_90 step %while3A_91  : i32 {
      %eq3A_1721 = vector.broadcast %while3A_1720 : i32 to vector<500x1xi32>
      %eq3A_1722 = arith.cmpi eq, %get3A_35, %eq3A_1721 : vector<500x1xi32>
      %eq3A_1723 = vector.broadcast %while3A_1720 : i32 to vector<64x1xi32>
      %eq3A_1724 = arith.cmpi eq, %iota3A, %eq3A_1723 : vector<64x1xi32>
      %jit3A_1725 = arith.constant 0xFF800000 : f32
      %broadcast_in_dim3A_1726 = vector.shape_cast %eq3A_1722 : vector<500x1xi1> to vector<500x1xi1>
      %broadcast_in_dim3A_1727 = vector.broadcast %broadcast_in_dim3A_1726 : vector<500x1xi1> to vector<500x128xi1>
      %broadcast_in_dim3A_1728 = vector.broadcast %jit3A_1725 : f32 to vector<500x128xf32>
      %select_n3A_1729 = arith.select %broadcast_in_dim3A_1727, %mul3A_22, %broadcast_in_dim3A_1728 : vector<500x128xi1>, vector<500x128xf32>
      %reduce_max3A_1730 = arith.constant dense<0xFF800000> : vector<128xf32>
      %reduce_max3A_1731 = vector.multi_reduction <maximumf>, %select_n3A_1729, %reduce_max3A_1730 [0] : vector<500x128xf32> to vector<128xf32>
      %broadcast_in_dim3A_1732 = vector.shape_cast %reduce_max3A_1731 : vector<128xf32> to vector<1x128xf32>
      %jit3A_1733 = arith.constant 0xFF800000 : f32
      %broadcast_in_dim3A_1734 = vector.shape_cast %eq3A_1722 : vector<500x1xi1> to vector<500x1xi1>
      %broadcast_in_dim3A_1735 = vector.broadcast %broadcast_in_dim3A_1734 : vector<500x1xi1> to vector<500x128xi1>
      %broadcast_in_dim3A_1736 = vector.broadcast %jit3A_1733 : f32 to vector<500x128xf32>
      %select_n3A_1737 = arith.select %broadcast_in_dim3A_1735, %mul3A_27, %broadcast_in_dim3A_1736 : vector<500x128xi1>, vector<500x128xf32>
      %reduce_max3A_1738 = arith.constant dense<0xFF800000> : vector<128xf32>
      %reduce_max3A_1739 = vector.multi_reduction <maximumf>, %select_n3A_1737, %reduce_max3A_1738 [0] : vector<500x128xf32> to vector<128xf32>
      %broadcast_in_dim3A_1740 = vector.shape_cast %reduce_max3A_1739 : vector<128xf32> to vector<1x128xf32>
      %jit3A_1741 = arith.constant 0xFF800000 : f32
      %broadcast_in_dim3A_1742 = vector.shape_cast %eq3A_1722 : vector<500x1xi1> to vector<500x1xi1>
      %broadcast_in_dim3A_1743 = vector.broadcast %broadcast_in_dim3A_1742 : vector<500x1xi1> to vector<500x128xi1>
      %broadcast_in_dim3A_1744 = vector.broadcast %jit3A_1741 : f32 to vector<500x128xf32>
      %select_n3A_1745 = arith.select %broadcast_in_dim3A_1743, %mul3A_32, %broadcast_in_dim3A_1744 : vector<500x128xi1>, vector<500x128xf32>
      %reduce_max3A_1746 = arith.constant dense<0xFF800000> : vector<128xf32>
      %reduce_max3A_1747 = vector.multi_reduction <maximumf>, %select_n3A_1745, %reduce_max3A_1746 [0] : vector<500x128xf32> to vector<128xf32>
      %broadcast_in_dim3A_1748 = vector.shape_cast %reduce_max3A_1747 : vector<128xf32> to vector<1x128xf32>
      %concatenate3A_1749 = tpu.concatenate %broadcast_in_dim3A_1732, %broadcast_in_dim3A_1740, %broadcast_in_dim3A_1748 in 1 : vector<1x128xf32>, vector<1x128xf32>, vector<1x128xf32> -> vector<1x384xf32>
      %get3A_1750 = arith.constant 0 : index
      %get3A_1751 = arith.constant 0 : index
      %get3A_1752 = vector.load %arg10[%get3A_1750, %get3A_1751] : memref<64x384xf32, #tpu.memory_space<vmem>>, vector<64x384xf32>
      %jit3A_1753 = arith.constant 0xFF800000 : f32
      %broadcast_in_dim3A_1754 = vector.shape_cast %eq3A_1724 : vector<64x1xi1> to vector<64x1xi1>
      %broadcast_in_dim3A_1755 = vector.broadcast %broadcast_in_dim3A_1754 : vector<64x1xi1> to vector<64x384xi1>
      %broadcast_in_dim3A_1756 = vector.shape_cast %concatenate3A_1749 : vector<1x384xf32> to vector<1x384xf32>
      %broadcast_in_dim3A_1757 = vector.broadcast %broadcast_in_dim3A_1756 : vector<1x384xf32> to vector<64x384xf32>
      %broadcast_in_dim3A_1758 = vector.broadcast %jit3A_1753 : f32 to vector<64x384xf32>
      %select_n3A_1759 = arith.select %broadcast_in_dim3A_1755, %broadcast_in_dim3A_1757, %broadcast_in_dim3A_1758 : vector<64x384xi1>, vector<64x384xf32>
      %max3A_1760 = arith.maximumf %get3A_1752, %select_n3A_1759 : vector<64x384xf32>
      %swap3A_1761 = arith.constant 0 : index
      %swap3A_1762 = arith.constant 0 : index
      %swap3A_1763 = vector.load %arg10[%swap3A_1761, %swap3A_1762] : memref<64x384xf32, #tpu.memory_space<vmem>>, vector<64x384xf32>
      tpu.vector_store %arg10[%swap3A_1761, %swap3A_1762], %max3A_1760 {strides = array<i32>} : memref<64x384xf32, #tpu.memory_space<vmem>>, vector<64x384xf32>,
    }
    %while3A_92 = arith.constant 1 : i32
    scf.for %while3A_1720 = %while3A_90 to %while3A_86 step %while3A_92  : i32 {
      %eq3A_1721 = vector.broadcast %while3A_1720 : i32 to vector<500x1xi32>
      %eq3A_1722 = arith.cmpi eq, %get3A_35, %eq3A_1721 : vector<500x1xi32>
      %eq3A_1723 = vector.broadcast %while3A_1720 : i32 to vector<64x1xi32>
      %eq3A_1724 = arith.cmpi eq, %iota3A, %eq3A_1723 : vector<64x1xi32>
      %jit3A_1725 = arith.constant 0xFF800000 : f32
      %broadcast_in_dim3A_1726 = vector.shape_cast %eq3A_1722 : vector<500x1xi1> to vector<500x1xi1>
      %broadcast_in_dim3A_1727 = vector.broadcast %broadcast_in_dim3A_1726 : vector<500x1xi1> to vector<500x128xi1>
      %broadcast_in_dim3A_1728 = vector.broadcast %jit3A_1725 : f32 to vector<500x128xf32>
      %select_n3A_1729 = arith.select %broadcast_in_dim3A_1727, %mul3A_22, %broadcast_in_dim3A_1728 : vector<500x128xi1>, vector<500x128xf32>
      %reduce_max3A_1730 = arith.constant dense<0xFF800000> : vector<128xf32>
      %reduce_max3A_1731 = vector.multi_reduction <maximumf>, %select_n3A_1729, %reduce_max3A_1730 [0] : vector<500x128xf32> to vector<128xf32>
      %broadcast_in_dim3A_1732 = vector.shape_cast %reduce_max3A_1731 : vector<128xf32> to vector<1x128xf32>
      %jit3A_1733 = arith.constant 0xFF800000 : f32
      %broadcast_in_dim3A_1734 = vector.shape_cast %eq3A_1722 : vector<500x1xi1> to vector<500x1xi1>
      %broadcast_in_dim3A_1735 = vector.broadcast %broadcast_in_dim3A_1734 : vector<500x1xi1> to vector<500x128xi1>
      %broadcast_in_dim3A_1736 = vector.broadcast %jit3A_1733 : f32 to vector<500x128xf32>
      %select_n3A_1737 = arith.select %broadcast_in_dim3A_1735, %mul3A_27, %broadcast_in_dim3A_1736 : vector<500x128xi1>, vector<500x128xf32>
      %reduce_max3A_1738 = arith.constant dense<0xFF800000> : vector<128xf32>
      %reduce_max3A_1739 = vector.multi_reduction <maximumf>, %select_n3A_1737, %reduce_max3A_1738 [0] : vector<500x128xf32> to vector<128xf32>
      %broadcast_in_dim3A_1740 = vector.shape_cast %reduce_max3A_1739 : vector<128xf32> to vector<1x128xf32>
      %jit3A_1741 = arith.constant 0xFF800000 : f32
      %broadcast_in_dim3A_1742 = vector.shape_cast %eq3A_1722 : vector<500x1xi1> to vector<500x1xi1>
      %broadcast_in_dim3A_1743 = vector.broadcast %broadcast_in_dim3A_1742 : vector<500x1xi1> to vector<500x128xi1>
      %broadcast_in_dim3A_1744 = vector.broadcast %jit3A_1741 : f32 to vector<500x128xf32>
      %select_n3A_1745 = arith.select %broadcast_in_dim3A_1743, %mul3A_32, %broadcast_in_dim3A_1744 : vector<500x128xi1>, vector<500x128xf32>
      %reduce_max3A_1746 = arith.constant dense<0xFF800000> : vector<128xf32>
      %reduce_max3A_1747 = vector.multi_reduction <maximumf>, %select_n3A_1745, %reduce_max3A_1746 [0] : vector<500x128xf32> to vector<128xf32>
      %broadcast_in_dim3A_1748 = vector.shape_cast %reduce_max3A_1747 : vector<128xf32> to vector<1x128xf32>
      %concatenate3A_1749 = tpu.concatenate %broadcast_in_dim3A_1732, %broadcast_in_dim3A_1740, %broadcast_in_dim3A_1748 in 1 : vector<1x128xf32>, vector<1x128xf32>, vector<1x128xf32> -> vector<1x384xf32>
      %get3A_1750 = arith.constant 0 : index
      %get3A_1751 = arith.constant 0 : index
      %get3A_1752 = vector.load %arg10[%get3A_1750, %get3A_1751] : memref<64x384xf32, #tpu.memory_space<vmem>>, vector<64x384xf32>
      %jit3A_1753 = arith.constant 0xFF800000 : f32
      %broadcast_in_dim3A_1754 = vector.shape_cast %eq3A_1724 : vector<64x1xi1> to vector<64x1xi1>
      %broadcast_in_dim3A_1755 = vector.broadcast %broadcast_in_dim3A_1754 : vector<64x1xi1> to vector<64x384xi1>
      %broadcast_in_dim3A_1756 = vector.shape_cast %concatenate3A_1749 : vector<1x384xf32> to vector<1x384xf32>
      %broadcast_in_dim3A_1757 = vector.broadcast %broadcast_in_dim3A_1756 : vector<1x384xf32> to vector<64x384xf32>
      %broadcast_in_dim3A_1758 = vector.broadcast %jit3A_1753 : f32 to vector<64x384xf32>
      %select_n3A_1759 = arith.select %broadcast_in_dim3A_1755, %broadcast_in_dim3A_1757, %broadcast_in_dim3A_1758 : vector<64x384xi1>, vector<64x384xf32>
      %max3A_1760 = arith.maximumf %get3A_1752, %select_n3A_1759 : vector<64x384xf32>
      %swap3A_1761 = arith.constant 0 : index
      %swap3A_1762 = arith.constant 0 : index
      %swap3A_1763 = vector.load %arg10[%swap3A_1761, %swap3A_1762] : memref<64x384xf32, #tpu.memory_space<vmem>>, vector<64x384xf32>
      tpu.vector_store %arg10[%swap3A_1761, %swap3A_1762], %max3A_1760 {strides = array<i32>} : memref<64x384xf32, #tpu.memory_space<vmem>>, vector<64x384xf32>,
    }
    %slice3A_93 = vector.extract_strided_slice %tanh3A {offsets = [500, 0], sizes = [500, 1], strides = [1, 1]} : vector<10000x1xf32> to vector<500x1xf32>
    %get3A_94 = arith.constant 500 : index
    %get3A_95 = arith.constant 0 : index
    %get3A_96 = vector.load %arg0[%get3A_94, %get3A_95] : memref<10240x128xf32, #tpu.memory_space<vmem>>, vector<500x128xf32>
    %mul3A_97 = vector.broadcast %slice3A_93 : vector<500x1xf32> to vector<500x128xf32>
    %mul3A_98 = arith.mulf %get3A_96, %mul3A_97 : vector<500x128xf32>
    %get3A_99 = arith.constant 500 : index
    %get3A_100 = arith.constant 0 : index
    %get3A_101 = vector.load %arg1[%get3A_99, %get3A_100] : memref<10240x128xf32, #tpu.memory_space<vmem>>, vector<500x128xf32>
    %mul3A_102 = vector.broadcast %slice3A_93 : vector<500x1xf32> to vector<500x128xf32>
    %mul3A_103 = arith.mulf %get3A_101, %mul3A_102 : vector<500x128xf32>
    %get3A_104 = arith.constant 500 : index
    %get3A_105 = arith.constant 0 : index
    %get3A_106 = vector.load %arg2[%get3A_104, %get3A_105] : memref<10240x128xf32, #tpu.memory_space<vmem>>, vector<500x128xf32>
    %mul3A_107 = vector.broadcast %slice3A_93 : vector<500x1xf32> to vector<500x128xf32>
    %mul3A_108 = arith.mulf %get3A_106, %mul3A_107 : vector<500x128xf32>
    %get3A_109 = arith.constant 500 : index
    %get3A_110 = arith.constant 0 : index
    %get3A_111 = vector.load %arg5[%get3A_109, %get3A_110] : memref<10000x1xi32, #tpu.memory_space<vmem>>, vector<500x1xi32>
    %eq3A_112 = vector.broadcast %get3A_111 : vector<500x1xi32> to vector<500x64xi32>
    %eq3A_113 = vector.broadcast %iota3A_18 : vector<1x64xi32> to vector<500x64xi32>
    %eq3A_114 = arith.cmpi eq, %eq3A_112, %eq3A_113 : vector<500x64xi32>
    %convert_element_type3A_115 = arith.extui %eq3A_114 : vector<500x64xi1> to vector<500x64xi32>
    %convert_element_type3A_116 = arith.sitofp %convert_element_type3A_115 : vector<500x64xi32> to vector<500x64xf32>
    %get3A_117 = arith.constant 0 : index
    %get3A_118 = arith.constant 0 : index
    %get3A_119 = vector.load %arg9[%get3A_117, %get3A_118] : memref<64x384xf32, #tpu.memory_space<vmem>>, vector<64x128xf32>
    %dot_general3A_120 = arith.constant dense<0.000000e+00> : vector<64x128xf32>
    %dot_general3A_121 = tpu.matmul %convert_element_type3A_116, %mul3A_98, %dot_general3A_120 {dimension_numbers = #tpu.dot_dimension_numbers<[0], [0], [1], [1], [0, 1, 1, 1], [], []>, transpose_lhs_hint = false} : vector<500x64xf32>, vector<500x128xf32>, vector<64x128xf32> -> vector<64x128xf32>
    %add3A_122 = arith.addf %get3A_119, %dot_general3A_121 : vector<64x128xf32>
    %swap3A_123 = arith.constant 0 : index
    %swap3A_124 = arith.constant 0 : index
    %swap3A_125 = vector.load %arg9[%swap3A_123, %swap3A_124] : memref<64x384xf32, #tpu.memory_space<vmem>>, vector<64x128xf32>
    tpu.vector_store %arg9[%swap3A_123, %swap3A_124], %add3A_122 {strides = array<i32>} : memref<64x384xf32, #tpu.memory_space<vmem>>, vector<64x128xf32>,
    %get3A_126 = arith.constant 0 : index
    %get3A_127 = arith.constant 128 : index
    %get3A_128 = vector.load %arg9[%get3A_126, %get3A_127] : memref<64x384xf32, #tpu.memory_space<vmem>>, vector<64x128xf32>
    %dot_general3A_129 = arith.constant dense<0.000000e+00> : vector<64x128xf32>
    %dot_general3A_130 = tpu.matmul %convert_element_type3A_116, %mul3A_103, %dot_general3A_129 {dimension_numbers = #tpu.dot_dimension_numbers<[0], [0], [1], [1], [0, 1, 1, 1], [], []>, transpose_lhs_hint = false} : vector<500x64xf32>, vector<500x128xf32>, vector<64x128xf32> -> vector<64x128xf32>
    %add3A_131 = arith.addf %get3A_128, %dot_general3A_130 : vector<64x128xf32>
    %swap3A_132 = arith.constant 0 : index
    %swap3A_133 = arith.constant 128 : index
    %swap3A_134 = vector.load %arg9[%swap3A_132, %swap3A_133] : memref<64x384xf32, #tpu.memory_space<vmem>>, vector<64x128xf32>
    tpu.vector_store %arg9[%swap3A_132, %swap3A_133], %add3A_131 {strides = array<i32>} : memref<64x384xf32, #tpu.memory_space<vmem>>, vector<64x128xf32>,
    %get3A_135 = arith.constant 0 : index
    %get3A_136 = arith.constant 256 : index
    %get3A_137 = vector.load %arg9[%get3A_135, %get3A_136] : memref<64x384xf32, #tpu.memory_space<vmem>>, vector<64x128xf32>
    %dot_general3A_138 = arith.constant dense<0.000000e+00> : vector<64x128xf32>
    %dot_general3A_139 = tpu.matmul %convert_element_type3A_116, %mul3A_108, %dot_general3A_138 {dimension_numbers = #tpu.dot_dimension_numbers<[0], [0], [1], [1], [0, 1, 1, 1], [], []>, transpose_lhs_hint = false} : vector<500x64xf32>, vector<500x128xf32>, vector<64x128xf32> -> vector<64x128xf32>
    %add3A_140 = arith.addf %get3A_137, %dot_general3A_139 : vector<64x128xf32>
    %swap3A_141 = arith.constant 0 : index
    %swap3A_142 = arith.constant 256 : index
    %swap3A_143 = vector.load %arg9[%swap3A_141, %swap3A_142] : memref<64x384xf32, #tpu.memory_space<vmem>>, vector<64x128xf32>
    tpu.vector_store %arg9[%swap3A_141, %swap3A_142], %add3A_140 {strides = array<i32>} : memref<64x384xf32, #tpu.memory_space<vmem>>, vector<64x128xf32>,
    %get3A_144 = arith.constant 0 : index
    %get3A_145 = arith.constant 0 : index
    %get3A_146 = vector.load %arg11[%get3A_144, %get3A_145] : memref<64x128xf32, #tpu.memory_space<vmem>>, vector<64x128xf32>
    %reduce_sum3A_147 = arith.constant dense<0.000000e+00> : vector<64xf32>
    %reduce_sum3A_148 = vector.multi_reduction <add>, %convert_element_type3A_116, %reduce_sum3A_147 [0] : vector<500x64xf32> to vector<64xf32>
    %broadcast_in_dim3A_149 = vector.shape_cast %reduce_sum3A_148 : vector<64xf32> to vector<1x64xf32>
    %transpose3A_150 = tpu.transpose %broadcast_in_dim3A_149, [1, 0] : vector<1x64xf32> -> vector<64x1xf32>
    %add3A_151 = vector.broadcast %transpose3A_150 : vector<64x1xf32> to vector<64x128xf32>
    %add3A_152 = arith.addf %get3A_146, %add3A_151 : vector<64x128xf32>
    %swap3A_153 = arith.constant 0 : index
    %swap3A_154 = arith.constant 0 : index
    %swap3A_155 = vector.load %arg11[%swap3A_153, %swap3A_154] : memref<64x128xf32, #tpu.memory_space<vmem>>, vector<64x128xf32>
    tpu.vector_store %arg11[%swap3A_153, %swap3A_154], %add3A_152 {strides = array<i32>} : memref<64x128xf32, #tpu.memory_space<vmem>>, vector<64x128xf32>,
    %reduce_min3A_156 = vector.shape_cast %get3A_111 : vector<500x1xi32> to vector<1x500x1xi32>
    %reduce_min3A_157 = arith.constant dense<2147483647> : vector<1xi32>
    %reduce_min3A_158 = vector.multi_reduction <minsi>, %reduce_min3A_156, %reduce_min3A_157 [1, 2] : vector<1x500x1xi32> to vector<1xi32>
    %reduce_min3A_159 = vector.shape_cast %reduce_min3A_158 : vector<1xi32> to vector<1x1x1xi32>
    %reduce_min3A_160 = vector.extract %reduce_min3A_159[0, 0, 0] : i32 from vector<1x1x1xi32>
    %reduce_max3A_161 = vector.shape_cast %get3A_111 : vector<500x1xi32> to vector<1x500x1xi32>
    %reduce_max3A_162 = arith.constant dense<-2147483648> : vector<1xi32>
    %reduce_max3A_163 = vector.multi_reduction <maxsi>, %reduce_max3A_161, %reduce_max3A_162 [1, 2] : vector<1x500x1xi32> to vector<1xi32>
    %reduce_max3A_164 = vector.shape_cast %reduce_max3A_163 : vector<1xi32> to vector<1x1x1xi32>
    %reduce_max3A_165 = vector.extract %reduce_max3A_164[0, 0, 0] : i32 from vector<1x1x1xi32>
    %add3A_166 = arith.constant 1 : i32
    %add3A_167 = arith.addi %reduce_max3A_165, %add3A_166 : i32
    %while3A_168 = arith.constant 0 : i32
    %while3A_169 = arith.subi %add3A_167, %reduce_min3A_160 : i32
    %while3A_170 = arith.addi %reduce_min3A_160, %while3A_169 : i32
    %while3A_171 = arith.constant 1 : i32
    %while3A_172 = arith.divsi %while3A_169, %while3A_171 : i32
    %while3A_173 = arith.muli %while3A_172, %while3A_171 : i32
    %while3A_174 = arith.addi %reduce_min3A_160, %while3A_173 : i32
    %while3A_175 = arith.constant 1 : i32
    scf.for %while3A_1720 = %reduce_min3A_160 to %while3A_174 step %while3A_175  : i32 {
      %eq3A_1721 = vector.broadcast %while3A_1720 : i32 to vector<500x1xi32>
      %eq3A_1722 = arith.cmpi eq, %get3A_111, %eq3A_1721 : vector<500x1xi32>
      %eq3A_1723 = vector.broadcast %while3A_1720 : i32 to vector<64x1xi32>
      %eq3A_1724 = arith.cmpi eq, %iota3A, %eq3A_1723 : vector<64x1xi32>
      %jit3A_1725 = arith.constant 0xFF800000 : f32
      %broadcast_in_dim3A_1726 = vector.shape_cast %eq3A_1722 : vector<500x1xi1> to vector<500x1xi1>
      %broadcast_in_dim3A_1727 = vector.broadcast %broadcast_in_dim3A_1726 : vector<500x1xi1> to vector<500x128xi1>
      %broadcast_in_dim3A_1728 = vector.broadcast %jit3A_1725 : f32 to vector<500x128xf32>
      %select_n3A_1729 = arith.select %broadcast_in_dim3A_1727, %mul3A_98, %broadcast_in_dim3A_1728 : vector<500x128xi1>, vector<500x128xf32>
      %reduce_max3A_1730 = arith.constant dense<0xFF800000> : vector<128xf32>
      %reduce_max3A_1731 = vector.multi_reduction <maximumf>, %select_n3A_1729, %reduce_max3A_1730 [0] : vector<500x128xf32> to vector<128xf32>
      %broadcast_in_dim3A_1732 = vector.shape_cast %reduce_max3A_1731 : vector<128xf32> to vector<1x128xf32>
      %jit3A_1733 = arith.constant 0xFF800000 : f32
      %broadcast_in_dim3A_1734 = vector.shape_cast %eq3A_1722 : vector<500x1xi1> to vector<500x1xi1>
      %broadcast_in_dim3A_1735 = vector.broadcast %broadcast_in_dim3A_1734 : vector<500x1xi1> to vector<500x128xi1>
      %broadcast_in_dim3A_1736 = vector.broadcast %jit3A_1733 : f32 to vector<500x128xf32>
      %select_n3A_1737 = arith.select %broadcast_in_dim3A_1735, %mul3A_103, %broadcast_in_dim3A_1736 : vector<500x128xi1>, vector<500x128xf32>
      %reduce_max3A_1738 = arith.constant dense<0xFF800000> : vector<128xf32>
      %reduce_max3A_1739 = vector.multi_reduction <maximumf>, %select_n3A_1737, %reduce_max3A_1738 [0] : vector<500x128xf32> to vector<128xf32>
      %broadcast_in_dim3A_1740 = vector.shape_cast %reduce_max3A_1739 : vector<128xf32> to vector<1x128xf32>
      %jit3A_1741 = arith.constant 0xFF800000 : f32
      %broadcast_in_dim3A_1742 = vector.shape_cast %eq3A_1722 : vector<500x1xi1> to vector<500x1xi1>
      %broadcast_in_dim3A_1743 = vector.broadcast %broadcast_in_dim3A_1742 : vector<500x1xi1> to vector<500x128xi1>
      %broadcast_in_dim3A_1744 = vector.broadcast %jit3A_1741 : f32 to vector<500x128xf32>
      %select_n3A_1745 = arith.select %broadcast_in_dim3A_1743, %mul3A_108, %broadcast_in_dim3A_1744 : vector<500x128xi1>, vector<500x128xf32>
      %reduce_max3A_1746 = arith.constant dense<0xFF800000> : vector<128xf32>
      %reduce_max3A_1747 = vector.multi_reduction <maximumf>, %select_n3A_1745, %reduce_max3A_1746 [0] : vector<500x128xf32> to vector<128xf32>
      %broadcast_in_dim3A_1748 = vector.shape_cast %reduce_max3A_1747 : vector<128xf32> to vector<1x128xf32>
      %concatenate3A_1749 = tpu.concatenate %broadcast_in_dim3A_1732, %broadcast_in_dim3A_1740, %broadcast_in_dim3A_1748 in 1 : vector<1x128xf32>, vector<1x128xf32>, vector<1x128xf32> -> vector<1x384xf32>
      %get3A_1750 = arith.constant 0 : index
      %get3A_1751 = arith.constant 0 : index
      %get3A_1752 = vector.load %arg10[%get3A_1750, %get3A_1751] : memref<64x384xf32, #tpu.memory_space<vmem>>, vector<64x384xf32>
      %jit3A_1753 = arith.constant 0xFF800000 : f32
      %broadcast_in_dim3A_1754 = vector.shape_cast %eq3A_1724 : vector<64x1xi1> to vector<64x1xi1>
      %broadcast_in_dim3A_1755 = vector.broadcast %broadcast_in_dim3A_1754 : vector<64x1xi1> to vector<64x384xi1>
      %broadcast_in_dim3A_1756 = vector.shape_cast %concatenate3A_1749 : vector<1x384xf32> to vector<1x384xf32>
      %broadcast_in_dim3A_1757 = vector.broadcast %broadcast_in_dim3A_1756 : vector<1x384xf32> to vector<64x384xf32>
      %broadcast_in_dim3A_1758 = vector.broadcast %jit3A_1753 : f32 to vector<64x384xf32>
      %select_n3A_1759 = arith.select %broadcast_in_dim3A_1755, %broadcast_in_dim3A_1757, %broadcast_in_dim3A_1758 : vector<64x384xi1>, vector<64x384xf32>
      %max3A_1760 = arith.maximumf %get3A_1752, %select_n3A_1759 : vector<64x384xf32>
      %swap3A_1761 = arith.constant 0 : index
      %swap3A_1762 = arith.constant 0 : index
      %swap3A_1763 = vector.load %arg10[%swap3A_1761, %swap3A_1762] : memref<64x384xf32, #tpu.memory_space<vmem>>, vector<64x384xf32>
      tpu.vector_store %arg10[%swap3A_1761, %swap3A_1762], %max3A_1760 {strides = array<i32>} : memref<64x384xf32, #tpu.memory_space<vmem>>, vector<64x384xf32>,
    }
    %while3A_176 = arith.constant 1 : i32
    scf.for %while3A_1720 = %while3A_174 to %while3A_170 step %while3A_176  : i32 {
      %eq3A_1721 = vector.broadcast %while3A_1720 : i32 to vector<500x1xi32>
      %eq3A_1722 = arith.cmpi eq, %get3A_111, %eq3A_1721 : vector<500x1xi32>
      %eq3A_1723 = vector.broadcast %while3A_1720 : i32 to vector<64x1xi32>
      %eq3A_1724 = arith.cmpi eq, %iota3A, %eq3A_1723 : vector<64x1xi32>
      %jit3A_1725 = arith.constant 0xFF800000 : f32
      %broadcast_in_dim3A_1726 = vector.shape_cast %eq3A_1722 : vector<500x1xi1> to vector<500x1xi1>
      %broadcast_in_dim3A_1727 = vector.broadcast %broadcast_in_dim3A_1726 : vector<500x1xi1> to vector<500x128xi1>
      %broadcast_in_dim3A_1728 = vector.broadcast %jit3A_1725 : f32 to vector<500x128xf32>
      %select_n3A_1729 = arith.select %broadcast_in_dim3A_1727, %mul3A_98, %broadcast_in_dim3A_1728 : vector<500x128xi1>, vector<500x128xf32>
      %reduce_max3A_1730 = arith.constant dense<0xFF800000> : vector<128xf32>
      %reduce_max3A_1731 = vector.multi_reduction <maximumf>, %select_n3A_1729, %reduce_max3A_1730 [0] : vector<500x128xf32> to vector<128xf32>
      %broadcast_in_dim3A_1732 = vector.shape_cast %reduce_max3A_1731 : vector<128xf32> to vector<1x128xf32>
      %jit3A_1733 = arith.constant 0xFF800000 : f32
      %broadcast_in_dim3A_1734 = vector.shape_cast %eq3A_1722 : vector<500x1xi1> to vector<500x1xi1>
      %broadcast_in_dim3A_1735 = vector.broadcast %broadcast_in_dim3A_1734 : vector<500x1xi1> to vector<500x128xi1>
      %broadcast_in_dim3A_1736 = vector.broadcast %jit3A_1733 : f32 to vector<500x128xf32>
      %select_n3A_1737 = arith.select %broadcast_in_dim3A_1735, %mul3A_103, %broadcast_in_dim3A_1736 : vector<500x128xi1>, vector<500x128xf32>
      %reduce_max3A_1738 = arith.constant dense<0xFF800000> : vector<128xf32>
      %reduce_max3A_1739 = vector.multi_reduction <maximumf>, %select_n3A_1737, %reduce_max3A_1738 [0] : vector<500x128xf32> to vector<128xf32>
      %broadcast_in_dim3A_1740 = vector.shape_cast %reduce_max3A_1739 : vector<128xf32> to vector<1x128xf32>
      %jit3A_1741 = arith.constant 0xFF800000 : f32
      %broadcast_in_dim3A_1742 = vector.shape_cast %eq3A_1722 : vector<500x1xi1> to vector<500x1xi1>
      %broadcast_in_dim3A_1743 = vector.broadcast %broadcast_in_dim3A_1742 : vector<500x1xi1> to vector<500x128xi1>
      %broadcast_in_dim3A_1744 = vector.broadcast %jit3A_1741 : f32 to vector<500x128xf32>
      %select_n3A_1745 = arith.select %broadcast_in_dim3A_1743, %mul3A_108, %broadcast_in_dim3A_1744 : vector<500x128xi1>, vector<500x128xf32>
      %reduce_max3A_1746 = arith.constant dense<0xFF800000> : vector<128xf32>
      %reduce_max3A_1747 = vector.multi_reduction <maximumf>, %select_n3A_1745, %reduce_max3A_1746 [0] : vector<500x128xf32> to vector<128xf32>
      %broadcast_in_dim3A_1748 = vector.shape_cast %reduce_max3A_1747 : vector<128xf32> to vector<1x128xf32>
      %concatenate3A_1749 = tpu.concatenate %broadcast_in_dim3A_1732, %broadcast_in_dim3A_1740, %broadcast_in_dim3A_1748 in 1 : vector<1x128xf32>, vector<1x128xf32>, vector<1x128xf32> -> vector<1x384xf32>
      %get3A_1750 = arith.constant 0 : index
      %get3A_1751 = arith.constant 0 : index
      %get3A_1752 = vector.load %arg10[%get3A_1750, %get3A_1751] : memref<64x384xf32, #tpu.memory_space<vmem>>, vector<64x384xf32>
      %jit3A_1753 = arith.constant 0xFF800000 : f32
      %broadcast_in_dim3A_1754 = vector.shape_cast %eq3A_1724 : vector<64x1xi1> to vector<64x1xi1>
      %broadcast_in_dim3A_1755 = vector.broadcast %broadcast_in_dim3A_1754 : vector<64x1xi1> to vector<64x384xi1>
      %broadcast_in_dim3A_1756 = vector.shape_cast %concatenate3A_1749 : vector<1x384xf32> to vector<1x384xf32>
      %broadcast_in_dim3A_1757 = vector.broadcast %broadcast_in_dim3A_1756 : vector<1x384xf32> to vector<64x384xf32>
      %broadcast_in_dim3A_1758 = vector.broadcast %jit3A_1753 : f32 to vector<64x384xf32>
      %select_n3A_1759 = arith.select %broadcast_in_dim3A_1755, %broadcast_in_dim3A_1757, %broadcast_in_dim3A_1758 : vector<64x384xi1>, vector<64x384xf32>
      %max3A_1760 = arith.maximumf %get3A_1752, %select_n3A_1759 : vector<64x384xf32>
      %swap3A_1761 = arith.constant 0 : index
      %swap3A_1762 = arith.constant 0 : index
      %swap3A_1763 = vector.load %arg10[%swap3A_1761, %swap3A_1762] : memref<64x384xf32, #tpu.memory_space<vmem>>, vector<64x384xf32>
      tpu.vector_store %arg10[%swap3A_1761, %swap3A_1762], %max3A_1760 {strides = array<i32>} : memref<64x384xf32, #tpu.memory_space<vmem>>, vector<64x384xf32>,
    }
    %slice3A_177 = vector.extract_strided_slice %tanh3A {offsets = [1000, 0], sizes = [500, 1], strides = [1, 1]} : vector<10000x1xf32> to vector<500x1xf32>
    %get3A_178 = arith.constant 1000 : index
    %get3A_179 = arith.constant 0 : index
    %get3A_180 = vector.load %arg0[%get3A_178, %get3A_179] : memref<10240x128xf32, #tpu.memory_space<vmem>>, vector<500x128xf32>
    %mul3A_181 = vector.broadcast %slice3A_177 : vector<500x1xf32> to vector<500x128xf32>
    %mul3A_182 = arith.mulf %get3A_180, %mul3A_181 : vector<500x128xf32>
    %get3A_183 = arith.constant 1000 : index
    %get3A_184 = arith.constant 0 : index
    %get3A_185 = vector.load %arg1[%get3A_183, %get3A_184] : memref<10240x128xf32, #tpu.memory_space<vmem>>, vector<500x128xf32>
    %mul3A_186 = vector.broadcast %slice3A_177 : vector<500x1xf32> to vector<500x128xf32>
    %mul3A_187 = arith.mulf %get3A_185, %mul3A_186 : vector<500x128xf32>
    %get3A_188 = arith.constant 1000 : index
    %get3A_189 = arith.constant 0 : index
    %get3A_190 = vector.load %arg2[%get3A_188, %get3A_189] : memref<10240x128xf32, #tpu.memory_space<vmem>>, vector<500x128xf32>
    %mul3A_191 = vector.broadcast %slice3A_177 : vector<500x1xf32> to vector<500x128xf32>
    %mul3A_192 = arith.mulf %get3A_190, %mul3A_191 : vector<500x128xf32>
    %get3A_193 = arith.constant 1000 : index
    %get3A_194 = arith.constant 0 : index
    %get3A_195 = vector.load %arg5[%get3A_193, %get3A_194] : memref<10000x1xi32, #tpu.memory_space<vmem>>, vector<500x1xi32>
    %eq3A_196 = vector.broadcast %get3A_195 : vector<500x1xi32> to vector<500x64xi32>
    %eq3A_197 = vector.broadcast %iota3A_18 : vector<1x64xi32> to vector<500x64xi32>
    %eq3A_198 = arith.cmpi eq, %eq3A_196, %eq3A_197 : vector<500x64xi32>
    %convert_element_type3A_199 = arith.extui %eq3A_198 : vector<500x64xi1> to vector<500x64xi32>
    %convert_element_type3A_200 = arith.sitofp %convert_element_type3A_199 : vector<500x64xi32> to vector<500x64xf32>
    %get3A_201 = arith.constant 0 : index
    %get3A_202 = arith.constant 0 : index
    %get3A_203 = vector.load %arg9[%get3A_201, %get3A_202] : memref<64x384xf32, #tpu.memory_space<vmem>>, vector<64x128xf32>
    %dot_general3A_204 = arith.constant dense<0.000000e+00> : vector<64x128xf32>
    %dot_general3A_205 = tpu.matmul %convert_element_type3A_200, %mul3A_182, %dot_general3A_204 {dimension_numbers = #tpu.dot_dimension_numbers<[0], [0], [1], [1], [0, 1, 1, 1], [], []>, transpose_lhs_hint = false} : vector<500x64xf32>, vector<500x128xf32>, vector<64x128xf32> -> vector<64x128xf32>
    %add3A_206 = arith.addf %get3A_203, %dot_general3A_205 : vector<64x128xf32>
    %swap3A_207 = arith.constant 0 : index
    %swap3A_208 = arith.constant 0 : index
    %swap3A_209 = vector.load %arg9[%swap3A_207, %swap3A_208] : memref<64x384xf32, #tpu.memory_space<vmem>>, vector<64x128xf32>
    tpu.vector_store %arg9[%swap3A_207, %swap3A_208], %add3A_206 {strides = array<i32>} : memref<64x384xf32, #tpu.memory_space<vmem>>, vector<64x128xf32>,
    %get3A_210 = arith.constant 0 : index
    %get3A_211 = arith.constant 128 : index
    %get3A_212 = vector.load %arg9[%get3A_210, %get3A_211] : memref<64x384xf32, #tpu.memory_space<vmem>>, vector<64x128xf32>
    %dot_general3A_213 = arith.constant dense<0.000000e+00> : vector<64x128xf32>
    %dot_general3A_214 = tpu.matmul %convert_element_type3A_200, %mul3A_187, %dot_general3A_213 {dimension_numbers = #tpu.dot_dimension_numbers<[0], [0], [1], [1], [0, 1, 1, 1], [], []>, transpose_lhs_hint = false} : vector<500x64xf32>, vector<500x128xf32>, vector<64x128xf32> -> vector<64x128xf32>
    %add3A_215 = arith.addf %get3A_212, %dot_general3A_214 : vector<64x128xf32>
    %swap3A_216 = arith.constant 0 : index
    %swap3A_217 = arith.constant 128 : index
    %swap3A_218 = vector.load %arg9[%swap3A_216, %swap3A_217] : memref<64x384xf32, #tpu.memory_space<vmem>>, vector<64x128xf32>
    tpu.vector_store %arg9[%swap3A_216, %swap3A_217], %add3A_215 {strides = array<i32>} : memref<64x384xf32, #tpu.memory_space<vmem>>, vector<64x128xf32>,
    %get3A_219 = arith.constant 0 : index
    %get3A_220 = arith.constant 256 : index
    %get3A_221 = vector.load %arg9[%get3A_219, %get3A_220] : memref<64x384xf32, #tpu.memory_space<vmem>>, vector<64x128xf32>
    %dot_general3A_222 = arith.constant dense<0.000000e+00> : vector<64x128xf32>
    %dot_general3A_223 = tpu.matmul %convert_element_type3A_200, %mul3A_192, %dot_general3A_222 {dimension_numbers = #tpu.dot_dimension_numbers<[0], [0], [1], [1], [0, 1, 1, 1], [], []>, transpose_lhs_hint = false} : vector<500x64xf32>, vector<500x128xf32>, vector<64x128xf32> -> vector<64x128xf32>
    %add3A_224 = arith.addf %get3A_221, %dot_general3A_223 : vector<64x128xf32>
    %swap3A_225 = arith.constant 0 : index
    %swap3A_226 = arith.constant 256 : index
    %swap3A_227 = vector.load %arg9[%swap3A_225, %swap3A_226] : memref<64x384xf32, #tpu.memory_space<vmem>>, vector<64x128xf32>
    tpu.vector_store %arg9[%swap3A_225, %swap3A_226], %add3A_224 {strides = array<i32>} : memref<64x384xf32, #tpu.memory_space<vmem>>, vector<64x128xf32>,
    %get3A_228 = arith.constant 0 : index
    %get3A_229 = arith.constant 0 : index
    %get3A_230 = vector.load %arg11[%get3A_228, %get3A_229] : memref<64x128xf32, #tpu.memory_space<vmem>>, vector<64x128xf32>
    %reduce_sum3A_231 = arith.constant dense<0.000000e+00> : vector<64xf32>
    %reduce_sum3A_232 = vector.multi_reduction <add>, %convert_element_type3A_200, %reduce_sum3A_231 [0] : vector<500x64xf32> to vector<64xf32>
    %broadcast_in_dim3A_233 = vector.shape_cast %reduce_sum3A_232 : vector<64xf32> to vector<1x64xf32>
    %transpose3A_234 = tpu.transpose %broadcast_in_dim3A_233, [1, 0] : vector<1x64xf32> -> vector<64x1xf32>
    %add3A_235 = vector.broadcast %transpose3A_234 : vector<64x1xf32> to vector<64x128xf32>
    %add3A_236 = arith.addf %get3A_230, %add3A_235 : vector<64x128xf32>
    %swap3A_237 = arith.constant 0 : index
    %swap3A_238 = arith.constant 0 : index
    %swap3A_239 = vector.load %arg11[%swap3A_237, %swap3A_238] : memref<64x128xf32, #tpu.memory_space<vmem>>, vector<64x128xf32>
    tpu.vector_store %arg11[%swap3A_237, %swap3A_238], %add3A_236 {strides = array<i32>} : memref<64x128xf32, #tpu.memory_space<vmem>>, vector<64x128xf32>,
    %reduce_min3A_240 = vector.shape_cast %get3A_195 : vector<500x1xi32> to vector<1x500x1xi32>
    %reduce_min3A_241 = arith.constant dense<2147483647> : vector<1xi32>
    %reduce_min3A_242 = vector.multi_reduction <minsi>, %reduce_min3A_240, %reduce_min3A_241 [1, 2] : vector<1x500x1xi32> to vector<1xi32>
    %reduce_min3A_243 = vector.shape_cast %reduce_min3A_242 : vector<1xi32> to vector<1x1x1xi32>
    %reduce_min3A_244 = vector.extract %reduce_min3A_243[0, 0, 0] : i32 from vector<1x1x1xi32>
    %reduce_max3A_245 = vector.shape_cast %get3A_195 : vector<500x1xi32> to vector<1x500x1xi32>
    %reduce_max3A_246 = arith.constant dense<-2147483648> : vector<1xi32>
    %reduce_max3A_247 = vector.multi_reduction <maxsi>, %reduce_max3A_245, %reduce_max3A_246 [1, 2] : vector<1x500x1xi32> to vector<1xi32>
    %reduce_max3A_248 = vector.shape_cast %reduce_max3A_247 : vector<1xi32> to vector<1x1x1xi32>
    %reduce_max3A_249 = vector.extract %reduce_max3A_248[0, 0, 0] : i32 from vector<1x1x1xi32>
    %add3A_250 = arith.constant 1 : i32
    %add3A_251 = arith.addi %reduce_max3A_249, %add3A_250 : i32
    %while3A_252 = arith.constant 0 : i32
    %while3A_253 = arith.subi %add3A_251, %reduce_min3A_244 : i32
    %while3A_254 = arith.addi %reduce_min3A_244, %while3A_253 : i32
    %while3A_255 = arith.constant 1 : i32
    %while3A_256 = arith.divsi %while3A_253, %while3A_255 : i32
    %while3A_257 = arith.muli %while3A_256, %while3A_255 : i32
    %while3A_258 = arith.addi %reduce_min3A_244, %while3A_257 : i32
    %while3A_259 = arith.constant 1 : i32
    scf.for %while3A_1720 = %reduce_min3A_244 to %while3A_258 step %while3A_259  : i32 {
      %eq3A_1721 = vector.broadcast %while3A_1720 : i32 to vector<500x1xi32>
      %eq3A_1722 = arith.cmpi eq, %get3A_195, %eq3A_1721 : vector<500x1xi32>
      %eq3A_1723 = vector.broadcast %while3A_1720 : i32 to vector<64x1xi32>
      %eq3A_1724 = arith.cmpi eq, %iota3A, %eq3A_1723 : vector<64x1xi32>
      %jit3A_1725 = arith.constant 0xFF800000 : f32
      %broadcast_in_dim3A_1726 = vector.shape_cast %eq3A_1722 : vector<500x1xi1> to vector<500x1xi1>
      %broadcast_in_dim3A_1727 = vector.broadcast %broadcast_in_dim3A_1726 : vector<500x1xi1> to vector<500x128xi1>
      %broadcast_in_dim3A_1728 = vector.broadcast %jit3A_1725 : f32 to vector<500x128xf32>
      %select_n3A_1729 = arith.select %broadcast_in_dim3A_1727, %mul3A_182, %broadcast_in_dim3A_1728 : vector<500x128xi1>, vector<500x128xf32>
      %reduce_max3A_1730 = arith.constant dense<0xFF800000> : vector<128xf32>
      %reduce_max3A_1731 = vector.multi_reduction <maximumf>, %select_n3A_1729, %reduce_max3A_1730 [0] : vector<500x128xf32> to vector<128xf32>
      %broadcast_in_dim3A_1732 = vector.shape_cast %reduce_max3A_1731 : vector<128xf32> to vector<1x128xf32>
      %jit3A_1733 = arith.constant 0xFF800000 : f32
      %broadcast_in_dim3A_1734 = vector.shape_cast %eq3A_1722 : vector<500x1xi1> to vector<500x1xi1>
      %broadcast_in_dim3A_1735 = vector.broadcast %broadcast_in_dim3A_1734 : vector<500x1xi1> to vector<500x128xi1>
      %broadcast_in_dim3A_1736 = vector.broadcast %jit3A_1733 : f32 to vector<500x128xf32>
      %select_n3A_1737 = arith.select %broadcast_in_dim3A_1735, %mul3A_187, %broadcast_in_dim3A_1736 : vector<500x128xi1>, vector<500x128xf32>
      %reduce_max3A_1738 = arith.constant dense<0xFF800000> : vector<128xf32>
      %reduce_max3A_1739 = vector.multi_reduction <maximumf>, %select_n3A_1737, %reduce_max3A_1738 [0] : vector<500x128xf32> to vector<128xf32>
      %broadcast_in_dim3A_1740 = vector.shape_cast %reduce_max3A_1739 : vector<128xf32> to vector<1x128xf32>
      %jit3A_1741 = arith.constant 0xFF800000 : f32
      %broadcast_in_dim3A_1742 = vector.shape_cast %eq3A_1722 : vector<500x1xi1> to vector<500x1xi1>
      %broadcast_in_dim3A_1743 = vector.broadcast %broadcast_in_dim3A_1742 : vector<500x1xi1> to vector<500x128xi1>
      %broadcast_in_dim3A_1744 = vector.broadcast %jit3A_1741 : f32 to vector<500x128xf32>
      %select_n3A_1745 = arith.select %broadcast_in_dim3A_1743, %mul3A_192, %broadcast_in_dim3A_1744 : vector<500x128xi1>, vector<500x128xf32>
      %reduce_max3A_1746 = arith.constant dense<0xFF800000> : vector<128xf32>
      %reduce_max3A_1747 = vector.multi_reduction <maximumf>, %select_n3A_1745, %reduce_max3A_1746 [0] : vector<500x128xf32> to vector<128xf32>
      %broadcast_in_dim3A_1748 = vector.shape_cast %reduce_max3A_1747 : vector<128xf32> to vector<1x128xf32>
      %concatenate3A_1749 = tpu.concatenate %broadcast_in_dim3A_1732, %broadcast_in_dim3A_1740, %broadcast_in_dim3A_1748 in 1 : vector<1x128xf32>, vector<1x128xf32>, vector<1x128xf32> -> vector<1x384xf32>
      %get3A_1750 = arith.constant 0 : index
      %get3A_1751 = arith.constant 0 : index
      %get3A_1752 = vector.load %arg10[%get3A_1750, %get3A_1751] : memref<64x384xf32, #tpu.memory_space<vmem>>, vector<64x384xf32>
      %jit3A_1753 = arith.constant 0xFF800000 : f32
      %broadcast_in_dim3A_1754 = vector.shape_cast %eq3A_1724 : vector<64x1xi1> to vector<64x1xi1>
      %broadcast_in_dim3A_1755 = vector.broadcast %broadcast_in_dim3A_1754 : vector<64x1xi1> to vector<64x384xi1>
      %broadcast_in_dim3A_1756 = vector.shape_cast %concatenate3A_1749 : vector<1x384xf32> to vector<1x384xf32>
      %broadcast_in_dim3A_1757 = vector.broadcast %broadcast_in_dim3A_1756 : vector<1x384xf32> to vector<64x384xf32>
      %broadcast_in_dim3A_1758 = vector.broadcast %jit3A_1753 : f32 to vector<64x384xf32>
      %select_n3A_1759 = arith.select %broadcast_in_dim3A_1755, %broadcast_in_dim3A_1757, %broadcast_in_dim3A_1758 : vector<64x384xi1>, vector<64x384xf32>
      %max3A_1760 = arith.maximumf %get3A_1752, %select_n3A_1759 : vector<64x384xf32>
      %swap3A_1761 = arith.constant 0 : index
      %swap3A_1762 = arith.constant 0 : index
      %swap3A_1763 = vector.load %arg10[%swap3A_1761, %swap3A_1762] : memref<64x384xf32, #tpu.memory_space<vmem>>, vector<64x384xf32>
      tpu.vector_store %arg10[%swap3A_1761, %swap3A_1762], %max3A_1760 {strides = array<i32>} : memref<64x384xf32, #tpu.memory_space<vmem>>, vector<64x384xf32>,
    }
    %while3A_260 = arith.constant 1 : i32
    scf.for %while3A_1720 = %while3A_258 to %while3A_254 step %while3A_260  : i32 {
      %eq3A_1721 = vector.broadcast %while3A_1720 : i32 to vector<500x1xi32>
      %eq3A_1722 = arith.cmpi eq, %get3A_195, %eq3A_1721 : vector<500x1xi32>
      %eq3A_1723 = vector.broadcast %while3A_1720 : i32 to vector<64x1xi32>
      %eq3A_1724 = arith.cmpi eq, %iota3A, %eq3A_1723 : vector<64x1xi32>
      %jit3A_1725 = arith.constant 0xFF800000 : f32
      %broadcast_in_dim3A_1726 = vector.shape_cast %eq3A_1722 : vector<500x1xi1> to vector<500x1xi1>
      %broadcast_in_dim3A_1727 = vector.broadcast %broadcast_in_dim3A_1726 : vector<500x1xi1> to vector<500x128xi1>
      %broadcast_in_dim3A_1728 = vector.broadcast %jit3A_1725 : f32 to vector<500x128xf32>
      %select_n3A_1729 = arith.select %broadcast_in_dim3A_1727, %mul3A_182, %broadcast_in_dim3A_1728 : vector<500x128xi1>, vector<500x128xf32>
      %reduce_max3A_1730 = arith.constant dense<0xFF800000> : vector<128xf32>
      %reduce_max3A_1731 = vector.multi_reduction <maximumf>, %select_n3A_1729, %reduce_max3A_1730 [0] : vector<500x128xf32> to vector<128xf32>
      %broadcast_in_dim3A_1732 = vector.shape_cast %reduce_max3A_1731 : vector<128xf32> to vector<1x128xf32>
      %jit3A_1733 = arith.constant 0xFF800000 : f32
      %broadcast_in_dim3A_1734 = vector.shape_cast %eq3A_1722 : vector<500x1xi1> to vector<500x1xi1>
      %broadcast_in_dim3A_1735 = vector.broadcast %broadcast_in_dim3A_1734 : vector<500x1xi1> to vector<500x128xi1>
      %broadcast_in_dim3A_1736 = vector.broadcast %jit3A_1733 : f32 to vector<500x128xf32>
      %select_n3A_1737 = arith.select %broadcast_in_dim3A_1735, %mul3A_187, %broadcast_in_dim3A_1736 : vector<500x128xi1>, vector<500x128xf32>
      %reduce_max3A_1738 = arith.constant dense<0xFF800000> : vector<128xf32>
      %reduce_max3A_1739 = vector.multi_reduction <maximumf>, %select_n3A_1737, %reduce_max3A_1738 [0] : vector<500x128xf32> to vector<128xf32>
      %broadcast_in_dim3A_1740 = vector.shape_cast %reduce_max3A_1739 : vector<128xf32> to vector<1x128xf32>
      %jit3A_1741 = arith.constant 0xFF800000 : f32
      %broadcast_in_dim3A_1742 = vector.shape_cast %eq3A_1722 : vector<500x1xi1> to vector<500x1xi1>
      %broadcast_in_dim3A_1743 = vector.broadcast %broadcast_in_dim3A_1742 : vector<500x1xi1> to vector<500x128xi1>
      %broadcast_in_dim3A_1744 = vector.broadcast %jit3A_1741 : f32 to vector<500x128xf32>
      %select_n3A_1745 = arith.select %broadcast_in_dim3A_1743, %mul3A_192, %broadcast_in_dim3A_1744 : vector<500x128xi1>, vector<500x128xf32>
      %reduce_max3A_1746 = arith.constant dense<0xFF800000> : vector<128xf32>
      %reduce_max3A_1747 = vector.multi_reduction <maximumf>, %select_n3A_1745, %reduce_max3A_1746 [0] : vector<500x128xf32> to vector<128xf32>
      %broadcast_in_dim3A_1748 = vector.shape_cast %reduce_max3A_1747 : vector<128xf32> to vector<1x128xf32>
      %concatenate3A_1749 = tpu.concatenate %broadcast_in_dim3A_1732, %broadcast_in_dim3A_1740, %broadcast_in_dim3A_1748 in 1 : vector<1x128xf32>, vector<1x128xf32>, vector<1x128xf32> -> vector<1x384xf32>
      %get3A_1750 = arith.constant 0 : index
      %get3A_1751 = arith.constant 0 : index
      %get3A_1752 = vector.load %arg10[%get3A_1750, %get3A_1751] : memref<64x384xf32, #tpu.memory_space<vmem>>, vector<64x384xf32>
      %jit3A_1753 = arith.constant 0xFF800000 : f32
      %broadcast_in_dim3A_1754 = vector.shape_cast %eq3A_1724 : vector<64x1xi1> to vector<64x1xi1>
      %broadcast_in_dim3A_1755 = vector.broadcast %broadcast_in_dim3A_1754 : vector<64x1xi1> to vector<64x384xi1>
      %broadcast_in_dim3A_1756 = vector.shape_cast %concatenate3A_1749 : vector<1x384xf32> to vector<1x384xf32>
      %broadcast_in_dim3A_1757 = vector.broadcast %broadcast_in_dim3A_1756 : vector<1x384xf32> to vector<64x384xf32>
      %broadcast_in_dim3A_1758 = vector.broadcast %jit3A_1753 : f32 to vector<64x384xf32>
      %select_n3A_1759 = arith.select %broadcast_in_dim3A_1755, %broadcast_in_dim3A_1757, %broadcast_in_dim3A_1758 : vector<64x384xi1>, vector<64x384xf32>
      %max3A_1760 = arith.maximumf %get3A_1752, %select_n3A_1759 : vector<64x384xf32>
      %swap3A_1761 = arith.constant 0 : index
      %swap3A_1762 = arith.constant 0 : index
      %swap3A_1763 = vector.load %arg10[%swap3A_1761, %swap3A_1762] : memref<64x384xf32, #tpu.memory_space<vmem>>, vector<64x384xf32>
      tpu.vector_store %arg10[%swap3A_1761, %swap3A_1762], %max3A_1760 {strides = array<i32>} : memref<64x384xf32, #tpu.memory_space<vmem>>, vector<64x384xf32>,
    }
    %slice3A_261 = vector.extract_strided_slice %tanh3A {offsets = [1500, 0], sizes = [500, 1], strides = [1, 1]} : vector<10000x1xf32> to vector<500x1xf32>
    %get3A_262 = arith.constant 1500 : index
    %get3A_263 = arith.constant 0 : index
    %get3A_264 = vector.load %arg0[%get3A_262, %get3A_263] : memref<10240x128xf32, #tpu.memory_space<vmem>>, vector<500x128xf32>
    %mul3A_265 = vector.broadcast %slice3A_261 : vector<500x1xf32> to vector<500x128xf32>
    %mul3A_266 = arith.mulf %get3A_264, %mul3A_265 : vector<500x128xf32>
    %get3A_267 = arith.constant 1500 : index
    %get3A_268 = arith.constant 0 : index
    %get3A_269 = vector.load %arg1[%get3A_267, %get3A_268] : memref<10240x128xf32, #tpu.memory_space<vmem>>, vector<500x128xf32>
    %mul3A_270 = vector.broadcast %slice3A_261 : vector<500x1xf32> to vector<500x128xf32>
    %mul3A_271 = arith.mulf %get3A_269, %mul3A_270 : vector<500x128xf32>
    %get3A_272 = arith.constant 1500 : index
    %get3A_273 = arith.constant 0 : index
    %get3A_274 = vector.load %arg2[%get3A_272, %get3A_273] : memref<10240x128xf32, #tpu.memory_space<vmem>>, vector<500x128xf32>
    %mul3A_275 = vector.broadcast %slice3A_261 : vector<500x1xf32> to vector<500x128xf32>
    %mul3A_276 = arith.mulf %get3A_274, %mul3A_275 : vector<500x128xf32>
    %get3A_277 = arith.constant 1500 : index
    %get3A_278 = arith.constant 0 : index
    %get3A_279 = vector.load %arg5[%get3A_277, %get3A_278] : memref<10000x1xi32, #tpu.memory_space<vmem>>, vector<500x1xi32>
    %eq3A_280 = vector.broadcast %get3A_279 : vector<500x1xi32> to vector<500x64xi32>
    %eq3A_281 = vector.broadcast %iota3A_18 : vector<1x64xi32> to vector<500x64xi32>
    %eq3A_282 = arith.cmpi eq, %eq3A_280, %eq3A_281 : vector<500x64xi32>
    %convert_element_type3A_283 = arith.extui %eq3A_282 : vector<500x64xi1> to vector<500x64xi32>
    %convert_element_type3A_284 = arith.sitofp %convert_element_type3A_283 : vector<500x64xi32> to vector<500x64xf32>
    %get3A_285 = arith.constant 0 : index
    %get3A_286 = arith.constant 0 : index
    %get3A_287 = vector.load %arg9[%get3A_285, %get3A_286] : memref<64x384xf32, #tpu.memory_space<vmem>>, vector<64x128xf32>
    %dot_general3A_288 = arith.constant dense<0.000000e+00> : vector<64x128xf32>
    %dot_general3A_289 = tpu.matmul %convert_element_type3A_284, %mul3A_266, %dot_general3A_288 {dimension_numbers = #tpu.dot_dimension_numbers<[0], [0], [1], [1], [0, 1, 1, 1], [], []>, transpose_lhs_hint = false} : vector<500x64xf32>, vector<500x128xf32>, vector<64x128xf32> -> vector<64x128xf32>
    %add3A_290 = arith.addf %get3A_287, %dot_general3A_289 : vector<64x128xf32>
    %swap3A_291 = arith.constant 0 : index
    %swap3A_292 = arith.constant 0 : index
    %swap3A_293 = vector.load %arg9[%swap3A_291, %swap3A_292] : memref<64x384xf32, #tpu.memory_space<vmem>>, vector<64x128xf32>
    tpu.vector_store %arg9[%swap3A_291, %swap3A_292], %add3A_290 {strides = array<i32>} : memref<64x384xf32, #tpu.memory_space<vmem>>, vector<64x128xf32>,
    %get3A_294 = arith.constant 0 : index
    %get3A_295 = arith.constant 128 : index
    %get3A_296 = vector.load %arg9[%get3A_294, %get3A_295] : memref<64x384xf32, #tpu.memory_space<vmem>>, vector<64x128xf32>
    %dot_general3A_297 = arith.constant dense<0.000000e+00> : vector<64x128xf32>
    %dot_general3A_298 = tpu.matmul %convert_element_type3A_284, %mul3A_271, %dot_general3A_297 {dimension_numbers = #tpu.dot_dimension_numbers<[0], [0], [1], [1], [0, 1, 1, 1], [], []>, transpose_lhs_hint = false} : vector<500x64xf32>, vector<500x128xf32>, vector<64x128xf32> -> vector<64x128xf32>
    %add3A_299 = arith.addf %get3A_296, %dot_general3A_298 : vector<64x128xf32>
    %swap3A_300 = arith.constant 0 : index
    %swap3A_301 = arith.constant 128 : index
    %swap3A_302 = vector.load %arg9[%swap3A_300, %swap3A_301] : memref<64x384xf32, #tpu.memory_space<vmem>>, vector<64x128xf32>
    tpu.vector_store %arg9[%swap3A_300, %swap3A_301], %add3A_299 {strides = array<i32>} : memref<64x384xf32, #tpu.memory_space<vmem>>, vector<64x128xf32>,
    %get3A_303 = arith.constant 0 : index
    %get3A_304 = arith.constant 256 : index
    %get3A_305 = vector.load %arg9[%get3A_303, %get3A_304] : memref<64x384xf32, #tpu.memory_space<vmem>>, vector<64x128xf32>
    %dot_general3A_306 = arith.constant dense<0.000000e+00> : vector<64x128xf32>
    %dot_general3A_307 = tpu.matmul %convert_element_type3A_284, %mul3A_276, %dot_general3A_306 {dimension_numbers = #tpu.dot_dimension_numbers<[0], [0], [1], [1], [0, 1, 1, 1], [], []>, transpose_lhs_hint = false} : vector<500x64xf32>, vector<500x128xf32>, vector<64x128xf32> -> vector<64x128xf32>
    %add3A_308 = arith.addf %get3A_305, %dot_general3A_307 : vector<64x128xf32>
    %swap3A_309 = arith.constant 0 : index
    %swap3A_310 = arith.constant 256 : index
    %swap3A_311 = vector.load %arg9[%swap3A_309, %swap3A_310] : memref<64x384xf32, #tpu.memory_space<vmem>>, vector<64x128xf32>
    tpu.vector_store %arg9[%swap3A_309, %swap3A_310], %add3A_308 {strides = array<i32>} : memref<64x384xf32, #tpu.memory_space<vmem>>, vector<64x128xf32>,
    %get3A_312 = arith.constant 0 : index
    %get3A_313 = arith.constant 0 : index
    %get3A_314 = vector.load %arg11[%get3A_312, %get3A_313] : memref<64x128xf32, #tpu.memory_space<vmem>>, vector<64x128xf32>
    %reduce_sum3A_315 = arith.constant dense<0.000000e+00> : vector<64xf32>
    %reduce_sum3A_316 = vector.multi_reduction <add>, %convert_element_type3A_284, %reduce_sum3A_315 [0] : vector<500x64xf32> to vector<64xf32>
    %broadcast_in_dim3A_317 = vector.shape_cast %reduce_sum3A_316 : vector<64xf32> to vector<1x64xf32>
    %transpose3A_318 = tpu.transpose %broadcast_in_dim3A_317, [1, 0] : vector<1x64xf32> -> vector<64x1xf32>
    %add3A_319 = vector.broadcast %transpose3A_318 : vector<64x1xf32> to vector<64x128xf32>
    %add3A_320 = arith.addf %get3A_314, %add3A_319 : vector<64x128xf32>
    %swap3A_321 = arith.constant 0 : index
    %swap3A_322 = arith.constant 0 : index
    %swap3A_323 = vector.load %arg11[%swap3A_321, %swap3A_322] : memref<64x128xf32, #tpu.memory_space<vmem>>, vector<64x128xf32>
    tpu.vector_store %arg11[%swap3A_321, %swap3A_322], %add3A_320 {strides = array<i32>} : memref<64x128xf32, #tpu.memory_space<vmem>>, vector<64x128xf32>,
    %reduce_min3A_324 = vector.shape_cast %get3A_279 : vector<500x1xi32> to vector<1x500x1xi32>
    %reduce_min3A_325 = arith.constant dense<2147483647> : vector<1xi32>
    %reduce_min3A_326 = vector.multi_reduction <minsi>, %reduce_min3A_324, %reduce_min3A_325 [1, 2] : vector<1x500x1xi32> to vector<1xi32>
    %reduce_min3A_327 = vector.shape_cast %reduce_min3A_326 : vector<1xi32> to vector<1x1x1xi32>
    %reduce_min3A_328 = vector.extract %reduce_min3A_327[0, 0, 0] : i32 from vector<1x1x1xi32>
    %reduce_max3A_329 = vector.shape_cast %get3A_279 : vector<500x1xi32> to vector<1x500x1xi32>
    %reduce_max3A_330 = arith.constant dense<-2147483648> : vector<1xi32>
    %reduce_max3A_331 = vector.multi_reduction <maxsi>, %reduce_max3A_329, %reduce_max3A_330 [1, 2] : vector<1x500x1xi32> to vector<1xi32>
    %reduce_max3A_332 = vector.shape_cast %reduce_max3A_331 : vector<1xi32> to vector<1x1x1xi32>
    %reduce_max3A_333 = vector.extract %reduce_max3A_332[0, 0, 0] : i32 from vector<1x1x1xi32>
    %add3A_334 = arith.constant 1 : i32
    %add3A_335 = arith.addi %reduce_max3A_333, %add3A_334 : i32
    %while3A_336 = arith.constant 0 : i32
    %while3A_337 = arith.subi %add3A_335, %reduce_min3A_328 : i32
    %while3A_338 = arith.addi %reduce_min3A_328, %while3A_337 : i32
    %while3A_339 = arith.constant 1 : i32
    %while3A_340 = arith.divsi %while3A_337, %while3A_339 : i32
    %while3A_341 = arith.muli %while3A_340, %while3A_339 : i32
    %while3A_342 = arith.addi %reduce_min3A_328, %while3A_341 : i32
    %while3A_343 = arith.constant 1 : i32
    scf.for %while3A_1720 = %reduce_min3A_328 to %while3A_342 step %while3A_343  : i32 {
      %eq3A_1721 = vector.broadcast %while3A_1720 : i32 to vector<500x1xi32>
      %eq3A_1722 = arith.cmpi eq, %get3A_279, %eq3A_1721 : vector<500x1xi32>
      %eq3A_1723 = vector.broadcast %while3A_1720 : i32 to vector<64x1xi32>
      %eq3A_1724 = arith.cmpi eq, %iota3A, %eq3A_1723 : vector<64x1xi32>
      %jit3A_1725 = arith.constant 0xFF800000 : f32
      %broadcast_in_dim3A_1726 = vector.shape_cast %eq3A_1722 : vector<500x1xi1> to vector<500x1xi1>
      %broadcast_in_dim3A_1727 = vector.broadcast %broadcast_in_dim3A_1726 : vector<500x1xi1> to vector<500x128xi1>
      %broadcast_in_dim3A_1728 = vector.broadcast %jit3A_1725 : f32 to vector<500x128xf32>
      %select_n3A_1729 = arith.select %broadcast_in_dim3A_1727, %mul3A_266, %broadcast_in_dim3A_1728 : vector<500x128xi1>, vector<500x128xf32>
      %reduce_max3A_1730 = arith.constant dense<0xFF800000> : vector<128xf32>
      %reduce_max3A_1731 = vector.multi_reduction <maximumf>, %select_n3A_1729, %reduce_max3A_1730 [0] : vector<500x128xf32> to vector<128xf32>
      %broadcast_in_dim3A_1732 = vector.shape_cast %reduce_max3A_1731 : vector<128xf32> to vector<1x128xf32>
      %jit3A_1733 = arith.constant 0xFF800000 : f32
      %broadcast_in_dim3A_1734 = vector.shape_cast %eq3A_1722 : vector<500x1xi1> to vector<500x1xi1>
      %broadcast_in_dim3A_1735 = vector.broadcast %broadcast_in_dim3A_1734 : vector<500x1xi1> to vector<500x128xi1>
      %broadcast_in_dim3A_1736 = vector.broadcast %jit3A_1733 : f32 to vector<500x128xf32>
      %select_n3A_1737 = arith.select %broadcast_in_dim3A_1735, %mul3A_271, %broadcast_in_dim3A_1736 : vector<500x128xi1>, vector<500x128xf32>
      %reduce_max3A_1738 = arith.constant dense<0xFF800000> : vector<128xf32>
      %reduce_max3A_1739 = vector.multi_reduction <maximumf>, %select_n3A_1737, %reduce_max3A_1738 [0] : vector<500x128xf32> to vector<128xf32>
      %broadcast_in_dim3A_1740 = vector.shape_cast %reduce_max3A_1739 : vector<128xf32> to vector<1x128xf32>
      %jit3A_1741 = arith.constant 0xFF800000 : f32
      %broadcast_in_dim3A_1742 = vector.shape_cast %eq3A_1722 : vector<500x1xi1> to vector<500x1xi1>
      %broadcast_in_dim3A_1743 = vector.broadcast %broadcast_in_dim3A_1742 : vector<500x1xi1> to vector<500x128xi1>
      %broadcast_in_dim3A_1744 = vector.broadcast %jit3A_1741 : f32 to vector<500x128xf32>
      %select_n3A_1745 = arith.select %broadcast_in_dim3A_1743, %mul3A_276, %broadcast_in_dim3A_1744 : vector<500x128xi1>, vector<500x128xf32>
      %reduce_max3A_1746 = arith.constant dense<0xFF800000> : vector<128xf32>
      %reduce_max3A_1747 = vector.multi_reduction <maximumf>, %select_n3A_1745, %reduce_max3A_1746 [0] : vector<500x128xf32> to vector<128xf32>
      %broadcast_in_dim3A_1748 = vector.shape_cast %reduce_max3A_1747 : vector<128xf32> to vector<1x128xf32>
      %concatenate3A_1749 = tpu.concatenate %broadcast_in_dim3A_1732, %broadcast_in_dim3A_1740, %broadcast_in_dim3A_1748 in 1 : vector<1x128xf32>, vector<1x128xf32>, vector<1x128xf32> -> vector<1x384xf32>
      %get3A_1750 = arith.constant 0 : index
      %get3A_1751 = arith.constant 0 : index
      %get3A_1752 = vector.load %arg10[%get3A_1750, %get3A_1751] : memref<64x384xf32, #tpu.memory_space<vmem>>, vector<64x384xf32>
      %jit3A_1753 = arith.constant 0xFF800000 : f32
      %broadcast_in_dim3A_1754 = vector.shape_cast %eq3A_1724 : vector<64x1xi1> to vector<64x1xi1>
      %broadcast_in_dim3A_1755 = vector.broadcast %broadcast_in_dim3A_1754 : vector<64x1xi1> to vector<64x384xi1>
      %broadcast_in_dim3A_1756 = vector.shape_cast %concatenate3A_1749 : vector<1x384xf32> to vector<1x384xf32>
      %broadcast_in_dim3A_1757 = vector.broadcast %broadcast_in_dim3A_1756 : vector<1x384xf32> to vector<64x384xf32>
      %broadcast_in_dim3A_1758 = vector.broadcast %jit3A_1753 : f32 to vector<64x384xf32>
      %select_n3A_1759 = arith.select %broadcast_in_dim3A_1755, %broadcast_in_dim3A_1757, %broadcast_in_dim3A_1758 : vector<64x384xi1>, vector<64x384xf32>
      %max3A_1760 = arith.maximumf %get3A_1752, %select_n3A_1759 : vector<64x384xf32>
      %swap3A_1761 = arith.constant 0 : index
      %swap3A_1762 = arith.constant 0 : index
      %swap3A_1763 = vector.load %arg10[%swap3A_1761, %swap3A_1762] : memref<64x384xf32, #tpu.memory_space<vmem>>, vector<64x384xf32>
      tpu.vector_store %arg10[%swap3A_1761, %swap3A_1762], %max3A_1760 {strides = array<i32>} : memref<64x384xf32, #tpu.memory_space<vmem>>, vector<64x384xf32>,
    }
    %while3A_344 = arith.constant 1 : i32
    scf.for %while3A_1720 = %while3A_342 to %while3A_338 step %while3A_344  : i32 {
      %eq3A_1721 = vector.broadcast %while3A_1720 : i32 to vector<500x1xi32>
      %eq3A_1722 = arith.cmpi eq, %get3A_279, %eq3A_1721 : vector<500x1xi32>
      %eq3A_1723 = vector.broadcast %while3A_1720 : i32 to vector<64x1xi32>
      %eq3A_1724 = arith.cmpi eq, %iota3A, %eq3A_1723 : vector<64x1xi32>
      %jit3A_1725 = arith.constant 0xFF800000 : f32
      %broadcast_in_dim3A_1726 = vector.shape_cast %eq3A_1722 : vector<500x1xi1> to vector<500x1xi1>
      %broadcast_in_dim3A_1727 = vector.broadcast %broadcast_in_dim3A_1726 : vector<500x1xi1> to vector<500x128xi1>
      %broadcast_in_dim3A_1728 = vector.broadcast %jit3A_1725 : f32 to vector<500x128xf32>
      %select_n3A_1729 = arith.select %broadcast_in_dim3A_1727, %mul3A_266, %broadcast_in_dim3A_1728 : vector<500x128xi1>, vector<500x128xf32>
      %reduce_max3A_1730 = arith.constant dense<0xFF800000> : vector<128xf32>
      %reduce_max3A_1731 = vector.multi_reduction <maximumf>, %select_n3A_1729, %reduce_max3A_1730 [0] : vector<500x128xf32> to vector<128xf32>
      %broadcast_in_dim3A_1732 = vector.shape_cast %reduce_max3A_1731 : vector<128xf32> to vector<1x128xf32>
      %jit3A_1733 = arith.constant 0xFF800000 : f32
      %broadcast_in_dim3A_1734 = vector.shape_cast %eq3A_1722 : vector<500x1xi1> to vector<500x1xi1>
      %broadcast_in_dim3A_1735 = vector.broadcast %broadcast_in_dim3A_1734 : vector<500x1xi1> to vector<500x128xi1>
      %broadcast_in_dim3A_1736 = vector.broadcast %jit3A_1733 : f32 to vector<500x128xf32>
      %select_n3A_1737 = arith.select %broadcast_in_dim3A_1735, %mul3A_271, %broadcast_in_dim3A_1736 : vector<500x128xi1>, vector<500x128xf32>
      %reduce_max3A_1738 = arith.constant dense<0xFF800000> : vector<128xf32>
      %reduce_max3A_1739 = vector.multi_reduction <maximumf>, %select_n3A_1737, %reduce_max3A_1738 [0] : vector<500x128xf32> to vector<128xf32>
      %broadcast_in_dim3A_1740 = vector.shape_cast %reduce_max3A_1739 : vector<128xf32> to vector<1x128xf32>
      %jit3A_1741 = arith.constant 0xFF800000 : f32
      %broadcast_in_dim3A_1742 = vector.shape_cast %eq3A_1722 : vector<500x1xi1> to vector<500x1xi1>
      %broadcast_in_dim3A_1743 = vector.broadcast %broadcast_in_dim3A_1742 : vector<500x1xi1> to vector<500x128xi1>
      %broadcast_in_dim3A_1744 = vector.broadcast %jit3A_1741 : f32 to vector<500x128xf32>
      %select_n3A_1745 = arith.select %broadcast_in_dim3A_1743, %mul3A_276, %broadcast_in_dim3A_1744 : vector<500x128xi1>, vector<500x128xf32>
      %reduce_max3A_1746 = arith.constant dense<0xFF800000> : vector<128xf32>
      %reduce_max3A_1747 = vector.multi_reduction <maximumf>, %select_n3A_1745, %reduce_max3A_1746 [0] : vector<500x128xf32> to vector<128xf32>
      %broadcast_in_dim3A_1748 = vector.shape_cast %reduce_max3A_1747 : vector<128xf32> to vector<1x128xf32>
      %concatenate3A_1749 = tpu.concatenate %broadcast_in_dim3A_1732, %broadcast_in_dim3A_1740, %broadcast_in_dim3A_1748 in 1 : vector<1x128xf32>, vector<1x128xf32>, vector<1x128xf32> -> vector<1x384xf32>
      %get3A_1750 = arith.constant 0 : index
      %get3A_1751 = arith.constant 0 : index
      %get3A_1752 = vector.load %arg10[%get3A_1750, %get3A_1751] : memref<64x384xf32, #tpu.memory_space<vmem>>, vector<64x384xf32>
      %jit3A_1753 = arith.constant 0xFF800000 : f32
      %broadcast_in_dim3A_1754 = vector.shape_cast %eq3A_1724 : vector<64x1xi1> to vector<64x1xi1>
      %broadcast_in_dim3A_1755 = vector.broadcast %broadcast_in_dim3A_1754 : vector<64x1xi1> to vector<64x384xi1>
      %broadcast_in_dim3A_1756 = vector.shape_cast %concatenate3A_1749 : vector<1x384xf32> to vector<1x384xf32>
      %broadcast_in_dim3A_1757 = vector.broadcast %broadcast_in_dim3A_1756 : vector<1x384xf32> to vector<64x384xf32>
      %broadcast_in_dim3A_1758 = vector.broadcast %jit3A_1753 : f32 to vector<64x384xf32>
      %select_n3A_1759 = arith.select %broadcast_in_dim3A_1755, %broadcast_in_dim3A_1757, %broadcast_in_dim3A_1758 : vector<64x384xi1>, vector<64x384xf32>
      %max3A_1760 = arith.maximumf %get3A_1752, %select_n3A_1759 : vector<64x384xf32>
      %swap3A_1761 = arith.constant 0 : index
      %swap3A_1762 = arith.constant 0 : index
      %swap3A_1763 = vector.load %arg10[%swap3A_1761, %swap3A_1762] : memref<64x384xf32, #tpu.memory_space<vmem>>, vector<64x384xf32>
      tpu.vector_store %arg10[%swap3A_1761, %swap3A_1762], %max3A_1760 {strides = array<i32>} : memref<64x384xf32, #tpu.memory_space<vmem>>, vector<64x384xf32>,
    }
    %slice3A_345 = vector.extract_strided_slice %tanh3A {offsets = [2000, 0], sizes = [500, 1], strides = [1, 1]} : vector<10000x1xf32> to vector<500x1xf32>
    %get3A_346 = arith.constant 2000 : index
    %get3A_347 = arith.constant 0 : index
    %get3A_348 = vector.load %arg0[%get3A_346, %get3A_347] : memref<10240x128xf32, #tpu.memory_space<vmem>>, vector<500x128xf32>
    %mul3A_349 = vector.broadcast %slice3A_345 : vector<500x1xf32> to vector<500x128xf32>
    %mul3A_350 = arith.mulf %get3A_348, %mul3A_349 : vector<500x128xf32>
    %get3A_351 = arith.constant 2000 : index
    %get3A_352 = arith.constant 0 : index
    %get3A_353 = vector.load %arg1[%get3A_351, %get3A_352] : memref<10240x128xf32, #tpu.memory_space<vmem>>, vector<500x128xf32>
    %mul3A_354 = vector.broadcast %slice3A_345 : vector<500x1xf32> to vector<500x128xf32>
    %mul3A_355 = arith.mulf %get3A_353, %mul3A_354 : vector<500x128xf32>
    %get3A_356 = arith.constant 2000 : index
    %get3A_357 = arith.constant 0 : index
    %get3A_358 = vector.load %arg2[%get3A_356, %get3A_357] : memref<10240x128xf32, #tpu.memory_space<vmem>>, vector<500x128xf32>
    %mul3A_359 = vector.broadcast %slice3A_345 : vector<500x1xf32> to vector<500x128xf32>
    %mul3A_360 = arith.mulf %get3A_358, %mul3A_359 : vector<500x128xf32>
    %get3A_361 = arith.constant 2000 : index
    %get3A_362 = arith.constant 0 : index
    %get3A_363 = vector.load %arg5[%get3A_361, %get3A_362] : memref<10000x1xi32, #tpu.memory_space<vmem>>, vector<500x1xi32>
    %eq3A_364 = vector.broadcast %get3A_363 : vector<500x1xi32> to vector<500x64xi32>
    %eq3A_365 = vector.broadcast %iota3A_18 : vector<1x64xi32> to vector<500x64xi32>
    %eq3A_366 = arith.cmpi eq, %eq3A_364, %eq3A_365 : vector<500x64xi32>
    %convert_element_type3A_367 = arith.extui %eq3A_366 : vector<500x64xi1> to vector<500x64xi32>
    %convert_element_type3A_368 = arith.sitofp %convert_element_type3A_367 : vector<500x64xi32> to vector<500x64xf32>
    %get3A_369 = arith.constant 0 : index
    %get3A_370 = arith.constant 0 : index
    %get3A_371 = vector.load %arg9[%get3A_369, %get3A_370] : memref<64x384xf32, #tpu.memory_space<vmem>>, vector<64x128xf32>
    %dot_general3A_372 = arith.constant dense<0.000000e+00> : vector<64x128xf32>
    %dot_general3A_373 = tpu.matmul %convert_element_type3A_368, %mul3A_350, %dot_general3A_372 {dimension_numbers = #tpu.dot_dimension_numbers<[0], [0], [1], [1], [0, 1, 1, 1], [], []>, transpose_lhs_hint = false} : vector<500x64xf32>, vector<500x128xf32>, vector<64x128xf32> -> vector<64x128xf32>
    %add3A_374 = arith.addf %get3A_371, %dot_general3A_373 : vector<64x128xf32>
    %swap3A_375 = arith.constant 0 : index
    %swap3A_376 = arith.constant 0 : index
    %swap3A_377 = vector.load %arg9[%swap3A_375, %swap3A_376] : memref<64x384xf32, #tpu.memory_space<vmem>>, vector<64x128xf32>
    tpu.vector_store %arg9[%swap3A_375, %swap3A_376], %add3A_374 {strides = array<i32>} : memref<64x384xf32, #tpu.memory_space<vmem>>, vector<64x128xf32>,
    %get3A_378 = arith.constant 0 : index
    %get3A_379 = arith.constant 128 : index
    %get3A_380 = vector.load %arg9[%get3A_378, %get3A_379] : memref<64x384xf32, #tpu.memory_space<vmem>>, vector<64x128xf32>
    %dot_general3A_381 = arith.constant dense<0.000000e+00> : vector<64x128xf32>
    %dot_general3A_382 = tpu.matmul %convert_element_type3A_368, %mul3A_355, %dot_general3A_381 {dimension_numbers = #tpu.dot_dimension_numbers<[0], [0], [1], [1], [0, 1, 1, 1], [], []>, transpose_lhs_hint = false} : vector<500x64xf32>, vector<500x128xf32>, vector<64x128xf32> -> vector<64x128xf32>
    %add3A_383 = arith.addf %get3A_380, %dot_general3A_382 : vector<64x128xf32>
    %swap3A_384 = arith.constant 0 : index
    %swap3A_385 = arith.constant 128 : index
    %swap3A_386 = vector.load %arg9[%swap3A_384, %swap3A_385] : memref<64x384xf32, #tpu.memory_space<vmem>>, vector<64x128xf32>
    tpu.vector_store %arg9[%swap3A_384, %swap3A_385], %add3A_383 {strides = array<i32>} : memref<64x384xf32, #tpu.memory_space<vmem>>, vector<64x128xf32>,
    %get3A_387 = arith.constant 0 : index
    %get3A_388 = arith.constant 256 : index
    %get3A_389 = vector.load %arg9[%get3A_387, %get3A_388] : memref<64x384xf32, #tpu.memory_space<vmem>>, vector<64x128xf32>
    %dot_general3A_390 = arith.constant dense<0.000000e+00> : vector<64x128xf32>
    %dot_general3A_391 = tpu.matmul %convert_element_type3A_368, %mul3A_360, %dot_general3A_390 {dimension_numbers = #tpu.dot_dimension_numbers<[0], [0], [1], [1], [0, 1, 1, 1], [], []>, transpose_lhs_hint = false} : vector<500x64xf32>, vector<500x128xf32>, vector<64x128xf32> -> vector<64x128xf32>
    %add3A_392 = arith.addf %get3A_389, %dot_general3A_391 : vector<64x128xf32>
    %swap3A_393 = arith.constant 0 : index
    %swap3A_394 = arith.constant 256 : index
    %swap3A_395 = vector.load %arg9[%swap3A_393, %swap3A_394] : memref<64x384xf32, #tpu.memory_space<vmem>>, vector<64x128xf32>
    tpu.vector_store %arg9[%swap3A_393, %swap3A_394], %add3A_392 {strides = array<i32>} : memref<64x384xf32, #tpu.memory_space<vmem>>, vector<64x128xf32>,
    %get3A_396 = arith.constant 0 : index
    %get3A_397 = arith.constant 0 : index
    %get3A_398 = vector.load %arg11[%get3A_396, %get3A_397] : memref<64x128xf32, #tpu.memory_space<vmem>>, vector<64x128xf32>
    %reduce_sum3A_399 = arith.constant dense<0.000000e+00> : vector<64xf32>
    %reduce_sum3A_400 = vector.multi_reduction <add>, %convert_element_type3A_368, %reduce_sum3A_399 [0] : vector<500x64xf32> to vector<64xf32>
    %broadcast_in_dim3A_401 = vector.shape_cast %reduce_sum3A_400 : vector<64xf32> to vector<1x64xf32>
    %transpose3A_402 = tpu.transpose %broadcast_in_dim3A_401, [1, 0] : vector<1x64xf32> -> vector<64x1xf32>
    %add3A_403 = vector.broadcast %transpose3A_402 : vector<64x1xf32> to vector<64x128xf32>
    %add3A_404 = arith.addf %get3A_398, %add3A_403 : vector<64x128xf32>
    %swap3A_405 = arith.constant 0 : index
    %swap3A_406 = arith.constant 0 : index
    %swap3A_407 = vector.load %arg11[%swap3A_405, %swap3A_406] : memref<64x128xf32, #tpu.memory_space<vmem>>, vector<64x128xf32>
    tpu.vector_store %arg11[%swap3A_405, %swap3A_406], %add3A_404 {strides = array<i32>} : memref<64x128xf32, #tpu.memory_space<vmem>>, vector<64x128xf32>,
    %reduce_min3A_408 = vector.shape_cast %get3A_363 : vector<500x1xi32> to vector<1x500x1xi32>
    %reduce_min3A_409 = arith.constant dense<2147483647> : vector<1xi32>
    %reduce_min3A_410 = vector.multi_reduction <minsi>, %reduce_min3A_408, %reduce_min3A_409 [1, 2] : vector<1x500x1xi32> to vector<1xi32>
    %reduce_min3A_411 = vector.shape_cast %reduce_min3A_410 : vector<1xi32> to vector<1x1x1xi32>
    %reduce_min3A_412 = vector.extract %reduce_min3A_411[0, 0, 0] : i32 from vector<1x1x1xi32>
    %reduce_max3A_413 = vector.shape_cast %get3A_363 : vector<500x1xi32> to vector<1x500x1xi32>
    %reduce_max3A_414 = arith.constant dense<-2147483648> : vector<1xi32>
    %reduce_max3A_415 = vector.multi_reduction <maxsi>, %reduce_max3A_413, %reduce_max3A_414 [1, 2] : vector<1x500x1xi32> to vector<1xi32>
    %reduce_max3A_416 = vector.shape_cast %reduce_max3A_415 : vector<1xi32> to vector<1x1x1xi32>
    %reduce_max3A_417 = vector.extract %reduce_max3A_416[0, 0, 0] : i32 from vector<1x1x1xi32>
    %add3A_418 = arith.constant 1 : i32
    %add3A_419 = arith.addi %reduce_max3A_417, %add3A_418 : i32
    %while3A_420 = arith.constant 0 : i32
    %while3A_421 = arith.subi %add3A_419, %reduce_min3A_412 : i32
    %while3A_422 = arith.addi %reduce_min3A_412, %while3A_421 : i32
    %while3A_423 = arith.constant 1 : i32
    %while3A_424 = arith.divsi %while3A_421, %while3A_423 : i32
    %while3A_425 = arith.muli %while3A_424, %while3A_423 : i32
    %while3A_426 = arith.addi %reduce_min3A_412, %while3A_425 : i32
    %while3A_427 = arith.constant 1 : i32
    scf.for %while3A_1720 = %reduce_min3A_412 to %while3A_426 step %while3A_427  : i32 {
      %eq3A_1721 = vector.broadcast %while3A_1720 : i32 to vector<500x1xi32>
      %eq3A_1722 = arith.cmpi eq, %get3A_363, %eq3A_1721 : vector<500x1xi32>
      %eq3A_1723 = vector.broadcast %while3A_1720 : i32 to vector<64x1xi32>
      %eq3A_1724 = arith.cmpi eq, %iota3A, %eq3A_1723 : vector<64x1xi32>
      %jit3A_1725 = arith.constant 0xFF800000 : f32
      %broadcast_in_dim3A_1726 = vector.shape_cast %eq3A_1722 : vector<500x1xi1> to vector<500x1xi1>
      %broadcast_in_dim3A_1727 = vector.broadcast %broadcast_in_dim3A_1726 : vector<500x1xi1> to vector<500x128xi1>
      %broadcast_in_dim3A_1728 = vector.broadcast %jit3A_1725 : f32 to vector<500x128xf32>
      %select_n3A_1729 = arith.select %broadcast_in_dim3A_1727, %mul3A_350, %broadcast_in_dim3A_1728 : vector<500x128xi1>, vector<500x128xf32>
      %reduce_max3A_1730 = arith.constant dense<0xFF800000> : vector<128xf32>
      %reduce_max3A_1731 = vector.multi_reduction <maximumf>, %select_n3A_1729, %reduce_max3A_1730 [0] : vector<500x128xf32> to vector<128xf32>
      %broadcast_in_dim3A_1732 = vector.shape_cast %reduce_max3A_1731 : vector<128xf32> to vector<1x128xf32>
      %jit3A_1733 = arith.constant 0xFF800000 : f32
      %broadcast_in_dim3A_1734 = vector.shape_cast %eq3A_1722 : vector<500x1xi1> to vector<500x1xi1>
      %broadcast_in_dim3A_1735 = vector.broadcast %broadcast_in_dim3A_1734 : vector<500x1xi1> to vector<500x128xi1>
      %broadcast_in_dim3A_1736 = vector.broadcast %jit3A_1733 : f32 to vector<500x128xf32>
      %select_n3A_1737 = arith.select %broadcast_in_dim3A_1735, %mul3A_355, %broadcast_in_dim3A_1736 : vector<500x128xi1>, vector<500x128xf32>
      %reduce_max3A_1738 = arith.constant dense<0xFF800000> : vector<128xf32>
      %reduce_max3A_1739 = vector.multi_reduction <maximumf>, %select_n3A_1737, %reduce_max3A_1738 [0] : vector<500x128xf32> to vector<128xf32>
      %broadcast_in_dim3A_1740 = vector.shape_cast %reduce_max3A_1739 : vector<128xf32> to vector<1x128xf32>
      %jit3A_1741 = arith.constant 0xFF800000 : f32
      %broadcast_in_dim3A_1742 = vector.shape_cast %eq3A_1722 : vector<500x1xi1> to vector<500x1xi1>
      %broadcast_in_dim3A_1743 = vector.broadcast %broadcast_in_dim3A_1742 : vector<500x1xi1> to vector<500x128xi1>
      %broadcast_in_dim3A_1744 = vector.broadcast %jit3A_1741 : f32 to vector<500x128xf32>
      %select_n3A_1745 = arith.select %broadcast_in_dim3A_1743, %mul3A_360, %broadcast_in_dim3A_1744 : vector<500x128xi1>, vector<500x128xf32>
      %reduce_max3A_1746 = arith.constant dense<0xFF800000> : vector<128xf32>
      %reduce_max3A_1747 = vector.multi_reduction <maximumf>, %select_n3A_1745, %reduce_max3A_1746 [0] : vector<500x128xf32> to vector<128xf32>
      %broadcast_in_dim3A_1748 = vector.shape_cast %reduce_max3A_1747 : vector<128xf32> to vector<1x128xf32>
      %concatenate3A_1749 = tpu.concatenate %broadcast_in_dim3A_1732, %broadcast_in_dim3A_1740, %broadcast_in_dim3A_1748 in 1 : vector<1x128xf32>, vector<1x128xf32>, vector<1x128xf32> -> vector<1x384xf32>
      %get3A_1750 = arith.constant 0 : index
      %get3A_1751 = arith.constant 0 : index
      %get3A_1752 = vector.load %arg10[%get3A_1750, %get3A_1751] : memref<64x384xf32, #tpu.memory_space<vmem>>, vector<64x384xf32>
      %jit3A_1753 = arith.constant 0xFF800000 : f32
      %broadcast_in_dim3A_1754 = vector.shape_cast %eq3A_1724 : vector<64x1xi1> to vector<64x1xi1>
      %broadcast_in_dim3A_1755 = vector.broadcast %broadcast_in_dim3A_1754 : vector<64x1xi1> to vector<64x384xi1>
      %broadcast_in_dim3A_1756 = vector.shape_cast %concatenate3A_1749 : vector<1x384xf32> to vector<1x384xf32>
      %broadcast_in_dim3A_1757 = vector.broadcast %broadcast_in_dim3A_1756 : vector<1x384xf32> to vector<64x384xf32>
      %broadcast_in_dim3A_1758 = vector.broadcast %jit3A_1753 : f32 to vector<64x384xf32>
      %select_n3A_1759 = arith.select %broadcast_in_dim3A_1755, %broadcast_in_dim3A_1757, %broadcast_in_dim3A_1758 : vector<64x384xi1>, vector<64x384xf32>
      %max3A_1760 = arith.maximumf %get3A_1752, %select_n3A_1759 : vector<64x384xf32>
      %swap3A_1761 = arith.constant 0 : index
      %swap3A_1762 = arith.constant 0 : index
      %swap3A_1763 = vector.load %arg10[%swap3A_1761, %swap3A_1762] : memref<64x384xf32, #tpu.memory_space<vmem>>, vector<64x384xf32>
      tpu.vector_store %arg10[%swap3A_1761, %swap3A_1762], %max3A_1760 {strides = array<i32>} : memref<64x384xf32, #tpu.memory_space<vmem>>, vector<64x384xf32>,
    }
    %while3A_428 = arith.constant 1 : i32
    scf.for %while3A_1720 = %while3A_426 to %while3A_422 step %while3A_428  : i32 {
      %eq3A_1721 = vector.broadcast %while3A_1720 : i32 to vector<500x1xi32>
      %eq3A_1722 = arith.cmpi eq, %get3A_363, %eq3A_1721 : vector<500x1xi32>
      %eq3A_1723 = vector.broadcast %while3A_1720 : i32 to vector<64x1xi32>
      %eq3A_1724 = arith.cmpi eq, %iota3A, %eq3A_1723 : vector<64x1xi32>
      %jit3A_1725 = arith.constant 0xFF800000 : f32
      %broadcast_in_dim3A_1726 = vector.shape_cast %eq3A_1722 : vector<500x1xi1> to vector<500x1xi1>
      %broadcast_in_dim3A_1727 = vector.broadcast %broadcast_in_dim3A_1726 : vector<500x1xi1> to vector<500x128xi1>
      %broadcast_in_dim3A_1728 = vector.broadcast %jit3A_1725 : f32 to vector<500x128xf32>
      %select_n3A_1729 = arith.select %broadcast_in_dim3A_1727, %mul3A_350, %broadcast_in_dim3A_1728 : vector<500x128xi1>, vector<500x128xf32>
      %reduce_max3A_1730 = arith.constant dense<0xFF800000> : vector<128xf32>
      %reduce_max3A_1731 = vector.multi_reduction <maximumf>, %select_n3A_1729, %reduce_max3A_1730 [0] : vector<500x128xf32> to vector<128xf32>
      %broadcast_in_dim3A_1732 = vector.shape_cast %reduce_max3A_1731 : vector<128xf32> to vector<1x128xf32>
      %jit3A_1733 = arith.constant 0xFF800000 : f32
      %broadcast_in_dim3A_1734 = vector.shape_cast %eq3A_1722 : vector<500x1xi1> to vector<500x1xi1>
      %broadcast_in_dim3A_1735 = vector.broadcast %broadcast_in_dim3A_1734 : vector<500x1xi1> to vector<500x128xi1>
      %broadcast_in_dim3A_1736 = vector.broadcast %jit3A_1733 : f32 to vector<500x128xf32>
      %select_n3A_1737 = arith.select %broadcast_in_dim3A_1735, %mul3A_355, %broadcast_in_dim3A_1736 : vector<500x128xi1>, vector<500x128xf32>
      %reduce_max3A_1738 = arith.constant dense<0xFF800000> : vector<128xf32>
      %reduce_max3A_1739 = vector.multi_reduction <maximumf>, %select_n3A_1737, %reduce_max3A_1738 [0] : vector<500x128xf32> to vector<128xf32>
      %broadcast_in_dim3A_1740 = vector.shape_cast %reduce_max3A_1739 : vector<128xf32> to vector<1x128xf32>
      %jit3A_1741 = arith.constant 0xFF800000 : f32
      %broadcast_in_dim3A_1742 = vector.shape_cast %eq3A_1722 : vector<500x1xi1> to vector<500x1xi1>
      %broadcast_in_dim3A_1743 = vector.broadcast %broadcast_in_dim3A_1742 : vector<500x1xi1> to vector<500x128xi1>
      %broadcast_in_dim3A_1744 = vector.broadcast %jit3A_1741 : f32 to vector<500x128xf32>
      %select_n3A_1745 = arith.select %broadcast_in_dim3A_1743, %mul3A_360, %broadcast_in_dim3A_1744 : vector<500x128xi1>, vector<500x128xf32>
      %reduce_max3A_1746 = arith.constant dense<0xFF800000> : vector<128xf32>
      %reduce_max3A_1747 = vector.multi_reduction <maximumf>, %select_n3A_1745, %reduce_max3A_1746 [0] : vector<500x128xf32> to vector<128xf32>
      %broadcast_in_dim3A_1748 = vector.shape_cast %reduce_max3A_1747 : vector<128xf32> to vector<1x128xf32>
      %concatenate3A_1749 = tpu.concatenate %broadcast_in_dim3A_1732, %broadcast_in_dim3A_1740, %broadcast_in_dim3A_1748 in 1 : vector<1x128xf32>, vector<1x128xf32>, vector<1x128xf32> -> vector<1x384xf32>
      %get3A_1750 = arith.constant 0 : index
      %get3A_1751 = arith.constant 0 : index
      %get3A_1752 = vector.load %arg10[%get3A_1750, %get3A_1751] : memref<64x384xf32, #tpu.memory_space<vmem>>, vector<64x384xf32>
      %jit3A_1753 = arith.constant 0xFF800000 : f32
      %broadcast_in_dim3A_1754 = vector.shape_cast %eq3A_1724 : vector<64x1xi1> to vector<64x1xi1>
      %broadcast_in_dim3A_1755 = vector.broadcast %broadcast_in_dim3A_1754 : vector<64x1xi1> to vector<64x384xi1>
      %broadcast_in_dim3A_1756 = vector.shape_cast %concatenate3A_1749 : vector<1x384xf32> to vector<1x384xf32>
      %broadcast_in_dim3A_1757 = vector.broadcast %broadcast_in_dim3A_1756 : vector<1x384xf32> to vector<64x384xf32>
      %broadcast_in_dim3A_1758 = vector.broadcast %jit3A_1753 : f32 to vector<64x384xf32>
      %select_n3A_1759 = arith.select %broadcast_in_dim3A_1755, %broadcast_in_dim3A_1757, %broadcast_in_dim3A_1758 : vector<64x384xi1>, vector<64x384xf32>
      %max3A_1760 = arith.maximumf %get3A_1752, %select_n3A_1759 : vector<64x384xf32>
      %swap3A_1761 = arith.constant 0 : index
      %swap3A_1762 = arith.constant 0 : index
      %swap3A_1763 = vector.load %arg10[%swap3A_1761, %swap3A_1762] : memref<64x384xf32, #tpu.memory_space<vmem>>, vector<64x384xf32>
      tpu.vector_store %arg10[%swap3A_1761, %swap3A_1762], %max3A_1760 {strides = array<i32>} : memref<64x384xf32, #tpu.memory_space<vmem>>, vector<64x384xf32>,
    }
    %slice3A_429 = vector.extract_strided_slice %tanh3A {offsets = [2500, 0], sizes = [500, 1], strides = [1, 1]} : vector<10000x1xf32> to vector<500x1xf32>
    %get3A_430 = arith.constant 2500 : index
    %get3A_431 = arith.constant 0 : index
    %get3A_432 = vector.load %arg0[%get3A_430, %get3A_431] : memref<10240x128xf32, #tpu.memory_space<vmem>>, vector<500x128xf32>
    %mul3A_433 = vector.broadcast %slice3A_429 : vector<500x1xf32> to vector<500x128xf32>
    %mul3A_434 = arith.mulf %get3A_432, %mul3A_433 : vector<500x128xf32>
    %get3A_435 = arith.constant 2500 : index
    %get3A_436 = arith.constant 0 : index
    %get3A_437 = vector.load %arg1[%get3A_435, %get3A_436] : memref<10240x128xf32, #tpu.memory_space<vmem>>, vector<500x128xf32>
    %mul3A_438 = vector.broadcast %slice3A_429 : vector<500x1xf32> to vector<500x128xf32>
    %mul3A_439 = arith.mulf %get3A_437, %mul3A_438 : vector<500x128xf32>
    %get3A_440 = arith.constant 2500 : index
    %get3A_441 = arith.constant 0 : index
    %get3A_442 = vector.load %arg2[%get3A_440, %get3A_441] : memref<10240x128xf32, #tpu.memory_space<vmem>>, vector<500x128xf32>
    %mul3A_443 = vector.broadcast %slice3A_429 : vector<500x1xf32> to vector<500x128xf32>
    %mul3A_444 = arith.mulf %get3A_442, %mul3A_443 : vector<500x128xf32>
    %get3A_445 = arith.constant 2500 : index
    %get3A_446 = arith.constant 0 : index
    %get3A_447 = vector.load %arg5[%get3A_445, %get3A_446] : memref<10000x1xi32, #tpu.memory_space<vmem>>, vector<500x1xi32>
    %eq3A_448 = vector.broadcast %get3A_447 : vector<500x1xi32> to vector<500x64xi32>
    %eq3A_449 = vector.broadcast %iota3A_18 : vector<1x64xi32> to vector<500x64xi32>
    %eq3A_450 = arith.cmpi eq, %eq3A_448, %eq3A_449 : vector<500x64xi32>
    %convert_element_type3A_451 = arith.extui %eq3A_450 : vector<500x64xi1> to vector<500x64xi32>
    %convert_element_type3A_452 = arith.sitofp %convert_element_type3A_451 : vector<500x64xi32> to vector<500x64xf32>
    %get3A_453 = arith.constant 0 : index
    %get3A_454 = arith.constant 0 : index
    %get3A_455 = vector.load %arg9[%get3A_453, %get3A_454] : memref<64x384xf32, #tpu.memory_space<vmem>>, vector<64x128xf32>
    %dot_general3A_456 = arith.constant dense<0.000000e+00> : vector<64x128xf32>
    %dot_general3A_457 = tpu.matmul %convert_element_type3A_452, %mul3A_434, %dot_general3A_456 {dimension_numbers = #tpu.dot_dimension_numbers<[0], [0], [1], [1], [0, 1, 1, 1], [], []>, transpose_lhs_hint = false} : vector<500x64xf32>, vector<500x128xf32>, vector<64x128xf32> -> vector<64x128xf32>
    %add3A_458 = arith.addf %get3A_455, %dot_general3A_457 : vector<64x128xf32>
    %swap3A_459 = arith.constant 0 : index
    %swap3A_460 = arith.constant 0 : index
    %swap3A_461 = vector.load %arg9[%swap3A_459, %swap3A_460] : memref<64x384xf32, #tpu.memory_space<vmem>>, vector<64x128xf32>
    tpu.vector_store %arg9[%swap3A_459, %swap3A_460], %add3A_458 {strides = array<i32>} : memref<64x384xf32, #tpu.memory_space<vmem>>, vector<64x128xf32>,
    %get3A_462 = arith.constant 0 : index
    %get3A_463 = arith.constant 128 : index
    %get3A_464 = vector.load %arg9[%get3A_462, %get3A_463] : memref<64x384xf32, #tpu.memory_space<vmem>>, vector<64x128xf32>
    %dot_general3A_465 = arith.constant dense<0.000000e+00> : vector<64x128xf32>
    %dot_general3A_466 = tpu.matmul %convert_element_type3A_452, %mul3A_439, %dot_general3A_465 {dimension_numbers = #tpu.dot_dimension_numbers<[0], [0], [1], [1], [0, 1, 1, 1], [], []>, transpose_lhs_hint = false} : vector<500x64xf32>, vector<500x128xf32>, vector<64x128xf32> -> vector<64x128xf32>
    %add3A_467 = arith.addf %get3A_464, %dot_general3A_466 : vector<64x128xf32>
    %swap3A_468 = arith.constant 0 : index
    %swap3A_469 = arith.constant 128 : index
    %swap3A_470 = vector.load %arg9[%swap3A_468, %swap3A_469] : memref<64x384xf32, #tpu.memory_space<vmem>>, vector<64x128xf32>
    tpu.vector_store %arg9[%swap3A_468, %swap3A_469], %add3A_467 {strides = array<i32>} : memref<64x384xf32, #tpu.memory_space<vmem>>, vector<64x128xf32>,
    %get3A_471 = arith.constant 0 : index
    %get3A_472 = arith.constant 256 : index
    %get3A_473 = vector.load %arg9[%get3A_471, %get3A_472] : memref<64x384xf32, #tpu.memory_space<vmem>>, vector<64x128xf32>
    %dot_general3A_474 = arith.constant dense<0.000000e+00> : vector<64x128xf32>
    %dot_general3A_475 = tpu.matmul %convert_element_type3A_452, %mul3A_444, %dot_general3A_474 {dimension_numbers = #tpu.dot_dimension_numbers<[0], [0], [1], [1], [0, 1, 1, 1], [], []>, transpose_lhs_hint = false} : vector<500x64xf32>, vector<500x128xf32>, vector<64x128xf32> -> vector<64x128xf32>
    %add3A_476 = arith.addf %get3A_473, %dot_general3A_475 : vector<64x128xf32>
    %swap3A_477 = arith.constant 0 : index
    %swap3A_478 = arith.constant 256 : index
    %swap3A_479 = vector.load %arg9[%swap3A_477, %swap3A_478] : memref<64x384xf32, #tpu.memory_space<vmem>>, vector<64x128xf32>
    tpu.vector_store %arg9[%swap3A_477, %swap3A_478], %add3A_476 {strides = array<i32>} : memref<64x384xf32, #tpu.memory_space<vmem>>, vector<64x128xf32>,
    %get3A_480 = arith.constant 0 : index
    %get3A_481 = arith.constant 0 : index
    %get3A_482 = vector.load %arg11[%get3A_480, %get3A_481] : memref<64x128xf32, #tpu.memory_space<vmem>>, vector<64x128xf32>
    %reduce_sum3A_483 = arith.constant dense<0.000000e+00> : vector<64xf32>
    %reduce_sum3A_484 = vector.multi_reduction <add>, %convert_element_type3A_452, %reduce_sum3A_483 [0] : vector<500x64xf32> to vector<64xf32>
    %broadcast_in_dim3A_485 = vector.shape_cast %reduce_sum3A_484 : vector<64xf32> to vector<1x64xf32>
    %transpose3A_486 = tpu.transpose %broadcast_in_dim3A_485, [1, 0] : vector<1x64xf32> -> vector<64x1xf32>
    %add3A_487 = vector.broadcast %transpose3A_486 : vector<64x1xf32> to vector<64x128xf32>
    %add3A_488 = arith.addf %get3A_482, %add3A_487 : vector<64x128xf32>
    %swap3A_489 = arith.constant 0 : index
    %swap3A_490 = arith.constant 0 : index
    %swap3A_491 = vector.load %arg11[%swap3A_489, %swap3A_490] : memref<64x128xf32, #tpu.memory_space<vmem>>, vector<64x128xf32>
    tpu.vector_store %arg11[%swap3A_489, %swap3A_490], %add3A_488 {strides = array<i32>} : memref<64x128xf32, #tpu.memory_space<vmem>>, vector<64x128xf32>,
    %reduce_min3A_492 = vector.shape_cast %get3A_447 : vector<500x1xi32> to vector<1x500x1xi32>
    %reduce_min3A_493 = arith.constant dense<2147483647> : vector<1xi32>
    %reduce_min3A_494 = vector.multi_reduction <minsi>, %reduce_min3A_492, %reduce_min3A_493 [1, 2] : vector<1x500x1xi32> to vector<1xi32>
    %reduce_min3A_495 = vector.shape_cast %reduce_min3A_494 : vector<1xi32> to vector<1x1x1xi32>
    %reduce_min3A_496 = vector.extract %reduce_min3A_495[0, 0, 0] : i32 from vector<1x1x1xi32>
    %reduce_max3A_497 = vector.shape_cast %get3A_447 : vector<500x1xi32> to vector<1x500x1xi32>
    %reduce_max3A_498 = arith.constant dense<-2147483648> : vector<1xi32>
    %reduce_max3A_499 = vector.multi_reduction <maxsi>, %reduce_max3A_497, %reduce_max3A_498 [1, 2] : vector<1x500x1xi32> to vector<1xi32>
    %reduce_max3A_500 = vector.shape_cast %reduce_max3A_499 : vector<1xi32> to vector<1x1x1xi32>
    %reduce_max3A_501 = vector.extract %reduce_max3A_500[0, 0, 0] : i32 from vector<1x1x1xi32>
    %add3A_502 = arith.constant 1 : i32
    %add3A_503 = arith.addi %reduce_max3A_501, %add3A_502 : i32
    %while3A_504 = arith.constant 0 : i32
    %while3A_505 = arith.subi %add3A_503, %reduce_min3A_496 : i32
    %while3A_506 = arith.addi %reduce_min3A_496, %while3A_505 : i32
    %while3A_507 = arith.constant 1 : i32
    %while3A_508 = arith.divsi %while3A_505, %while3A_507 : i32
    %while3A_509 = arith.muli %while3A_508, %while3A_507 : i32
    %while3A_510 = arith.addi %reduce_min3A_496, %while3A_509 : i32
    %while3A_511 = arith.constant 1 : i32
    scf.for %while3A_1720 = %reduce_min3A_496 to %while3A_510 step %while3A_511  : i32 {
      %eq3A_1721 = vector.broadcast %while3A_1720 : i32 to vector<500x1xi32>
      %eq3A_1722 = arith.cmpi eq, %get3A_447, %eq3A_1721 : vector<500x1xi32>
      %eq3A_1723 = vector.broadcast %while3A_1720 : i32 to vector<64x1xi32>
      %eq3A_1724 = arith.cmpi eq, %iota3A, %eq3A_1723 : vector<64x1xi32>
      %jit3A_1725 = arith.constant 0xFF800000 : f32
      %broadcast_in_dim3A_1726 = vector.shape_cast %eq3A_1722 : vector<500x1xi1> to vector<500x1xi1>
      %broadcast_in_dim3A_1727 = vector.broadcast %broadcast_in_dim3A_1726 : vector<500x1xi1> to vector<500x128xi1>
      %broadcast_in_dim3A_1728 = vector.broadcast %jit3A_1725 : f32 to vector<500x128xf32>
      %select_n3A_1729 = arith.select %broadcast_in_dim3A_1727, %mul3A_434, %broadcast_in_dim3A_1728 : vector<500x128xi1>, vector<500x128xf32>
      %reduce_max3A_1730 = arith.constant dense<0xFF800000> : vector<128xf32>
      %reduce_max3A_1731 = vector.multi_reduction <maximumf>, %select_n3A_1729, %reduce_max3A_1730 [0] : vector<500x128xf32> to vector<128xf32>
      %broadcast_in_dim3A_1732 = vector.shape_cast %reduce_max3A_1731 : vector<128xf32> to vector<1x128xf32>
      %jit3A_1733 = arith.constant 0xFF800000 : f32
      %broadcast_in_dim3A_1734 = vector.shape_cast %eq3A_1722 : vector<500x1xi1> to vector<500x1xi1>
      %broadcast_in_dim3A_1735 = vector.broadcast %broadcast_in_dim3A_1734 : vector<500x1xi1> to vector<500x128xi1>
      %broadcast_in_dim3A_1736 = vector.broadcast %jit3A_1733 : f32 to vector<500x128xf32>
      %select_n3A_1737 = arith.select %broadcast_in_dim3A_1735, %mul3A_439, %broadcast_in_dim3A_1736 : vector<500x128xi1>, vector<500x128xf32>
      %reduce_max3A_1738 = arith.constant dense<0xFF800000> : vector<128xf32>
      %reduce_max3A_1739 = vector.multi_reduction <maximumf>, %select_n3A_1737, %reduce_max3A_1738 [0] : vector<500x128xf32> to vector<128xf32>
      %broadcast_in_dim3A_1740 = vector.shape_cast %reduce_max3A_1739 : vector<128xf32> to vector<1x128xf32>
      %jit3A_1741 = arith.constant 0xFF800000 : f32
      %broadcast_in_dim3A_1742 = vector.shape_cast %eq3A_1722 : vector<500x1xi1> to vector<500x1xi1>
      %broadcast_in_dim3A_1743 = vector.broadcast %broadcast_in_dim3A_1742 : vector<500x1xi1> to vector<500x128xi1>
      %broadcast_in_dim3A_1744 = vector.broadcast %jit3A_1741 : f32 to vector<500x128xf32>
      %select_n3A_1745 = arith.select %broadcast_in_dim3A_1743, %mul3A_444, %broadcast_in_dim3A_1744 : vector<500x128xi1>, vector<500x128xf32>
      %reduce_max3A_1746 = arith.constant dense<0xFF800000> : vector<128xf32>
      %reduce_max3A_1747 = vector.multi_reduction <maximumf>, %select_n3A_1745, %reduce_max3A_1746 [0] : vector<500x128xf32> to vector<128xf32>
      %broadcast_in_dim3A_1748 = vector.shape_cast %reduce_max3A_1747 : vector<128xf32> to vector<1x128xf32>
      %concatenate3A_1749 = tpu.concatenate %broadcast_in_dim3A_1732, %broadcast_in_dim3A_1740, %broadcast_in_dim3A_1748 in 1 : vector<1x128xf32>, vector<1x128xf32>, vector<1x128xf32> -> vector<1x384xf32>
      %get3A_1750 = arith.constant 0 : index
      %get3A_1751 = arith.constant 0 : index
      %get3A_1752 = vector.load %arg10[%get3A_1750, %get3A_1751] : memref<64x384xf32, #tpu.memory_space<vmem>>, vector<64x384xf32>
      %jit3A_1753 = arith.constant 0xFF800000 : f32
      %broadcast_in_dim3A_1754 = vector.shape_cast %eq3A_1724 : vector<64x1xi1> to vector<64x1xi1>
      %broadcast_in_dim3A_1755 = vector.broadcast %broadcast_in_dim3A_1754 : vector<64x1xi1> to vector<64x384xi1>
      %broadcast_in_dim3A_1756 = vector.shape_cast %concatenate3A_1749 : vector<1x384xf32> to vector<1x384xf32>
      %broadcast_in_dim3A_1757 = vector.broadcast %broadcast_in_dim3A_1756 : vector<1x384xf32> to vector<64x384xf32>
      %broadcast_in_dim3A_1758 = vector.broadcast %jit3A_1753 : f32 to vector<64x384xf32>
      %select_n3A_1759 = arith.select %broadcast_in_dim3A_1755, %broadcast_in_dim3A_1757, %broadcast_in_dim3A_1758 : vector<64x384xi1>, vector<64x384xf32>
      %max3A_1760 = arith.maximumf %get3A_1752, %select_n3A_1759 : vector<64x384xf32>
      %swap3A_1761 = arith.constant 0 : index
      %swap3A_1762 = arith.constant 0 : index
      %swap3A_1763 = vector.load %arg10[%swap3A_1761, %swap3A_1762] : memref<64x384xf32, #tpu.memory_space<vmem>>, vector<64x384xf32>
      tpu.vector_store %arg10[%swap3A_1761, %swap3A_1762], %max3A_1760 {strides = array<i32>} : memref<64x384xf32, #tpu.memory_space<vmem>>, vector<64x384xf32>,
    }
    %while3A_512 = arith.constant 1 : i32
    scf.for %while3A_1720 = %while3A_510 to %while3A_506 step %while3A_512  : i32 {
      %eq3A_1721 = vector.broadcast %while3A_1720 : i32 to vector<500x1xi32>
      %eq3A_1722 = arith.cmpi eq, %get3A_447, %eq3A_1721 : vector<500x1xi32>
      %eq3A_1723 = vector.broadcast %while3A_1720 : i32 to vector<64x1xi32>
      %eq3A_1724 = arith.cmpi eq, %iota3A, %eq3A_1723 : vector<64x1xi32>
      %jit3A_1725 = arith.constant 0xFF800000 : f32
      %broadcast_in_dim3A_1726 = vector.shape_cast %eq3A_1722 : vector<500x1xi1> to vector<500x1xi1>
      %broadcast_in_dim3A_1727 = vector.broadcast %broadcast_in_dim3A_1726 : vector<500x1xi1> to vector<500x128xi1>
      %broadcast_in_dim3A_1728 = vector.broadcast %jit3A_1725 : f32 to vector<500x128xf32>
      %select_n3A_1729 = arith.select %broadcast_in_dim3A_1727, %mul3A_434, %broadcast_in_dim3A_1728 : vector<500x128xi1>, vector<500x128xf32>
      %reduce_max3A_1730 = arith.constant dense<0xFF800000> : vector<128xf32>
      %reduce_max3A_1731 = vector.multi_reduction <maximumf>, %select_n3A_1729, %reduce_max3A_1730 [0] : vector<500x128xf32> to vector<128xf32>
      %broadcast_in_dim3A_1732 = vector.shape_cast %reduce_max3A_1731 : vector<128xf32> to vector<1x128xf32>
      %jit3A_1733 = arith.constant 0xFF800000 : f32
      %broadcast_in_dim3A_1734 = vector.shape_cast %eq3A_1722 : vector<500x1xi1> to vector<500x1xi1>
      %broadcast_in_dim3A_1735 = vector.broadcast %broadcast_in_dim3A_1734 : vector<500x1xi1> to vector<500x128xi1>
      %broadcast_in_dim3A_1736 = vector.broadcast %jit3A_1733 : f32 to vector<500x128xf32>
      %select_n3A_1737 = arith.select %broadcast_in_dim3A_1735, %mul3A_439, %broadcast_in_dim3A_1736 : vector<500x128xi1>, vector<500x128xf32>
      %reduce_max3A_1738 = arith.constant dense<0xFF800000> : vector<128xf32>
      %reduce_max3A_1739 = vector.multi_reduction <maximumf>, %select_n3A_1737, %reduce_max3A_1738 [0] : vector<500x128xf32> to vector<128xf32>
      %broadcast_in_dim3A_1740 = vector.shape_cast %reduce_max3A_1739 : vector<128xf32> to vector<1x128xf32>
      %jit3A_1741 = arith.constant 0xFF800000 : f32
      %broadcast_in_dim3A_1742 = vector.shape_cast %eq3A_1722 : vector<500x1xi1> to vector<500x1xi1>
      %broadcast_in_dim3A_1743 = vector.broadcast %broadcast_in_dim3A_1742 : vector<500x1xi1> to vector<500x128xi1>
      %broadcast_in_dim3A_1744 = vector.broadcast %jit3A_1741 : f32 to vector<500x128xf32>
      %select_n3A_1745 = arith.select %broadcast_in_dim3A_1743, %mul3A_444, %broadcast_in_dim3A_1744 : vector<500x128xi1>, vector<500x128xf32>
      %reduce_max3A_1746 = arith.constant dense<0xFF800000> : vector<128xf32>
      %reduce_max3A_1747 = vector.multi_reduction <maximumf>, %select_n3A_1745, %reduce_max3A_1746 [0] : vector<500x128xf32> to vector<128xf32>
      %broadcast_in_dim3A_1748 = vector.shape_cast %reduce_max3A_1747 : vector<128xf32> to vector<1x128xf32>
      %concatenate3A_1749 = tpu.concatenate %broadcast_in_dim3A_1732, %broadcast_in_dim3A_1740, %broadcast_in_dim3A_1748 in 1 : vector<1x128xf32>, vector<1x128xf32>, vector<1x128xf32> -> vector<1x384xf32>
      %get3A_1750 = arith.constant 0 : index
      %get3A_1751 = arith.constant 0 : index
      %get3A_1752 = vector.load %arg10[%get3A_1750, %get3A_1751] : memref<64x384xf32, #tpu.memory_space<vmem>>, vector<64x384xf32>
      %jit3A_1753 = arith.constant 0xFF800000 : f32
      %broadcast_in_dim3A_1754 = vector.shape_cast %eq3A_1724 : vector<64x1xi1> to vector<64x1xi1>
      %broadcast_in_dim3A_1755 = vector.broadcast %broadcast_in_dim3A_1754 : vector<64x1xi1> to vector<64x384xi1>
      %broadcast_in_dim3A_1756 = vector.shape_cast %concatenate3A_1749 : vector<1x384xf32> to vector<1x384xf32>
      %broadcast_in_dim3A_1757 = vector.broadcast %broadcast_in_dim3A_1756 : vector<1x384xf32> to vector<64x384xf32>
      %broadcast_in_dim3A_1758 = vector.broadcast %jit3A_1753 : f32 to vector<64x384xf32>
      %select_n3A_1759 = arith.select %broadcast_in_dim3A_1755, %broadcast_in_dim3A_1757, %broadcast_in_dim3A_1758 : vector<64x384xi1>, vector<64x384xf32>
      %max3A_1760 = arith.maximumf %get3A_1752, %select_n3A_1759 : vector<64x384xf32>
      %swap3A_1761 = arith.constant 0 : index
      %swap3A_1762 = arith.constant 0 : index
      %swap3A_1763 = vector.load %arg10[%swap3A_1761, %swap3A_1762] : memref<64x384xf32, #tpu.memory_space<vmem>>, vector<64x384xf32>
      tpu.vector_store %arg10[%swap3A_1761, %swap3A_1762], %max3A_1760 {strides = array<i32>} : memref<64x384xf32, #tpu.memory_space<vmem>>, vector<64x384xf32>,
    }
    %slice3A_513 = vector.extract_strided_slice %tanh3A {offsets = [3000, 0], sizes = [500, 1], strides = [1, 1]} : vector<10000x1xf32> to vector<500x1xf32>
    %get3A_514 = arith.constant 3000 : index
    %get3A_515 = arith.constant 0 : index
    %get3A_516 = vector.load %arg0[%get3A_514, %get3A_515] : memref<10240x128xf32, #tpu.memory_space<vmem>>, vector<500x128xf32>
    %mul3A_517 = vector.broadcast %slice3A_513 : vector<500x1xf32> to vector<500x128xf32>
    %mul3A_518 = arith.mulf %get3A_516, %mul3A_517 : vector<500x128xf32>
    %get3A_519 = arith.constant 3000 : index
    %get3A_520 = arith.constant 0 : index
    %get3A_521 = vector.load %arg1[%get3A_519, %get3A_520] : memref<10240x128xf32, #tpu.memory_space<vmem>>, vector<500x128xf32>
    %mul3A_522 = vector.broadcast %slice3A_513 : vector<500x1xf32> to vector<500x128xf32>
    %mul3A_523 = arith.mulf %get3A_521, %mul3A_522 : vector<500x128xf32>
    %get3A_524 = arith.constant 3000 : index
    %get3A_525 = arith.constant 0 : index
    %get3A_526 = vector.load %arg2[%get3A_524, %get3A_525] : memref<10240x128xf32, #tpu.memory_space<vmem>>, vector<500x128xf32>
    %mul3A_527 = vector.broadcast %slice3A_513 : vector<500x1xf32> to vector<500x128xf32>
    %mul3A_528 = arith.mulf %get3A_526, %mul3A_527 : vector<500x128xf32>
    %get3A_529 = arith.constant 3000 : index
    %get3A_530 = arith.constant 0 : index
    %get3A_531 = vector.load %arg5[%get3A_529, %get3A_530] : memref<10000x1xi32, #tpu.memory_space<vmem>>, vector<500x1xi32>
    %eq3A_532 = vector.broadcast %get3A_531 : vector<500x1xi32> to vector<500x64xi32>
    %eq3A_533 = vector.broadcast %iota3A_18 : vector<1x64xi32> to vector<500x64xi32>
    %eq3A_534 = arith.cmpi eq, %eq3A_532, %eq3A_533 : vector<500x64xi32>
    %convert_element_type3A_535 = arith.extui %eq3A_534 : vector<500x64xi1> to vector<500x64xi32>
    %convert_element_type3A_536 = arith.sitofp %convert_element_type3A_535 : vector<500x64xi32> to vector<500x64xf32>
    %get3A_537 = arith.constant 0 : index
    %get3A_538 = arith.constant 0 : index
    %get3A_539 = vector.load %arg9[%get3A_537, %get3A_538] : memref<64x384xf32, #tpu.memory_space<vmem>>, vector<64x128xf32>
    %dot_general3A_540 = arith.constant dense<0.000000e+00> : vector<64x128xf32>
    %dot_general3A_541 = tpu.matmul %convert_element_type3A_536, %mul3A_518, %dot_general3A_540 {dimension_numbers = #tpu.dot_dimension_numbers<[0], [0], [1], [1], [0, 1, 1, 1], [], []>, transpose_lhs_hint = false} : vector<500x64xf32>, vector<500x128xf32>, vector<64x128xf32> -> vector<64x128xf32>
    %add3A_542 = arith.addf %get3A_539, %dot_general3A_541 : vector<64x128xf32>
    %swap3A_543 = arith.constant 0 : index
    %swap3A_544 = arith.constant 0 : index
    %swap3A_545 = vector.load %arg9[%swap3A_543, %swap3A_544] : memref<64x384xf32, #tpu.memory_space<vmem>>, vector<64x128xf32>
    tpu.vector_store %arg9[%swap3A_543, %swap3A_544], %add3A_542 {strides = array<i32>} : memref<64x384xf32, #tpu.memory_space<vmem>>, vector<64x128xf32>,
    %get3A_546 = arith.constant 0 : index
    %get3A_547 = arith.constant 128 : index
    %get3A_548 = vector.load %arg9[%get3A_546, %get3A_547] : memref<64x384xf32, #tpu.memory_space<vmem>>, vector<64x128xf32>
    %dot_general3A_549 = arith.constant dense<0.000000e+00> : vector<64x128xf32>
    %dot_general3A_550 = tpu.matmul %convert_element_type3A_536, %mul3A_523, %dot_general3A_549 {dimension_numbers = #tpu.dot_dimension_numbers<[0], [0], [1], [1], [0, 1, 1, 1], [], []>, transpose_lhs_hint = false} : vector<500x64xf32>, vector<500x128xf32>, vector<64x128xf32> -> vector<64x128xf32>
    %add3A_551 = arith.addf %get3A_548, %dot_general3A_550 : vector<64x128xf32>
    %swap3A_552 = arith.constant 0 : index
    %swap3A_553 = arith.constant 128 : index
    %swap3A_554 = vector.load %arg9[%swap3A_552, %swap3A_553] : memref<64x384xf32, #tpu.memory_space<vmem>>, vector<64x128xf32>
    tpu.vector_store %arg9[%swap3A_552, %swap3A_553], %add3A_551 {strides = array<i32>} : memref<64x384xf32, #tpu.memory_space<vmem>>, vector<64x128xf32>,
    %get3A_555 = arith.constant 0 : index
    %get3A_556 = arith.constant 256 : index
    %get3A_557 = vector.load %arg9[%get3A_555, %get3A_556] : memref<64x384xf32, #tpu.memory_space<vmem>>, vector<64x128xf32>
    %dot_general3A_558 = arith.constant dense<0.000000e+00> : vector<64x128xf32>
    %dot_general3A_559 = tpu.matmul %convert_element_type3A_536, %mul3A_528, %dot_general3A_558 {dimension_numbers = #tpu.dot_dimension_numbers<[0], [0], [1], [1], [0, 1, 1, 1], [], []>, transpose_lhs_hint = false} : vector<500x64xf32>, vector<500x128xf32>, vector<64x128xf32> -> vector<64x128xf32>
    %add3A_560 = arith.addf %get3A_557, %dot_general3A_559 : vector<64x128xf32>
    %swap3A_561 = arith.constant 0 : index
    %swap3A_562 = arith.constant 256 : index
    %swap3A_563 = vector.load %arg9[%swap3A_561, %swap3A_562] : memref<64x384xf32, #tpu.memory_space<vmem>>, vector<64x128xf32>
    tpu.vector_store %arg9[%swap3A_561, %swap3A_562], %add3A_560 {strides = array<i32>} : memref<64x384xf32, #tpu.memory_space<vmem>>, vector<64x128xf32>,
    %get3A_564 = arith.constant 0 : index
    %get3A_565 = arith.constant 0 : index
    %get3A_566 = vector.load %arg11[%get3A_564, %get3A_565] : memref<64x128xf32, #tpu.memory_space<vmem>>, vector<64x128xf32>
    %reduce_sum3A_567 = arith.constant dense<0.000000e+00> : vector<64xf32>
    %reduce_sum3A_568 = vector.multi_reduction <add>, %convert_element_type3A_536, %reduce_sum3A_567 [0] : vector<500x64xf32> to vector<64xf32>
    %broadcast_in_dim3A_569 = vector.shape_cast %reduce_sum3A_568 : vector<64xf32> to vector<1x64xf32>
    %transpose3A_570 = tpu.transpose %broadcast_in_dim3A_569, [1, 0] : vector<1x64xf32> -> vector<64x1xf32>
    %add3A_571 = vector.broadcast %transpose3A_570 : vector<64x1xf32> to vector<64x128xf32>
    %add3A_572 = arith.addf %get3A_566, %add3A_571 : vector<64x128xf32>
    %swap3A_573 = arith.constant 0 : index
    %swap3A_574 = arith.constant 0 : index
    %swap3A_575 = vector.load %arg11[%swap3A_573, %swap3A_574] : memref<64x128xf32, #tpu.memory_space<vmem>>, vector<64x128xf32>
    tpu.vector_store %arg11[%swap3A_573, %swap3A_574], %add3A_572 {strides = array<i32>} : memref<64x128xf32, #tpu.memory_space<vmem>>, vector<64x128xf32>,
    %reduce_min3A_576 = vector.shape_cast %get3A_531 : vector<500x1xi32> to vector<1x500x1xi32>
    %reduce_min3A_577 = arith.constant dense<2147483647> : vector<1xi32>
    %reduce_min3A_578 = vector.multi_reduction <minsi>, %reduce_min3A_576, %reduce_min3A_577 [1, 2] : vector<1x500x1xi32> to vector<1xi32>
    %reduce_min3A_579 = vector.shape_cast %reduce_min3A_578 : vector<1xi32> to vector<1x1x1xi32>
    %reduce_min3A_580 = vector.extract %reduce_min3A_579[0, 0, 0] : i32 from vector<1x1x1xi32>
    %reduce_max3A_581 = vector.shape_cast %get3A_531 : vector<500x1xi32> to vector<1x500x1xi32>
    %reduce_max3A_582 = arith.constant dense<-2147483648> : vector<1xi32>
    %reduce_max3A_583 = vector.multi_reduction <maxsi>, %reduce_max3A_581, %reduce_max3A_582 [1, 2] : vector<1x500x1xi32> to vector<1xi32>
    %reduce_max3A_584 = vector.shape_cast %reduce_max3A_583 : vector<1xi32> to vector<1x1x1xi32>
    %reduce_max3A_585 = vector.extract %reduce_max3A_584[0, 0, 0] : i32 from vector<1x1x1xi32>
    %add3A_586 = arith.constant 1 : i32
    %add3A_587 = arith.addi %reduce_max3A_585, %add3A_586 : i32
    %while3A_588 = arith.constant 0 : i32
    %while3A_589 = arith.subi %add3A_587, %reduce_min3A_580 : i32
    %while3A_590 = arith.addi %reduce_min3A_580, %while3A_589 : i32
    %while3A_591 = arith.constant 1 : i32
    %while3A_592 = arith.divsi %while3A_589, %while3A_591 : i32
    %while3A_593 = arith.muli %while3A_592, %while3A_591 : i32
    %while3A_594 = arith.addi %reduce_min3A_580, %while3A_593 : i32
    %while3A_595 = arith.constant 1 : i32
    scf.for %while3A_1720 = %reduce_min3A_580 to %while3A_594 step %while3A_595  : i32 {
      %eq3A_1721 = vector.broadcast %while3A_1720 : i32 to vector<500x1xi32>
      %eq3A_1722 = arith.cmpi eq, %get3A_531, %eq3A_1721 : vector<500x1xi32>
      %eq3A_1723 = vector.broadcast %while3A_1720 : i32 to vector<64x1xi32>
      %eq3A_1724 = arith.cmpi eq, %iota3A, %eq3A_1723 : vector<64x1xi32>
      %jit3A_1725 = arith.constant 0xFF800000 : f32
      %broadcast_in_dim3A_1726 = vector.shape_cast %eq3A_1722 : vector<500x1xi1> to vector<500x1xi1>
      %broadcast_in_dim3A_1727 = vector.broadcast %broadcast_in_dim3A_1726 : vector<500x1xi1> to vector<500x128xi1>
      %broadcast_in_dim3A_1728 = vector.broadcast %jit3A_1725 : f32 to vector<500x128xf32>
      %select_n3A_1729 = arith.select %broadcast_in_dim3A_1727, %mul3A_518, %broadcast_in_dim3A_1728 : vector<500x128xi1>, vector<500x128xf32>
      %reduce_max3A_1730 = arith.constant dense<0xFF800000> : vector<128xf32>
      %reduce_max3A_1731 = vector.multi_reduction <maximumf>, %select_n3A_1729, %reduce_max3A_1730 [0] : vector<500x128xf32> to vector<128xf32>
      %broadcast_in_dim3A_1732 = vector.shape_cast %reduce_max3A_1731 : vector<128xf32> to vector<1x128xf32>
      %jit3A_1733 = arith.constant 0xFF800000 : f32
      %broadcast_in_dim3A_1734 = vector.shape_cast %eq3A_1722 : vector<500x1xi1> to vector<500x1xi1>
      %broadcast_in_dim3A_1735 = vector.broadcast %broadcast_in_dim3A_1734 : vector<500x1xi1> to vector<500x128xi1>
      %broadcast_in_dim3A_1736 = vector.broadcast %jit3A_1733 : f32 to vector<500x128xf32>
      %select_n3A_1737 = arith.select %broadcast_in_dim3A_1735, %mul3A_523, %broadcast_in_dim3A_1736 : vector<500x128xi1>, vector<500x128xf32>
      %reduce_max3A_1738 = arith.constant dense<0xFF800000> : vector<128xf32>
      %reduce_max3A_1739 = vector.multi_reduction <maximumf>, %select_n3A_1737, %reduce_max3A_1738 [0] : vector<500x128xf32> to vector<128xf32>
      %broadcast_in_dim3A_1740 = vector.shape_cast %reduce_max3A_1739 : vector<128xf32> to vector<1x128xf32>
      %jit3A_1741 = arith.constant 0xFF800000 : f32
      %broadcast_in_dim3A_1742 = vector.shape_cast %eq3A_1722 : vector<500x1xi1> to vector<500x1xi1>
      %broadcast_in_dim3A_1743 = vector.broadcast %broadcast_in_dim3A_1742 : vector<500x1xi1> to vector<500x128xi1>
      %broadcast_in_dim3A_1744 = vector.broadcast %jit3A_1741 : f32 to vector<500x128xf32>
      %select_n3A_1745 = arith.select %broadcast_in_dim3A_1743, %mul3A_528, %broadcast_in_dim3A_1744 : vector<500x128xi1>, vector<500x128xf32>
      %reduce_max3A_1746 = arith.constant dense<0xFF800000> : vector<128xf32>
      %reduce_max3A_1747 = vector.multi_reduction <maximumf>, %select_n3A_1745, %reduce_max3A_1746 [0] : vector<500x128xf32> to vector<128xf32>
      %broadcast_in_dim3A_1748 = vector.shape_cast %reduce_max3A_1747 : vector<128xf32> to vector<1x128xf32>
      %concatenate3A_1749 = tpu.concatenate %broadcast_in_dim3A_1732, %broadcast_in_dim3A_1740, %broadcast_in_dim3A_1748 in 1 : vector<1x128xf32>, vector<1x128xf32>, vector<1x128xf32> -> vector<1x384xf32>
      %get3A_1750 = arith.constant 0 : index
      %get3A_1751 = arith.constant 0 : index
      %get3A_1752 = vector.load %arg10[%get3A_1750, %get3A_1751] : memref<64x384xf32, #tpu.memory_space<vmem>>, vector<64x384xf32>
      %jit3A_1753 = arith.constant 0xFF800000 : f32
      %broadcast_in_dim3A_1754 = vector.shape_cast %eq3A_1724 : vector<64x1xi1> to vector<64x1xi1>
      %broadcast_in_dim3A_1755 = vector.broadcast %broadcast_in_dim3A_1754 : vector<64x1xi1> to vector<64x384xi1>
      %broadcast_in_dim3A_1756 = vector.shape_cast %concatenate3A_1749 : vector<1x384xf32> to vector<1x384xf32>
      %broadcast_in_dim3A_1757 = vector.broadcast %broadcast_in_dim3A_1756 : vector<1x384xf32> to vector<64x384xf32>
      %broadcast_in_dim3A_1758 = vector.broadcast %jit3A_1753 : f32 to vector<64x384xf32>
      %select_n3A_1759 = arith.select %broadcast_in_dim3A_1755, %broadcast_in_dim3A_1757, %broadcast_in_dim3A_1758 : vector<64x384xi1>, vector<64x384xf32>
      %max3A_1760 = arith.maximumf %get3A_1752, %select_n3A_1759 : vector<64x384xf32>
      %swap3A_1761 = arith.constant 0 : index
      %swap3A_1762 = arith.constant 0 : index
      %swap3A_1763 = vector.load %arg10[%swap3A_1761, %swap3A_1762] : memref<64x384xf32, #tpu.memory_space<vmem>>, vector<64x384xf32>
      tpu.vector_store %arg10[%swap3A_1761, %swap3A_1762], %max3A_1760 {strides = array<i32>} : memref<64x384xf32, #tpu.memory_space<vmem>>, vector<64x384xf32>,
    }
    %while3A_596 = arith.constant 1 : i32
    scf.for %while3A_1720 = %while3A_594 to %while3A_590 step %while3A_596  : i32 {
      %eq3A_1721 = vector.broadcast %while3A_1720 : i32 to vector<500x1xi32>
      %eq3A_1722 = arith.cmpi eq, %get3A_531, %eq3A_1721 : vector<500x1xi32>
      %eq3A_1723 = vector.broadcast %while3A_1720 : i32 to vector<64x1xi32>
      %eq3A_1724 = arith.cmpi eq, %iota3A, %eq3A_1723 : vector<64x1xi32>
      %jit3A_1725 = arith.constant 0xFF800000 : f32
      %broadcast_in_dim3A_1726 = vector.shape_cast %eq3A_1722 : vector<500x1xi1> to vector<500x1xi1>
      %broadcast_in_dim3A_1727 = vector.broadcast %broadcast_in_dim3A_1726 : vector<500x1xi1> to vector<500x128xi1>
      %broadcast_in_dim3A_1728 = vector.broadcast %jit3A_1725 : f32 to vector<500x128xf32>
      %select_n3A_1729 = arith.select %broadcast_in_dim3A_1727, %mul3A_518, %broadcast_in_dim3A_1728 : vector<500x128xi1>, vector<500x128xf32>
      %reduce_max3A_1730 = arith.constant dense<0xFF800000> : vector<128xf32>
      %reduce_max3A_1731 = vector.multi_reduction <maximumf>, %select_n3A_1729, %reduce_max3A_1730 [0] : vector<500x128xf32> to vector<128xf32>
      %broadcast_in_dim3A_1732 = vector.shape_cast %reduce_max3A_1731 : vector<128xf32> to vector<1x128xf32>
      %jit3A_1733 = arith.constant 0xFF800000 : f32
      %broadcast_in_dim3A_1734 = vector.shape_cast %eq3A_1722 : vector<500x1xi1> to vector<500x1xi1>
      %broadcast_in_dim3A_1735 = vector.broadcast %broadcast_in_dim3A_1734 : vector<500x1xi1> to vector<500x128xi1>
      %broadcast_in_dim3A_1736 = vector.broadcast %jit3A_1733 : f32 to vector<500x128xf32>
      %select_n3A_1737 = arith.select %broadcast_in_dim3A_1735, %mul3A_523, %broadcast_in_dim3A_1736 : vector<500x128xi1>, vector<500x128xf32>
      %reduce_max3A_1738 = arith.constant dense<0xFF800000> : vector<128xf32>
      %reduce_max3A_1739 = vector.multi_reduction <maximumf>, %select_n3A_1737, %reduce_max3A_1738 [0] : vector<500x128xf32> to vector<128xf32>
      %broadcast_in_dim3A_1740 = vector.shape_cast %reduce_max3A_1739 : vector<128xf32> to vector<1x128xf32>
      %jit3A_1741 = arith.constant 0xFF800000 : f32
      %broadcast_in_dim3A_1742 = vector.shape_cast %eq3A_1722 : vector<500x1xi1> to vector<500x1xi1>
      %broadcast_in_dim3A_1743 = vector.broadcast %broadcast_in_dim3A_1742 : vector<500x1xi1> to vector<500x128xi1>
      %broadcast_in_dim3A_1744 = vector.broadcast %jit3A_1741 : f32 to vector<500x128xf32>
      %select_n3A_1745 = arith.select %broadcast_in_dim3A_1743, %mul3A_528, %broadcast_in_dim3A_1744 : vector<500x128xi1>, vector<500x128xf32>
      %reduce_max3A_1746 = arith.constant dense<0xFF800000> : vector<128xf32>
      %reduce_max3A_1747 = vector.multi_reduction <maximumf>, %select_n3A_1745, %reduce_max3A_1746 [0] : vector<500x128xf32> to vector<128xf32>
      %broadcast_in_dim3A_1748 = vector.shape_cast %reduce_max3A_1747 : vector<128xf32> to vector<1x128xf32>
      %concatenate3A_1749 = tpu.concatenate %broadcast_in_dim3A_1732, %broadcast_in_dim3A_1740, %broadcast_in_dim3A_1748 in 1 : vector<1x128xf32>, vector<1x128xf32>, vector<1x128xf32> -> vector<1x384xf32>
      %get3A_1750 = arith.constant 0 : index
      %get3A_1751 = arith.constant 0 : index
      %get3A_1752 = vector.load %arg10[%get3A_1750, %get3A_1751] : memref<64x384xf32, #tpu.memory_space<vmem>>, vector<64x384xf32>
      %jit3A_1753 = arith.constant 0xFF800000 : f32
      %broadcast_in_dim3A_1754 = vector.shape_cast %eq3A_1724 : vector<64x1xi1> to vector<64x1xi1>
      %broadcast_in_dim3A_1755 = vector.broadcast %broadcast_in_dim3A_1754 : vector<64x1xi1> to vector<64x384xi1>
      %broadcast_in_dim3A_1756 = vector.shape_cast %concatenate3A_1749 : vector<1x384xf32> to vector<1x384xf32>
      %broadcast_in_dim3A_1757 = vector.broadcast %broadcast_in_dim3A_1756 : vector<1x384xf32> to vector<64x384xf32>
      %broadcast_in_dim3A_1758 = vector.broadcast %jit3A_1753 : f32 to vector<64x384xf32>
      %select_n3A_1759 = arith.select %broadcast_in_dim3A_1755, %broadcast_in_dim3A_1757, %broadcast_in_dim3A_1758 : vector<64x384xi1>, vector<64x384xf32>
      %max3A_1760 = arith.maximumf %get3A_1752, %select_n3A_1759 : vector<64x384xf32>
      %swap3A_1761 = arith.constant 0 : index
      %swap3A_1762 = arith.constant 0 : index
      %swap3A_1763 = vector.load %arg10[%swap3A_1761, %swap3A_1762] : memref<64x384xf32, #tpu.memory_space<vmem>>, vector<64x384xf32>
      tpu.vector_store %arg10[%swap3A_1761, %swap3A_1762], %max3A_1760 {strides = array<i32>} : memref<64x384xf32, #tpu.memory_space<vmem>>, vector<64x384xf32>,
    }
    %slice3A_597 = vector.extract_strided_slice %tanh3A {offsets = [3500, 0], sizes = [500, 1], strides = [1, 1]} : vector<10000x1xf32> to vector<500x1xf32>
    %get3A_598 = arith.constant 3500 : index
    %get3A_599 = arith.constant 0 : index
    %get3A_600 = vector.load %arg0[%get3A_598, %get3A_599] : memref<10240x128xf32, #tpu.memory_space<vmem>>, vector<500x128xf32>
    %mul3A_601 = vector.broadcast %slice3A_597 : vector<500x1xf32> to vector<500x128xf32>
    %mul3A_602 = arith.mulf %get3A_600, %mul3A_601 : vector<500x128xf32>
    %get3A_603 = arith.constant 3500 : index
    %get3A_604 = arith.constant 0 : index
    %get3A_605 = vector.load %arg1[%get3A_603, %get3A_604] : memref<10240x128xf32, #tpu.memory_space<vmem>>, vector<500x128xf32>
    %mul3A_606 = vector.broadcast %slice3A_597 : vector<500x1xf32> to vector<500x128xf32>
    %mul3A_607 = arith.mulf %get3A_605, %mul3A_606 : vector<500x128xf32>
    %get3A_608 = arith.constant 3500 : index
    %get3A_609 = arith.constant 0 : index
    %get3A_610 = vector.load %arg2[%get3A_608, %get3A_609] : memref<10240x128xf32, #tpu.memory_space<vmem>>, vector<500x128xf32>
    %mul3A_611 = vector.broadcast %slice3A_597 : vector<500x1xf32> to vector<500x128xf32>
    %mul3A_612 = arith.mulf %get3A_610, %mul3A_611 : vector<500x128xf32>
    %get3A_613 = arith.constant 3500 : index
    %get3A_614 = arith.constant 0 : index
    %get3A_615 = vector.load %arg5[%get3A_613, %get3A_614] : memref<10000x1xi32, #tpu.memory_space<vmem>>, vector<500x1xi32>
    %eq3A_616 = vector.broadcast %get3A_615 : vector<500x1xi32> to vector<500x64xi32>
    %eq3A_617 = vector.broadcast %iota3A_18 : vector<1x64xi32> to vector<500x64xi32>
    %eq3A_618 = arith.cmpi eq, %eq3A_616, %eq3A_617 : vector<500x64xi32>
    %convert_element_type3A_619 = arith.extui %eq3A_618 : vector<500x64xi1> to vector<500x64xi32>
    %convert_element_type3A_620 = arith.sitofp %convert_element_type3A_619 : vector<500x64xi32> to vector<500x64xf32>
    %get3A_621 = arith.constant 0 : index
    %get3A_622 = arith.constant 0 : index
    %get3A_623 = vector.load %arg9[%get3A_621, %get3A_622] : memref<64x384xf32, #tpu.memory_space<vmem>>, vector<64x128xf32>
    %dot_general3A_624 = arith.constant dense<0.000000e+00> : vector<64x128xf32>
    %dot_general3A_625 = tpu.matmul %convert_element_type3A_620, %mul3A_602, %dot_general3A_624 {dimension_numbers = #tpu.dot_dimension_numbers<[0], [0], [1], [1], [0, 1, 1, 1], [], []>, transpose_lhs_hint = false} : vector<500x64xf32>, vector<500x128xf32>, vector<64x128xf32> -> vector<64x128xf32>
    %add3A_626 = arith.addf %get3A_623, %dot_general3A_625 : vector<64x128xf32>
    %swap3A_627 = arith.constant 0 : index
    %swap3A_628 = arith.constant 0 : index
    %swap3A_629 = vector.load %arg9[%swap3A_627, %swap3A_628] : memref<64x384xf32, #tpu.memory_space<vmem>>, vector<64x128xf32>
    tpu.vector_store %arg9[%swap3A_627, %swap3A_628], %add3A_626 {strides = array<i32>} : memref<64x384xf32, #tpu.memory_space<vmem>>, vector<64x128xf32>,
    %get3A_630 = arith.constant 0 : index
    %get3A_631 = arith.constant 128 : index
    %get3A_632 = vector.load %arg9[%get3A_630, %get3A_631] : memref<64x384xf32, #tpu.memory_space<vmem>>, vector<64x128xf32>
    %dot_general3A_633 = arith.constant dense<0.000000e+00> : vector<64x128xf32>
    %dot_general3A_634 = tpu.matmul %convert_element_type3A_620, %mul3A_607, %dot_general3A_633 {dimension_numbers = #tpu.dot_dimension_numbers<[0], [0], [1], [1], [0, 1, 1, 1], [], []>, transpose_lhs_hint = false} : vector<500x64xf32>, vector<500x128xf32>, vector<64x128xf32> -> vector<64x128xf32>
    %add3A_635 = arith.addf %get3A_632, %dot_general3A_634 : vector<64x128xf32>
    %swap3A_636 = arith.constant 0 : index
    %swap3A_637 = arith.constant 128 : index
    %swap3A_638 = vector.load %arg9[%swap3A_636, %swap3A_637] : memref<64x384xf32, #tpu.memory_space<vmem>>, vector<64x128xf32>
    tpu.vector_store %arg9[%swap3A_636, %swap3A_637], %add3A_635 {strides = array<i32>} : memref<64x384xf32, #tpu.memory_space<vmem>>, vector<64x128xf32>,
    %get3A_639 = arith.constant 0 : index
    %get3A_640 = arith.constant 256 : index
    %get3A_641 = vector.load %arg9[%get3A_639, %get3A_640] : memref<64x384xf32, #tpu.memory_space<vmem>>, vector<64x128xf32>
    %dot_general3A_642 = arith.constant dense<0.000000e+00> : vector<64x128xf32>
    %dot_general3A_643 = tpu.matmul %convert_element_type3A_620, %mul3A_612, %dot_general3A_642 {dimension_numbers = #tpu.dot_dimension_numbers<[0], [0], [1], [1], [0, 1, 1, 1], [], []>, transpose_lhs_hint = false} : vector<500x64xf32>, vector<500x128xf32>, vector<64x128xf32> -> vector<64x128xf32>
    %add3A_644 = arith.addf %get3A_641, %dot_general3A_643 : vector<64x128xf32>
    %swap3A_645 = arith.constant 0 : index
    %swap3A_646 = arith.constant 256 : index
    %swap3A_647 = vector.load %arg9[%swap3A_645, %swap3A_646] : memref<64x384xf32, #tpu.memory_space<vmem>>, vector<64x128xf32>
    tpu.vector_store %arg9[%swap3A_645, %swap3A_646], %add3A_644 {strides = array<i32>} : memref<64x384xf32, #tpu.memory_space<vmem>>, vector<64x128xf32>,
    %get3A_648 = arith.constant 0 : index
    %get3A_649 = arith.constant 0 : index
    %get3A_650 = vector.load %arg11[%get3A_648, %get3A_649] : memref<64x128xf32, #tpu.memory_space<vmem>>, vector<64x128xf32>
    %reduce_sum3A_651 = arith.constant dense<0.000000e+00> : vector<64xf32>
    %reduce_sum3A_652 = vector.multi_reduction <add>, %convert_element_type3A_620, %reduce_sum3A_651 [0] : vector<500x64xf32> to vector<64xf32>
    %broadcast_in_dim3A_653 = vector.shape_cast %reduce_sum3A_652 : vector<64xf32> to vector<1x64xf32>
    %transpose3A_654 = tpu.transpose %broadcast_in_dim3A_653, [1, 0] : vector<1x64xf32> -> vector<64x1xf32>
    %add3A_655 = vector.broadcast %transpose3A_654 : vector<64x1xf32> to vector<64x128xf32>
    %add3A_656 = arith.addf %get3A_650, %add3A_655 : vector<64x128xf32>
    %swap3A_657 = arith.constant 0 : index
    %swap3A_658 = arith.constant 0 : index
    %swap3A_659 = vector.load %arg11[%swap3A_657, %swap3A_658] : memref<64x128xf32, #tpu.memory_space<vmem>>, vector<64x128xf32>
    tpu.vector_store %arg11[%swap3A_657, %swap3A_658], %add3A_656 {strides = array<i32>} : memref<64x128xf32, #tpu.memory_space<vmem>>, vector<64x128xf32>,
    %reduce_min3A_660 = vector.shape_cast %get3A_615 : vector<500x1xi32> to vector<1x500x1xi32>
    %reduce_min3A_661 = arith.constant dense<2147483647> : vector<1xi32>
    %reduce_min3A_662 = vector.multi_reduction <minsi>, %reduce_min3A_660, %reduce_min3A_661 [1, 2] : vector<1x500x1xi32> to vector<1xi32>
    %reduce_min3A_663 = vector.shape_cast %reduce_min3A_662 : vector<1xi32> to vector<1x1x1xi32>
    %reduce_min3A_664 = vector.extract %reduce_min3A_663[0, 0, 0] : i32 from vector<1x1x1xi32>
    %reduce_max3A_665 = vector.shape_cast %get3A_615 : vector<500x1xi32> to vector<1x500x1xi32>
    %reduce_max3A_666 = arith.constant dense<-2147483648> : vector<1xi32>
    %reduce_max3A_667 = vector.multi_reduction <maxsi>, %reduce_max3A_665, %reduce_max3A_666 [1, 2] : vector<1x500x1xi32> to vector<1xi32>
    %reduce_max3A_668 = vector.shape_cast %reduce_max3A_667 : vector<1xi32> to vector<1x1x1xi32>
    %reduce_max3A_669 = vector.extract %reduce_max3A_668[0, 0, 0] : i32 from vector<1x1x1xi32>
    %add3A_670 = arith.constant 1 : i32
    %add3A_671 = arith.addi %reduce_max3A_669, %add3A_670 : i32
    %while3A_672 = arith.constant 0 : i32
    %while3A_673 = arith.subi %add3A_671, %reduce_min3A_664 : i32
    %while3A_674 = arith.addi %reduce_min3A_664, %while3A_673 : i32
    %while3A_675 = arith.constant 1 : i32
    %while3A_676 = arith.divsi %while3A_673, %while3A_675 : i32
    %while3A_677 = arith.muli %while3A_676, %while3A_675 : i32
    %while3A_678 = arith.addi %reduce_min3A_664, %while3A_677 : i32
    %while3A_679 = arith.constant 1 : i32
    scf.for %while3A_1720 = %reduce_min3A_664 to %while3A_678 step %while3A_679  : i32 {
      %eq3A_1721 = vector.broadcast %while3A_1720 : i32 to vector<500x1xi32>
      %eq3A_1722 = arith.cmpi eq, %get3A_615, %eq3A_1721 : vector<500x1xi32>
      %eq3A_1723 = vector.broadcast %while3A_1720 : i32 to vector<64x1xi32>
      %eq3A_1724 = arith.cmpi eq, %iota3A, %eq3A_1723 : vector<64x1xi32>
      %jit3A_1725 = arith.constant 0xFF800000 : f32
      %broadcast_in_dim3A_1726 = vector.shape_cast %eq3A_1722 : vector<500x1xi1> to vector<500x1xi1>
      %broadcast_in_dim3A_1727 = vector.broadcast %broadcast_in_dim3A_1726 : vector<500x1xi1> to vector<500x128xi1>
      %broadcast_in_dim3A_1728 = vector.broadcast %jit3A_1725 : f32 to vector<500x128xf32>
      %select_n3A_1729 = arith.select %broadcast_in_dim3A_1727, %mul3A_602, %broadcast_in_dim3A_1728 : vector<500x128xi1>, vector<500x128xf32>
      %reduce_max3A_1730 = arith.constant dense<0xFF800000> : vector<128xf32>
      %reduce_max3A_1731 = vector.multi_reduction <maximumf>, %select_n3A_1729, %reduce_max3A_1730 [0] : vector<500x128xf32> to vector<128xf32>
      %broadcast_in_dim3A_1732 = vector.shape_cast %reduce_max3A_1731 : vector<128xf32> to vector<1x128xf32>
      %jit3A_1733 = arith.constant 0xFF800000 : f32
      %broadcast_in_dim3A_1734 = vector.shape_cast %eq3A_1722 : vector<500x1xi1> to vector<500x1xi1>
      %broadcast_in_dim3A_1735 = vector.broadcast %broadcast_in_dim3A_1734 : vector<500x1xi1> to vector<500x128xi1>
      %broadcast_in_dim3A_1736 = vector.broadcast %jit3A_1733 : f32 to vector<500x128xf32>
      %select_n3A_1737 = arith.select %broadcast_in_dim3A_1735, %mul3A_607, %broadcast_in_dim3A_1736 : vector<500x128xi1>, vector<500x128xf32>
      %reduce_max3A_1738 = arith.constant dense<0xFF800000> : vector<128xf32>
      %reduce_max3A_1739 = vector.multi_reduction <maximumf>, %select_n3A_1737, %reduce_max3A_1738 [0] : vector<500x128xf32> to vector<128xf32>
      %broadcast_in_dim3A_1740 = vector.shape_cast %reduce_max3A_1739 : vector<128xf32> to vector<1x128xf32>
      %jit3A_1741 = arith.constant 0xFF800000 : f32
      %broadcast_in_dim3A_1742 = vector.shape_cast %eq3A_1722 : vector<500x1xi1> to vector<500x1xi1>
      %broadcast_in_dim3A_1743 = vector.broadcast %broadcast_in_dim3A_1742 : vector<500x1xi1> to vector<500x128xi1>
      %broadcast_in_dim3A_1744 = vector.broadcast %jit3A_1741 : f32 to vector<500x128xf32>
      %select_n3A_1745 = arith.select %broadcast_in_dim3A_1743, %mul3A_612, %broadcast_in_dim3A_1744 : vector<500x128xi1>, vector<500x128xf32>
      %reduce_max3A_1746 = arith.constant dense<0xFF800000> : vector<128xf32>
      %reduce_max3A_1747 = vector.multi_reduction <maximumf>, %select_n3A_1745, %reduce_max3A_1746 [0] : vector<500x128xf32> to vector<128xf32>
      %broadcast_in_dim3A_1748 = vector.shape_cast %reduce_max3A_1747 : vector<128xf32> to vector<1x128xf32>
      %concatenate3A_1749 = tpu.concatenate %broadcast_in_dim3A_1732, %broadcast_in_dim3A_1740, %broadcast_in_dim3A_1748 in 1 : vector<1x128xf32>, vector<1x128xf32>, vector<1x128xf32> -> vector<1x384xf32>
      %get3A_1750 = arith.constant 0 : index
      %get3A_1751 = arith.constant 0 : index
      %get3A_1752 = vector.load %arg10[%get3A_1750, %get3A_1751] : memref<64x384xf32, #tpu.memory_space<vmem>>, vector<64x384xf32>
      %jit3A_1753 = arith.constant 0xFF800000 : f32
      %broadcast_in_dim3A_1754 = vector.shape_cast %eq3A_1724 : vector<64x1xi1> to vector<64x1xi1>
      %broadcast_in_dim3A_1755 = vector.broadcast %broadcast_in_dim3A_1754 : vector<64x1xi1> to vector<64x384xi1>
      %broadcast_in_dim3A_1756 = vector.shape_cast %concatenate3A_1749 : vector<1x384xf32> to vector<1x384xf32>
      %broadcast_in_dim3A_1757 = vector.broadcast %broadcast_in_dim3A_1756 : vector<1x384xf32> to vector<64x384xf32>
      %broadcast_in_dim3A_1758 = vector.broadcast %jit3A_1753 : f32 to vector<64x384xf32>
      %select_n3A_1759 = arith.select %broadcast_in_dim3A_1755, %broadcast_in_dim3A_1757, %broadcast_in_dim3A_1758 : vector<64x384xi1>, vector<64x384xf32>
      %max3A_1760 = arith.maximumf %get3A_1752, %select_n3A_1759 : vector<64x384xf32>
      %swap3A_1761 = arith.constant 0 : index
      %swap3A_1762 = arith.constant 0 : index
      %swap3A_1763 = vector.load %arg10[%swap3A_1761, %swap3A_1762] : memref<64x384xf32, #tpu.memory_space<vmem>>, vector<64x384xf32>
      tpu.vector_store %arg10[%swap3A_1761, %swap3A_1762], %max3A_1760 {strides = array<i32>} : memref<64x384xf32, #tpu.memory_space<vmem>>, vector<64x384xf32>,
    }
    %while3A_680 = arith.constant 1 : i32
    scf.for %while3A_1720 = %while3A_678 to %while3A_674 step %while3A_680  : i32 {
      %eq3A_1721 = vector.broadcast %while3A_1720 : i32 to vector<500x1xi32>
      %eq3A_1722 = arith.cmpi eq, %get3A_615, %eq3A_1721 : vector<500x1xi32>
      %eq3A_1723 = vector.broadcast %while3A_1720 : i32 to vector<64x1xi32>
      %eq3A_1724 = arith.cmpi eq, %iota3A, %eq3A_1723 : vector<64x1xi32>
      %jit3A_1725 = arith.constant 0xFF800000 : f32
      %broadcast_in_dim3A_1726 = vector.shape_cast %eq3A_1722 : vector<500x1xi1> to vector<500x1xi1>
      %broadcast_in_dim3A_1727 = vector.broadcast %broadcast_in_dim3A_1726 : vector<500x1xi1> to vector<500x128xi1>
      %broadcast_in_dim3A_1728 = vector.broadcast %jit3A_1725 : f32 to vector<500x128xf32>
      %select_n3A_1729 = arith.select %broadcast_in_dim3A_1727, %mul3A_602, %broadcast_in_dim3A_1728 : vector<500x128xi1>, vector<500x128xf32>
      %reduce_max3A_1730 = arith.constant dense<0xFF800000> : vector<128xf32>
      %reduce_max3A_1731 = vector.multi_reduction <maximumf>, %select_n3A_1729, %reduce_max3A_1730 [0] : vector<500x128xf32> to vector<128xf32>
      %broadcast_in_dim3A_1732 = vector.shape_cast %reduce_max3A_1731 : vector<128xf32> to vector<1x128xf32>
      %jit3A_1733 = arith.constant 0xFF800000 : f32
      %broadcast_in_dim3A_1734 = vector.shape_cast %eq3A_1722 : vector<500x1xi1> to vector<500x1xi1>
      %broadcast_in_dim3A_1735 = vector.broadcast %broadcast_in_dim3A_1734 : vector<500x1xi1> to vector<500x128xi1>
      %broadcast_in_dim3A_1736 = vector.broadcast %jit3A_1733 : f32 to vector<500x128xf32>
      %select_n3A_1737 = arith.select %broadcast_in_dim3A_1735, %mul3A_607, %broadcast_in_dim3A_1736 : vector<500x128xi1>, vector<500x128xf32>
      %reduce_max3A_1738 = arith.constant dense<0xFF800000> : vector<128xf32>
      %reduce_max3A_1739 = vector.multi_reduction <maximumf>, %select_n3A_1737, %reduce_max3A_1738 [0] : vector<500x128xf32> to vector<128xf32>
      %broadcast_in_dim3A_1740 = vector.shape_cast %reduce_max3A_1739 : vector<128xf32> to vector<1x128xf32>
      %jit3A_1741 = arith.constant 0xFF800000 : f32
      %broadcast_in_dim3A_1742 = vector.shape_cast %eq3A_1722 : vector<500x1xi1> to vector<500x1xi1>
      %broadcast_in_dim3A_1743 = vector.broadcast %broadcast_in_dim3A_1742 : vector<500x1xi1> to vector<500x128xi1>
      %broadcast_in_dim3A_1744 = vector.broadcast %jit3A_1741 : f32 to vector<500x128xf32>
      %select_n3A_1745 = arith.select %broadcast_in_dim3A_1743, %mul3A_612, %broadcast_in_dim3A_1744 : vector<500x128xi1>, vector<500x128xf32>
      %reduce_max3A_1746 = arith.constant dense<0xFF800000> : vector<128xf32>
      %reduce_max3A_1747 = vector.multi_reduction <maximumf>, %select_n3A_1745, %reduce_max3A_1746 [0] : vector<500x128xf32> to vector<128xf32>
      %broadcast_in_dim3A_1748 = vector.shape_cast %reduce_max3A_1747 : vector<128xf32> to vector<1x128xf32>
      %concatenate3A_1749 = tpu.concatenate %broadcast_in_dim3A_1732, %broadcast_in_dim3A_1740, %broadcast_in_dim3A_1748 in 1 : vector<1x128xf32>, vector<1x128xf32>, vector<1x128xf32> -> vector<1x384xf32>
      %get3A_1750 = arith.constant 0 : index
      %get3A_1751 = arith.constant 0 : index
      %get3A_1752 = vector.load %arg10[%get3A_1750, %get3A_1751] : memref<64x384xf32, #tpu.memory_space<vmem>>, vector<64x384xf32>
      %jit3A_1753 = arith.constant 0xFF800000 : f32
      %broadcast_in_dim3A_1754 = vector.shape_cast %eq3A_1724 : vector<64x1xi1> to vector<64x1xi1>
      %broadcast_in_dim3A_1755 = vector.broadcast %broadcast_in_dim3A_1754 : vector<64x1xi1> to vector<64x384xi1>
      %broadcast_in_dim3A_1756 = vector.shape_cast %concatenate3A_1749 : vector<1x384xf32> to vector<1x384xf32>
      %broadcast_in_dim3A_1757 = vector.broadcast %broadcast_in_dim3A_1756 : vector<1x384xf32> to vector<64x384xf32>
      %broadcast_in_dim3A_1758 = vector.broadcast %jit3A_1753 : f32 to vector<64x384xf32>
      %select_n3A_1759 = arith.select %broadcast_in_dim3A_1755, %broadcast_in_dim3A_1757, %broadcast_in_dim3A_1758 : vector<64x384xi1>, vector<64x384xf32>
      %max3A_1760 = arith.maximumf %get3A_1752, %select_n3A_1759 : vector<64x384xf32>
      %swap3A_1761 = arith.constant 0 : index
      %swap3A_1762 = arith.constant 0 : index
      %swap3A_1763 = vector.load %arg10[%swap3A_1761, %swap3A_1762] : memref<64x384xf32, #tpu.memory_space<vmem>>, vector<64x384xf32>
      tpu.vector_store %arg10[%swap3A_1761, %swap3A_1762], %max3A_1760 {strides = array<i32>} : memref<64x384xf32, #tpu.memory_space<vmem>>, vector<64x384xf32>,
    }
    %slice3A_681 = vector.extract_strided_slice %tanh3A {offsets = [4000, 0], sizes = [500, 1], strides = [1, 1]} : vector<10000x1xf32> to vector<500x1xf32>
    %get3A_682 = arith.constant 4000 : index
    %get3A_683 = arith.constant 0 : index
    %get3A_684 = vector.load %arg0[%get3A_682, %get3A_683] : memref<10240x128xf32, #tpu.memory_space<vmem>>, vector<500x128xf32>
    %mul3A_685 = vector.broadcast %slice3A_681 : vector<500x1xf32> to vector<500x128xf32>
    %mul3A_686 = arith.mulf %get3A_684, %mul3A_685 : vector<500x128xf32>
    %get3A_687 = arith.constant 4000 : index
    %get3A_688 = arith.constant 0 : index
    %get3A_689 = vector.load %arg1[%get3A_687, %get3A_688] : memref<10240x128xf32, #tpu.memory_space<vmem>>, vector<500x128xf32>
    %mul3A_690 = vector.broadcast %slice3A_681 : vector<500x1xf32> to vector<500x128xf32>
    %mul3A_691 = arith.mulf %get3A_689, %mul3A_690 : vector<500x128xf32>
    %get3A_692 = arith.constant 4000 : index
    %get3A_693 = arith.constant 0 : index
    %get3A_694 = vector.load %arg2[%get3A_692, %get3A_693] : memref<10240x128xf32, #tpu.memory_space<vmem>>, vector<500x128xf32>
    %mul3A_695 = vector.broadcast %slice3A_681 : vector<500x1xf32> to vector<500x128xf32>
    %mul3A_696 = arith.mulf %get3A_694, %mul3A_695 : vector<500x128xf32>
    %get3A_697 = arith.constant 4000 : index
    %get3A_698 = arith.constant 0 : index
    %get3A_699 = vector.load %arg5[%get3A_697, %get3A_698] : memref<10000x1xi32, #tpu.memory_space<vmem>>, vector<500x1xi32>
    %eq3A_700 = vector.broadcast %get3A_699 : vector<500x1xi32> to vector<500x64xi32>
    %eq3A_701 = vector.broadcast %iota3A_18 : vector<1x64xi32> to vector<500x64xi32>
    %eq3A_702 = arith.cmpi eq, %eq3A_700, %eq3A_701 : vector<500x64xi32>
    %convert_element_type3A_703 = arith.extui %eq3A_702 : vector<500x64xi1> to vector<500x64xi32>
    %convert_element_type3A_704 = arith.sitofp %convert_element_type3A_703 : vector<500x64xi32> to vector<500x64xf32>
    %get3A_705 = arith.constant 0 : index
    %get3A_706 = arith.constant 0 : index
    %get3A_707 = vector.load %arg9[%get3A_705, %get3A_706] : memref<64x384xf32, #tpu.memory_space<vmem>>, vector<64x128xf32>
    %dot_general3A_708 = arith.constant dense<0.000000e+00> : vector<64x128xf32>
    %dot_general3A_709 = tpu.matmul %convert_element_type3A_704, %mul3A_686, %dot_general3A_708 {dimension_numbers = #tpu.dot_dimension_numbers<[0], [0], [1], [1], [0, 1, 1, 1], [], []>, transpose_lhs_hint = false} : vector<500x64xf32>, vector<500x128xf32>, vector<64x128xf32> -> vector<64x128xf32>
    %add3A_710 = arith.addf %get3A_707, %dot_general3A_709 : vector<64x128xf32>
    %swap3A_711 = arith.constant 0 : index
    %swap3A_712 = arith.constant 0 : index
    %swap3A_713 = vector.load %arg9[%swap3A_711, %swap3A_712] : memref<64x384xf32, #tpu.memory_space<vmem>>, vector<64x128xf32>
    tpu.vector_store %arg9[%swap3A_711, %swap3A_712], %add3A_710 {strides = array<i32>} : memref<64x384xf32, #tpu.memory_space<vmem>>, vector<64x128xf32>,
    %get3A_714 = arith.constant 0 : index
    %get3A_715 = arith.constant 128 : index
    %get3A_716 = vector.load %arg9[%get3A_714, %get3A_715] : memref<64x384xf32, #tpu.memory_space<vmem>>, vector<64x128xf32>
    %dot_general3A_717 = arith.constant dense<0.000000e+00> : vector<64x128xf32>
    %dot_general3A_718 = tpu.matmul %convert_element_type3A_704, %mul3A_691, %dot_general3A_717 {dimension_numbers = #tpu.dot_dimension_numbers<[0], [0], [1], [1], [0, 1, 1, 1], [], []>, transpose_lhs_hint = false} : vector<500x64xf32>, vector<500x128xf32>, vector<64x128xf32> -> vector<64x128xf32>
    %add3A_719 = arith.addf %get3A_716, %dot_general3A_718 : vector<64x128xf32>
    %swap3A_720 = arith.constant 0 : index
    %swap3A_721 = arith.constant 128 : index
    %swap3A_722 = vector.load %arg9[%swap3A_720, %swap3A_721] : memref<64x384xf32, #tpu.memory_space<vmem>>, vector<64x128xf32>
    tpu.vector_store %arg9[%swap3A_720, %swap3A_721], %add3A_719 {strides = array<i32>} : memref<64x384xf32, #tpu.memory_space<vmem>>, vector<64x128xf32>,
    %get3A_723 = arith.constant 0 : index
    %get3A_724 = arith.constant 256 : index
    %get3A_725 = vector.load %arg9[%get3A_723, %get3A_724] : memref<64x384xf32, #tpu.memory_space<vmem>>, vector<64x128xf32>
    %dot_general3A_726 = arith.constant dense<0.000000e+00> : vector<64x128xf32>
    %dot_general3A_727 = tpu.matmul %convert_element_type3A_704, %mul3A_696, %dot_general3A_726 {dimension_numbers = #tpu.dot_dimension_numbers<[0], [0], [1], [1], [0, 1, 1, 1], [], []>, transpose_lhs_hint = false} : vector<500x64xf32>, vector<500x128xf32>, vector<64x128xf32> -> vector<64x128xf32>
    %add3A_728 = arith.addf %get3A_725, %dot_general3A_727 : vector<64x128xf32>
    %swap3A_729 = arith.constant 0 : index
    %swap3A_730 = arith.constant 256 : index
    %swap3A_731 = vector.load %arg9[%swap3A_729, %swap3A_730] : memref<64x384xf32, #tpu.memory_space<vmem>>, vector<64x128xf32>
    tpu.vector_store %arg9[%swap3A_729, %swap3A_730], %add3A_728 {strides = array<i32>} : memref<64x384xf32, #tpu.memory_space<vmem>>, vector<64x128xf32>,
    %get3A_732 = arith.constant 0 : index
    %get3A_733 = arith.constant 0 : index
    %get3A_734 = vector.load %arg11[%get3A_732, %get3A_733] : memref<64x128xf32, #tpu.memory_space<vmem>>, vector<64x128xf32>
    %reduce_sum3A_735 = arith.constant dense<0.000000e+00> : vector<64xf32>
    %reduce_sum3A_736 = vector.multi_reduction <add>, %convert_element_type3A_704, %reduce_sum3A_735 [0] : vector<500x64xf32> to vector<64xf32>
    %broadcast_in_dim3A_737 = vector.shape_cast %reduce_sum3A_736 : vector<64xf32> to vector<1x64xf32>
    %transpose3A_738 = tpu.transpose %broadcast_in_dim3A_737, [1, 0] : vector<1x64xf32> -> vector<64x1xf32>
    %add3A_739 = vector.broadcast %transpose3A_738 : vector<64x1xf32> to vector<64x128xf32>
    %add3A_740 = arith.addf %get3A_734, %add3A_739 : vector<64x128xf32>
    %swap3A_741 = arith.constant 0 : index
    %swap3A_742 = arith.constant 0 : index
    %swap3A_743 = vector.load %arg11[%swap3A_741, %swap3A_742] : memref<64x128xf32, #tpu.memory_space<vmem>>, vector<64x128xf32>
    tpu.vector_store %arg11[%swap3A_741, %swap3A_742], %add3A_740 {strides = array<i32>} : memref<64x128xf32, #tpu.memory_space<vmem>>, vector<64x128xf32>,
    %reduce_min3A_744 = vector.shape_cast %get3A_699 : vector<500x1xi32> to vector<1x500x1xi32>
    %reduce_min3A_745 = arith.constant dense<2147483647> : vector<1xi32>
    %reduce_min3A_746 = vector.multi_reduction <minsi>, %reduce_min3A_744, %reduce_min3A_745 [1, 2] : vector<1x500x1xi32> to vector<1xi32>
    %reduce_min3A_747 = vector.shape_cast %reduce_min3A_746 : vector<1xi32> to vector<1x1x1xi32>
    %reduce_min3A_748 = vector.extract %reduce_min3A_747[0, 0, 0] : i32 from vector<1x1x1xi32>
    %reduce_max3A_749 = vector.shape_cast %get3A_699 : vector<500x1xi32> to vector<1x500x1xi32>
    %reduce_max3A_750 = arith.constant dense<-2147483648> : vector<1xi32>
    %reduce_max3A_751 = vector.multi_reduction <maxsi>, %reduce_max3A_749, %reduce_max3A_750 [1, 2] : vector<1x500x1xi32> to vector<1xi32>
    %reduce_max3A_752 = vector.shape_cast %reduce_max3A_751 : vector<1xi32> to vector<1x1x1xi32>
    %reduce_max3A_753 = vector.extract %reduce_max3A_752[0, 0, 0] : i32 from vector<1x1x1xi32>
    %add3A_754 = arith.constant 1 : i32
    %add3A_755 = arith.addi %reduce_max3A_753, %add3A_754 : i32
    %while3A_756 = arith.constant 0 : i32
    %while3A_757 = arith.subi %add3A_755, %reduce_min3A_748 : i32
    %while3A_758 = arith.addi %reduce_min3A_748, %while3A_757 : i32
    %while3A_759 = arith.constant 1 : i32
    %while3A_760 = arith.divsi %while3A_757, %while3A_759 : i32
    %while3A_761 = arith.muli %while3A_760, %while3A_759 : i32
    %while3A_762 = arith.addi %reduce_min3A_748, %while3A_761 : i32
    %while3A_763 = arith.constant 1 : i32
    scf.for %while3A_1720 = %reduce_min3A_748 to %while3A_762 step %while3A_763  : i32 {
      %eq3A_1721 = vector.broadcast %while3A_1720 : i32 to vector<500x1xi32>
      %eq3A_1722 = arith.cmpi eq, %get3A_699, %eq3A_1721 : vector<500x1xi32>
      %eq3A_1723 = vector.broadcast %while3A_1720 : i32 to vector<64x1xi32>
      %eq3A_1724 = arith.cmpi eq, %iota3A, %eq3A_1723 : vector<64x1xi32>
      %jit3A_1725 = arith.constant 0xFF800000 : f32
      %broadcast_in_dim3A_1726 = vector.shape_cast %eq3A_1722 : vector<500x1xi1> to vector<500x1xi1>
      %broadcast_in_dim3A_1727 = vector.broadcast %broadcast_in_dim3A_1726 : vector<500x1xi1> to vector<500x128xi1>
      %broadcast_in_dim3A_1728 = vector.broadcast %jit3A_1725 : f32 to vector<500x128xf32>
      %select_n3A_1729 = arith.select %broadcast_in_dim3A_1727, %mul3A_686, %broadcast_in_dim3A_1728 : vector<500x128xi1>, vector<500x128xf32>
      %reduce_max3A_1730 = arith.constant dense<0xFF800000> : vector<128xf32>
      %reduce_max3A_1731 = vector.multi_reduction <maximumf>, %select_n3A_1729, %reduce_max3A_1730 [0] : vector<500x128xf32> to vector<128xf32>
      %broadcast_in_dim3A_1732 = vector.shape_cast %reduce_max3A_1731 : vector<128xf32> to vector<1x128xf32>
      %jit3A_1733 = arith.constant 0xFF800000 : f32
      %broadcast_in_dim3A_1734 = vector.shape_cast %eq3A_1722 : vector<500x1xi1> to vector<500x1xi1>
      %broadcast_in_dim3A_1735 = vector.broadcast %broadcast_in_dim3A_1734 : vector<500x1xi1> to vector<500x128xi1>
      %broadcast_in_dim3A_1736 = vector.broadcast %jit3A_1733 : f32 to vector<500x128xf32>
      %select_n3A_1737 = arith.select %broadcast_in_dim3A_1735, %mul3A_691, %broadcast_in_dim3A_1736 : vector<500x128xi1>, vector<500x128xf32>
      %reduce_max3A_1738 = arith.constant dense<0xFF800000> : vector<128xf32>
      %reduce_max3A_1739 = vector.multi_reduction <maximumf>, %select_n3A_1737, %reduce_max3A_1738 [0] : vector<500x128xf32> to vector<128xf32>
      %broadcast_in_dim3A_1740 = vector.shape_cast %reduce_max3A_1739 : vector<128xf32> to vector<1x128xf32>
      %jit3A_1741 = arith.constant 0xFF800000 : f32
      %broadcast_in_dim3A_1742 = vector.shape_cast %eq3A_1722 : vector<500x1xi1> to vector<500x1xi1>
      %broadcast_in_dim3A_1743 = vector.broadcast %broadcast_in_dim3A_1742 : vector<500x1xi1> to vector<500x128xi1>
      %broadcast_in_dim3A_1744 = vector.broadcast %jit3A_1741 : f32 to vector<500x128xf32>
      %select_n3A_1745 = arith.select %broadcast_in_dim3A_1743, %mul3A_696, %broadcast_in_dim3A_1744 : vector<500x128xi1>, vector<500x128xf32>
      %reduce_max3A_1746 = arith.constant dense<0xFF800000> : vector<128xf32>
      %reduce_max3A_1747 = vector.multi_reduction <maximumf>, %select_n3A_1745, %reduce_max3A_1746 [0] : vector<500x128xf32> to vector<128xf32>
      %broadcast_in_dim3A_1748 = vector.shape_cast %reduce_max3A_1747 : vector<128xf32> to vector<1x128xf32>
      %concatenate3A_1749 = tpu.concatenate %broadcast_in_dim3A_1732, %broadcast_in_dim3A_1740, %broadcast_in_dim3A_1748 in 1 : vector<1x128xf32>, vector<1x128xf32>, vector<1x128xf32> -> vector<1x384xf32>
      %get3A_1750 = arith.constant 0 : index
      %get3A_1751 = arith.constant 0 : index
      %get3A_1752 = vector.load %arg10[%get3A_1750, %get3A_1751] : memref<64x384xf32, #tpu.memory_space<vmem>>, vector<64x384xf32>
      %jit3A_1753 = arith.constant 0xFF800000 : f32
      %broadcast_in_dim3A_1754 = vector.shape_cast %eq3A_1724 : vector<64x1xi1> to vector<64x1xi1>
      %broadcast_in_dim3A_1755 = vector.broadcast %broadcast_in_dim3A_1754 : vector<64x1xi1> to vector<64x384xi1>
      %broadcast_in_dim3A_1756 = vector.shape_cast %concatenate3A_1749 : vector<1x384xf32> to vector<1x384xf32>
      %broadcast_in_dim3A_1757 = vector.broadcast %broadcast_in_dim3A_1756 : vector<1x384xf32> to vector<64x384xf32>
      %broadcast_in_dim3A_1758 = vector.broadcast %jit3A_1753 : f32 to vector<64x384xf32>
      %select_n3A_1759 = arith.select %broadcast_in_dim3A_1755, %broadcast_in_dim3A_1757, %broadcast_in_dim3A_1758 : vector<64x384xi1>, vector<64x384xf32>
      %max3A_1760 = arith.maximumf %get3A_1752, %select_n3A_1759 : vector<64x384xf32>
      %swap3A_1761 = arith.constant 0 : index
      %swap3A_1762 = arith.constant 0 : index
      %swap3A_1763 = vector.load %arg10[%swap3A_1761, %swap3A_1762] : memref<64x384xf32, #tpu.memory_space<vmem>>, vector<64x384xf32>
      tpu.vector_store %arg10[%swap3A_1761, %swap3A_1762], %max3A_1760 {strides = array<i32>} : memref<64x384xf32, #tpu.memory_space<vmem>>, vector<64x384xf32>,
    }
    %while3A_764 = arith.constant 1 : i32
    scf.for %while3A_1720 = %while3A_762 to %while3A_758 step %while3A_764  : i32 {
      %eq3A_1721 = vector.broadcast %while3A_1720 : i32 to vector<500x1xi32>
      %eq3A_1722 = arith.cmpi eq, %get3A_699, %eq3A_1721 : vector<500x1xi32>
      %eq3A_1723 = vector.broadcast %while3A_1720 : i32 to vector<64x1xi32>
      %eq3A_1724 = arith.cmpi eq, %iota3A, %eq3A_1723 : vector<64x1xi32>
      %jit3A_1725 = arith.constant 0xFF800000 : f32
      %broadcast_in_dim3A_1726 = vector.shape_cast %eq3A_1722 : vector<500x1xi1> to vector<500x1xi1>
      %broadcast_in_dim3A_1727 = vector.broadcast %broadcast_in_dim3A_1726 : vector<500x1xi1> to vector<500x128xi1>
      %broadcast_in_dim3A_1728 = vector.broadcast %jit3A_1725 : f32 to vector<500x128xf32>
      %select_n3A_1729 = arith.select %broadcast_in_dim3A_1727, %mul3A_686, %broadcast_in_dim3A_1728 : vector<500x128xi1>, vector<500x128xf32>
      %reduce_max3A_1730 = arith.constant dense<0xFF800000> : vector<128xf32>
      %reduce_max3A_1731 = vector.multi_reduction <maximumf>, %select_n3A_1729, %reduce_max3A_1730 [0] : vector<500x128xf32> to vector<128xf32>
      %broadcast_in_dim3A_1732 = vector.shape_cast %reduce_max3A_1731 : vector<128xf32> to vector<1x128xf32>
      %jit3A_1733 = arith.constant 0xFF800000 : f32
      %broadcast_in_dim3A_1734 = vector.shape_cast %eq3A_1722 : vector<500x1xi1> to vector<500x1xi1>
      %broadcast_in_dim3A_1735 = vector.broadcast %broadcast_in_dim3A_1734 : vector<500x1xi1> to vector<500x128xi1>
      %broadcast_in_dim3A_1736 = vector.broadcast %jit3A_1733 : f32 to vector<500x128xf32>
      %select_n3A_1737 = arith.select %broadcast_in_dim3A_1735, %mul3A_691, %broadcast_in_dim3A_1736 : vector<500x128xi1>, vector<500x128xf32>
      %reduce_max3A_1738 = arith.constant dense<0xFF800000> : vector<128xf32>
      %reduce_max3A_1739 = vector.multi_reduction <maximumf>, %select_n3A_1737, %reduce_max3A_1738 [0] : vector<500x128xf32> to vector<128xf32>
      %broadcast_in_dim3A_1740 = vector.shape_cast %reduce_max3A_1739 : vector<128xf32> to vector<1x128xf32>
      %jit3A_1741 = arith.constant 0xFF800000 : f32
      %broadcast_in_dim3A_1742 = vector.shape_cast %eq3A_1722 : vector<500x1xi1> to vector<500x1xi1>
      %broadcast_in_dim3A_1743 = vector.broadcast %broadcast_in_dim3A_1742 : vector<500x1xi1> to vector<500x128xi1>
      %broadcast_in_dim3A_1744 = vector.broadcast %jit3A_1741 : f32 to vector<500x128xf32>
      %select_n3A_1745 = arith.select %broadcast_in_dim3A_1743, %mul3A_696, %broadcast_in_dim3A_1744 : vector<500x128xi1>, vector<500x128xf32>
      %reduce_max3A_1746 = arith.constant dense<0xFF800000> : vector<128xf32>
      %reduce_max3A_1747 = vector.multi_reduction <maximumf>, %select_n3A_1745, %reduce_max3A_1746 [0] : vector<500x128xf32> to vector<128xf32>
      %broadcast_in_dim3A_1748 = vector.shape_cast %reduce_max3A_1747 : vector<128xf32> to vector<1x128xf32>
      %concatenate3A_1749 = tpu.concatenate %broadcast_in_dim3A_1732, %broadcast_in_dim3A_1740, %broadcast_in_dim3A_1748 in 1 : vector<1x128xf32>, vector<1x128xf32>, vector<1x128xf32> -> vector<1x384xf32>
      %get3A_1750 = arith.constant 0 : index
      %get3A_1751 = arith.constant 0 : index
      %get3A_1752 = vector.load %arg10[%get3A_1750, %get3A_1751] : memref<64x384xf32, #tpu.memory_space<vmem>>, vector<64x384xf32>
      %jit3A_1753 = arith.constant 0xFF800000 : f32
      %broadcast_in_dim3A_1754 = vector.shape_cast %eq3A_1724 : vector<64x1xi1> to vector<64x1xi1>
      %broadcast_in_dim3A_1755 = vector.broadcast %broadcast_in_dim3A_1754 : vector<64x1xi1> to vector<64x384xi1>
      %broadcast_in_dim3A_1756 = vector.shape_cast %concatenate3A_1749 : vector<1x384xf32> to vector<1x384xf32>
      %broadcast_in_dim3A_1757 = vector.broadcast %broadcast_in_dim3A_1756 : vector<1x384xf32> to vector<64x384xf32>
      %broadcast_in_dim3A_1758 = vector.broadcast %jit3A_1753 : f32 to vector<64x384xf32>
      %select_n3A_1759 = arith.select %broadcast_in_dim3A_1755, %broadcast_in_dim3A_1757, %broadcast_in_dim3A_1758 : vector<64x384xi1>, vector<64x384xf32>
      %max3A_1760 = arith.maximumf %get3A_1752, %select_n3A_1759 : vector<64x384xf32>
      %swap3A_1761 = arith.constant 0 : index
      %swap3A_1762 = arith.constant 0 : index
      %swap3A_1763 = vector.load %arg10[%swap3A_1761, %swap3A_1762] : memref<64x384xf32, #tpu.memory_space<vmem>>, vector<64x384xf32>
      tpu.vector_store %arg10[%swap3A_1761, %swap3A_1762], %max3A_1760 {strides = array<i32>} : memref<64x384xf32, #tpu.memory_space<vmem>>, vector<64x384xf32>,
    }
    %slice3A_765 = vector.extract_strided_slice %tanh3A {offsets = [4500, 0], sizes = [500, 1], strides = [1, 1]} : vector<10000x1xf32> to vector<500x1xf32>
    %get3A_766 = arith.constant 4500 : index
    %get3A_767 = arith.constant 0 : index
    %get3A_768 = vector.load %arg0[%get3A_766, %get3A_767] : memref<10240x128xf32, #tpu.memory_space<vmem>>, vector<500x128xf32>
    %mul3A_769 = vector.broadcast %slice3A_765 : vector<500x1xf32> to vector<500x128xf32>
    %mul3A_770 = arith.mulf %get3A_768, %mul3A_769 : vector<500x128xf32>
    %get3A_771 = arith.constant 4500 : index
    %get3A_772 = arith.constant 0 : index
    %get3A_773 = vector.load %arg1[%get3A_771, %get3A_772] : memref<10240x128xf32, #tpu.memory_space<vmem>>, vector<500x128xf32>
    %mul3A_774 = vector.broadcast %slice3A_765 : vector<500x1xf32> to vector<500x128xf32>
    %mul3A_775 = arith.mulf %get3A_773, %mul3A_774 : vector<500x128xf32>
    %get3A_776 = arith.constant 4500 : index
    %get3A_777 = arith.constant 0 : index
    %get3A_778 = vector.load %arg2[%get3A_776, %get3A_777] : memref<10240x128xf32, #tpu.memory_space<vmem>>, vector<500x128xf32>
    %mul3A_779 = vector.broadcast %slice3A_765 : vector<500x1xf32> to vector<500x128xf32>
    %mul3A_780 = arith.mulf %get3A_778, %mul3A_779 : vector<500x128xf32>
    %get3A_781 = arith.constant 4500 : index
    %get3A_782 = arith.constant 0 : index
    %get3A_783 = vector.load %arg5[%get3A_781, %get3A_782] : memref<10000x1xi32, #tpu.memory_space<vmem>>, vector<500x1xi32>
    %eq3A_784 = vector.broadcast %get3A_783 : vector<500x1xi32> to vector<500x64xi32>
    %eq3A_785 = vector.broadcast %iota3A_18 : vector<1x64xi32> to vector<500x64xi32>
    %eq3A_786 = arith.cmpi eq, %eq3A_784, %eq3A_785 : vector<500x64xi32>
    %convert_element_type3A_787 = arith.extui %eq3A_786 : vector<500x64xi1> to vector<500x64xi32>
    %convert_element_type3A_788 = arith.sitofp %convert_element_type3A_787 : vector<500x64xi32> to vector<500x64xf32>
    %get3A_789 = arith.constant 0 : index
    %get3A_790 = arith.constant 0 : index
    %get3A_791 = vector.load %arg9[%get3A_789, %get3A_790] : memref<64x384xf32, #tpu.memory_space<vmem>>, vector<64x128xf32>
    %dot_general3A_792 = arith.constant dense<0.000000e+00> : vector<64x128xf32>
    %dot_general3A_793 = tpu.matmul %convert_element_type3A_788, %mul3A_770, %dot_general3A_792 {dimension_numbers = #tpu.dot_dimension_numbers<[0], [0], [1], [1], [0, 1, 1, 1], [], []>, transpose_lhs_hint = false} : vector<500x64xf32>, vector<500x128xf32>, vector<64x128xf32> -> vector<64x128xf32>
    %add3A_794 = arith.addf %get3A_791, %dot_general3A_793 : vector<64x128xf32>
    %swap3A_795 = arith.constant 0 : index
    %swap3A_796 = arith.constant 0 : index
    %swap3A_797 = vector.load %arg9[%swap3A_795, %swap3A_796] : memref<64x384xf32, #tpu.memory_space<vmem>>, vector<64x128xf32>
    tpu.vector_store %arg9[%swap3A_795, %swap3A_796], %add3A_794 {strides = array<i32>} : memref<64x384xf32, #tpu.memory_space<vmem>>, vector<64x128xf32>,
    %get3A_798 = arith.constant 0 : index
    %get3A_799 = arith.constant 128 : index
    %get3A_800 = vector.load %arg9[%get3A_798, %get3A_799] : memref<64x384xf32, #tpu.memory_space<vmem>>, vector<64x128xf32>
    %dot_general3A_801 = arith.constant dense<0.000000e+00> : vector<64x128xf32>
    %dot_general3A_802 = tpu.matmul %convert_element_type3A_788, %mul3A_775, %dot_general3A_801 {dimension_numbers = #tpu.dot_dimension_numbers<[0], [0], [1], [1], [0, 1, 1, 1], [], []>, transpose_lhs_hint = false} : vector<500x64xf32>, vector<500x128xf32>, vector<64x128xf32> -> vector<64x128xf32>
    %add3A_803 = arith.addf %get3A_800, %dot_general3A_802 : vector<64x128xf32>
    %swap3A_804 = arith.constant 0 : index
    %swap3A_805 = arith.constant 128 : index
    %swap3A_806 = vector.load %arg9[%swap3A_804, %swap3A_805] : memref<64x384xf32, #tpu.memory_space<vmem>>, vector<64x128xf32>
    tpu.vector_store %arg9[%swap3A_804, %swap3A_805], %add3A_803 {strides = array<i32>} : memref<64x384xf32, #tpu.memory_space<vmem>>, vector<64x128xf32>,
    %get3A_807 = arith.constant 0 : index
    %get3A_808 = arith.constant 256 : index
    %get3A_809 = vector.load %arg9[%get3A_807, %get3A_808] : memref<64x384xf32, #tpu.memory_space<vmem>>, vector<64x128xf32>
    %dot_general3A_810 = arith.constant dense<0.000000e+00> : vector<64x128xf32>
    %dot_general3A_811 = tpu.matmul %convert_element_type3A_788, %mul3A_780, %dot_general3A_810 {dimension_numbers = #tpu.dot_dimension_numbers<[0], [0], [1], [1], [0, 1, 1, 1], [], []>, transpose_lhs_hint = false} : vector<500x64xf32>, vector<500x128xf32>, vector<64x128xf32> -> vector<64x128xf32>
    %add3A_812 = arith.addf %get3A_809, %dot_general3A_811 : vector<64x128xf32>
    %swap3A_813 = arith.constant 0 : index
    %swap3A_814 = arith.constant 256 : index
    %swap3A_815 = vector.load %arg9[%swap3A_813, %swap3A_814] : memref<64x384xf32, #tpu.memory_space<vmem>>, vector<64x128xf32>
    tpu.vector_store %arg9[%swap3A_813, %swap3A_814], %add3A_812 {strides = array<i32>} : memref<64x384xf32, #tpu.memory_space<vmem>>, vector<64x128xf32>,
    %get3A_816 = arith.constant 0 : index
    %get3A_817 = arith.constant 0 : index
    %get3A_818 = vector.load %arg11[%get3A_816, %get3A_817] : memref<64x128xf32, #tpu.memory_space<vmem>>, vector<64x128xf32>
    %reduce_sum3A_819 = arith.constant dense<0.000000e+00> : vector<64xf32>
    %reduce_sum3A_820 = vector.multi_reduction <add>, %convert_element_type3A_788, %reduce_sum3A_819 [0] : vector<500x64xf32> to vector<64xf32>
    %broadcast_in_dim3A_821 = vector.shape_cast %reduce_sum3A_820 : vector<64xf32> to vector<1x64xf32>
    %transpose3A_822 = tpu.transpose %broadcast_in_dim3A_821, [1, 0] : vector<1x64xf32> -> vector<64x1xf32>
    %add3A_823 = vector.broadcast %transpose3A_822 : vector<64x1xf32> to vector<64x128xf32>
    %add3A_824 = arith.addf %get3A_818, %add3A_823 : vector<64x128xf32>
    %swap3A_825 = arith.constant 0 : index
    %swap3A_826 = arith.constant 0 : index
    %swap3A_827 = vector.load %arg11[%swap3A_825, %swap3A_826] : memref<64x128xf32, #tpu.memory_space<vmem>>, vector<64x128xf32>
    tpu.vector_store %arg11[%swap3A_825, %swap3A_826], %add3A_824 {strides = array<i32>} : memref<64x128xf32, #tpu.memory_space<vmem>>, vector<64x128xf32>,
    %reduce_min3A_828 = vector.shape_cast %get3A_783 : vector<500x1xi32> to vector<1x500x1xi32>
    %reduce_min3A_829 = arith.constant dense<2147483647> : vector<1xi32>
    %reduce_min3A_830 = vector.multi_reduction <minsi>, %reduce_min3A_828, %reduce_min3A_829 [1, 2] : vector<1x500x1xi32> to vector<1xi32>
    %reduce_min3A_831 = vector.shape_cast %reduce_min3A_830 : vector<1xi32> to vector<1x1x1xi32>
    %reduce_min3A_832 = vector.extract %reduce_min3A_831[0, 0, 0] : i32 from vector<1x1x1xi32>
    %reduce_max3A_833 = vector.shape_cast %get3A_783 : vector<500x1xi32> to vector<1x500x1xi32>
    %reduce_max3A_834 = arith.constant dense<-2147483648> : vector<1xi32>
    %reduce_max3A_835 = vector.multi_reduction <maxsi>, %reduce_max3A_833, %reduce_max3A_834 [1, 2] : vector<1x500x1xi32> to vector<1xi32>
    %reduce_max3A_836 = vector.shape_cast %reduce_max3A_835 : vector<1xi32> to vector<1x1x1xi32>
    %reduce_max3A_837 = vector.extract %reduce_max3A_836[0, 0, 0] : i32 from vector<1x1x1xi32>
    %add3A_838 = arith.constant 1 : i32
    %add3A_839 = arith.addi %reduce_max3A_837, %add3A_838 : i32
    %while3A_840 = arith.constant 0 : i32
    %while3A_841 = arith.subi %add3A_839, %reduce_min3A_832 : i32
    %while3A_842 = arith.addi %reduce_min3A_832, %while3A_841 : i32
    %while3A_843 = arith.constant 1 : i32
    %while3A_844 = arith.divsi %while3A_841, %while3A_843 : i32
    %while3A_845 = arith.muli %while3A_844, %while3A_843 : i32
    %while3A_846 = arith.addi %reduce_min3A_832, %while3A_845 : i32
    %while3A_847 = arith.constant 1 : i32
    scf.for %while3A_1720 = %reduce_min3A_832 to %while3A_846 step %while3A_847  : i32 {
      %eq3A_1721 = vector.broadcast %while3A_1720 : i32 to vector<500x1xi32>
      %eq3A_1722 = arith.cmpi eq, %get3A_783, %eq3A_1721 : vector<500x1xi32>
      %eq3A_1723 = vector.broadcast %while3A_1720 : i32 to vector<64x1xi32>
      %eq3A_1724 = arith.cmpi eq, %iota3A, %eq3A_1723 : vector<64x1xi32>
      %jit3A_1725 = arith.constant 0xFF800000 : f32
      %broadcast_in_dim3A_1726 = vector.shape_cast %eq3A_1722 : vector<500x1xi1> to vector<500x1xi1>
      %broadcast_in_dim3A_1727 = vector.broadcast %broadcast_in_dim3A_1726 : vector<500x1xi1> to vector<500x128xi1>
      %broadcast_in_dim3A_1728 = vector.broadcast %jit3A_1725 : f32 to vector<500x128xf32>
      %select_n3A_1729 = arith.select %broadcast_in_dim3A_1727, %mul3A_770, %broadcast_in_dim3A_1728 : vector<500x128xi1>, vector<500x128xf32>
      %reduce_max3A_1730 = arith.constant dense<0xFF800000> : vector<128xf32>
      %reduce_max3A_1731 = vector.multi_reduction <maximumf>, %select_n3A_1729, %reduce_max3A_1730 [0] : vector<500x128xf32> to vector<128xf32>
      %broadcast_in_dim3A_1732 = vector.shape_cast %reduce_max3A_1731 : vector<128xf32> to vector<1x128xf32>
      %jit3A_1733 = arith.constant 0xFF800000 : f32
      %broadcast_in_dim3A_1734 = vector.shape_cast %eq3A_1722 : vector<500x1xi1> to vector<500x1xi1>
      %broadcast_in_dim3A_1735 = vector.broadcast %broadcast_in_dim3A_1734 : vector<500x1xi1> to vector<500x128xi1>
      %broadcast_in_dim3A_1736 = vector.broadcast %jit3A_1733 : f32 to vector<500x128xf32>
      %select_n3A_1737 = arith.select %broadcast_in_dim3A_1735, %mul3A_775, %broadcast_in_dim3A_1736 : vector<500x128xi1>, vector<500x128xf32>
      %reduce_max3A_1738 = arith.constant dense<0xFF800000> : vector<128xf32>
      %reduce_max3A_1739 = vector.multi_reduction <maximumf>, %select_n3A_1737, %reduce_max3A_1738 [0] : vector<500x128xf32> to vector<128xf32>
      %broadcast_in_dim3A_1740 = vector.shape_cast %reduce_max3A_1739 : vector<128xf32> to vector<1x128xf32>
      %jit3A_1741 = arith.constant 0xFF800000 : f32
      %broadcast_in_dim3A_1742 = vector.shape_cast %eq3A_1722 : vector<500x1xi1> to vector<500x1xi1>
      %broadcast_in_dim3A_1743 = vector.broadcast %broadcast_in_dim3A_1742 : vector<500x1xi1> to vector<500x128xi1>
      %broadcast_in_dim3A_1744 = vector.broadcast %jit3A_1741 : f32 to vector<500x128xf32>
      %select_n3A_1745 = arith.select %broadcast_in_dim3A_1743, %mul3A_780, %broadcast_in_dim3A_1744 : vector<500x128xi1>, vector<500x128xf32>
      %reduce_max3A_1746 = arith.constant dense<0xFF800000> : vector<128xf32>
      %reduce_max3A_1747 = vector.multi_reduction <maximumf>, %select_n3A_1745, %reduce_max3A_1746 [0] : vector<500x128xf32> to vector<128xf32>
      %broadcast_in_dim3A_1748 = vector.shape_cast %reduce_max3A_1747 : vector<128xf32> to vector<1x128xf32>
      %concatenate3A_1749 = tpu.concatenate %broadcast_in_dim3A_1732, %broadcast_in_dim3A_1740, %broadcast_in_dim3A_1748 in 1 : vector<1x128xf32>, vector<1x128xf32>, vector<1x128xf32> -> vector<1x384xf32>
      %get3A_1750 = arith.constant 0 : index
      %get3A_1751 = arith.constant 0 : index
      %get3A_1752 = vector.load %arg10[%get3A_1750, %get3A_1751] : memref<64x384xf32, #tpu.memory_space<vmem>>, vector<64x384xf32>
      %jit3A_1753 = arith.constant 0xFF800000 : f32
      %broadcast_in_dim3A_1754 = vector.shape_cast %eq3A_1724 : vector<64x1xi1> to vector<64x1xi1>
      %broadcast_in_dim3A_1755 = vector.broadcast %broadcast_in_dim3A_1754 : vector<64x1xi1> to vector<64x384xi1>
      %broadcast_in_dim3A_1756 = vector.shape_cast %concatenate3A_1749 : vector<1x384xf32> to vector<1x384xf32>
      %broadcast_in_dim3A_1757 = vector.broadcast %broadcast_in_dim3A_1756 : vector<1x384xf32> to vector<64x384xf32>
      %broadcast_in_dim3A_1758 = vector.broadcast %jit3A_1753 : f32 to vector<64x384xf32>
      %select_n3A_1759 = arith.select %broadcast_in_dim3A_1755, %broadcast_in_dim3A_1757, %broadcast_in_dim3A_1758 : vector<64x384xi1>, vector<64x384xf32>
      %max3A_1760 = arith.maximumf %get3A_1752, %select_n3A_1759 : vector<64x384xf32>
      %swap3A_1761 = arith.constant 0 : index
      %swap3A_1762 = arith.constant 0 : index
      %swap3A_1763 = vector.load %arg10[%swap3A_1761, %swap3A_1762] : memref<64x384xf32, #tpu.memory_space<vmem>>, vector<64x384xf32>
      tpu.vector_store %arg10[%swap3A_1761, %swap3A_1762], %max3A_1760 {strides = array<i32>} : memref<64x384xf32, #tpu.memory_space<vmem>>, vector<64x384xf32>,
    }
    %while3A_848 = arith.constant 1 : i32
    scf.for %while3A_1720 = %while3A_846 to %while3A_842 step %while3A_848  : i32 {
      %eq3A_1721 = vector.broadcast %while3A_1720 : i32 to vector<500x1xi32>
      %eq3A_1722 = arith.cmpi eq, %get3A_783, %eq3A_1721 : vector<500x1xi32>
      %eq3A_1723 = vector.broadcast %while3A_1720 : i32 to vector<64x1xi32>
      %eq3A_1724 = arith.cmpi eq, %iota3A, %eq3A_1723 : vector<64x1xi32>
      %jit3A_1725 = arith.constant 0xFF800000 : f32
      %broadcast_in_dim3A_1726 = vector.shape_cast %eq3A_1722 : vector<500x1xi1> to vector<500x1xi1>
      %broadcast_in_dim3A_1727 = vector.broadcast %broadcast_in_dim3A_1726 : vector<500x1xi1> to vector<500x128xi1>
      %broadcast_in_dim3A_1728 = vector.broadcast %jit3A_1725 : f32 to vector<500x128xf32>
      %select_n3A_1729 = arith.select %broadcast_in_dim3A_1727, %mul3A_770, %broadcast_in_dim3A_1728 : vector<500x128xi1>, vector<500x128xf32>
      %reduce_max3A_1730 = arith.constant dense<0xFF800000> : vector<128xf32>
      %reduce_max3A_1731 = vector.multi_reduction <maximumf>, %select_n3A_1729, %reduce_max3A_1730 [0] : vector<500x128xf32> to vector<128xf32>
      %broadcast_in_dim3A_1732 = vector.shape_cast %reduce_max3A_1731 : vector<128xf32> to vector<1x128xf32>
      %jit3A_1733 = arith.constant 0xFF800000 : f32
      %broadcast_in_dim3A_1734 = vector.shape_cast %eq3A_1722 : vector<500x1xi1> to vector<500x1xi1>
      %broadcast_in_dim3A_1735 = vector.broadcast %broadcast_in_dim3A_1734 : vector<500x1xi1> to vector<500x128xi1>
      %broadcast_in_dim3A_1736 = vector.broadcast %jit3A_1733 : f32 to vector<500x128xf32>
      %select_n3A_1737 = arith.select %broadcast_in_dim3A_1735, %mul3A_775, %broadcast_in_dim3A_1736 : vector<500x128xi1>, vector<500x128xf32>
      %reduce_max3A_1738 = arith.constant dense<0xFF800000> : vector<128xf32>
      %reduce_max3A_1739 = vector.multi_reduction <maximumf>, %select_n3A_1737, %reduce_max3A_1738 [0] : vector<500x128xf32> to vector<128xf32>
      %broadcast_in_dim3A_1740 = vector.shape_cast %reduce_max3A_1739 : vector<128xf32> to vector<1x128xf32>
      %jit3A_1741 = arith.constant 0xFF800000 : f32
      %broadcast_in_dim3A_1742 = vector.shape_cast %eq3A_1722 : vector<500x1xi1> to vector<500x1xi1>
      %broadcast_in_dim3A_1743 = vector.broadcast %broadcast_in_dim3A_1742 : vector<500x1xi1> to vector<500x128xi1>
      %broadcast_in_dim3A_1744 = vector.broadcast %jit3A_1741 : f32 to vector<500x128xf32>
      %select_n3A_1745 = arith.select %broadcast_in_dim3A_1743, %mul3A_780, %broadcast_in_dim3A_1744 : vector<500x128xi1>, vector<500x128xf32>
      %reduce_max3A_1746 = arith.constant dense<0xFF800000> : vector<128xf32>
      %reduce_max3A_1747 = vector.multi_reduction <maximumf>, %select_n3A_1745, %reduce_max3A_1746 [0] : vector<500x128xf32> to vector<128xf32>
      %broadcast_in_dim3A_1748 = vector.shape_cast %reduce_max3A_1747 : vector<128xf32> to vector<1x128xf32>
      %concatenate3A_1749 = tpu.concatenate %broadcast_in_dim3A_1732, %broadcast_in_dim3A_1740, %broadcast_in_dim3A_1748 in 1 : vector<1x128xf32>, vector<1x128xf32>, vector<1x128xf32> -> vector<1x384xf32>
      %get3A_1750 = arith.constant 0 : index
      %get3A_1751 = arith.constant 0 : index
      %get3A_1752 = vector.load %arg10[%get3A_1750, %get3A_1751] : memref<64x384xf32, #tpu.memory_space<vmem>>, vector<64x384xf32>
      %jit3A_1753 = arith.constant 0xFF800000 : f32
      %broadcast_in_dim3A_1754 = vector.shape_cast %eq3A_1724 : vector<64x1xi1> to vector<64x1xi1>
      %broadcast_in_dim3A_1755 = vector.broadcast %broadcast_in_dim3A_1754 : vector<64x1xi1> to vector<64x384xi1>
      %broadcast_in_dim3A_1756 = vector.shape_cast %concatenate3A_1749 : vector<1x384xf32> to vector<1x384xf32>
      %broadcast_in_dim3A_1757 = vector.broadcast %broadcast_in_dim3A_1756 : vector<1x384xf32> to vector<64x384xf32>
      %broadcast_in_dim3A_1758 = vector.broadcast %jit3A_1753 : f32 to vector<64x384xf32>
      %select_n3A_1759 = arith.select %broadcast_in_dim3A_1755, %broadcast_in_dim3A_1757, %broadcast_in_dim3A_1758 : vector<64x384xi1>, vector<64x384xf32>
      %max3A_1760 = arith.maximumf %get3A_1752, %select_n3A_1759 : vector<64x384xf32>
      %swap3A_1761 = arith.constant 0 : index
      %swap3A_1762 = arith.constant 0 : index
      %swap3A_1763 = vector.load %arg10[%swap3A_1761, %swap3A_1762] : memref<64x384xf32, #tpu.memory_space<vmem>>, vector<64x384xf32>
      tpu.vector_store %arg10[%swap3A_1761, %swap3A_1762], %max3A_1760 {strides = array<i32>} : memref<64x384xf32, #tpu.memory_space<vmem>>, vector<64x384xf32>,
    }
    %slice3A_849 = vector.extract_strided_slice %tanh3A {offsets = [5000, 0], sizes = [500, 1], strides = [1, 1]} : vector<10000x1xf32> to vector<500x1xf32>
    %get3A_850 = arith.constant 5000 : index
    %get3A_851 = arith.constant 0 : index
    %get3A_852 = vector.load %arg0[%get3A_850, %get3A_851] : memref<10240x128xf32, #tpu.memory_space<vmem>>, vector<500x128xf32>
    %mul3A_853 = vector.broadcast %slice3A_849 : vector<500x1xf32> to vector<500x128xf32>
    %mul3A_854 = arith.mulf %get3A_852, %mul3A_853 : vector<500x128xf32>
    %get3A_855 = arith.constant 5000 : index
    %get3A_856 = arith.constant 0 : index
    %get3A_857 = vector.load %arg1[%get3A_855, %get3A_856] : memref<10240x128xf32, #tpu.memory_space<vmem>>, vector<500x128xf32>
    %mul3A_858 = vector.broadcast %slice3A_849 : vector<500x1xf32> to vector<500x128xf32>
    %mul3A_859 = arith.mulf %get3A_857, %mul3A_858 : vector<500x128xf32>
    %get3A_860 = arith.constant 5000 : index
    %get3A_861 = arith.constant 0 : index
    %get3A_862 = vector.load %arg2[%get3A_860, %get3A_861] : memref<10240x128xf32, #tpu.memory_space<vmem>>, vector<500x128xf32>
    %mul3A_863 = vector.broadcast %slice3A_849 : vector<500x1xf32> to vector<500x128xf32>
    %mul3A_864 = arith.mulf %get3A_862, %mul3A_863 : vector<500x128xf32>
    %get3A_865 = arith.constant 5000 : index
    %get3A_866 = arith.constant 0 : index
    %get3A_867 = vector.load %arg5[%get3A_865, %get3A_866] : memref<10000x1xi32, #tpu.memory_space<vmem>>, vector<500x1xi32>
    %eq3A_868 = vector.broadcast %get3A_867 : vector<500x1xi32> to vector<500x64xi32>
    %eq3A_869 = vector.broadcast %iota3A_18 : vector<1x64xi32> to vector<500x64xi32>
    %eq3A_870 = arith.cmpi eq, %eq3A_868, %eq3A_869 : vector<500x64xi32>
    %convert_element_type3A_871 = arith.extui %eq3A_870 : vector<500x64xi1> to vector<500x64xi32>
    %convert_element_type3A_872 = arith.sitofp %convert_element_type3A_871 : vector<500x64xi32> to vector<500x64xf32>
    %get3A_873 = arith.constant 0 : index
    %get3A_874 = arith.constant 0 : index
    %get3A_875 = vector.load %arg9[%get3A_873, %get3A_874] : memref<64x384xf32, #tpu.memory_space<vmem>>, vector<64x128xf32>
    %dot_general3A_876 = arith.constant dense<0.000000e+00> : vector<64x128xf32>
    %dot_general3A_877 = tpu.matmul %convert_element_type3A_872, %mul3A_854, %dot_general3A_876 {dimension_numbers = #tpu.dot_dimension_numbers<[0], [0], [1], [1], [0, 1, 1, 1], [], []>, transpose_lhs_hint = false} : vector<500x64xf32>, vector<500x128xf32>, vector<64x128xf32> -> vector<64x128xf32>
    %add3A_878 = arith.addf %get3A_875, %dot_general3A_877 : vector<64x128xf32>
    %swap3A_879 = arith.constant 0 : index
    %swap3A_880 = arith.constant 0 : index
    %swap3A_881 = vector.load %arg9[%swap3A_879, %swap3A_880] : memref<64x384xf32, #tpu.memory_space<vmem>>, vector<64x128xf32>
    tpu.vector_store %arg9[%swap3A_879, %swap3A_880], %add3A_878 {strides = array<i32>} : memref<64x384xf32, #tpu.memory_space<vmem>>, vector<64x128xf32>,
    %get3A_882 = arith.constant 0 : index
    %get3A_883 = arith.constant 128 : index
    %get3A_884 = vector.load %arg9[%get3A_882, %get3A_883] : memref<64x384xf32, #tpu.memory_space<vmem>>, vector<64x128xf32>
    %dot_general3A_885 = arith.constant dense<0.000000e+00> : vector<64x128xf32>
    %dot_general3A_886 = tpu.matmul %convert_element_type3A_872, %mul3A_859, %dot_general3A_885 {dimension_numbers = #tpu.dot_dimension_numbers<[0], [0], [1], [1], [0, 1, 1, 1], [], []>, transpose_lhs_hint = false} : vector<500x64xf32>, vector<500x128xf32>, vector<64x128xf32> -> vector<64x128xf32>
    %add3A_887 = arith.addf %get3A_884, %dot_general3A_886 : vector<64x128xf32>
    %swap3A_888 = arith.constant 0 : index
    %swap3A_889 = arith.constant 128 : index
    %swap3A_890 = vector.load %arg9[%swap3A_888, %swap3A_889] : memref<64x384xf32, #tpu.memory_space<vmem>>, vector<64x128xf32>
    tpu.vector_store %arg9[%swap3A_888, %swap3A_889], %add3A_887 {strides = array<i32>} : memref<64x384xf32, #tpu.memory_space<vmem>>, vector<64x128xf32>,
    %get3A_891 = arith.constant 0 : index
    %get3A_892 = arith.constant 256 : index
    %get3A_893 = vector.load %arg9[%get3A_891, %get3A_892] : memref<64x384xf32, #tpu.memory_space<vmem>>, vector<64x128xf32>
    %dot_general3A_894 = arith.constant dense<0.000000e+00> : vector<64x128xf32>
    %dot_general3A_895 = tpu.matmul %convert_element_type3A_872, %mul3A_864, %dot_general3A_894 {dimension_numbers = #tpu.dot_dimension_numbers<[0], [0], [1], [1], [0, 1, 1, 1], [], []>, transpose_lhs_hint = false} : vector<500x64xf32>, vector<500x128xf32>, vector<64x128xf32> -> vector<64x128xf32>
    %add3A_896 = arith.addf %get3A_893, %dot_general3A_895 : vector<64x128xf32>
    %swap3A_897 = arith.constant 0 : index
    %swap3A_898 = arith.constant 256 : index
    %swap3A_899 = vector.load %arg9[%swap3A_897, %swap3A_898] : memref<64x384xf32, #tpu.memory_space<vmem>>, vector<64x128xf32>
    tpu.vector_store %arg9[%swap3A_897, %swap3A_898], %add3A_896 {strides = array<i32>} : memref<64x384xf32, #tpu.memory_space<vmem>>, vector<64x128xf32>,
    %get3A_900 = arith.constant 0 : index
    %get3A_901 = arith.constant 0 : index
    %get3A_902 = vector.load %arg11[%get3A_900, %get3A_901] : memref<64x128xf32, #tpu.memory_space<vmem>>, vector<64x128xf32>
    %reduce_sum3A_903 = arith.constant dense<0.000000e+00> : vector<64xf32>
    %reduce_sum3A_904 = vector.multi_reduction <add>, %convert_element_type3A_872, %reduce_sum3A_903 [0] : vector<500x64xf32> to vector<64xf32>
    %broadcast_in_dim3A_905 = vector.shape_cast %reduce_sum3A_904 : vector<64xf32> to vector<1x64xf32>
    %transpose3A_906 = tpu.transpose %broadcast_in_dim3A_905, [1, 0] : vector<1x64xf32> -> vector<64x1xf32>
    %add3A_907 = vector.broadcast %transpose3A_906 : vector<64x1xf32> to vector<64x128xf32>
    %add3A_908 = arith.addf %get3A_902, %add3A_907 : vector<64x128xf32>
    %swap3A_909 = arith.constant 0 : index
    %swap3A_910 = arith.constant 0 : index
    %swap3A_911 = vector.load %arg11[%swap3A_909, %swap3A_910] : memref<64x128xf32, #tpu.memory_space<vmem>>, vector<64x128xf32>
    tpu.vector_store %arg11[%swap3A_909, %swap3A_910], %add3A_908 {strides = array<i32>} : memref<64x128xf32, #tpu.memory_space<vmem>>, vector<64x128xf32>,
    %reduce_min3A_912 = vector.shape_cast %get3A_867 : vector<500x1xi32> to vector<1x500x1xi32>
    %reduce_min3A_913 = arith.constant dense<2147483647> : vector<1xi32>
    %reduce_min3A_914 = vector.multi_reduction <minsi>, %reduce_min3A_912, %reduce_min3A_913 [1, 2] : vector<1x500x1xi32> to vector<1xi32>
    %reduce_min3A_915 = vector.shape_cast %reduce_min3A_914 : vector<1xi32> to vector<1x1x1xi32>
    %reduce_min3A_916 = vector.extract %reduce_min3A_915[0, 0, 0] : i32 from vector<1x1x1xi32>
    %reduce_max3A_917 = vector.shape_cast %get3A_867 : vector<500x1xi32> to vector<1x500x1xi32>
    %reduce_max3A_918 = arith.constant dense<-2147483648> : vector<1xi32>
    %reduce_max3A_919 = vector.multi_reduction <maxsi>, %reduce_max3A_917, %reduce_max3A_918 [1, 2] : vector<1x500x1xi32> to vector<1xi32>
    %reduce_max3A_920 = vector.shape_cast %reduce_max3A_919 : vector<1xi32> to vector<1x1x1xi32>
    %reduce_max3A_921 = vector.extract %reduce_max3A_920[0, 0, 0] : i32 from vector<1x1x1xi32>
    %add3A_922 = arith.constant 1 : i32
    %add3A_923 = arith.addi %reduce_max3A_921, %add3A_922 : i32
    %while3A_924 = arith.constant 0 : i32
    %while3A_925 = arith.subi %add3A_923, %reduce_min3A_916 : i32
    %while3A_926 = arith.addi %reduce_min3A_916, %while3A_925 : i32
    %while3A_927 = arith.constant 1 : i32
    %while3A_928 = arith.divsi %while3A_925, %while3A_927 : i32
    %while3A_929 = arith.muli %while3A_928, %while3A_927 : i32
    %while3A_930 = arith.addi %reduce_min3A_916, %while3A_929 : i32
    %while3A_931 = arith.constant 1 : i32
    scf.for %while3A_1720 = %reduce_min3A_916 to %while3A_930 step %while3A_931  : i32 {
      %eq3A_1721 = vector.broadcast %while3A_1720 : i32 to vector<500x1xi32>
      %eq3A_1722 = arith.cmpi eq, %get3A_867, %eq3A_1721 : vector<500x1xi32>
      %eq3A_1723 = vector.broadcast %while3A_1720 : i32 to vector<64x1xi32>
      %eq3A_1724 = arith.cmpi eq, %iota3A, %eq3A_1723 : vector<64x1xi32>
      %jit3A_1725 = arith.constant 0xFF800000 : f32
      %broadcast_in_dim3A_1726 = vector.shape_cast %eq3A_1722 : vector<500x1xi1> to vector<500x1xi1>
      %broadcast_in_dim3A_1727 = vector.broadcast %broadcast_in_dim3A_1726 : vector<500x1xi1> to vector<500x128xi1>
      %broadcast_in_dim3A_1728 = vector.broadcast %jit3A_1725 : f32 to vector<500x128xf32>
      %select_n3A_1729 = arith.select %broadcast_in_dim3A_1727, %mul3A_854, %broadcast_in_dim3A_1728 : vector<500x128xi1>, vector<500x128xf32>
      %reduce_max3A_1730 = arith.constant dense<0xFF800000> : vector<128xf32>
      %reduce_max3A_1731 = vector.multi_reduction <maximumf>, %select_n3A_1729, %reduce_max3A_1730 [0] : vector<500x128xf32> to vector<128xf32>
      %broadcast_in_dim3A_1732 = vector.shape_cast %reduce_max3A_1731 : vector<128xf32> to vector<1x128xf32>
      %jit3A_1733 = arith.constant 0xFF800000 : f32
      %broadcast_in_dim3A_1734 = vector.shape_cast %eq3A_1722 : vector<500x1xi1> to vector<500x1xi1>
      %broadcast_in_dim3A_1735 = vector.broadcast %broadcast_in_dim3A_1734 : vector<500x1xi1> to vector<500x128xi1>
      %broadcast_in_dim3A_1736 = vector.broadcast %jit3A_1733 : f32 to vector<500x128xf32>
      %select_n3A_1737 = arith.select %broadcast_in_dim3A_1735, %mul3A_859, %broadcast_in_dim3A_1736 : vector<500x128xi1>, vector<500x128xf32>
      %reduce_max3A_1738 = arith.constant dense<0xFF800000> : vector<128xf32>
      %reduce_max3A_1739 = vector.multi_reduction <maximumf>, %select_n3A_1737, %reduce_max3A_1738 [0] : vector<500x128xf32> to vector<128xf32>
      %broadcast_in_dim3A_1740 = vector.shape_cast %reduce_max3A_1739 : vector<128xf32> to vector<1x128xf32>
      %jit3A_1741 = arith.constant 0xFF800000 : f32
      %broadcast_in_dim3A_1742 = vector.shape_cast %eq3A_1722 : vector<500x1xi1> to vector<500x1xi1>
      %broadcast_in_dim3A_1743 = vector.broadcast %broadcast_in_dim3A_1742 : vector<500x1xi1> to vector<500x128xi1>
      %broadcast_in_dim3A_1744 = vector.broadcast %jit3A_1741 : f32 to vector<500x128xf32>
      %select_n3A_1745 = arith.select %broadcast_in_dim3A_1743, %mul3A_864, %broadcast_in_dim3A_1744 : vector<500x128xi1>, vector<500x128xf32>
      %reduce_max3A_1746 = arith.constant dense<0xFF800000> : vector<128xf32>
      %reduce_max3A_1747 = vector.multi_reduction <maximumf>, %select_n3A_1745, %reduce_max3A_1746 [0] : vector<500x128xf32> to vector<128xf32>
      %broadcast_in_dim3A_1748 = vector.shape_cast %reduce_max3A_1747 : vector<128xf32> to vector<1x128xf32>
      %concatenate3A_1749 = tpu.concatenate %broadcast_in_dim3A_1732, %broadcast_in_dim3A_1740, %broadcast_in_dim3A_1748 in 1 : vector<1x128xf32>, vector<1x128xf32>, vector<1x128xf32> -> vector<1x384xf32>
      %get3A_1750 = arith.constant 0 : index
      %get3A_1751 = arith.constant 0 : index
      %get3A_1752 = vector.load %arg10[%get3A_1750, %get3A_1751] : memref<64x384xf32, #tpu.memory_space<vmem>>, vector<64x384xf32>
      %jit3A_1753 = arith.constant 0xFF800000 : f32
      %broadcast_in_dim3A_1754 = vector.shape_cast %eq3A_1724 : vector<64x1xi1> to vector<64x1xi1>
      %broadcast_in_dim3A_1755 = vector.broadcast %broadcast_in_dim3A_1754 : vector<64x1xi1> to vector<64x384xi1>
      %broadcast_in_dim3A_1756 = vector.shape_cast %concatenate3A_1749 : vector<1x384xf32> to vector<1x384xf32>
      %broadcast_in_dim3A_1757 = vector.broadcast %broadcast_in_dim3A_1756 : vector<1x384xf32> to vector<64x384xf32>
      %broadcast_in_dim3A_1758 = vector.broadcast %jit3A_1753 : f32 to vector<64x384xf32>
      %select_n3A_1759 = arith.select %broadcast_in_dim3A_1755, %broadcast_in_dim3A_1757, %broadcast_in_dim3A_1758 : vector<64x384xi1>, vector<64x384xf32>
      %max3A_1760 = arith.maximumf %get3A_1752, %select_n3A_1759 : vector<64x384xf32>
      %swap3A_1761 = arith.constant 0 : index
      %swap3A_1762 = arith.constant 0 : index
      %swap3A_1763 = vector.load %arg10[%swap3A_1761, %swap3A_1762] : memref<64x384xf32, #tpu.memory_space<vmem>>, vector<64x384xf32>
      tpu.vector_store %arg10[%swap3A_1761, %swap3A_1762], %max3A_1760 {strides = array<i32>} : memref<64x384xf32, #tpu.memory_space<vmem>>, vector<64x384xf32>,
    }
    %while3A_932 = arith.constant 1 : i32
    scf.for %while3A_1720 = %while3A_930 to %while3A_926 step %while3A_932  : i32 {
      %eq3A_1721 = vector.broadcast %while3A_1720 : i32 to vector<500x1xi32>
      %eq3A_1722 = arith.cmpi eq, %get3A_867, %eq3A_1721 : vector<500x1xi32>
      %eq3A_1723 = vector.broadcast %while3A_1720 : i32 to vector<64x1xi32>
      %eq3A_1724 = arith.cmpi eq, %iota3A, %eq3A_1723 : vector<64x1xi32>
      %jit3A_1725 = arith.constant 0xFF800000 : f32
      %broadcast_in_dim3A_1726 = vector.shape_cast %eq3A_1722 : vector<500x1xi1> to vector<500x1xi1>
      %broadcast_in_dim3A_1727 = vector.broadcast %broadcast_in_dim3A_1726 : vector<500x1xi1> to vector<500x128xi1>
      %broadcast_in_dim3A_1728 = vector.broadcast %jit3A_1725 : f32 to vector<500x128xf32>
      %select_n3A_1729 = arith.select %broadcast_in_dim3A_1727, %mul3A_854, %broadcast_in_dim3A_1728 : vector<500x128xi1>, vector<500x128xf32>
      %reduce_max3A_1730 = arith.constant dense<0xFF800000> : vector<128xf32>
      %reduce_max3A_1731 = vector.multi_reduction <maximumf>, %select_n3A_1729, %reduce_max3A_1730 [0] : vector<500x128xf32> to vector<128xf32>
      %broadcast_in_dim3A_1732 = vector.shape_cast %reduce_max3A_1731 : vector<128xf32> to vector<1x128xf32>
      %jit3A_1733 = arith.constant 0xFF800000 : f32
      %broadcast_in_dim3A_1734 = vector.shape_cast %eq3A_1722 : vector<500x1xi1> to vector<500x1xi1>
      %broadcast_in_dim3A_1735 = vector.broadcast %broadcast_in_dim3A_1734 : vector<500x1xi1> to vector<500x128xi1>
      %broadcast_in_dim3A_1736 = vector.broadcast %jit3A_1733 : f32 to vector<500x128xf32>
      %select_n3A_1737 = arith.select %broadcast_in_dim3A_1735, %mul3A_859, %broadcast_in_dim3A_1736 : vector<500x128xi1>, vector<500x128xf32>
      %reduce_max3A_1738 = arith.constant dense<0xFF800000> : vector<128xf32>
      %reduce_max3A_1739 = vector.multi_reduction <maximumf>, %select_n3A_1737, %reduce_max3A_1738 [0] : vector<500x128xf32> to vector<128xf32>
      %broadcast_in_dim3A_1740 = vector.shape_cast %reduce_max3A_1739 : vector<128xf32> to vector<1x128xf32>
      %jit3A_1741 = arith.constant 0xFF800000 : f32
      %broadcast_in_dim3A_1742 = vector.shape_cast %eq3A_1722 : vector<500x1xi1> to vector<500x1xi1>
      %broadcast_in_dim3A_1743 = vector.broadcast %broadcast_in_dim3A_1742 : vector<500x1xi1> to vector<500x128xi1>
      %broadcast_in_dim3A_1744 = vector.broadcast %jit3A_1741 : f32 to vector<500x128xf32>
      %select_n3A_1745 = arith.select %broadcast_in_dim3A_1743, %mul3A_864, %broadcast_in_dim3A_1744 : vector<500x128xi1>, vector<500x128xf32>
      %reduce_max3A_1746 = arith.constant dense<0xFF800000> : vector<128xf32>
      %reduce_max3A_1747 = vector.multi_reduction <maximumf>, %select_n3A_1745, %reduce_max3A_1746 [0] : vector<500x128xf32> to vector<128xf32>
      %broadcast_in_dim3A_1748 = vector.shape_cast %reduce_max3A_1747 : vector<128xf32> to vector<1x128xf32>
      %concatenate3A_1749 = tpu.concatenate %broadcast_in_dim3A_1732, %broadcast_in_dim3A_1740, %broadcast_in_dim3A_1748 in 1 : vector<1x128xf32>, vector<1x128xf32>, vector<1x128xf32> -> vector<1x384xf32>
      %get3A_1750 = arith.constant 0 : index
      %get3A_1751 = arith.constant 0 : index
      %get3A_1752 = vector.load %arg10[%get3A_1750, %get3A_1751] : memref<64x384xf32, #tpu.memory_space<vmem>>, vector<64x384xf32>
      %jit3A_1753 = arith.constant 0xFF800000 : f32
      %broadcast_in_dim3A_1754 = vector.shape_cast %eq3A_1724 : vector<64x1xi1> to vector<64x1xi1>
      %broadcast_in_dim3A_1755 = vector.broadcast %broadcast_in_dim3A_1754 : vector<64x1xi1> to vector<64x384xi1>
      %broadcast_in_dim3A_1756 = vector.shape_cast %concatenate3A_1749 : vector<1x384xf32> to vector<1x384xf32>
      %broadcast_in_dim3A_1757 = vector.broadcast %broadcast_in_dim3A_1756 : vector<1x384xf32> to vector<64x384xf32>
      %broadcast_in_dim3A_1758 = vector.broadcast %jit3A_1753 : f32 to vector<64x384xf32>
      %select_n3A_1759 = arith.select %broadcast_in_dim3A_1755, %broadcast_in_dim3A_1757, %broadcast_in_dim3A_1758 : vector<64x384xi1>, vector<64x384xf32>
      %max3A_1760 = arith.maximumf %get3A_1752, %select_n3A_1759 : vector<64x384xf32>
      %swap3A_1761 = arith.constant 0 : index
      %swap3A_1762 = arith.constant 0 : index
      %swap3A_1763 = vector.load %arg10[%swap3A_1761, %swap3A_1762] : memref<64x384xf32, #tpu.memory_space<vmem>>, vector<64x384xf32>
      tpu.vector_store %arg10[%swap3A_1761, %swap3A_1762], %max3A_1760 {strides = array<i32>} : memref<64x384xf32, #tpu.memory_space<vmem>>, vector<64x384xf32>,
    }
    %slice3A_933 = vector.extract_strided_slice %tanh3A {offsets = [5500, 0], sizes = [500, 1], strides = [1, 1]} : vector<10000x1xf32> to vector<500x1xf32>
    %get3A_934 = arith.constant 5500 : index
    %get3A_935 = arith.constant 0 : index
    %get3A_936 = vector.load %arg0[%get3A_934, %get3A_935] : memref<10240x128xf32, #tpu.memory_space<vmem>>, vector<500x128xf32>
    %mul3A_937 = vector.broadcast %slice3A_933 : vector<500x1xf32> to vector<500x128xf32>
    %mul3A_938 = arith.mulf %get3A_936, %mul3A_937 : vector<500x128xf32>
    %get3A_939 = arith.constant 5500 : index
    %get3A_940 = arith.constant 0 : index
    %get3A_941 = vector.load %arg1[%get3A_939, %get3A_940] : memref<10240x128xf32, #tpu.memory_space<vmem>>, vector<500x128xf32>
    %mul3A_942 = vector.broadcast %slice3A_933 : vector<500x1xf32> to vector<500x128xf32>
    %mul3A_943 = arith.mulf %get3A_941, %mul3A_942 : vector<500x128xf32>
    %get3A_944 = arith.constant 5500 : index
    %get3A_945 = arith.constant 0 : index
    %get3A_946 = vector.load %arg2[%get3A_944, %get3A_945] : memref<10240x128xf32, #tpu.memory_space<vmem>>, vector<500x128xf32>
    %mul3A_947 = vector.broadcast %slice3A_933 : vector<500x1xf32> to vector<500x128xf32>
    %mul3A_948 = arith.mulf %get3A_946, %mul3A_947 : vector<500x128xf32>
    %get3A_949 = arith.constant 5500 : index
    %get3A_950 = arith.constant 0 : index
    %get3A_951 = vector.load %arg5[%get3A_949, %get3A_950] : memref<10000x1xi32, #tpu.memory_space<vmem>>, vector<500x1xi32>
    %eq3A_952 = vector.broadcast %get3A_951 : vector<500x1xi32> to vector<500x64xi32>
    %eq3A_953 = vector.broadcast %iota3A_18 : vector<1x64xi32> to vector<500x64xi32>
    %eq3A_954 = arith.cmpi eq, %eq3A_952, %eq3A_953 : vector<500x64xi32>
    %convert_element_type3A_955 = arith.extui %eq3A_954 : vector<500x64xi1> to vector<500x64xi32>
    %convert_element_type3A_956 = arith.sitofp %convert_element_type3A_955 : vector<500x64xi32> to vector<500x64xf32>
    %get3A_957 = arith.constant 0 : index
    %get3A_958 = arith.constant 0 : index
    %get3A_959 = vector.load %arg9[%get3A_957, %get3A_958] : memref<64x384xf32, #tpu.memory_space<vmem>>, vector<64x128xf32>
    %dot_general3A_960 = arith.constant dense<0.000000e+00> : vector<64x128xf32>
    %dot_general3A_961 = tpu.matmul %convert_element_type3A_956, %mul3A_938, %dot_general3A_960 {dimension_numbers = #tpu.dot_dimension_numbers<[0], [0], [1], [1], [0, 1, 1, 1], [], []>, transpose_lhs_hint = false} : vector<500x64xf32>, vector<500x128xf32>, vector<64x128xf32> -> vector<64x128xf32>
    %add3A_962 = arith.addf %get3A_959, %dot_general3A_961 : vector<64x128xf32>
    %swap3A_963 = arith.constant 0 : index
    %swap3A_964 = arith.constant 0 : index
    %swap3A_965 = vector.load %arg9[%swap3A_963, %swap3A_964] : memref<64x384xf32, #tpu.memory_space<vmem>>, vector<64x128xf32>
    tpu.vector_store %arg9[%swap3A_963, %swap3A_964], %add3A_962 {strides = array<i32>} : memref<64x384xf32, #tpu.memory_space<vmem>>, vector<64x128xf32>,
    %get3A_966 = arith.constant 0 : index
    %get3A_967 = arith.constant 128 : index
    %get3A_968 = vector.load %arg9[%get3A_966, %get3A_967] : memref<64x384xf32, #tpu.memory_space<vmem>>, vector<64x128xf32>
    %dot_general3A_969 = arith.constant dense<0.000000e+00> : vector<64x128xf32>
    %dot_general3A_970 = tpu.matmul %convert_element_type3A_956, %mul3A_943, %dot_general3A_969 {dimension_numbers = #tpu.dot_dimension_numbers<[0], [0], [1], [1], [0, 1, 1, 1], [], []>, transpose_lhs_hint = false} : vector<500x64xf32>, vector<500x128xf32>, vector<64x128xf32> -> vector<64x128xf32>
    %add3A_971 = arith.addf %get3A_968, %dot_general3A_970 : vector<64x128xf32>
    %swap3A_972 = arith.constant 0 : index
    %swap3A_973 = arith.constant 128 : index
    %swap3A_974 = vector.load %arg9[%swap3A_972, %swap3A_973] : memref<64x384xf32, #tpu.memory_space<vmem>>, vector<64x128xf32>
    tpu.vector_store %arg9[%swap3A_972, %swap3A_973], %add3A_971 {strides = array<i32>} : memref<64x384xf32, #tpu.memory_space<vmem>>, vector<64x128xf32>,
    %get3A_975 = arith.constant 0 : index
    %get3A_976 = arith.constant 256 : index
    %get3A_977 = vector.load %arg9[%get3A_975, %get3A_976] : memref<64x384xf32, #tpu.memory_space<vmem>>, vector<64x128xf32>
    %dot_general3A_978 = arith.constant dense<0.000000e+00> : vector<64x128xf32>
    %dot_general3A_979 = tpu.matmul %convert_element_type3A_956, %mul3A_948, %dot_general3A_978 {dimension_numbers = #tpu.dot_dimension_numbers<[0], [0], [1], [1], [0, 1, 1, 1], [], []>, transpose_lhs_hint = false} : vector<500x64xf32>, vector<500x128xf32>, vector<64x128xf32> -> vector<64x128xf32>
    %add3A_980 = arith.addf %get3A_977, %dot_general3A_979 : vector<64x128xf32>
    %swap3A_981 = arith.constant 0 : index
    %swap3A_982 = arith.constant 256 : index
    %swap3A_983 = vector.load %arg9[%swap3A_981, %swap3A_982] : memref<64x384xf32, #tpu.memory_space<vmem>>, vector<64x128xf32>
    tpu.vector_store %arg9[%swap3A_981, %swap3A_982], %add3A_980 {strides = array<i32>} : memref<64x384xf32, #tpu.memory_space<vmem>>, vector<64x128xf32>,
    %get3A_984 = arith.constant 0 : index
    %get3A_985 = arith.constant 0 : index
    %get3A_986 = vector.load %arg11[%get3A_984, %get3A_985] : memref<64x128xf32, #tpu.memory_space<vmem>>, vector<64x128xf32>
    %reduce_sum3A_987 = arith.constant dense<0.000000e+00> : vector<64xf32>
    %reduce_sum3A_988 = vector.multi_reduction <add>, %convert_element_type3A_956, %reduce_sum3A_987 [0] : vector<500x64xf32> to vector<64xf32>
    %broadcast_in_dim3A_989 = vector.shape_cast %reduce_sum3A_988 : vector<64xf32> to vector<1x64xf32>
    %transpose3A_990 = tpu.transpose %broadcast_in_dim3A_989, [1, 0] : vector<1x64xf32> -> vector<64x1xf32>
    %add3A_991 = vector.broadcast %transpose3A_990 : vector<64x1xf32> to vector<64x128xf32>
    %add3A_992 = arith.addf %get3A_986, %add3A_991 : vector<64x128xf32>
    %swap3A_993 = arith.constant 0 : index
    %swap3A_994 = arith.constant 0 : index
    %swap3A_995 = vector.load %arg11[%swap3A_993, %swap3A_994] : memref<64x128xf32, #tpu.memory_space<vmem>>, vector<64x128xf32>
    tpu.vector_store %arg11[%swap3A_993, %swap3A_994], %add3A_992 {strides = array<i32>} : memref<64x128xf32, #tpu.memory_space<vmem>>, vector<64x128xf32>,
    %reduce_min3A_996 = vector.shape_cast %get3A_951 : vector<500x1xi32> to vector<1x500x1xi32>
    %reduce_min3A_997 = arith.constant dense<2147483647> : vector<1xi32>
    %reduce_min3A_998 = vector.multi_reduction <minsi>, %reduce_min3A_996, %reduce_min3A_997 [1, 2] : vector<1x500x1xi32> to vector<1xi32>
    %reduce_min3A_999 = vector.shape_cast %reduce_min3A_998 : vector<1xi32> to vector<1x1x1xi32>
    %reduce_min3A_1000 = vector.extract %reduce_min3A_999[0, 0, 0] : i32 from vector<1x1x1xi32>
    %reduce_max3A_1001 = vector.shape_cast %get3A_951 : vector<500x1xi32> to vector<1x500x1xi32>
    %reduce_max3A_1002 = arith.constant dense<-2147483648> : vector<1xi32>
    %reduce_max3A_1003 = vector.multi_reduction <maxsi>, %reduce_max3A_1001, %reduce_max3A_1002 [1, 2] : vector<1x500x1xi32> to vector<1xi32>
    %reduce_max3A_1004 = vector.shape_cast %reduce_max3A_1003 : vector<1xi32> to vector<1x1x1xi32>
    %reduce_max3A_1005 = vector.extract %reduce_max3A_1004[0, 0, 0] : i32 from vector<1x1x1xi32>
    %add3A_1006 = arith.constant 1 : i32
    %add3A_1007 = arith.addi %reduce_max3A_1005, %add3A_1006 : i32
    %while3A_1008 = arith.constant 0 : i32
    %while3A_1009 = arith.subi %add3A_1007, %reduce_min3A_1000 : i32
    %while3A_1010 = arith.addi %reduce_min3A_1000, %while3A_1009 : i32
    %while3A_1011 = arith.constant 1 : i32
    %while3A_1012 = arith.divsi %while3A_1009, %while3A_1011 : i32
    %while3A_1013 = arith.muli %while3A_1012, %while3A_1011 : i32
    %while3A_1014 = arith.addi %reduce_min3A_1000, %while3A_1013 : i32
    %while3A_1015 = arith.constant 1 : i32
    scf.for %while3A_1720 = %reduce_min3A_1000 to %while3A_1014 step %while3A_1015  : i32 {
      %eq3A_1721 = vector.broadcast %while3A_1720 : i32 to vector<500x1xi32>
      %eq3A_1722 = arith.cmpi eq, %get3A_951, %eq3A_1721 : vector<500x1xi32>
      %eq3A_1723 = vector.broadcast %while3A_1720 : i32 to vector<64x1xi32>
      %eq3A_1724 = arith.cmpi eq, %iota3A, %eq3A_1723 : vector<64x1xi32>
      %jit3A_1725 = arith.constant 0xFF800000 : f32
      %broadcast_in_dim3A_1726 = vector.shape_cast %eq3A_1722 : vector<500x1xi1> to vector<500x1xi1>
      %broadcast_in_dim3A_1727 = vector.broadcast %broadcast_in_dim3A_1726 : vector<500x1xi1> to vector<500x128xi1>
      %broadcast_in_dim3A_1728 = vector.broadcast %jit3A_1725 : f32 to vector<500x128xf32>
      %select_n3A_1729 = arith.select %broadcast_in_dim3A_1727, %mul3A_938, %broadcast_in_dim3A_1728 : vector<500x128xi1>, vector<500x128xf32>
      %reduce_max3A_1730 = arith.constant dense<0xFF800000> : vector<128xf32>
      %reduce_max3A_1731 = vector.multi_reduction <maximumf>, %select_n3A_1729, %reduce_max3A_1730 [0] : vector<500x128xf32> to vector<128xf32>
      %broadcast_in_dim3A_1732 = vector.shape_cast %reduce_max3A_1731 : vector<128xf32> to vector<1x128xf32>
      %jit3A_1733 = arith.constant 0xFF800000 : f32
      %broadcast_in_dim3A_1734 = vector.shape_cast %eq3A_1722 : vector<500x1xi1> to vector<500x1xi1>
      %broadcast_in_dim3A_1735 = vector.broadcast %broadcast_in_dim3A_1734 : vector<500x1xi1> to vector<500x128xi1>
      %broadcast_in_dim3A_1736 = vector.broadcast %jit3A_1733 : f32 to vector<500x128xf32>
      %select_n3A_1737 = arith.select %broadcast_in_dim3A_1735, %mul3A_943, %broadcast_in_dim3A_1736 : vector<500x128xi1>, vector<500x128xf32>
      %reduce_max3A_1738 = arith.constant dense<0xFF800000> : vector<128xf32>
      %reduce_max3A_1739 = vector.multi_reduction <maximumf>, %select_n3A_1737, %reduce_max3A_1738 [0] : vector<500x128xf32> to vector<128xf32>
      %broadcast_in_dim3A_1740 = vector.shape_cast %reduce_max3A_1739 : vector<128xf32> to vector<1x128xf32>
      %jit3A_1741 = arith.constant 0xFF800000 : f32
      %broadcast_in_dim3A_1742 = vector.shape_cast %eq3A_1722 : vector<500x1xi1> to vector<500x1xi1>
      %broadcast_in_dim3A_1743 = vector.broadcast %broadcast_in_dim3A_1742 : vector<500x1xi1> to vector<500x128xi1>
      %broadcast_in_dim3A_1744 = vector.broadcast %jit3A_1741 : f32 to vector<500x128xf32>
      %select_n3A_1745 = arith.select %broadcast_in_dim3A_1743, %mul3A_948, %broadcast_in_dim3A_1744 : vector<500x128xi1>, vector<500x128xf32>
      %reduce_max3A_1746 = arith.constant dense<0xFF800000> : vector<128xf32>
      %reduce_max3A_1747 = vector.multi_reduction <maximumf>, %select_n3A_1745, %reduce_max3A_1746 [0] : vector<500x128xf32> to vector<128xf32>
      %broadcast_in_dim3A_1748 = vector.shape_cast %reduce_max3A_1747 : vector<128xf32> to vector<1x128xf32>
      %concatenate3A_1749 = tpu.concatenate %broadcast_in_dim3A_1732, %broadcast_in_dim3A_1740, %broadcast_in_dim3A_1748 in 1 : vector<1x128xf32>, vector<1x128xf32>, vector<1x128xf32> -> vector<1x384xf32>
      %get3A_1750 = arith.constant 0 : index
      %get3A_1751 = arith.constant 0 : index
      %get3A_1752 = vector.load %arg10[%get3A_1750, %get3A_1751] : memref<64x384xf32, #tpu.memory_space<vmem>>, vector<64x384xf32>
      %jit3A_1753 = arith.constant 0xFF800000 : f32
      %broadcast_in_dim3A_1754 = vector.shape_cast %eq3A_1724 : vector<64x1xi1> to vector<64x1xi1>
      %broadcast_in_dim3A_1755 = vector.broadcast %broadcast_in_dim3A_1754 : vector<64x1xi1> to vector<64x384xi1>
      %broadcast_in_dim3A_1756 = vector.shape_cast %concatenate3A_1749 : vector<1x384xf32> to vector<1x384xf32>
      %broadcast_in_dim3A_1757 = vector.broadcast %broadcast_in_dim3A_1756 : vector<1x384xf32> to vector<64x384xf32>
      %broadcast_in_dim3A_1758 = vector.broadcast %jit3A_1753 : f32 to vector<64x384xf32>
      %select_n3A_1759 = arith.select %broadcast_in_dim3A_1755, %broadcast_in_dim3A_1757, %broadcast_in_dim3A_1758 : vector<64x384xi1>, vector<64x384xf32>
      %max3A_1760 = arith.maximumf %get3A_1752, %select_n3A_1759 : vector<64x384xf32>
      %swap3A_1761 = arith.constant 0 : index
      %swap3A_1762 = arith.constant 0 : index
      %swap3A_1763 = vector.load %arg10[%swap3A_1761, %swap3A_1762] : memref<64x384xf32, #tpu.memory_space<vmem>>, vector<64x384xf32>
      tpu.vector_store %arg10[%swap3A_1761, %swap3A_1762], %max3A_1760 {strides = array<i32>} : memref<64x384xf32, #tpu.memory_space<vmem>>, vector<64x384xf32>,
    }
    %while3A_1016 = arith.constant 1 : i32
    scf.for %while3A_1720 = %while3A_1014 to %while3A_1010 step %while3A_1016  : i32 {
      %eq3A_1721 = vector.broadcast %while3A_1720 : i32 to vector<500x1xi32>
      %eq3A_1722 = arith.cmpi eq, %get3A_951, %eq3A_1721 : vector<500x1xi32>
      %eq3A_1723 = vector.broadcast %while3A_1720 : i32 to vector<64x1xi32>
      %eq3A_1724 = arith.cmpi eq, %iota3A, %eq3A_1723 : vector<64x1xi32>
      %jit3A_1725 = arith.constant 0xFF800000 : f32
      %broadcast_in_dim3A_1726 = vector.shape_cast %eq3A_1722 : vector<500x1xi1> to vector<500x1xi1>
      %broadcast_in_dim3A_1727 = vector.broadcast %broadcast_in_dim3A_1726 : vector<500x1xi1> to vector<500x128xi1>
      %broadcast_in_dim3A_1728 = vector.broadcast %jit3A_1725 : f32 to vector<500x128xf32>
      %select_n3A_1729 = arith.select %broadcast_in_dim3A_1727, %mul3A_938, %broadcast_in_dim3A_1728 : vector<500x128xi1>, vector<500x128xf32>
      %reduce_max3A_1730 = arith.constant dense<0xFF800000> : vector<128xf32>
      %reduce_max3A_1731 = vector.multi_reduction <maximumf>, %select_n3A_1729, %reduce_max3A_1730 [0] : vector<500x128xf32> to vector<128xf32>
      %broadcast_in_dim3A_1732 = vector.shape_cast %reduce_max3A_1731 : vector<128xf32> to vector<1x128xf32>
      %jit3A_1733 = arith.constant 0xFF800000 : f32
      %broadcast_in_dim3A_1734 = vector.shape_cast %eq3A_1722 : vector<500x1xi1> to vector<500x1xi1>
      %broadcast_in_dim3A_1735 = vector.broadcast %broadcast_in_dim3A_1734 : vector<500x1xi1> to vector<500x128xi1>
      %broadcast_in_dim3A_1736 = vector.broadcast %jit3A_1733 : f32 to vector<500x128xf32>
      %select_n3A_1737 = arith.select %broadcast_in_dim3A_1735, %mul3A_943, %broadcast_in_dim3A_1736 : vector<500x128xi1>, vector<500x128xf32>
      %reduce_max3A_1738 = arith.constant dense<0xFF800000> : vector<128xf32>
      %reduce_max3A_1739 = vector.multi_reduction <maximumf>, %select_n3A_1737, %reduce_max3A_1738 [0] : vector<500x128xf32> to vector<128xf32>
      %broadcast_in_dim3A_1740 = vector.shape_cast %reduce_max3A_1739 : vector<128xf32> to vector<1x128xf32>
      %jit3A_1741 = arith.constant 0xFF800000 : f32
      %broadcast_in_dim3A_1742 = vector.shape_cast %eq3A_1722 : vector<500x1xi1> to vector<500x1xi1>
      %broadcast_in_dim3A_1743 = vector.broadcast %broadcast_in_dim3A_1742 : vector<500x1xi1> to vector<500x128xi1>
      %broadcast_in_dim3A_1744 = vector.broadcast %jit3A_1741 : f32 to vector<500x128xf32>
      %select_n3A_1745 = arith.select %broadcast_in_dim3A_1743, %mul3A_948, %broadcast_in_dim3A_1744 : vector<500x128xi1>, vector<500x128xf32>
      %reduce_max3A_1746 = arith.constant dense<0xFF800000> : vector<128xf32>
      %reduce_max3A_1747 = vector.multi_reduction <maximumf>, %select_n3A_1745, %reduce_max3A_1746 [0] : vector<500x128xf32> to vector<128xf32>
      %broadcast_in_dim3A_1748 = vector.shape_cast %reduce_max3A_1747 : vector<128xf32> to vector<1x128xf32>
      %concatenate3A_1749 = tpu.concatenate %broadcast_in_dim3A_1732, %broadcast_in_dim3A_1740, %broadcast_in_dim3A_1748 in 1 : vector<1x128xf32>, vector<1x128xf32>, vector<1x128xf32> -> vector<1x384xf32>
      %get3A_1750 = arith.constant 0 : index
      %get3A_1751 = arith.constant 0 : index
      %get3A_1752 = vector.load %arg10[%get3A_1750, %get3A_1751] : memref<64x384xf32, #tpu.memory_space<vmem>>, vector<64x384xf32>
      %jit3A_1753 = arith.constant 0xFF800000 : f32
      %broadcast_in_dim3A_1754 = vector.shape_cast %eq3A_1724 : vector<64x1xi1> to vector<64x1xi1>
      %broadcast_in_dim3A_1755 = vector.broadcast %broadcast_in_dim3A_1754 : vector<64x1xi1> to vector<64x384xi1>
      %broadcast_in_dim3A_1756 = vector.shape_cast %concatenate3A_1749 : vector<1x384xf32> to vector<1x384xf32>
      %broadcast_in_dim3A_1757 = vector.broadcast %broadcast_in_dim3A_1756 : vector<1x384xf32> to vector<64x384xf32>
      %broadcast_in_dim3A_1758 = vector.broadcast %jit3A_1753 : f32 to vector<64x384xf32>
      %select_n3A_1759 = arith.select %broadcast_in_dim3A_1755, %broadcast_in_dim3A_1757, %broadcast_in_dim3A_1758 : vector<64x384xi1>, vector<64x384xf32>
      %max3A_1760 = arith.maximumf %get3A_1752, %select_n3A_1759 : vector<64x384xf32>
      %swap3A_1761 = arith.constant 0 : index
      %swap3A_1762 = arith.constant 0 : index
      %swap3A_1763 = vector.load %arg10[%swap3A_1761, %swap3A_1762] : memref<64x384xf32, #tpu.memory_space<vmem>>, vector<64x384xf32>
      tpu.vector_store %arg10[%swap3A_1761, %swap3A_1762], %max3A_1760 {strides = array<i32>} : memref<64x384xf32, #tpu.memory_space<vmem>>, vector<64x384xf32>,
    }
    %slice3A_1017 = vector.extract_strided_slice %tanh3A {offsets = [6000, 0], sizes = [500, 1], strides = [1, 1]} : vector<10000x1xf32> to vector<500x1xf32>
    %get3A_1018 = arith.constant 6000 : index
    %get3A_1019 = arith.constant 0 : index
    %get3A_1020 = vector.load %arg0[%get3A_1018, %get3A_1019] : memref<10240x128xf32, #tpu.memory_space<vmem>>, vector<500x128xf32>
    %mul3A_1021 = vector.broadcast %slice3A_1017 : vector<500x1xf32> to vector<500x128xf32>
    %mul3A_1022 = arith.mulf %get3A_1020, %mul3A_1021 : vector<500x128xf32>
    %get3A_1023 = arith.constant 6000 : index
    %get3A_1024 = arith.constant 0 : index
    %get3A_1025 = vector.load %arg1[%get3A_1023, %get3A_1024] : memref<10240x128xf32, #tpu.memory_space<vmem>>, vector<500x128xf32>
    %mul3A_1026 = vector.broadcast %slice3A_1017 : vector<500x1xf32> to vector<500x128xf32>
    %mul3A_1027 = arith.mulf %get3A_1025, %mul3A_1026 : vector<500x128xf32>
    %get3A_1028 = arith.constant 6000 : index
    %get3A_1029 = arith.constant 0 : index
    %get3A_1030 = vector.load %arg2[%get3A_1028, %get3A_1029] : memref<10240x128xf32, #tpu.memory_space<vmem>>, vector<500x128xf32>
    %mul3A_1031 = vector.broadcast %slice3A_1017 : vector<500x1xf32> to vector<500x128xf32>
    %mul3A_1032 = arith.mulf %get3A_1030, %mul3A_1031 : vector<500x128xf32>
    %get3A_1033 = arith.constant 6000 : index
    %get3A_1034 = arith.constant 0 : index
    %get3A_1035 = vector.load %arg5[%get3A_1033, %get3A_1034] : memref<10000x1xi32, #tpu.memory_space<vmem>>, vector<500x1xi32>
    %eq3A_1036 = vector.broadcast %get3A_1035 : vector<500x1xi32> to vector<500x64xi32>
    %eq3A_1037 = vector.broadcast %iota3A_18 : vector<1x64xi32> to vector<500x64xi32>
    %eq3A_1038 = arith.cmpi eq, %eq3A_1036, %eq3A_1037 : vector<500x64xi32>
    %convert_element_type3A_1039 = arith.extui %eq3A_1038 : vector<500x64xi1> to vector<500x64xi32>
    %convert_element_type3A_1040 = arith.sitofp %convert_element_type3A_1039 : vector<500x64xi32> to vector<500x64xf32>
    %get3A_1041 = arith.constant 0 : index
    %get3A_1042 = arith.constant 0 : index
    %get3A_1043 = vector.load %arg9[%get3A_1041, %get3A_1042] : memref<64x384xf32, #tpu.memory_space<vmem>>, vector<64x128xf32>
    %dot_general3A_1044 = arith.constant dense<0.000000e+00> : vector<64x128xf32>
    %dot_general3A_1045 = tpu.matmul %convert_element_type3A_1040, %mul3A_1022, %dot_general3A_1044 {dimension_numbers = #tpu.dot_dimension_numbers<[0], [0], [1], [1], [0, 1, 1, 1], [], []>, transpose_lhs_hint = false} : vector<500x64xf32>, vector<500x128xf32>, vector<64x128xf32> -> vector<64x128xf32>
    %add3A_1046 = arith.addf %get3A_1043, %dot_general3A_1045 : vector<64x128xf32>
    %swap3A_1047 = arith.constant 0 : index
    %swap3A_1048 = arith.constant 0 : index
    %swap3A_1049 = vector.load %arg9[%swap3A_1047, %swap3A_1048] : memref<64x384xf32, #tpu.memory_space<vmem>>, vector<64x128xf32>
    tpu.vector_store %arg9[%swap3A_1047, %swap3A_1048], %add3A_1046 {strides = array<i32>} : memref<64x384xf32, #tpu.memory_space<vmem>>, vector<64x128xf32>,
    %get3A_1050 = arith.constant 0 : index
    %get3A_1051 = arith.constant 128 : index
    %get3A_1052 = vector.load %arg9[%get3A_1050, %get3A_1051] : memref<64x384xf32, #tpu.memory_space<vmem>>, vector<64x128xf32>
    %dot_general3A_1053 = arith.constant dense<0.000000e+00> : vector<64x128xf32>
    %dot_general3A_1054 = tpu.matmul %convert_element_type3A_1040, %mul3A_1027, %dot_general3A_1053 {dimension_numbers = #tpu.dot_dimension_numbers<[0], [0], [1], [1], [0, 1, 1, 1], [], []>, transpose_lhs_hint = false} : vector<500x64xf32>, vector<500x128xf32>, vector<64x128xf32> -> vector<64x128xf32>
    %add3A_1055 = arith.addf %get3A_1052, %dot_general3A_1054 : vector<64x128xf32>
    %swap3A_1056 = arith.constant 0 : index
    %swap3A_1057 = arith.constant 128 : index
    %swap3A_1058 = vector.load %arg9[%swap3A_1056, %swap3A_1057] : memref<64x384xf32, #tpu.memory_space<vmem>>, vector<64x128xf32>
    tpu.vector_store %arg9[%swap3A_1056, %swap3A_1057], %add3A_1055 {strides = array<i32>} : memref<64x384xf32, #tpu.memory_space<vmem>>, vector<64x128xf32>,
    %get3A_1059 = arith.constant 0 : index
    %get3A_1060 = arith.constant 256 : index
    %get3A_1061 = vector.load %arg9[%get3A_1059, %get3A_1060] : memref<64x384xf32, #tpu.memory_space<vmem>>, vector<64x128xf32>
    %dot_general3A_1062 = arith.constant dense<0.000000e+00> : vector<64x128xf32>
    %dot_general3A_1063 = tpu.matmul %convert_element_type3A_1040, %mul3A_1032, %dot_general3A_1062 {dimension_numbers = #tpu.dot_dimension_numbers<[0], [0], [1], [1], [0, 1, 1, 1], [], []>, transpose_lhs_hint = false} : vector<500x64xf32>, vector<500x128xf32>, vector<64x128xf32> -> vector<64x128xf32>
    %add3A_1064 = arith.addf %get3A_1061, %dot_general3A_1063 : vector<64x128xf32>
    %swap3A_1065 = arith.constant 0 : index
    %swap3A_1066 = arith.constant 256 : index
    %swap3A_1067 = vector.load %arg9[%swap3A_1065, %swap3A_1066] : memref<64x384xf32, #tpu.memory_space<vmem>>, vector<64x128xf32>
    tpu.vector_store %arg9[%swap3A_1065, %swap3A_1066], %add3A_1064 {strides = array<i32>} : memref<64x384xf32, #tpu.memory_space<vmem>>, vector<64x128xf32>,
    %get3A_1068 = arith.constant 0 : index
    %get3A_1069 = arith.constant 0 : index
    %get3A_1070 = vector.load %arg11[%get3A_1068, %get3A_1069] : memref<64x128xf32, #tpu.memory_space<vmem>>, vector<64x128xf32>
    %reduce_sum3A_1071 = arith.constant dense<0.000000e+00> : vector<64xf32>
    %reduce_sum3A_1072 = vector.multi_reduction <add>, %convert_element_type3A_1040, %reduce_sum3A_1071 [0] : vector<500x64xf32> to vector<64xf32>
    %broadcast_in_dim3A_1073 = vector.shape_cast %reduce_sum3A_1072 : vector<64xf32> to vector<1x64xf32>
    %transpose3A_1074 = tpu.transpose %broadcast_in_dim3A_1073, [1, 0] : vector<1x64xf32> -> vector<64x1xf32>
    %add3A_1075 = vector.broadcast %transpose3A_1074 : vector<64x1xf32> to vector<64x128xf32>
    %add3A_1076 = arith.addf %get3A_1070, %add3A_1075 : vector<64x128xf32>
    %swap3A_1077 = arith.constant 0 : index
    %swap3A_1078 = arith.constant 0 : index
    %swap3A_1079 = vector.load %arg11[%swap3A_1077, %swap3A_1078] : memref<64x128xf32, #tpu.memory_space<vmem>>, vector<64x128xf32>
    tpu.vector_store %arg11[%swap3A_1077, %swap3A_1078], %add3A_1076 {strides = array<i32>} : memref<64x128xf32, #tpu.memory_space<vmem>>, vector<64x128xf32>,
    %reduce_min3A_1080 = vector.shape_cast %get3A_1035 : vector<500x1xi32> to vector<1x500x1xi32>
    %reduce_min3A_1081 = arith.constant dense<2147483647> : vector<1xi32>
    %reduce_min3A_1082 = vector.multi_reduction <minsi>, %reduce_min3A_1080, %reduce_min3A_1081 [1, 2] : vector<1x500x1xi32> to vector<1xi32>
    %reduce_min3A_1083 = vector.shape_cast %reduce_min3A_1082 : vector<1xi32> to vector<1x1x1xi32>
    %reduce_min3A_1084 = vector.extract %reduce_min3A_1083[0, 0, 0] : i32 from vector<1x1x1xi32>
    %reduce_max3A_1085 = vector.shape_cast %get3A_1035 : vector<500x1xi32> to vector<1x500x1xi32>
    %reduce_max3A_1086 = arith.constant dense<-2147483648> : vector<1xi32>
    %reduce_max3A_1087 = vector.multi_reduction <maxsi>, %reduce_max3A_1085, %reduce_max3A_1086 [1, 2] : vector<1x500x1xi32> to vector<1xi32>
    %reduce_max3A_1088 = vector.shape_cast %reduce_max3A_1087 : vector<1xi32> to vector<1x1x1xi32>
    %reduce_max3A_1089 = vector.extract %reduce_max3A_1088[0, 0, 0] : i32 from vector<1x1x1xi32>
    %add3A_1090 = arith.constant 1 : i32
    %add3A_1091 = arith.addi %reduce_max3A_1089, %add3A_1090 : i32
    %while3A_1092 = arith.constant 0 : i32
    %while3A_1093 = arith.subi %add3A_1091, %reduce_min3A_1084 : i32
    %while3A_1094 = arith.addi %reduce_min3A_1084, %while3A_1093 : i32
    %while3A_1095 = arith.constant 1 : i32
    %while3A_1096 = arith.divsi %while3A_1093, %while3A_1095 : i32
    %while3A_1097 = arith.muli %while3A_1096, %while3A_1095 : i32
    %while3A_1098 = arith.addi %reduce_min3A_1084, %while3A_1097 : i32
    %while3A_1099 = arith.constant 1 : i32
    scf.for %while3A_1720 = %reduce_min3A_1084 to %while3A_1098 step %while3A_1099  : i32 {
      %eq3A_1721 = vector.broadcast %while3A_1720 : i32 to vector<500x1xi32>
      %eq3A_1722 = arith.cmpi eq, %get3A_1035, %eq3A_1721 : vector<500x1xi32>
      %eq3A_1723 = vector.broadcast %while3A_1720 : i32 to vector<64x1xi32>
      %eq3A_1724 = arith.cmpi eq, %iota3A, %eq3A_1723 : vector<64x1xi32>
      %jit3A_1725 = arith.constant 0xFF800000 : f32
      %broadcast_in_dim3A_1726 = vector.shape_cast %eq3A_1722 : vector<500x1xi1> to vector<500x1xi1>
      %broadcast_in_dim3A_1727 = vector.broadcast %broadcast_in_dim3A_1726 : vector<500x1xi1> to vector<500x128xi1>
      %broadcast_in_dim3A_1728 = vector.broadcast %jit3A_1725 : f32 to vector<500x128xf32>
      %select_n3A_1729 = arith.select %broadcast_in_dim3A_1727, %mul3A_1022, %broadcast_in_dim3A_1728 : vector<500x128xi1>, vector<500x128xf32>
      %reduce_max3A_1730 = arith.constant dense<0xFF800000> : vector<128xf32>
      %reduce_max3A_1731 = vector.multi_reduction <maximumf>, %select_n3A_1729, %reduce_max3A_1730 [0] : vector<500x128xf32> to vector<128xf32>
      %broadcast_in_dim3A_1732 = vector.shape_cast %reduce_max3A_1731 : vector<128xf32> to vector<1x128xf32>
      %jit3A_1733 = arith.constant 0xFF800000 : f32
      %broadcast_in_dim3A_1734 = vector.shape_cast %eq3A_1722 : vector<500x1xi1> to vector<500x1xi1>
      %broadcast_in_dim3A_1735 = vector.broadcast %broadcast_in_dim3A_1734 : vector<500x1xi1> to vector<500x128xi1>
      %broadcast_in_dim3A_1736 = vector.broadcast %jit3A_1733 : f32 to vector<500x128xf32>
      %select_n3A_1737 = arith.select %broadcast_in_dim3A_1735, %mul3A_1027, %broadcast_in_dim3A_1736 : vector<500x128xi1>, vector<500x128xf32>
      %reduce_max3A_1738 = arith.constant dense<0xFF800000> : vector<128xf32>
      %reduce_max3A_1739 = vector.multi_reduction <maximumf>, %select_n3A_1737, %reduce_max3A_1738 [0] : vector<500x128xf32> to vector<128xf32>
      %broadcast_in_dim3A_1740 = vector.shape_cast %reduce_max3A_1739 : vector<128xf32> to vector<1x128xf32>
      %jit3A_1741 = arith.constant 0xFF800000 : f32
      %broadcast_in_dim3A_1742 = vector.shape_cast %eq3A_1722 : vector<500x1xi1> to vector<500x1xi1>
      %broadcast_in_dim3A_1743 = vector.broadcast %broadcast_in_dim3A_1742 : vector<500x1xi1> to vector<500x128xi1>
      %broadcast_in_dim3A_1744 = vector.broadcast %jit3A_1741 : f32 to vector<500x128xf32>
      %select_n3A_1745 = arith.select %broadcast_in_dim3A_1743, %mul3A_1032, %broadcast_in_dim3A_1744 : vector<500x128xi1>, vector<500x128xf32>
      %reduce_max3A_1746 = arith.constant dense<0xFF800000> : vector<128xf32>
      %reduce_max3A_1747 = vector.multi_reduction <maximumf>, %select_n3A_1745, %reduce_max3A_1746 [0] : vector<500x128xf32> to vector<128xf32>
      %broadcast_in_dim3A_1748 = vector.shape_cast %reduce_max3A_1747 : vector<128xf32> to vector<1x128xf32>
      %concatenate3A_1749 = tpu.concatenate %broadcast_in_dim3A_1732, %broadcast_in_dim3A_1740, %broadcast_in_dim3A_1748 in 1 : vector<1x128xf32>, vector<1x128xf32>, vector<1x128xf32> -> vector<1x384xf32>
      %get3A_1750 = arith.constant 0 : index
      %get3A_1751 = arith.constant 0 : index
      %get3A_1752 = vector.load %arg10[%get3A_1750, %get3A_1751] : memref<64x384xf32, #tpu.memory_space<vmem>>, vector<64x384xf32>
      %jit3A_1753 = arith.constant 0xFF800000 : f32
      %broadcast_in_dim3A_1754 = vector.shape_cast %eq3A_1724 : vector<64x1xi1> to vector<64x1xi1>
      %broadcast_in_dim3A_1755 = vector.broadcast %broadcast_in_dim3A_1754 : vector<64x1xi1> to vector<64x384xi1>
      %broadcast_in_dim3A_1756 = vector.shape_cast %concatenate3A_1749 : vector<1x384xf32> to vector<1x384xf32>
      %broadcast_in_dim3A_1757 = vector.broadcast %broadcast_in_dim3A_1756 : vector<1x384xf32> to vector<64x384xf32>
      %broadcast_in_dim3A_1758 = vector.broadcast %jit3A_1753 : f32 to vector<64x384xf32>
      %select_n3A_1759 = arith.select %broadcast_in_dim3A_1755, %broadcast_in_dim3A_1757, %broadcast_in_dim3A_1758 : vector<64x384xi1>, vector<64x384xf32>
      %max3A_1760 = arith.maximumf %get3A_1752, %select_n3A_1759 : vector<64x384xf32>
      %swap3A_1761 = arith.constant 0 : index
      %swap3A_1762 = arith.constant 0 : index
      %swap3A_1763 = vector.load %arg10[%swap3A_1761, %swap3A_1762] : memref<64x384xf32, #tpu.memory_space<vmem>>, vector<64x384xf32>
      tpu.vector_store %arg10[%swap3A_1761, %swap3A_1762], %max3A_1760 {strides = array<i32>} : memref<64x384xf32, #tpu.memory_space<vmem>>, vector<64x384xf32>,
    }
    %while3A_1100 = arith.constant 1 : i32
    scf.for %while3A_1720 = %while3A_1098 to %while3A_1094 step %while3A_1100  : i32 {
      %eq3A_1721 = vector.broadcast %while3A_1720 : i32 to vector<500x1xi32>
      %eq3A_1722 = arith.cmpi eq, %get3A_1035, %eq3A_1721 : vector<500x1xi32>
      %eq3A_1723 = vector.broadcast %while3A_1720 : i32 to vector<64x1xi32>
      %eq3A_1724 = arith.cmpi eq, %iota3A, %eq3A_1723 : vector<64x1xi32>
      %jit3A_1725 = arith.constant 0xFF800000 : f32
      %broadcast_in_dim3A_1726 = vector.shape_cast %eq3A_1722 : vector<500x1xi1> to vector<500x1xi1>
      %broadcast_in_dim3A_1727 = vector.broadcast %broadcast_in_dim3A_1726 : vector<500x1xi1> to vector<500x128xi1>
      %broadcast_in_dim3A_1728 = vector.broadcast %jit3A_1725 : f32 to vector<500x128xf32>
      %select_n3A_1729 = arith.select %broadcast_in_dim3A_1727, %mul3A_1022, %broadcast_in_dim3A_1728 : vector<500x128xi1>, vector<500x128xf32>
      %reduce_max3A_1730 = arith.constant dense<0xFF800000> : vector<128xf32>
      %reduce_max3A_1731 = vector.multi_reduction <maximumf>, %select_n3A_1729, %reduce_max3A_1730 [0] : vector<500x128xf32> to vector<128xf32>
      %broadcast_in_dim3A_1732 = vector.shape_cast %reduce_max3A_1731 : vector<128xf32> to vector<1x128xf32>
      %jit3A_1733 = arith.constant 0xFF800000 : f32
      %broadcast_in_dim3A_1734 = vector.shape_cast %eq3A_1722 : vector<500x1xi1> to vector<500x1xi1>
      %broadcast_in_dim3A_1735 = vector.broadcast %broadcast_in_dim3A_1734 : vector<500x1xi1> to vector<500x128xi1>
      %broadcast_in_dim3A_1736 = vector.broadcast %jit3A_1733 : f32 to vector<500x128xf32>
      %select_n3A_1737 = arith.select %broadcast_in_dim3A_1735, %mul3A_1027, %broadcast_in_dim3A_1736 : vector<500x128xi1>, vector<500x128xf32>
      %reduce_max3A_1738 = arith.constant dense<0xFF800000> : vector<128xf32>
      %reduce_max3A_1739 = vector.multi_reduction <maximumf>, %select_n3A_1737, %reduce_max3A_1738 [0] : vector<500x128xf32> to vector<128xf32>
      %broadcast_in_dim3A_1740 = vector.shape_cast %reduce_max3A_1739 : vector<128xf32> to vector<1x128xf32>
      %jit3A_1741 = arith.constant 0xFF800000 : f32
      %broadcast_in_dim3A_1742 = vector.shape_cast %eq3A_1722 : vector<500x1xi1> to vector<500x1xi1>
      %broadcast_in_dim3A_1743 = vector.broadcast %broadcast_in_dim3A_1742 : vector<500x1xi1> to vector<500x128xi1>
      %broadcast_in_dim3A_1744 = vector.broadcast %jit3A_1741 : f32 to vector<500x128xf32>
      %select_n3A_1745 = arith.select %broadcast_in_dim3A_1743, %mul3A_1032, %broadcast_in_dim3A_1744 : vector<500x128xi1>, vector<500x128xf32>
      %reduce_max3A_1746 = arith.constant dense<0xFF800000> : vector<128xf32>
      %reduce_max3A_1747 = vector.multi_reduction <maximumf>, %select_n3A_1745, %reduce_max3A_1746 [0] : vector<500x128xf32> to vector<128xf32>
      %broadcast_in_dim3A_1748 = vector.shape_cast %reduce_max3A_1747 : vector<128xf32> to vector<1x128xf32>
      %concatenate3A_1749 = tpu.concatenate %broadcast_in_dim3A_1732, %broadcast_in_dim3A_1740, %broadcast_in_dim3A_1748 in 1 : vector<1x128xf32>, vector<1x128xf32>, vector<1x128xf32> -> vector<1x384xf32>
      %get3A_1750 = arith.constant 0 : index
      %get3A_1751 = arith.constant 0 : index
      %get3A_1752 = vector.load %arg10[%get3A_1750, %get3A_1751] : memref<64x384xf32, #tpu.memory_space<vmem>>, vector<64x384xf32>
      %jit3A_1753 = arith.constant 0xFF800000 : f32
      %broadcast_in_dim3A_1754 = vector.shape_cast %eq3A_1724 : vector<64x1xi1> to vector<64x1xi1>
      %broadcast_in_dim3A_1755 = vector.broadcast %broadcast_in_dim3A_1754 : vector<64x1xi1> to vector<64x384xi1>
      %broadcast_in_dim3A_1756 = vector.shape_cast %concatenate3A_1749 : vector<1x384xf32> to vector<1x384xf32>
      %broadcast_in_dim3A_1757 = vector.broadcast %broadcast_in_dim3A_1756 : vector<1x384xf32> to vector<64x384xf32>
      %broadcast_in_dim3A_1758 = vector.broadcast %jit3A_1753 : f32 to vector<64x384xf32>
      %select_n3A_1759 = arith.select %broadcast_in_dim3A_1755, %broadcast_in_dim3A_1757, %broadcast_in_dim3A_1758 : vector<64x384xi1>, vector<64x384xf32>
      %max3A_1760 = arith.maximumf %get3A_1752, %select_n3A_1759 : vector<64x384xf32>
      %swap3A_1761 = arith.constant 0 : index
      %swap3A_1762 = arith.constant 0 : index
      %swap3A_1763 = vector.load %arg10[%swap3A_1761, %swap3A_1762] : memref<64x384xf32, #tpu.memory_space<vmem>>, vector<64x384xf32>
      tpu.vector_store %arg10[%swap3A_1761, %swap3A_1762], %max3A_1760 {strides = array<i32>} : memref<64x384xf32, #tpu.memory_space<vmem>>, vector<64x384xf32>,
    }
    %slice3A_1101 = vector.extract_strided_slice %tanh3A {offsets = [6500, 0], sizes = [500, 1], strides = [1, 1]} : vector<10000x1xf32> to vector<500x1xf32>
    %get3A_1102 = arith.constant 6500 : index
    %get3A_1103 = arith.constant 0 : index
    %get3A_1104 = vector.load %arg0[%get3A_1102, %get3A_1103] : memref<10240x128xf32, #tpu.memory_space<vmem>>, vector<500x128xf32>
    %mul3A_1105 = vector.broadcast %slice3A_1101 : vector<500x1xf32> to vector<500x128xf32>
    %mul3A_1106 = arith.mulf %get3A_1104, %mul3A_1105 : vector<500x128xf32>
    %get3A_1107 = arith.constant 6500 : index
    %get3A_1108 = arith.constant 0 : index
    %get3A_1109 = vector.load %arg1[%get3A_1107, %get3A_1108] : memref<10240x128xf32, #tpu.memory_space<vmem>>, vector<500x128xf32>
    %mul3A_1110 = vector.broadcast %slice3A_1101 : vector<500x1xf32> to vector<500x128xf32>
    %mul3A_1111 = arith.mulf %get3A_1109, %mul3A_1110 : vector<500x128xf32>
    %get3A_1112 = arith.constant 6500 : index
    %get3A_1113 = arith.constant 0 : index
    %get3A_1114 = vector.load %arg2[%get3A_1112, %get3A_1113] : memref<10240x128xf32, #tpu.memory_space<vmem>>, vector<500x128xf32>
    %mul3A_1115 = vector.broadcast %slice3A_1101 : vector<500x1xf32> to vector<500x128xf32>
    %mul3A_1116 = arith.mulf %get3A_1114, %mul3A_1115 : vector<500x128xf32>
    %get3A_1117 = arith.constant 6500 : index
    %get3A_1118 = arith.constant 0 : index
    %get3A_1119 = vector.load %arg5[%get3A_1117, %get3A_1118] : memref<10000x1xi32, #tpu.memory_space<vmem>>, vector<500x1xi32>
    %eq3A_1120 = vector.broadcast %get3A_1119 : vector<500x1xi32> to vector<500x64xi32>
    %eq3A_1121 = vector.broadcast %iota3A_18 : vector<1x64xi32> to vector<500x64xi32>
    %eq3A_1122 = arith.cmpi eq, %eq3A_1120, %eq3A_1121 : vector<500x64xi32>
    %convert_element_type3A_1123 = arith.extui %eq3A_1122 : vector<500x64xi1> to vector<500x64xi32>
    %convert_element_type3A_1124 = arith.sitofp %convert_element_type3A_1123 : vector<500x64xi32> to vector<500x64xf32>
    %get3A_1125 = arith.constant 0 : index
    %get3A_1126 = arith.constant 0 : index
    %get3A_1127 = vector.load %arg9[%get3A_1125, %get3A_1126] : memref<64x384xf32, #tpu.memory_space<vmem>>, vector<64x128xf32>
    %dot_general3A_1128 = arith.constant dense<0.000000e+00> : vector<64x128xf32>
    %dot_general3A_1129 = tpu.matmul %convert_element_type3A_1124, %mul3A_1106, %dot_general3A_1128 {dimension_numbers = #tpu.dot_dimension_numbers<[0], [0], [1], [1], [0, 1, 1, 1], [], []>, transpose_lhs_hint = false} : vector<500x64xf32>, vector<500x128xf32>, vector<64x128xf32> -> vector<64x128xf32>
    %add3A_1130 = arith.addf %get3A_1127, %dot_general3A_1129 : vector<64x128xf32>
    %swap3A_1131 = arith.constant 0 : index
    %swap3A_1132 = arith.constant 0 : index
    %swap3A_1133 = vector.load %arg9[%swap3A_1131, %swap3A_1132] : memref<64x384xf32, #tpu.memory_space<vmem>>, vector<64x128xf32>
    tpu.vector_store %arg9[%swap3A_1131, %swap3A_1132], %add3A_1130 {strides = array<i32>} : memref<64x384xf32, #tpu.memory_space<vmem>>, vector<64x128xf32>,
    %get3A_1134 = arith.constant 0 : index
    %get3A_1135 = arith.constant 128 : index
    %get3A_1136 = vector.load %arg9[%get3A_1134, %get3A_1135] : memref<64x384xf32, #tpu.memory_space<vmem>>, vector<64x128xf32>
    %dot_general3A_1137 = arith.constant dense<0.000000e+00> : vector<64x128xf32>
    %dot_general3A_1138 = tpu.matmul %convert_element_type3A_1124, %mul3A_1111, %dot_general3A_1137 {dimension_numbers = #tpu.dot_dimension_numbers<[0], [0], [1], [1], [0, 1, 1, 1], [], []>, transpose_lhs_hint = false} : vector<500x64xf32>, vector<500x128xf32>, vector<64x128xf32> -> vector<64x128xf32>
    %add3A_1139 = arith.addf %get3A_1136, %dot_general3A_1138 : vector<64x128xf32>
    %swap3A_1140 = arith.constant 0 : index
    %swap3A_1141 = arith.constant 128 : index
    %swap3A_1142 = vector.load %arg9[%swap3A_1140, %swap3A_1141] : memref<64x384xf32, #tpu.memory_space<vmem>>, vector<64x128xf32>
    tpu.vector_store %arg9[%swap3A_1140, %swap3A_1141], %add3A_1139 {strides = array<i32>} : memref<64x384xf32, #tpu.memory_space<vmem>>, vector<64x128xf32>,
    %get3A_1143 = arith.constant 0 : index
    %get3A_1144 = arith.constant 256 : index
    %get3A_1145 = vector.load %arg9[%get3A_1143, %get3A_1144] : memref<64x384xf32, #tpu.memory_space<vmem>>, vector<64x128xf32>
    %dot_general3A_1146 = arith.constant dense<0.000000e+00> : vector<64x128xf32>
    %dot_general3A_1147 = tpu.matmul %convert_element_type3A_1124, %mul3A_1116, %dot_general3A_1146 {dimension_numbers = #tpu.dot_dimension_numbers<[0], [0], [1], [1], [0, 1, 1, 1], [], []>, transpose_lhs_hint = false} : vector<500x64xf32>, vector<500x128xf32>, vector<64x128xf32> -> vector<64x128xf32>
    %add3A_1148 = arith.addf %get3A_1145, %dot_general3A_1147 : vector<64x128xf32>
    %swap3A_1149 = arith.constant 0 : index
    %swap3A_1150 = arith.constant 256 : index
    %swap3A_1151 = vector.load %arg9[%swap3A_1149, %swap3A_1150] : memref<64x384xf32, #tpu.memory_space<vmem>>, vector<64x128xf32>
    tpu.vector_store %arg9[%swap3A_1149, %swap3A_1150], %add3A_1148 {strides = array<i32>} : memref<64x384xf32, #tpu.memory_space<vmem>>, vector<64x128xf32>,
    %get3A_1152 = arith.constant 0 : index
    %get3A_1153 = arith.constant 0 : index
    %get3A_1154 = vector.load %arg11[%get3A_1152, %get3A_1153] : memref<64x128xf32, #tpu.memory_space<vmem>>, vector<64x128xf32>
    %reduce_sum3A_1155 = arith.constant dense<0.000000e+00> : vector<64xf32>
    %reduce_sum3A_1156 = vector.multi_reduction <add>, %convert_element_type3A_1124, %reduce_sum3A_1155 [0] : vector<500x64xf32> to vector<64xf32>
    %broadcast_in_dim3A_1157 = vector.shape_cast %reduce_sum3A_1156 : vector<64xf32> to vector<1x64xf32>
    %transpose3A_1158 = tpu.transpose %broadcast_in_dim3A_1157, [1, 0] : vector<1x64xf32> -> vector<64x1xf32>
    %add3A_1159 = vector.broadcast %transpose3A_1158 : vector<64x1xf32> to vector<64x128xf32>
    %add3A_1160 = arith.addf %get3A_1154, %add3A_1159 : vector<64x128xf32>
    %swap3A_1161 = arith.constant 0 : index
    %swap3A_1162 = arith.constant 0 : index
    %swap3A_1163 = vector.load %arg11[%swap3A_1161, %swap3A_1162] : memref<64x128xf32, #tpu.memory_space<vmem>>, vector<64x128xf32>
    tpu.vector_store %arg11[%swap3A_1161, %swap3A_1162], %add3A_1160 {strides = array<i32>} : memref<64x128xf32, #tpu.memory_space<vmem>>, vector<64x128xf32>,
    %reduce_min3A_1164 = vector.shape_cast %get3A_1119 : vector<500x1xi32> to vector<1x500x1xi32>
    %reduce_min3A_1165 = arith.constant dense<2147483647> : vector<1xi32>
    %reduce_min3A_1166 = vector.multi_reduction <minsi>, %reduce_min3A_1164, %reduce_min3A_1165 [1, 2] : vector<1x500x1xi32> to vector<1xi32>
    %reduce_min3A_1167 = vector.shape_cast %reduce_min3A_1166 : vector<1xi32> to vector<1x1x1xi32>
    %reduce_min3A_1168 = vector.extract %reduce_min3A_1167[0, 0, 0] : i32 from vector<1x1x1xi32>
    %reduce_max3A_1169 = vector.shape_cast %get3A_1119 : vector<500x1xi32> to vector<1x500x1xi32>
    %reduce_max3A_1170 = arith.constant dense<-2147483648> : vector<1xi32>
    %reduce_max3A_1171 = vector.multi_reduction <maxsi>, %reduce_max3A_1169, %reduce_max3A_1170 [1, 2] : vector<1x500x1xi32> to vector<1xi32>
    %reduce_max3A_1172 = vector.shape_cast %reduce_max3A_1171 : vector<1xi32> to vector<1x1x1xi32>
    %reduce_max3A_1173 = vector.extract %reduce_max3A_1172[0, 0, 0] : i32 from vector<1x1x1xi32>
    %add3A_1174 = arith.constant 1 : i32
    %add3A_1175 = arith.addi %reduce_max3A_1173, %add3A_1174 : i32
    %while3A_1176 = arith.constant 0 : i32
    %while3A_1177 = arith.subi %add3A_1175, %reduce_min3A_1168 : i32
    %while3A_1178 = arith.addi %reduce_min3A_1168, %while3A_1177 : i32
    %while3A_1179 = arith.constant 1 : i32
    %while3A_1180 = arith.divsi %while3A_1177, %while3A_1179 : i32
    %while3A_1181 = arith.muli %while3A_1180, %while3A_1179 : i32
    %while3A_1182 = arith.addi %reduce_min3A_1168, %while3A_1181 : i32
    %while3A_1183 = arith.constant 1 : i32
    scf.for %while3A_1720 = %reduce_min3A_1168 to %while3A_1182 step %while3A_1183  : i32 {
      %eq3A_1721 = vector.broadcast %while3A_1720 : i32 to vector<500x1xi32>
      %eq3A_1722 = arith.cmpi eq, %get3A_1119, %eq3A_1721 : vector<500x1xi32>
      %eq3A_1723 = vector.broadcast %while3A_1720 : i32 to vector<64x1xi32>
      %eq3A_1724 = arith.cmpi eq, %iota3A, %eq3A_1723 : vector<64x1xi32>
      %jit3A_1725 = arith.constant 0xFF800000 : f32
      %broadcast_in_dim3A_1726 = vector.shape_cast %eq3A_1722 : vector<500x1xi1> to vector<500x1xi1>
      %broadcast_in_dim3A_1727 = vector.broadcast %broadcast_in_dim3A_1726 : vector<500x1xi1> to vector<500x128xi1>
      %broadcast_in_dim3A_1728 = vector.broadcast %jit3A_1725 : f32 to vector<500x128xf32>
      %select_n3A_1729 = arith.select %broadcast_in_dim3A_1727, %mul3A_1106, %broadcast_in_dim3A_1728 : vector<500x128xi1>, vector<500x128xf32>
      %reduce_max3A_1730 = arith.constant dense<0xFF800000> : vector<128xf32>
      %reduce_max3A_1731 = vector.multi_reduction <maximumf>, %select_n3A_1729, %reduce_max3A_1730 [0] : vector<500x128xf32> to vector<128xf32>
      %broadcast_in_dim3A_1732 = vector.shape_cast %reduce_max3A_1731 : vector<128xf32> to vector<1x128xf32>
      %jit3A_1733 = arith.constant 0xFF800000 : f32
      %broadcast_in_dim3A_1734 = vector.shape_cast %eq3A_1722 : vector<500x1xi1> to vector<500x1xi1>
      %broadcast_in_dim3A_1735 = vector.broadcast %broadcast_in_dim3A_1734 : vector<500x1xi1> to vector<500x128xi1>
      %broadcast_in_dim3A_1736 = vector.broadcast %jit3A_1733 : f32 to vector<500x128xf32>
      %select_n3A_1737 = arith.select %broadcast_in_dim3A_1735, %mul3A_1111, %broadcast_in_dim3A_1736 : vector<500x128xi1>, vector<500x128xf32>
      %reduce_max3A_1738 = arith.constant dense<0xFF800000> : vector<128xf32>
      %reduce_max3A_1739 = vector.multi_reduction <maximumf>, %select_n3A_1737, %reduce_max3A_1738 [0] : vector<500x128xf32> to vector<128xf32>
      %broadcast_in_dim3A_1740 = vector.shape_cast %reduce_max3A_1739 : vector<128xf32> to vector<1x128xf32>
      %jit3A_1741 = arith.constant 0xFF800000 : f32
      %broadcast_in_dim3A_1742 = vector.shape_cast %eq3A_1722 : vector<500x1xi1> to vector<500x1xi1>
      %broadcast_in_dim3A_1743 = vector.broadcast %broadcast_in_dim3A_1742 : vector<500x1xi1> to vector<500x128xi1>
      %broadcast_in_dim3A_1744 = vector.broadcast %jit3A_1741 : f32 to vector<500x128xf32>
      %select_n3A_1745 = arith.select %broadcast_in_dim3A_1743, %mul3A_1116, %broadcast_in_dim3A_1744 : vector<500x128xi1>, vector<500x128xf32>
      %reduce_max3A_1746 = arith.constant dense<0xFF800000> : vector<128xf32>
      %reduce_max3A_1747 = vector.multi_reduction <maximumf>, %select_n3A_1745, %reduce_max3A_1746 [0] : vector<500x128xf32> to vector<128xf32>
      %broadcast_in_dim3A_1748 = vector.shape_cast %reduce_max3A_1747 : vector<128xf32> to vector<1x128xf32>
      %concatenate3A_1749 = tpu.concatenate %broadcast_in_dim3A_1732, %broadcast_in_dim3A_1740, %broadcast_in_dim3A_1748 in 1 : vector<1x128xf32>, vector<1x128xf32>, vector<1x128xf32> -> vector<1x384xf32>
      %get3A_1750 = arith.constant 0 : index
      %get3A_1751 = arith.constant 0 : index
      %get3A_1752 = vector.load %arg10[%get3A_1750, %get3A_1751] : memref<64x384xf32, #tpu.memory_space<vmem>>, vector<64x384xf32>
      %jit3A_1753 = arith.constant 0xFF800000 : f32
      %broadcast_in_dim3A_1754 = vector.shape_cast %eq3A_1724 : vector<64x1xi1> to vector<64x1xi1>
      %broadcast_in_dim3A_1755 = vector.broadcast %broadcast_in_dim3A_1754 : vector<64x1xi1> to vector<64x384xi1>
      %broadcast_in_dim3A_1756 = vector.shape_cast %concatenate3A_1749 : vector<1x384xf32> to vector<1x384xf32>
      %broadcast_in_dim3A_1757 = vector.broadcast %broadcast_in_dim3A_1756 : vector<1x384xf32> to vector<64x384xf32>
      %broadcast_in_dim3A_1758 = vector.broadcast %jit3A_1753 : f32 to vector<64x384xf32>
      %select_n3A_1759 = arith.select %broadcast_in_dim3A_1755, %broadcast_in_dim3A_1757, %broadcast_in_dim3A_1758 : vector<64x384xi1>, vector<64x384xf32>
      %max3A_1760 = arith.maximumf %get3A_1752, %select_n3A_1759 : vector<64x384xf32>
      %swap3A_1761 = arith.constant 0 : index
      %swap3A_1762 = arith.constant 0 : index
      %swap3A_1763 = vector.load %arg10[%swap3A_1761, %swap3A_1762] : memref<64x384xf32, #tpu.memory_space<vmem>>, vector<64x384xf32>
      tpu.vector_store %arg10[%swap3A_1761, %swap3A_1762], %max3A_1760 {strides = array<i32>} : memref<64x384xf32, #tpu.memory_space<vmem>>, vector<64x384xf32>,
    }
    %while3A_1184 = arith.constant 1 : i32
    scf.for %while3A_1720 = %while3A_1182 to %while3A_1178 step %while3A_1184  : i32 {
      %eq3A_1721 = vector.broadcast %while3A_1720 : i32 to vector<500x1xi32>
      %eq3A_1722 = arith.cmpi eq, %get3A_1119, %eq3A_1721 : vector<500x1xi32>
      %eq3A_1723 = vector.broadcast %while3A_1720 : i32 to vector<64x1xi32>
      %eq3A_1724 = arith.cmpi eq, %iota3A, %eq3A_1723 : vector<64x1xi32>
      %jit3A_1725 = arith.constant 0xFF800000 : f32
      %broadcast_in_dim3A_1726 = vector.shape_cast %eq3A_1722 : vector<500x1xi1> to vector<500x1xi1>
      %broadcast_in_dim3A_1727 = vector.broadcast %broadcast_in_dim3A_1726 : vector<500x1xi1> to vector<500x128xi1>
      %broadcast_in_dim3A_1728 = vector.broadcast %jit3A_1725 : f32 to vector<500x128xf32>
      %select_n3A_1729 = arith.select %broadcast_in_dim3A_1727, %mul3A_1106, %broadcast_in_dim3A_1728 : vector<500x128xi1>, vector<500x128xf32>
      %reduce_max3A_1730 = arith.constant dense<0xFF800000> : vector<128xf32>
      %reduce_max3A_1731 = vector.multi_reduction <maximumf>, %select_n3A_1729, %reduce_max3A_1730 [0] : vector<500x128xf32> to vector<128xf32>
      %broadcast_in_dim3A_1732 = vector.shape_cast %reduce_max3A_1731 : vector<128xf32> to vector<1x128xf32>
      %jit3A_1733 = arith.constant 0xFF800000 : f32
      %broadcast_in_dim3A_1734 = vector.shape_cast %eq3A_1722 : vector<500x1xi1> to vector<500x1xi1>
      %broadcast_in_dim3A_1735 = vector.broadcast %broadcast_in_dim3A_1734 : vector<500x1xi1> to vector<500x128xi1>
      %broadcast_in_dim3A_1736 = vector.broadcast %jit3A_1733 : f32 to vector<500x128xf32>
      %select_n3A_1737 = arith.select %broadcast_in_dim3A_1735, %mul3A_1111, %broadcast_in_dim3A_1736 : vector<500x128xi1>, vector<500x128xf32>
      %reduce_max3A_1738 = arith.constant dense<0xFF800000> : vector<128xf32>
      %reduce_max3A_1739 = vector.multi_reduction <maximumf>, %select_n3A_1737, %reduce_max3A_1738 [0] : vector<500x128xf32> to vector<128xf32>
      %broadcast_in_dim3A_1740 = vector.shape_cast %reduce_max3A_1739 : vector<128xf32> to vector<1x128xf32>
      %jit3A_1741 = arith.constant 0xFF800000 : f32
      %broadcast_in_dim3A_1742 = vector.shape_cast %eq3A_1722 : vector<500x1xi1> to vector<500x1xi1>
      %broadcast_in_dim3A_1743 = vector.broadcast %broadcast_in_dim3A_1742 : vector<500x1xi1> to vector<500x128xi1>
      %broadcast_in_dim3A_1744 = vector.broadcast %jit3A_1741 : f32 to vector<500x128xf32>
      %select_n3A_1745 = arith.select %broadcast_in_dim3A_1743, %mul3A_1116, %broadcast_in_dim3A_1744 : vector<500x128xi1>, vector<500x128xf32>
      %reduce_max3A_1746 = arith.constant dense<0xFF800000> : vector<128xf32>
      %reduce_max3A_1747 = vector.multi_reduction <maximumf>, %select_n3A_1745, %reduce_max3A_1746 [0] : vector<500x128xf32> to vector<128xf32>
      %broadcast_in_dim3A_1748 = vector.shape_cast %reduce_max3A_1747 : vector<128xf32> to vector<1x128xf32>
      %concatenate3A_1749 = tpu.concatenate %broadcast_in_dim3A_1732, %broadcast_in_dim3A_1740, %broadcast_in_dim3A_1748 in 1 : vector<1x128xf32>, vector<1x128xf32>, vector<1x128xf32> -> vector<1x384xf32>
      %get3A_1750 = arith.constant 0 : index
      %get3A_1751 = arith.constant 0 : index
      %get3A_1752 = vector.load %arg10[%get3A_1750, %get3A_1751] : memref<64x384xf32, #tpu.memory_space<vmem>>, vector<64x384xf32>
      %jit3A_1753 = arith.constant 0xFF800000 : f32
      %broadcast_in_dim3A_1754 = vector.shape_cast %eq3A_1724 : vector<64x1xi1> to vector<64x1xi1>
      %broadcast_in_dim3A_1755 = vector.broadcast %broadcast_in_dim3A_1754 : vector<64x1xi1> to vector<64x384xi1>
      %broadcast_in_dim3A_1756 = vector.shape_cast %concatenate3A_1749 : vector<1x384xf32> to vector<1x384xf32>
      %broadcast_in_dim3A_1757 = vector.broadcast %broadcast_in_dim3A_1756 : vector<1x384xf32> to vector<64x384xf32>
      %broadcast_in_dim3A_1758 = vector.broadcast %jit3A_1753 : f32 to vector<64x384xf32>
      %select_n3A_1759 = arith.select %broadcast_in_dim3A_1755, %broadcast_in_dim3A_1757, %broadcast_in_dim3A_1758 : vector<64x384xi1>, vector<64x384xf32>
      %max3A_1760 = arith.maximumf %get3A_1752, %select_n3A_1759 : vector<64x384xf32>
      %swap3A_1761 = arith.constant 0 : index
      %swap3A_1762 = arith.constant 0 : index
      %swap3A_1763 = vector.load %arg10[%swap3A_1761, %swap3A_1762] : memref<64x384xf32, #tpu.memory_space<vmem>>, vector<64x384xf32>
      tpu.vector_store %arg10[%swap3A_1761, %swap3A_1762], %max3A_1760 {strides = array<i32>} : memref<64x384xf32, #tpu.memory_space<vmem>>, vector<64x384xf32>,
    }
    %slice3A_1185 = vector.extract_strided_slice %tanh3A {offsets = [7000, 0], sizes = [500, 1], strides = [1, 1]} : vector<10000x1xf32> to vector<500x1xf32>
    %get3A_1186 = arith.constant 7000 : index
    %get3A_1187 = arith.constant 0 : index
    %get3A_1188 = vector.load %arg0[%get3A_1186, %get3A_1187] : memref<10240x128xf32, #tpu.memory_space<vmem>>, vector<500x128xf32>
    %mul3A_1189 = vector.broadcast %slice3A_1185 : vector<500x1xf32> to vector<500x128xf32>
    %mul3A_1190 = arith.mulf %get3A_1188, %mul3A_1189 : vector<500x128xf32>
    %get3A_1191 = arith.constant 7000 : index
    %get3A_1192 = arith.constant 0 : index
    %get3A_1193 = vector.load %arg1[%get3A_1191, %get3A_1192] : memref<10240x128xf32, #tpu.memory_space<vmem>>, vector<500x128xf32>
    %mul3A_1194 = vector.broadcast %slice3A_1185 : vector<500x1xf32> to vector<500x128xf32>
    %mul3A_1195 = arith.mulf %get3A_1193, %mul3A_1194 : vector<500x128xf32>
    %get3A_1196 = arith.constant 7000 : index
    %get3A_1197 = arith.constant 0 : index
    %get3A_1198 = vector.load %arg2[%get3A_1196, %get3A_1197] : memref<10240x128xf32, #tpu.memory_space<vmem>>, vector<500x128xf32>
    %mul3A_1199 = vector.broadcast %slice3A_1185 : vector<500x1xf32> to vector<500x128xf32>
    %mul3A_1200 = arith.mulf %get3A_1198, %mul3A_1199 : vector<500x128xf32>
    %get3A_1201 = arith.constant 7000 : index
    %get3A_1202 = arith.constant 0 : index
    %get3A_1203 = vector.load %arg5[%get3A_1201, %get3A_1202] : memref<10000x1xi32, #tpu.memory_space<vmem>>, vector<500x1xi32>
    %eq3A_1204 = vector.broadcast %get3A_1203 : vector<500x1xi32> to vector<500x64xi32>
    %eq3A_1205 = vector.broadcast %iota3A_18 : vector<1x64xi32> to vector<500x64xi32>
    %eq3A_1206 = arith.cmpi eq, %eq3A_1204, %eq3A_1205 : vector<500x64xi32>
    %convert_element_type3A_1207 = arith.extui %eq3A_1206 : vector<500x64xi1> to vector<500x64xi32>
    %convert_element_type3A_1208 = arith.sitofp %convert_element_type3A_1207 : vector<500x64xi32> to vector<500x64xf32>
    %get3A_1209 = arith.constant 0 : index
    %get3A_1210 = arith.constant 0 : index
    %get3A_1211 = vector.load %arg9[%get3A_1209, %get3A_1210] : memref<64x384xf32, #tpu.memory_space<vmem>>, vector<64x128xf32>
    %dot_general3A_1212 = arith.constant dense<0.000000e+00> : vector<64x128xf32>
    %dot_general3A_1213 = tpu.matmul %convert_element_type3A_1208, %mul3A_1190, %dot_general3A_1212 {dimension_numbers = #tpu.dot_dimension_numbers<[0], [0], [1], [1], [0, 1, 1, 1], [], []>, transpose_lhs_hint = false} : vector<500x64xf32>, vector<500x128xf32>, vector<64x128xf32> -> vector<64x128xf32>
    %add3A_1214 = arith.addf %get3A_1211, %dot_general3A_1213 : vector<64x128xf32>
    %swap3A_1215 = arith.constant 0 : index
    %swap3A_1216 = arith.constant 0 : index
    %swap3A_1217 = vector.load %arg9[%swap3A_1215, %swap3A_1216] : memref<64x384xf32, #tpu.memory_space<vmem>>, vector<64x128xf32>
    tpu.vector_store %arg9[%swap3A_1215, %swap3A_1216], %add3A_1214 {strides = array<i32>} : memref<64x384xf32, #tpu.memory_space<vmem>>, vector<64x128xf32>,
    %get3A_1218 = arith.constant 0 : index
    %get3A_1219 = arith.constant 128 : index
    %get3A_1220 = vector.load %arg9[%get3A_1218, %get3A_1219] : memref<64x384xf32, #tpu.memory_space<vmem>>, vector<64x128xf32>
    %dot_general3A_1221 = arith.constant dense<0.000000e+00> : vector<64x128xf32>
    %dot_general3A_1222 = tpu.matmul %convert_element_type3A_1208, %mul3A_1195, %dot_general3A_1221 {dimension_numbers = #tpu.dot_dimension_numbers<[0], [0], [1], [1], [0, 1, 1, 1], [], []>, transpose_lhs_hint = false} : vector<500x64xf32>, vector<500x128xf32>, vector<64x128xf32> -> vector<64x128xf32>
    %add3A_1223 = arith.addf %get3A_1220, %dot_general3A_1222 : vector<64x128xf32>
    %swap3A_1224 = arith.constant 0 : index
    %swap3A_1225 = arith.constant 128 : index
    %swap3A_1226 = vector.load %arg9[%swap3A_1224, %swap3A_1225] : memref<64x384xf32, #tpu.memory_space<vmem>>, vector<64x128xf32>
    tpu.vector_store %arg9[%swap3A_1224, %swap3A_1225], %add3A_1223 {strides = array<i32>} : memref<64x384xf32, #tpu.memory_space<vmem>>, vector<64x128xf32>,
    %get3A_1227 = arith.constant 0 : index
    %get3A_1228 = arith.constant 256 : index
    %get3A_1229 = vector.load %arg9[%get3A_1227, %get3A_1228] : memref<64x384xf32, #tpu.memory_space<vmem>>, vector<64x128xf32>
    %dot_general3A_1230 = arith.constant dense<0.000000e+00> : vector<64x128xf32>
    %dot_general3A_1231 = tpu.matmul %convert_element_type3A_1208, %mul3A_1200, %dot_general3A_1230 {dimension_numbers = #tpu.dot_dimension_numbers<[0], [0], [1], [1], [0, 1, 1, 1], [], []>, transpose_lhs_hint = false} : vector<500x64xf32>, vector<500x128xf32>, vector<64x128xf32> -> vector<64x128xf32>
    %add3A_1232 = arith.addf %get3A_1229, %dot_general3A_1231 : vector<64x128xf32>
    %swap3A_1233 = arith.constant 0 : index
    %swap3A_1234 = arith.constant 256 : index
    %swap3A_1235 = vector.load %arg9[%swap3A_1233, %swap3A_1234] : memref<64x384xf32, #tpu.memory_space<vmem>>, vector<64x128xf32>
    tpu.vector_store %arg9[%swap3A_1233, %swap3A_1234], %add3A_1232 {strides = array<i32>} : memref<64x384xf32, #tpu.memory_space<vmem>>, vector<64x128xf32>,
    %get3A_1236 = arith.constant 0 : index
    %get3A_1237 = arith.constant 0 : index
    %get3A_1238 = vector.load %arg11[%get3A_1236, %get3A_1237] : memref<64x128xf32, #tpu.memory_space<vmem>>, vector<64x128xf32>
    %reduce_sum3A_1239 = arith.constant dense<0.000000e+00> : vector<64xf32>
    %reduce_sum3A_1240 = vector.multi_reduction <add>, %convert_element_type3A_1208, %reduce_sum3A_1239 [0] : vector<500x64xf32> to vector<64xf32>
    %broadcast_in_dim3A_1241 = vector.shape_cast %reduce_sum3A_1240 : vector<64xf32> to vector<1x64xf32>
    %transpose3A_1242 = tpu.transpose %broadcast_in_dim3A_1241, [1, 0] : vector<1x64xf32> -> vector<64x1xf32>
    %add3A_1243 = vector.broadcast %transpose3A_1242 : vector<64x1xf32> to vector<64x128xf32>
    %add3A_1244 = arith.addf %get3A_1238, %add3A_1243 : vector<64x128xf32>
    %swap3A_1245 = arith.constant 0 : index
    %swap3A_1246 = arith.constant 0 : index
    %swap3A_1247 = vector.load %arg11[%swap3A_1245, %swap3A_1246] : memref<64x128xf32, #tpu.memory_space<vmem>>, vector<64x128xf32>
    tpu.vector_store %arg11[%swap3A_1245, %swap3A_1246], %add3A_1244 {strides = array<i32>} : memref<64x128xf32, #tpu.memory_space<vmem>>, vector<64x128xf32>,
    %reduce_min3A_1248 = vector.shape_cast %get3A_1203 : vector<500x1xi32> to vector<1x500x1xi32>
    %reduce_min3A_1249 = arith.constant dense<2147483647> : vector<1xi32>
    %reduce_min3A_1250 = vector.multi_reduction <minsi>, %reduce_min3A_1248, %reduce_min3A_1249 [1, 2] : vector<1x500x1xi32> to vector<1xi32>
    %reduce_min3A_1251 = vector.shape_cast %reduce_min3A_1250 : vector<1xi32> to vector<1x1x1xi32>
    %reduce_min3A_1252 = vector.extract %reduce_min3A_1251[0, 0, 0] : i32 from vector<1x1x1xi32>
    %reduce_max3A_1253 = vector.shape_cast %get3A_1203 : vector<500x1xi32> to vector<1x500x1xi32>
    %reduce_max3A_1254 = arith.constant dense<-2147483648> : vector<1xi32>
    %reduce_max3A_1255 = vector.multi_reduction <maxsi>, %reduce_max3A_1253, %reduce_max3A_1254 [1, 2] : vector<1x500x1xi32> to vector<1xi32>
    %reduce_max3A_1256 = vector.shape_cast %reduce_max3A_1255 : vector<1xi32> to vector<1x1x1xi32>
    %reduce_max3A_1257 = vector.extract %reduce_max3A_1256[0, 0, 0] : i32 from vector<1x1x1xi32>
    %add3A_1258 = arith.constant 1 : i32
    %add3A_1259 = arith.addi %reduce_max3A_1257, %add3A_1258 : i32
    %while3A_1260 = arith.constant 0 : i32
    %while3A_1261 = arith.subi %add3A_1259, %reduce_min3A_1252 : i32
    %while3A_1262 = arith.addi %reduce_min3A_1252, %while3A_1261 : i32
    %while3A_1263 = arith.constant 1 : i32
    %while3A_1264 = arith.divsi %while3A_1261, %while3A_1263 : i32
    %while3A_1265 = arith.muli %while3A_1264, %while3A_1263 : i32
    %while3A_1266 = arith.addi %reduce_min3A_1252, %while3A_1265 : i32
    %while3A_1267 = arith.constant 1 : i32
    scf.for %while3A_1720 = %reduce_min3A_1252 to %while3A_1266 step %while3A_1267  : i32 {
      %eq3A_1721 = vector.broadcast %while3A_1720 : i32 to vector<500x1xi32>
      %eq3A_1722 = arith.cmpi eq, %get3A_1203, %eq3A_1721 : vector<500x1xi32>
      %eq3A_1723 = vector.broadcast %while3A_1720 : i32 to vector<64x1xi32>
      %eq3A_1724 = arith.cmpi eq, %iota3A, %eq3A_1723 : vector<64x1xi32>
      %jit3A_1725 = arith.constant 0xFF800000 : f32
      %broadcast_in_dim3A_1726 = vector.shape_cast %eq3A_1722 : vector<500x1xi1> to vector<500x1xi1>
      %broadcast_in_dim3A_1727 = vector.broadcast %broadcast_in_dim3A_1726 : vector<500x1xi1> to vector<500x128xi1>
      %broadcast_in_dim3A_1728 = vector.broadcast %jit3A_1725 : f32 to vector<500x128xf32>
      %select_n3A_1729 = arith.select %broadcast_in_dim3A_1727, %mul3A_1190, %broadcast_in_dim3A_1728 : vector<500x128xi1>, vector<500x128xf32>
      %reduce_max3A_1730 = arith.constant dense<0xFF800000> : vector<128xf32>
      %reduce_max3A_1731 = vector.multi_reduction <maximumf>, %select_n3A_1729, %reduce_max3A_1730 [0] : vector<500x128xf32> to vector<128xf32>
      %broadcast_in_dim3A_1732 = vector.shape_cast %reduce_max3A_1731 : vector<128xf32> to vector<1x128xf32>
      %jit3A_1733 = arith.constant 0xFF800000 : f32
      %broadcast_in_dim3A_1734 = vector.shape_cast %eq3A_1722 : vector<500x1xi1> to vector<500x1xi1>
      %broadcast_in_dim3A_1735 = vector.broadcast %broadcast_in_dim3A_1734 : vector<500x1xi1> to vector<500x128xi1>
      %broadcast_in_dim3A_1736 = vector.broadcast %jit3A_1733 : f32 to vector<500x128xf32>
      %select_n3A_1737 = arith.select %broadcast_in_dim3A_1735, %mul3A_1195, %broadcast_in_dim3A_1736 : vector<500x128xi1>, vector<500x128xf32>
      %reduce_max3A_1738 = arith.constant dense<0xFF800000> : vector<128xf32>
      %reduce_max3A_1739 = vector.multi_reduction <maximumf>, %select_n3A_1737, %reduce_max3A_1738 [0] : vector<500x128xf32> to vector<128xf32>
      %broadcast_in_dim3A_1740 = vector.shape_cast %reduce_max3A_1739 : vector<128xf32> to vector<1x128xf32>
      %jit3A_1741 = arith.constant 0xFF800000 : f32
      %broadcast_in_dim3A_1742 = vector.shape_cast %eq3A_1722 : vector<500x1xi1> to vector<500x1xi1>
      %broadcast_in_dim3A_1743 = vector.broadcast %broadcast_in_dim3A_1742 : vector<500x1xi1> to vector<500x128xi1>
      %broadcast_in_dim3A_1744 = vector.broadcast %jit3A_1741 : f32 to vector<500x128xf32>
      %select_n3A_1745 = arith.select %broadcast_in_dim3A_1743, %mul3A_1200, %broadcast_in_dim3A_1744 : vector<500x128xi1>, vector<500x128xf32>
      %reduce_max3A_1746 = arith.constant dense<0xFF800000> : vector<128xf32>
      %reduce_max3A_1747 = vector.multi_reduction <maximumf>, %select_n3A_1745, %reduce_max3A_1746 [0] : vector<500x128xf32> to vector<128xf32>
      %broadcast_in_dim3A_1748 = vector.shape_cast %reduce_max3A_1747 : vector<128xf32> to vector<1x128xf32>
      %concatenate3A_1749 = tpu.concatenate %broadcast_in_dim3A_1732, %broadcast_in_dim3A_1740, %broadcast_in_dim3A_1748 in 1 : vector<1x128xf32>, vector<1x128xf32>, vector<1x128xf32> -> vector<1x384xf32>
      %get3A_1750 = arith.constant 0 : index
      %get3A_1751 = arith.constant 0 : index
      %get3A_1752 = vector.load %arg10[%get3A_1750, %get3A_1751] : memref<64x384xf32, #tpu.memory_space<vmem>>, vector<64x384xf32>
      %jit3A_1753 = arith.constant 0xFF800000 : f32
      %broadcast_in_dim3A_1754 = vector.shape_cast %eq3A_1724 : vector<64x1xi1> to vector<64x1xi1>
      %broadcast_in_dim3A_1755 = vector.broadcast %broadcast_in_dim3A_1754 : vector<64x1xi1> to vector<64x384xi1>
      %broadcast_in_dim3A_1756 = vector.shape_cast %concatenate3A_1749 : vector<1x384xf32> to vector<1x384xf32>
      %broadcast_in_dim3A_1757 = vector.broadcast %broadcast_in_dim3A_1756 : vector<1x384xf32> to vector<64x384xf32>
      %broadcast_in_dim3A_1758 = vector.broadcast %jit3A_1753 : f32 to vector<64x384xf32>
      %select_n3A_1759 = arith.select %broadcast_in_dim3A_1755, %broadcast_in_dim3A_1757, %broadcast_in_dim3A_1758 : vector<64x384xi1>, vector<64x384xf32>
      %max3A_1760 = arith.maximumf %get3A_1752, %select_n3A_1759 : vector<64x384xf32>
      %swap3A_1761 = arith.constant 0 : index
      %swap3A_1762 = arith.constant 0 : index
      %swap3A_1763 = vector.load %arg10[%swap3A_1761, %swap3A_1762] : memref<64x384xf32, #tpu.memory_space<vmem>>, vector<64x384xf32>
      tpu.vector_store %arg10[%swap3A_1761, %swap3A_1762], %max3A_1760 {strides = array<i32>} : memref<64x384xf32, #tpu.memory_space<vmem>>, vector<64x384xf32>,
    }
    %while3A_1268 = arith.constant 1 : i32
    scf.for %while3A_1720 = %while3A_1266 to %while3A_1262 step %while3A_1268  : i32 {
      %eq3A_1721 = vector.broadcast %while3A_1720 : i32 to vector<500x1xi32>
      %eq3A_1722 = arith.cmpi eq, %get3A_1203, %eq3A_1721 : vector<500x1xi32>
      %eq3A_1723 = vector.broadcast %while3A_1720 : i32 to vector<64x1xi32>
      %eq3A_1724 = arith.cmpi eq, %iota3A, %eq3A_1723 : vector<64x1xi32>
      %jit3A_1725 = arith.constant 0xFF800000 : f32
      %broadcast_in_dim3A_1726 = vector.shape_cast %eq3A_1722 : vector<500x1xi1> to vector<500x1xi1>
      %broadcast_in_dim3A_1727 = vector.broadcast %broadcast_in_dim3A_1726 : vector<500x1xi1> to vector<500x128xi1>
      %broadcast_in_dim3A_1728 = vector.broadcast %jit3A_1725 : f32 to vector<500x128xf32>
      %select_n3A_1729 = arith.select %broadcast_in_dim3A_1727, %mul3A_1190, %broadcast_in_dim3A_1728 : vector<500x128xi1>, vector<500x128xf32>
      %reduce_max3A_1730 = arith.constant dense<0xFF800000> : vector<128xf32>
      %reduce_max3A_1731 = vector.multi_reduction <maximumf>, %select_n3A_1729, %reduce_max3A_1730 [0] : vector<500x128xf32> to vector<128xf32>
      %broadcast_in_dim3A_1732 = vector.shape_cast %reduce_max3A_1731 : vector<128xf32> to vector<1x128xf32>
      %jit3A_1733 = arith.constant 0xFF800000 : f32
      %broadcast_in_dim3A_1734 = vector.shape_cast %eq3A_1722 : vector<500x1xi1> to vector<500x1xi1>
      %broadcast_in_dim3A_1735 = vector.broadcast %broadcast_in_dim3A_1734 : vector<500x1xi1> to vector<500x128xi1>
      %broadcast_in_dim3A_1736 = vector.broadcast %jit3A_1733 : f32 to vector<500x128xf32>
      %select_n3A_1737 = arith.select %broadcast_in_dim3A_1735, %mul3A_1195, %broadcast_in_dim3A_1736 : vector<500x128xi1>, vector<500x128xf32>
      %reduce_max3A_1738 = arith.constant dense<0xFF800000> : vector<128xf32>
      %reduce_max3A_1739 = vector.multi_reduction <maximumf>, %select_n3A_1737, %reduce_max3A_1738 [0] : vector<500x128xf32> to vector<128xf32>
      %broadcast_in_dim3A_1740 = vector.shape_cast %reduce_max3A_1739 : vector<128xf32> to vector<1x128xf32>
      %jit3A_1741 = arith.constant 0xFF800000 : f32
      %broadcast_in_dim3A_1742 = vector.shape_cast %eq3A_1722 : vector<500x1xi1> to vector<500x1xi1>
      %broadcast_in_dim3A_1743 = vector.broadcast %broadcast_in_dim3A_1742 : vector<500x1xi1> to vector<500x128xi1>
      %broadcast_in_dim3A_1744 = vector.broadcast %jit3A_1741 : f32 to vector<500x128xf32>
      %select_n3A_1745 = arith.select %broadcast_in_dim3A_1743, %mul3A_1200, %broadcast_in_dim3A_1744 : vector<500x128xi1>, vector<500x128xf32>
      %reduce_max3A_1746 = arith.constant dense<0xFF800000> : vector<128xf32>
      %reduce_max3A_1747 = vector.multi_reduction <maximumf>, %select_n3A_1745, %reduce_max3A_1746 [0] : vector<500x128xf32> to vector<128xf32>
      %broadcast_in_dim3A_1748 = vector.shape_cast %reduce_max3A_1747 : vector<128xf32> to vector<1x128xf32>
      %concatenate3A_1749 = tpu.concatenate %broadcast_in_dim3A_1732, %broadcast_in_dim3A_1740, %broadcast_in_dim3A_1748 in 1 : vector<1x128xf32>, vector<1x128xf32>, vector<1x128xf32> -> vector<1x384xf32>
      %get3A_1750 = arith.constant 0 : index
      %get3A_1751 = arith.constant 0 : index
      %get3A_1752 = vector.load %arg10[%get3A_1750, %get3A_1751] : memref<64x384xf32, #tpu.memory_space<vmem>>, vector<64x384xf32>
      %jit3A_1753 = arith.constant 0xFF800000 : f32
      %broadcast_in_dim3A_1754 = vector.shape_cast %eq3A_1724 : vector<64x1xi1> to vector<64x1xi1>
      %broadcast_in_dim3A_1755 = vector.broadcast %broadcast_in_dim3A_1754 : vector<64x1xi1> to vector<64x384xi1>
      %broadcast_in_dim3A_1756 = vector.shape_cast %concatenate3A_1749 : vector<1x384xf32> to vector<1x384xf32>
      %broadcast_in_dim3A_1757 = vector.broadcast %broadcast_in_dim3A_1756 : vector<1x384xf32> to vector<64x384xf32>
      %broadcast_in_dim3A_1758 = vector.broadcast %jit3A_1753 : f32 to vector<64x384xf32>
      %select_n3A_1759 = arith.select %broadcast_in_dim3A_1755, %broadcast_in_dim3A_1757, %broadcast_in_dim3A_1758 : vector<64x384xi1>, vector<64x384xf32>
      %max3A_1760 = arith.maximumf %get3A_1752, %select_n3A_1759 : vector<64x384xf32>
      %swap3A_1761 = arith.constant 0 : index
      %swap3A_1762 = arith.constant 0 : index
      %swap3A_1763 = vector.load %arg10[%swap3A_1761, %swap3A_1762] : memref<64x384xf32, #tpu.memory_space<vmem>>, vector<64x384xf32>
      tpu.vector_store %arg10[%swap3A_1761, %swap3A_1762], %max3A_1760 {strides = array<i32>} : memref<64x384xf32, #tpu.memory_space<vmem>>, vector<64x384xf32>,
    }
    %slice3A_1269 = vector.extract_strided_slice %tanh3A {offsets = [7500, 0], sizes = [500, 1], strides = [1, 1]} : vector<10000x1xf32> to vector<500x1xf32>
    %get3A_1270 = arith.constant 7500 : index
    %get3A_1271 = arith.constant 0 : index
    %get3A_1272 = vector.load %arg0[%get3A_1270, %get3A_1271] : memref<10240x128xf32, #tpu.memory_space<vmem>>, vector<500x128xf32>
    %mul3A_1273 = vector.broadcast %slice3A_1269 : vector<500x1xf32> to vector<500x128xf32>
    %mul3A_1274 = arith.mulf %get3A_1272, %mul3A_1273 : vector<500x128xf32>
    %get3A_1275 = arith.constant 7500 : index
    %get3A_1276 = arith.constant 0 : index
    %get3A_1277 = vector.load %arg1[%get3A_1275, %get3A_1276] : memref<10240x128xf32, #tpu.memory_space<vmem>>, vector<500x128xf32>
    %mul3A_1278 = vector.broadcast %slice3A_1269 : vector<500x1xf32> to vector<500x128xf32>
    %mul3A_1279 = arith.mulf %get3A_1277, %mul3A_1278 : vector<500x128xf32>
    %get3A_1280 = arith.constant 7500 : index
    %get3A_1281 = arith.constant 0 : index
    %get3A_1282 = vector.load %arg2[%get3A_1280, %get3A_1281] : memref<10240x128xf32, #tpu.memory_space<vmem>>, vector<500x128xf32>
    %mul3A_1283 = vector.broadcast %slice3A_1269 : vector<500x1xf32> to vector<500x128xf32>
    %mul3A_1284 = arith.mulf %get3A_1282, %mul3A_1283 : vector<500x128xf32>
    %get3A_1285 = arith.constant 7500 : index
    %get3A_1286 = arith.constant 0 : index
    %get3A_1287 = vector.load %arg5[%get3A_1285, %get3A_1286] : memref<10000x1xi32, #tpu.memory_space<vmem>>, vector<500x1xi32>
    %eq3A_1288 = vector.broadcast %get3A_1287 : vector<500x1xi32> to vector<500x64xi32>
    %eq3A_1289 = vector.broadcast %iota3A_18 : vector<1x64xi32> to vector<500x64xi32>
    %eq3A_1290 = arith.cmpi eq, %eq3A_1288, %eq3A_1289 : vector<500x64xi32>
    %convert_element_type3A_1291 = arith.extui %eq3A_1290 : vector<500x64xi1> to vector<500x64xi32>
    %convert_element_type3A_1292 = arith.sitofp %convert_element_type3A_1291 : vector<500x64xi32> to vector<500x64xf32>
    %get3A_1293 = arith.constant 0 : index
    %get3A_1294 = arith.constant 0 : index
    %get3A_1295 = vector.load %arg9[%get3A_1293, %get3A_1294] : memref<64x384xf32, #tpu.memory_space<vmem>>, vector<64x128xf32>
    %dot_general3A_1296 = arith.constant dense<0.000000e+00> : vector<64x128xf32>
    %dot_general3A_1297 = tpu.matmul %convert_element_type3A_1292, %mul3A_1274, %dot_general3A_1296 {dimension_numbers = #tpu.dot_dimension_numbers<[0], [0], [1], [1], [0, 1, 1, 1], [], []>, transpose_lhs_hint = false} : vector<500x64xf32>, vector<500x128xf32>, vector<64x128xf32> -> vector<64x128xf32>
    %add3A_1298 = arith.addf %get3A_1295, %dot_general3A_1297 : vector<64x128xf32>
    %swap3A_1299 = arith.constant 0 : index
    %swap3A_1300 = arith.constant 0 : index
    %swap3A_1301 = vector.load %arg9[%swap3A_1299, %swap3A_1300] : memref<64x384xf32, #tpu.memory_space<vmem>>, vector<64x128xf32>
    tpu.vector_store %arg9[%swap3A_1299, %swap3A_1300], %add3A_1298 {strides = array<i32>} : memref<64x384xf32, #tpu.memory_space<vmem>>, vector<64x128xf32>,
    %get3A_1302 = arith.constant 0 : index
    %get3A_1303 = arith.constant 128 : index
    %get3A_1304 = vector.load %arg9[%get3A_1302, %get3A_1303] : memref<64x384xf32, #tpu.memory_space<vmem>>, vector<64x128xf32>
    %dot_general3A_1305 = arith.constant dense<0.000000e+00> : vector<64x128xf32>
    %dot_general3A_1306 = tpu.matmul %convert_element_type3A_1292, %mul3A_1279, %dot_general3A_1305 {dimension_numbers = #tpu.dot_dimension_numbers<[0], [0], [1], [1], [0, 1, 1, 1], [], []>, transpose_lhs_hint = false} : vector<500x64xf32>, vector<500x128xf32>, vector<64x128xf32> -> vector<64x128xf32>
    %add3A_1307 = arith.addf %get3A_1304, %dot_general3A_1306 : vector<64x128xf32>
    %swap3A_1308 = arith.constant 0 : index
    %swap3A_1309 = arith.constant 128 : index
    %swap3A_1310 = vector.load %arg9[%swap3A_1308, %swap3A_1309] : memref<64x384xf32, #tpu.memory_space<vmem>>, vector<64x128xf32>
    tpu.vector_store %arg9[%swap3A_1308, %swap3A_1309], %add3A_1307 {strides = array<i32>} : memref<64x384xf32, #tpu.memory_space<vmem>>, vector<64x128xf32>,
    %get3A_1311 = arith.constant 0 : index
    %get3A_1312 = arith.constant 256 : index
    %get3A_1313 = vector.load %arg9[%get3A_1311, %get3A_1312] : memref<64x384xf32, #tpu.memory_space<vmem>>, vector<64x128xf32>
    %dot_general3A_1314 = arith.constant dense<0.000000e+00> : vector<64x128xf32>
    %dot_general3A_1315 = tpu.matmul %convert_element_type3A_1292, %mul3A_1284, %dot_general3A_1314 {dimension_numbers = #tpu.dot_dimension_numbers<[0], [0], [1], [1], [0, 1, 1, 1], [], []>, transpose_lhs_hint = false} : vector<500x64xf32>, vector<500x128xf32>, vector<64x128xf32> -> vector<64x128xf32>
    %add3A_1316 = arith.addf %get3A_1313, %dot_general3A_1315 : vector<64x128xf32>
    %swap3A_1317 = arith.constant 0 : index
    %swap3A_1318 = arith.constant 256 : index
    %swap3A_1319 = vector.load %arg9[%swap3A_1317, %swap3A_1318] : memref<64x384xf32, #tpu.memory_space<vmem>>, vector<64x128xf32>
    tpu.vector_store %arg9[%swap3A_1317, %swap3A_1318], %add3A_1316 {strides = array<i32>} : memref<64x384xf32, #tpu.memory_space<vmem>>, vector<64x128xf32>,
    %get3A_1320 = arith.constant 0 : index
    %get3A_1321 = arith.constant 0 : index
    %get3A_1322 = vector.load %arg11[%get3A_1320, %get3A_1321] : memref<64x128xf32, #tpu.memory_space<vmem>>, vector<64x128xf32>
    %reduce_sum3A_1323 = arith.constant dense<0.000000e+00> : vector<64xf32>
    %reduce_sum3A_1324 = vector.multi_reduction <add>, %convert_element_type3A_1292, %reduce_sum3A_1323 [0] : vector<500x64xf32> to vector<64xf32>
    %broadcast_in_dim3A_1325 = vector.shape_cast %reduce_sum3A_1324 : vector<64xf32> to vector<1x64xf32>
    %transpose3A_1326 = tpu.transpose %broadcast_in_dim3A_1325, [1, 0] : vector<1x64xf32> -> vector<64x1xf32>
    %add3A_1327 = vector.broadcast %transpose3A_1326 : vector<64x1xf32> to vector<64x128xf32>
    %add3A_1328 = arith.addf %get3A_1322, %add3A_1327 : vector<64x128xf32>
    %swap3A_1329 = arith.constant 0 : index
    %swap3A_1330 = arith.constant 0 : index
    %swap3A_1331 = vector.load %arg11[%swap3A_1329, %swap3A_1330] : memref<64x128xf32, #tpu.memory_space<vmem>>, vector<64x128xf32>
    tpu.vector_store %arg11[%swap3A_1329, %swap3A_1330], %add3A_1328 {strides = array<i32>} : memref<64x128xf32, #tpu.memory_space<vmem>>, vector<64x128xf32>,
    %reduce_min3A_1332 = vector.shape_cast %get3A_1287 : vector<500x1xi32> to vector<1x500x1xi32>
    %reduce_min3A_1333 = arith.constant dense<2147483647> : vector<1xi32>
    %reduce_min3A_1334 = vector.multi_reduction <minsi>, %reduce_min3A_1332, %reduce_min3A_1333 [1, 2] : vector<1x500x1xi32> to vector<1xi32>
    %reduce_min3A_1335 = vector.shape_cast %reduce_min3A_1334 : vector<1xi32> to vector<1x1x1xi32>
    %reduce_min3A_1336 = vector.extract %reduce_min3A_1335[0, 0, 0] : i32 from vector<1x1x1xi32>
    %reduce_max3A_1337 = vector.shape_cast %get3A_1287 : vector<500x1xi32> to vector<1x500x1xi32>
    %reduce_max3A_1338 = arith.constant dense<-2147483648> : vector<1xi32>
    %reduce_max3A_1339 = vector.multi_reduction <maxsi>, %reduce_max3A_1337, %reduce_max3A_1338 [1, 2] : vector<1x500x1xi32> to vector<1xi32>
    %reduce_max3A_1340 = vector.shape_cast %reduce_max3A_1339 : vector<1xi32> to vector<1x1x1xi32>
    %reduce_max3A_1341 = vector.extract %reduce_max3A_1340[0, 0, 0] : i32 from vector<1x1x1xi32>
    %add3A_1342 = arith.constant 1 : i32
    %add3A_1343 = arith.addi %reduce_max3A_1341, %add3A_1342 : i32
    %while3A_1344 = arith.constant 0 : i32
    %while3A_1345 = arith.subi %add3A_1343, %reduce_min3A_1336 : i32
    %while3A_1346 = arith.addi %reduce_min3A_1336, %while3A_1345 : i32
    %while3A_1347 = arith.constant 1 : i32
    %while3A_1348 = arith.divsi %while3A_1345, %while3A_1347 : i32
    %while3A_1349 = arith.muli %while3A_1348, %while3A_1347 : i32
    %while3A_1350 = arith.addi %reduce_min3A_1336, %while3A_1349 : i32
    %while3A_1351 = arith.constant 1 : i32
    scf.for %while3A_1720 = %reduce_min3A_1336 to %while3A_1350 step %while3A_1351  : i32 {
      %eq3A_1721 = vector.broadcast %while3A_1720 : i32 to vector<500x1xi32>
      %eq3A_1722 = arith.cmpi eq, %get3A_1287, %eq3A_1721 : vector<500x1xi32>
      %eq3A_1723 = vector.broadcast %while3A_1720 : i32 to vector<64x1xi32>
      %eq3A_1724 = arith.cmpi eq, %iota3A, %eq3A_1723 : vector<64x1xi32>
      %jit3A_1725 = arith.constant 0xFF800000 : f32
      %broadcast_in_dim3A_1726 = vector.shape_cast %eq3A_1722 : vector<500x1xi1> to vector<500x1xi1>
      %broadcast_in_dim3A_1727 = vector.broadcast %broadcast_in_dim3A_1726 : vector<500x1xi1> to vector<500x128xi1>
      %broadcast_in_dim3A_1728 = vector.broadcast %jit3A_1725 : f32 to vector<500x128xf32>
      %select_n3A_1729 = arith.select %broadcast_in_dim3A_1727, %mul3A_1274, %broadcast_in_dim3A_1728 : vector<500x128xi1>, vector<500x128xf32>
      %reduce_max3A_1730 = arith.constant dense<0xFF800000> : vector<128xf32>
      %reduce_max3A_1731 = vector.multi_reduction <maximumf>, %select_n3A_1729, %reduce_max3A_1730 [0] : vector<500x128xf32> to vector<128xf32>
      %broadcast_in_dim3A_1732 = vector.shape_cast %reduce_max3A_1731 : vector<128xf32> to vector<1x128xf32>
      %jit3A_1733 = arith.constant 0xFF800000 : f32
      %broadcast_in_dim3A_1734 = vector.shape_cast %eq3A_1722 : vector<500x1xi1> to vector<500x1xi1>
      %broadcast_in_dim3A_1735 = vector.broadcast %broadcast_in_dim3A_1734 : vector<500x1xi1> to vector<500x128xi1>
      %broadcast_in_dim3A_1736 = vector.broadcast %jit3A_1733 : f32 to vector<500x128xf32>
      %select_n3A_1737 = arith.select %broadcast_in_dim3A_1735, %mul3A_1279, %broadcast_in_dim3A_1736 : vector<500x128xi1>, vector<500x128xf32>
      %reduce_max3A_1738 = arith.constant dense<0xFF800000> : vector<128xf32>
      %reduce_max3A_1739 = vector.multi_reduction <maximumf>, %select_n3A_1737, %reduce_max3A_1738 [0] : vector<500x128xf32> to vector<128xf32>
      %broadcast_in_dim3A_1740 = vector.shape_cast %reduce_max3A_1739 : vector<128xf32> to vector<1x128xf32>
      %jit3A_1741 = arith.constant 0xFF800000 : f32
      %broadcast_in_dim3A_1742 = vector.shape_cast %eq3A_1722 : vector<500x1xi1> to vector<500x1xi1>
      %broadcast_in_dim3A_1743 = vector.broadcast %broadcast_in_dim3A_1742 : vector<500x1xi1> to vector<500x128xi1>
      %broadcast_in_dim3A_1744 = vector.broadcast %jit3A_1741 : f32 to vector<500x128xf32>
      %select_n3A_1745 = arith.select %broadcast_in_dim3A_1743, %mul3A_1284, %broadcast_in_dim3A_1744 : vector<500x128xi1>, vector<500x128xf32>
      %reduce_max3A_1746 = arith.constant dense<0xFF800000> : vector<128xf32>
      %reduce_max3A_1747 = vector.multi_reduction <maximumf>, %select_n3A_1745, %reduce_max3A_1746 [0] : vector<500x128xf32> to vector<128xf32>
      %broadcast_in_dim3A_1748 = vector.shape_cast %reduce_max3A_1747 : vector<128xf32> to vector<1x128xf32>
      %concatenate3A_1749 = tpu.concatenate %broadcast_in_dim3A_1732, %broadcast_in_dim3A_1740, %broadcast_in_dim3A_1748 in 1 : vector<1x128xf32>, vector<1x128xf32>, vector<1x128xf32> -> vector<1x384xf32>
      %get3A_1750 = arith.constant 0 : index
      %get3A_1751 = arith.constant 0 : index
      %get3A_1752 = vector.load %arg10[%get3A_1750, %get3A_1751] : memref<64x384xf32, #tpu.memory_space<vmem>>, vector<64x384xf32>
      %jit3A_1753 = arith.constant 0xFF800000 : f32
      %broadcast_in_dim3A_1754 = vector.shape_cast %eq3A_1724 : vector<64x1xi1> to vector<64x1xi1>
      %broadcast_in_dim3A_1755 = vector.broadcast %broadcast_in_dim3A_1754 : vector<64x1xi1> to vector<64x384xi1>
      %broadcast_in_dim3A_1756 = vector.shape_cast %concatenate3A_1749 : vector<1x384xf32> to vector<1x384xf32>
      %broadcast_in_dim3A_1757 = vector.broadcast %broadcast_in_dim3A_1756 : vector<1x384xf32> to vector<64x384xf32>
      %broadcast_in_dim3A_1758 = vector.broadcast %jit3A_1753 : f32 to vector<64x384xf32>
      %select_n3A_1759 = arith.select %broadcast_in_dim3A_1755, %broadcast_in_dim3A_1757, %broadcast_in_dim3A_1758 : vector<64x384xi1>, vector<64x384xf32>
      %max3A_1760 = arith.maximumf %get3A_1752, %select_n3A_1759 : vector<64x384xf32>
      %swap3A_1761 = arith.constant 0 : index
      %swap3A_1762 = arith.constant 0 : index
      %swap3A_1763 = vector.load %arg10[%swap3A_1761, %swap3A_1762] : memref<64x384xf32, #tpu.memory_space<vmem>>, vector<64x384xf32>
      tpu.vector_store %arg10[%swap3A_1761, %swap3A_1762], %max3A_1760 {strides = array<i32>} : memref<64x384xf32, #tpu.memory_space<vmem>>, vector<64x384xf32>,
    }
    %while3A_1352 = arith.constant 1 : i32
    scf.for %while3A_1720 = %while3A_1350 to %while3A_1346 step %while3A_1352  : i32 {
      %eq3A_1721 = vector.broadcast %while3A_1720 : i32 to vector<500x1xi32>
      %eq3A_1722 = arith.cmpi eq, %get3A_1287, %eq3A_1721 : vector<500x1xi32>
      %eq3A_1723 = vector.broadcast %while3A_1720 : i32 to vector<64x1xi32>
      %eq3A_1724 = arith.cmpi eq, %iota3A, %eq3A_1723 : vector<64x1xi32>
      %jit3A_1725 = arith.constant 0xFF800000 : f32
      %broadcast_in_dim3A_1726 = vector.shape_cast %eq3A_1722 : vector<500x1xi1> to vector<500x1xi1>
      %broadcast_in_dim3A_1727 = vector.broadcast %broadcast_in_dim3A_1726 : vector<500x1xi1> to vector<500x128xi1>
      %broadcast_in_dim3A_1728 = vector.broadcast %jit3A_1725 : f32 to vector<500x128xf32>
      %select_n3A_1729 = arith.select %broadcast_in_dim3A_1727, %mul3A_1274, %broadcast_in_dim3A_1728 : vector<500x128xi1>, vector<500x128xf32>
      %reduce_max3A_1730 = arith.constant dense<0xFF800000> : vector<128xf32>
      %reduce_max3A_1731 = vector.multi_reduction <maximumf>, %select_n3A_1729, %reduce_max3A_1730 [0] : vector<500x128xf32> to vector<128xf32>
      %broadcast_in_dim3A_1732 = vector.shape_cast %reduce_max3A_1731 : vector<128xf32> to vector<1x128xf32>
      %jit3A_1733 = arith.constant 0xFF800000 : f32
      %broadcast_in_dim3A_1734 = vector.shape_cast %eq3A_1722 : vector<500x1xi1> to vector<500x1xi1>
      %broadcast_in_dim3A_1735 = vector.broadcast %broadcast_in_dim3A_1734 : vector<500x1xi1> to vector<500x128xi1>
      %broadcast_in_dim3A_1736 = vector.broadcast %jit3A_1733 : f32 to vector<500x128xf32>
      %select_n3A_1737 = arith.select %broadcast_in_dim3A_1735, %mul3A_1279, %broadcast_in_dim3A_1736 : vector<500x128xi1>, vector<500x128xf32>
      %reduce_max3A_1738 = arith.constant dense<0xFF800000> : vector<128xf32>
      %reduce_max3A_1739 = vector.multi_reduction <maximumf>, %select_n3A_1737, %reduce_max3A_1738 [0] : vector<500x128xf32> to vector<128xf32>
      %broadcast_in_dim3A_1740 = vector.shape_cast %reduce_max3A_1739 : vector<128xf32> to vector<1x128xf32>
      %jit3A_1741 = arith.constant 0xFF800000 : f32
      %broadcast_in_dim3A_1742 = vector.shape_cast %eq3A_1722 : vector<500x1xi1> to vector<500x1xi1>
      %broadcast_in_dim3A_1743 = vector.broadcast %broadcast_in_dim3A_1742 : vector<500x1xi1> to vector<500x128xi1>
      %broadcast_in_dim3A_1744 = vector.broadcast %jit3A_1741 : f32 to vector<500x128xf32>
      %select_n3A_1745 = arith.select %broadcast_in_dim3A_1743, %mul3A_1284, %broadcast_in_dim3A_1744 : vector<500x128xi1>, vector<500x128xf32>
      %reduce_max3A_1746 = arith.constant dense<0xFF800000> : vector<128xf32>
      %reduce_max3A_1747 = vector.multi_reduction <maximumf>, %select_n3A_1745, %reduce_max3A_1746 [0] : vector<500x128xf32> to vector<128xf32>
      %broadcast_in_dim3A_1748 = vector.shape_cast %reduce_max3A_1747 : vector<128xf32> to vector<1x128xf32>
      %concatenate3A_1749 = tpu.concatenate %broadcast_in_dim3A_1732, %broadcast_in_dim3A_1740, %broadcast_in_dim3A_1748 in 1 : vector<1x128xf32>, vector<1x128xf32>, vector<1x128xf32> -> vector<1x384xf32>
      %get3A_1750 = arith.constant 0 : index
      %get3A_1751 = arith.constant 0 : index
      %get3A_1752 = vector.load %arg10[%get3A_1750, %get3A_1751] : memref<64x384xf32, #tpu.memory_space<vmem>>, vector<64x384xf32>
      %jit3A_1753 = arith.constant 0xFF800000 : f32
      %broadcast_in_dim3A_1754 = vector.shape_cast %eq3A_1724 : vector<64x1xi1> to vector<64x1xi1>
      %broadcast_in_dim3A_1755 = vector.broadcast %broadcast_in_dim3A_1754 : vector<64x1xi1> to vector<64x384xi1>
      %broadcast_in_dim3A_1756 = vector.shape_cast %concatenate3A_1749 : vector<1x384xf32> to vector<1x384xf32>
      %broadcast_in_dim3A_1757 = vector.broadcast %broadcast_in_dim3A_1756 : vector<1x384xf32> to vector<64x384xf32>
      %broadcast_in_dim3A_1758 = vector.broadcast %jit3A_1753 : f32 to vector<64x384xf32>
      %select_n3A_1759 = arith.select %broadcast_in_dim3A_1755, %broadcast_in_dim3A_1757, %broadcast_in_dim3A_1758 : vector<64x384xi1>, vector<64x384xf32>
      %max3A_1760 = arith.maximumf %get3A_1752, %select_n3A_1759 : vector<64x384xf32>
      %swap3A_1761 = arith.constant 0 : index
      %swap3A_1762 = arith.constant 0 : index
      %swap3A_1763 = vector.load %arg10[%swap3A_1761, %swap3A_1762] : memref<64x384xf32, #tpu.memory_space<vmem>>, vector<64x384xf32>
      tpu.vector_store %arg10[%swap3A_1761, %swap3A_1762], %max3A_1760 {strides = array<i32>} : memref<64x384xf32, #tpu.memory_space<vmem>>, vector<64x384xf32>,
    }
    %slice3A_1353 = vector.extract_strided_slice %tanh3A {offsets = [8000, 0], sizes = [500, 1], strides = [1, 1]} : vector<10000x1xf32> to vector<500x1xf32>
    %get3A_1354 = arith.constant 8000 : index
    %get3A_1355 = arith.constant 0 : index
    %get3A_1356 = vector.load %arg0[%get3A_1354, %get3A_1355] : memref<10240x128xf32, #tpu.memory_space<vmem>>, vector<500x128xf32>
    %mul3A_1357 = vector.broadcast %slice3A_1353 : vector<500x1xf32> to vector<500x128xf32>
    %mul3A_1358 = arith.mulf %get3A_1356, %mul3A_1357 : vector<500x128xf32>
    %get3A_1359 = arith.constant 8000 : index
    %get3A_1360 = arith.constant 0 : index
    %get3A_1361 = vector.load %arg1[%get3A_1359, %get3A_1360] : memref<10240x128xf32, #tpu.memory_space<vmem>>, vector<500x128xf32>
    %mul3A_1362 = vector.broadcast %slice3A_1353 : vector<500x1xf32> to vector<500x128xf32>
    %mul3A_1363 = arith.mulf %get3A_1361, %mul3A_1362 : vector<500x128xf32>
    %get3A_1364 = arith.constant 8000 : index
    %get3A_1365 = arith.constant 0 : index
    %get3A_1366 = vector.load %arg2[%get3A_1364, %get3A_1365] : memref<10240x128xf32, #tpu.memory_space<vmem>>, vector<500x128xf32>
    %mul3A_1367 = vector.broadcast %slice3A_1353 : vector<500x1xf32> to vector<500x128xf32>
    %mul3A_1368 = arith.mulf %get3A_1366, %mul3A_1367 : vector<500x128xf32>
    %get3A_1369 = arith.constant 8000 : index
    %get3A_1370 = arith.constant 0 : index
    %get3A_1371 = vector.load %arg5[%get3A_1369, %get3A_1370] : memref<10000x1xi32, #tpu.memory_space<vmem>>, vector<500x1xi32>
    %eq3A_1372 = vector.broadcast %get3A_1371 : vector<500x1xi32> to vector<500x64xi32>
    %eq3A_1373 = vector.broadcast %iota3A_18 : vector<1x64xi32> to vector<500x64xi32>
    %eq3A_1374 = arith.cmpi eq, %eq3A_1372, %eq3A_1373 : vector<500x64xi32>
    %convert_element_type3A_1375 = arith.extui %eq3A_1374 : vector<500x64xi1> to vector<500x64xi32>
    %convert_element_type3A_1376 = arith.sitofp %convert_element_type3A_1375 : vector<500x64xi32> to vector<500x64xf32>
    %get3A_1377 = arith.constant 0 : index
    %get3A_1378 = arith.constant 0 : index
    %get3A_1379 = vector.load %arg9[%get3A_1377, %get3A_1378] : memref<64x384xf32, #tpu.memory_space<vmem>>, vector<64x128xf32>
    %dot_general3A_1380 = arith.constant dense<0.000000e+00> : vector<64x128xf32>
    %dot_general3A_1381 = tpu.matmul %convert_element_type3A_1376, %mul3A_1358, %dot_general3A_1380 {dimension_numbers = #tpu.dot_dimension_numbers<[0], [0], [1], [1], [0, 1, 1, 1], [], []>, transpose_lhs_hint = false} : vector<500x64xf32>, vector<500x128xf32>, vector<64x128xf32> -> vector<64x128xf32>
    %add3A_1382 = arith.addf %get3A_1379, %dot_general3A_1381 : vector<64x128xf32>
    %swap3A_1383 = arith.constant 0 : index
    %swap3A_1384 = arith.constant 0 : index
    %swap3A_1385 = vector.load %arg9[%swap3A_1383, %swap3A_1384] : memref<64x384xf32, #tpu.memory_space<vmem>>, vector<64x128xf32>
    tpu.vector_store %arg9[%swap3A_1383, %swap3A_1384], %add3A_1382 {strides = array<i32>} : memref<64x384xf32, #tpu.memory_space<vmem>>, vector<64x128xf32>,
    %get3A_1386 = arith.constant 0 : index
    %get3A_1387 = arith.constant 128 : index
    %get3A_1388 = vector.load %arg9[%get3A_1386, %get3A_1387] : memref<64x384xf32, #tpu.memory_space<vmem>>, vector<64x128xf32>
    %dot_general3A_1389 = arith.constant dense<0.000000e+00> : vector<64x128xf32>
    %dot_general3A_1390 = tpu.matmul %convert_element_type3A_1376, %mul3A_1363, %dot_general3A_1389 {dimension_numbers = #tpu.dot_dimension_numbers<[0], [0], [1], [1], [0, 1, 1, 1], [], []>, transpose_lhs_hint = false} : vector<500x64xf32>, vector<500x128xf32>, vector<64x128xf32> -> vector<64x128xf32>
    %add3A_1391 = arith.addf %get3A_1388, %dot_general3A_1390 : vector<64x128xf32>
    %swap3A_1392 = arith.constant 0 : index
    %swap3A_1393 = arith.constant 128 : index
    %swap3A_1394 = vector.load %arg9[%swap3A_1392, %swap3A_1393] : memref<64x384xf32, #tpu.memory_space<vmem>>, vector<64x128xf32>
    tpu.vector_store %arg9[%swap3A_1392, %swap3A_1393], %add3A_1391 {strides = array<i32>} : memref<64x384xf32, #tpu.memory_space<vmem>>, vector<64x128xf32>,
    %get3A_1395 = arith.constant 0 : index
    %get3A_1396 = arith.constant 256 : index
    %get3A_1397 = vector.load %arg9[%get3A_1395, %get3A_1396] : memref<64x384xf32, #tpu.memory_space<vmem>>, vector<64x128xf32>
    %dot_general3A_1398 = arith.constant dense<0.000000e+00> : vector<64x128xf32>
    %dot_general3A_1399 = tpu.matmul %convert_element_type3A_1376, %mul3A_1368, %dot_general3A_1398 {dimension_numbers = #tpu.dot_dimension_numbers<[0], [0], [1], [1], [0, 1, 1, 1], [], []>, transpose_lhs_hint = false} : vector<500x64xf32>, vector<500x128xf32>, vector<64x128xf32> -> vector<64x128xf32>
    %add3A_1400 = arith.addf %get3A_1397, %dot_general3A_1399 : vector<64x128xf32>
    %swap3A_1401 = arith.constant 0 : index
    %swap3A_1402 = arith.constant 256 : index
    %swap3A_1403 = vector.load %arg9[%swap3A_1401, %swap3A_1402] : memref<64x384xf32, #tpu.memory_space<vmem>>, vector<64x128xf32>
    tpu.vector_store %arg9[%swap3A_1401, %swap3A_1402], %add3A_1400 {strides = array<i32>} : memref<64x384xf32, #tpu.memory_space<vmem>>, vector<64x128xf32>,
    %get3A_1404 = arith.constant 0 : index
    %get3A_1405 = arith.constant 0 : index
    %get3A_1406 = vector.load %arg11[%get3A_1404, %get3A_1405] : memref<64x128xf32, #tpu.memory_space<vmem>>, vector<64x128xf32>
    %reduce_sum3A_1407 = arith.constant dense<0.000000e+00> : vector<64xf32>
    %reduce_sum3A_1408 = vector.multi_reduction <add>, %convert_element_type3A_1376, %reduce_sum3A_1407 [0] : vector<500x64xf32> to vector<64xf32>
    %broadcast_in_dim3A_1409 = vector.shape_cast %reduce_sum3A_1408 : vector<64xf32> to vector<1x64xf32>
    %transpose3A_1410 = tpu.transpose %broadcast_in_dim3A_1409, [1, 0] : vector<1x64xf32> -> vector<64x1xf32>
    %add3A_1411 = vector.broadcast %transpose3A_1410 : vector<64x1xf32> to vector<64x128xf32>
    %add3A_1412 = arith.addf %get3A_1406, %add3A_1411 : vector<64x128xf32>
    %swap3A_1413 = arith.constant 0 : index
    %swap3A_1414 = arith.constant 0 : index
    %swap3A_1415 = vector.load %arg11[%swap3A_1413, %swap3A_1414] : memref<64x128xf32, #tpu.memory_space<vmem>>, vector<64x128xf32>
    tpu.vector_store %arg11[%swap3A_1413, %swap3A_1414], %add3A_1412 {strides = array<i32>} : memref<64x128xf32, #tpu.memory_space<vmem>>, vector<64x128xf32>,
    %reduce_min3A_1416 = vector.shape_cast %get3A_1371 : vector<500x1xi32> to vector<1x500x1xi32>
    %reduce_min3A_1417 = arith.constant dense<2147483647> : vector<1xi32>
    %reduce_min3A_1418 = vector.multi_reduction <minsi>, %reduce_min3A_1416, %reduce_min3A_1417 [1, 2] : vector<1x500x1xi32> to vector<1xi32>
    %reduce_min3A_1419 = vector.shape_cast %reduce_min3A_1418 : vector<1xi32> to vector<1x1x1xi32>
    %reduce_min3A_1420 = vector.extract %reduce_min3A_1419[0, 0, 0] : i32 from vector<1x1x1xi32>
    %reduce_max3A_1421 = vector.shape_cast %get3A_1371 : vector<500x1xi32> to vector<1x500x1xi32>
    %reduce_max3A_1422 = arith.constant dense<-2147483648> : vector<1xi32>
    %reduce_max3A_1423 = vector.multi_reduction <maxsi>, %reduce_max3A_1421, %reduce_max3A_1422 [1, 2] : vector<1x500x1xi32> to vector<1xi32>
    %reduce_max3A_1424 = vector.shape_cast %reduce_max3A_1423 : vector<1xi32> to vector<1x1x1xi32>
    %reduce_max3A_1425 = vector.extract %reduce_max3A_1424[0, 0, 0] : i32 from vector<1x1x1xi32>
    %add3A_1426 = arith.constant 1 : i32
    %add3A_1427 = arith.addi %reduce_max3A_1425, %add3A_1426 : i32
    %while3A_1428 = arith.constant 0 : i32
    %while3A_1429 = arith.subi %add3A_1427, %reduce_min3A_1420 : i32
    %while3A_1430 = arith.addi %reduce_min3A_1420, %while3A_1429 : i32
    %while3A_1431 = arith.constant 1 : i32
    %while3A_1432 = arith.divsi %while3A_1429, %while3A_1431 : i32
    %while3A_1433 = arith.muli %while3A_1432, %while3A_1431 : i32
    %while3A_1434 = arith.addi %reduce_min3A_1420, %while3A_1433 : i32
    %while3A_1435 = arith.constant 1 : i32
    scf.for %while3A_1720 = %reduce_min3A_1420 to %while3A_1434 step %while3A_1435  : i32 {
      %eq3A_1721 = vector.broadcast %while3A_1720 : i32 to vector<500x1xi32>
      %eq3A_1722 = arith.cmpi eq, %get3A_1371, %eq3A_1721 : vector<500x1xi32>
      %eq3A_1723 = vector.broadcast %while3A_1720 : i32 to vector<64x1xi32>
      %eq3A_1724 = arith.cmpi eq, %iota3A, %eq3A_1723 : vector<64x1xi32>
      %jit3A_1725 = arith.constant 0xFF800000 : f32
      %broadcast_in_dim3A_1726 = vector.shape_cast %eq3A_1722 : vector<500x1xi1> to vector<500x1xi1>
      %broadcast_in_dim3A_1727 = vector.broadcast %broadcast_in_dim3A_1726 : vector<500x1xi1> to vector<500x128xi1>
      %broadcast_in_dim3A_1728 = vector.broadcast %jit3A_1725 : f32 to vector<500x128xf32>
      %select_n3A_1729 = arith.select %broadcast_in_dim3A_1727, %mul3A_1358, %broadcast_in_dim3A_1728 : vector<500x128xi1>, vector<500x128xf32>
      %reduce_max3A_1730 = arith.constant dense<0xFF800000> : vector<128xf32>
      %reduce_max3A_1731 = vector.multi_reduction <maximumf>, %select_n3A_1729, %reduce_max3A_1730 [0] : vector<500x128xf32> to vector<128xf32>
      %broadcast_in_dim3A_1732 = vector.shape_cast %reduce_max3A_1731 : vector<128xf32> to vector<1x128xf32>
      %jit3A_1733 = arith.constant 0xFF800000 : f32
      %broadcast_in_dim3A_1734 = vector.shape_cast %eq3A_1722 : vector<500x1xi1> to vector<500x1xi1>
      %broadcast_in_dim3A_1735 = vector.broadcast %broadcast_in_dim3A_1734 : vector<500x1xi1> to vector<500x128xi1>
      %broadcast_in_dim3A_1736 = vector.broadcast %jit3A_1733 : f32 to vector<500x128xf32>
      %select_n3A_1737 = arith.select %broadcast_in_dim3A_1735, %mul3A_1363, %broadcast_in_dim3A_1736 : vector<500x128xi1>, vector<500x128xf32>
      %reduce_max3A_1738 = arith.constant dense<0xFF800000> : vector<128xf32>
      %reduce_max3A_1739 = vector.multi_reduction <maximumf>, %select_n3A_1737, %reduce_max3A_1738 [0] : vector<500x128xf32> to vector<128xf32>
      %broadcast_in_dim3A_1740 = vector.shape_cast %reduce_max3A_1739 : vector<128xf32> to vector<1x128xf32>
      %jit3A_1741 = arith.constant 0xFF800000 : f32
      %broadcast_in_dim3A_1742 = vector.shape_cast %eq3A_1722 : vector<500x1xi1> to vector<500x1xi1>
      %broadcast_in_dim3A_1743 = vector.broadcast %broadcast_in_dim3A_1742 : vector<500x1xi1> to vector<500x128xi1>
      %broadcast_in_dim3A_1744 = vector.broadcast %jit3A_1741 : f32 to vector<500x128xf32>
      %select_n3A_1745 = arith.select %broadcast_in_dim3A_1743, %mul3A_1368, %broadcast_in_dim3A_1744 : vector<500x128xi1>, vector<500x128xf32>
      %reduce_max3A_1746 = arith.constant dense<0xFF800000> : vector<128xf32>
      %reduce_max3A_1747 = vector.multi_reduction <maximumf>, %select_n3A_1745, %reduce_max3A_1746 [0] : vector<500x128xf32> to vector<128xf32>
      %broadcast_in_dim3A_1748 = vector.shape_cast %reduce_max3A_1747 : vector<128xf32> to vector<1x128xf32>
      %concatenate3A_1749 = tpu.concatenate %broadcast_in_dim3A_1732, %broadcast_in_dim3A_1740, %broadcast_in_dim3A_1748 in 1 : vector<1x128xf32>, vector<1x128xf32>, vector<1x128xf32> -> vector<1x384xf32>
      %get3A_1750 = arith.constant 0 : index
      %get3A_1751 = arith.constant 0 : index
      %get3A_1752 = vector.load %arg10[%get3A_1750, %get3A_1751] : memref<64x384xf32, #tpu.memory_space<vmem>>, vector<64x384xf32>
      %jit3A_1753 = arith.constant 0xFF800000 : f32
      %broadcast_in_dim3A_1754 = vector.shape_cast %eq3A_1724 : vector<64x1xi1> to vector<64x1xi1>
      %broadcast_in_dim3A_1755 = vector.broadcast %broadcast_in_dim3A_1754 : vector<64x1xi1> to vector<64x384xi1>
      %broadcast_in_dim3A_1756 = vector.shape_cast %concatenate3A_1749 : vector<1x384xf32> to vector<1x384xf32>
      %broadcast_in_dim3A_1757 = vector.broadcast %broadcast_in_dim3A_1756 : vector<1x384xf32> to vector<64x384xf32>
      %broadcast_in_dim3A_1758 = vector.broadcast %jit3A_1753 : f32 to vector<64x384xf32>
      %select_n3A_1759 = arith.select %broadcast_in_dim3A_1755, %broadcast_in_dim3A_1757, %broadcast_in_dim3A_1758 : vector<64x384xi1>, vector<64x384xf32>
      %max3A_1760 = arith.maximumf %get3A_1752, %select_n3A_1759 : vector<64x384xf32>
      %swap3A_1761 = arith.constant 0 : index
      %swap3A_1762 = arith.constant 0 : index
      %swap3A_1763 = vector.load %arg10[%swap3A_1761, %swap3A_1762] : memref<64x384xf32, #tpu.memory_space<vmem>>, vector<64x384xf32>
      tpu.vector_store %arg10[%swap3A_1761, %swap3A_1762], %max3A_1760 {strides = array<i32>} : memref<64x384xf32, #tpu.memory_space<vmem>>, vector<64x384xf32>,
    }
    %while3A_1436 = arith.constant 1 : i32
    scf.for %while3A_1720 = %while3A_1434 to %while3A_1430 step %while3A_1436  : i32 {
      %eq3A_1721 = vector.broadcast %while3A_1720 : i32 to vector<500x1xi32>
      %eq3A_1722 = arith.cmpi eq, %get3A_1371, %eq3A_1721 : vector<500x1xi32>
      %eq3A_1723 = vector.broadcast %while3A_1720 : i32 to vector<64x1xi32>
      %eq3A_1724 = arith.cmpi eq, %iota3A, %eq3A_1723 : vector<64x1xi32>
      %jit3A_1725 = arith.constant 0xFF800000 : f32
      %broadcast_in_dim3A_1726 = vector.shape_cast %eq3A_1722 : vector<500x1xi1> to vector<500x1xi1>
      %broadcast_in_dim3A_1727 = vector.broadcast %broadcast_in_dim3A_1726 : vector<500x1xi1> to vector<500x128xi1>
      %broadcast_in_dim3A_1728 = vector.broadcast %jit3A_1725 : f32 to vector<500x128xf32>
      %select_n3A_1729 = arith.select %broadcast_in_dim3A_1727, %mul3A_1358, %broadcast_in_dim3A_1728 : vector<500x128xi1>, vector<500x128xf32>
      %reduce_max3A_1730 = arith.constant dense<0xFF800000> : vector<128xf32>
      %reduce_max3A_1731 = vector.multi_reduction <maximumf>, %select_n3A_1729, %reduce_max3A_1730 [0] : vector<500x128xf32> to vector<128xf32>
      %broadcast_in_dim3A_1732 = vector.shape_cast %reduce_max3A_1731 : vector<128xf32> to vector<1x128xf32>
      %jit3A_1733 = arith.constant 0xFF800000 : f32
      %broadcast_in_dim3A_1734 = vector.shape_cast %eq3A_1722 : vector<500x1xi1> to vector<500x1xi1>
      %broadcast_in_dim3A_1735 = vector.broadcast %broadcast_in_dim3A_1734 : vector<500x1xi1> to vector<500x128xi1>
      %broadcast_in_dim3A_1736 = vector.broadcast %jit3A_1733 : f32 to vector<500x128xf32>
      %select_n3A_1737 = arith.select %broadcast_in_dim3A_1735, %mul3A_1363, %broadcast_in_dim3A_1736 : vector<500x128xi1>, vector<500x128xf32>
      %reduce_max3A_1738 = arith.constant dense<0xFF800000> : vector<128xf32>
      %reduce_max3A_1739 = vector.multi_reduction <maximumf>, %select_n3A_1737, %reduce_max3A_1738 [0] : vector<500x128xf32> to vector<128xf32>
      %broadcast_in_dim3A_1740 = vector.shape_cast %reduce_max3A_1739 : vector<128xf32> to vector<1x128xf32>
      %jit3A_1741 = arith.constant 0xFF800000 : f32
      %broadcast_in_dim3A_1742 = vector.shape_cast %eq3A_1722 : vector<500x1xi1> to vector<500x1xi1>
      %broadcast_in_dim3A_1743 = vector.broadcast %broadcast_in_dim3A_1742 : vector<500x1xi1> to vector<500x128xi1>
      %broadcast_in_dim3A_1744 = vector.broadcast %jit3A_1741 : f32 to vector<500x128xf32>
      %select_n3A_1745 = arith.select %broadcast_in_dim3A_1743, %mul3A_1368, %broadcast_in_dim3A_1744 : vector<500x128xi1>, vector<500x128xf32>
      %reduce_max3A_1746 = arith.constant dense<0xFF800000> : vector<128xf32>
      %reduce_max3A_1747 = vector.multi_reduction <maximumf>, %select_n3A_1745, %reduce_max3A_1746 [0] : vector<500x128xf32> to vector<128xf32>
      %broadcast_in_dim3A_1748 = vector.shape_cast %reduce_max3A_1747 : vector<128xf32> to vector<1x128xf32>
      %concatenate3A_1749 = tpu.concatenate %broadcast_in_dim3A_1732, %broadcast_in_dim3A_1740, %broadcast_in_dim3A_1748 in 1 : vector<1x128xf32>, vector<1x128xf32>, vector<1x128xf32> -> vector<1x384xf32>
      %get3A_1750 = arith.constant 0 : index
      %get3A_1751 = arith.constant 0 : index
      %get3A_1752 = vector.load %arg10[%get3A_1750, %get3A_1751] : memref<64x384xf32, #tpu.memory_space<vmem>>, vector<64x384xf32>
      %jit3A_1753 = arith.constant 0xFF800000 : f32
      %broadcast_in_dim3A_1754 = vector.shape_cast %eq3A_1724 : vector<64x1xi1> to vector<64x1xi1>
      %broadcast_in_dim3A_1755 = vector.broadcast %broadcast_in_dim3A_1754 : vector<64x1xi1> to vector<64x384xi1>
      %broadcast_in_dim3A_1756 = vector.shape_cast %concatenate3A_1749 : vector<1x384xf32> to vector<1x384xf32>
      %broadcast_in_dim3A_1757 = vector.broadcast %broadcast_in_dim3A_1756 : vector<1x384xf32> to vector<64x384xf32>
      %broadcast_in_dim3A_1758 = vector.broadcast %jit3A_1753 : f32 to vector<64x384xf32>
      %select_n3A_1759 = arith.select %broadcast_in_dim3A_1755, %broadcast_in_dim3A_1757, %broadcast_in_dim3A_1758 : vector<64x384xi1>, vector<64x384xf32>
      %max3A_1760 = arith.maximumf %get3A_1752, %select_n3A_1759 : vector<64x384xf32>
      %swap3A_1761 = arith.constant 0 : index
      %swap3A_1762 = arith.constant 0 : index
      %swap3A_1763 = vector.load %arg10[%swap3A_1761, %swap3A_1762] : memref<64x384xf32, #tpu.memory_space<vmem>>, vector<64x384xf32>
      tpu.vector_store %arg10[%swap3A_1761, %swap3A_1762], %max3A_1760 {strides = array<i32>} : memref<64x384xf32, #tpu.memory_space<vmem>>, vector<64x384xf32>,
    }
    %slice3A_1437 = vector.extract_strided_slice %tanh3A {offsets = [8500, 0], sizes = [500, 1], strides = [1, 1]} : vector<10000x1xf32> to vector<500x1xf32>
    %get3A_1438 = arith.constant 8500 : index
    %get3A_1439 = arith.constant 0 : index
    %get3A_1440 = vector.load %arg0[%get3A_1438, %get3A_1439] : memref<10240x128xf32, #tpu.memory_space<vmem>>, vector<500x128xf32>
    %mul3A_1441 = vector.broadcast %slice3A_1437 : vector<500x1xf32> to vector<500x128xf32>
    %mul3A_1442 = arith.mulf %get3A_1440, %mul3A_1441 : vector<500x128xf32>
    %get3A_1443 = arith.constant 8500 : index
    %get3A_1444 = arith.constant 0 : index
    %get3A_1445 = vector.load %arg1[%get3A_1443, %get3A_1444] : memref<10240x128xf32, #tpu.memory_space<vmem>>, vector<500x128xf32>
    %mul3A_1446 = vector.broadcast %slice3A_1437 : vector<500x1xf32> to vector<500x128xf32>
    %mul3A_1447 = arith.mulf %get3A_1445, %mul3A_1446 : vector<500x128xf32>
    %get3A_1448 = arith.constant 8500 : index
    %get3A_1449 = arith.constant 0 : index
    %get3A_1450 = vector.load %arg2[%get3A_1448, %get3A_1449] : memref<10240x128xf32, #tpu.memory_space<vmem>>, vector<500x128xf32>
    %mul3A_1451 = vector.broadcast %slice3A_1437 : vector<500x1xf32> to vector<500x128xf32>
    %mul3A_1452 = arith.mulf %get3A_1450, %mul3A_1451 : vector<500x128xf32>
    %get3A_1453 = arith.constant 8500 : index
    %get3A_1454 = arith.constant 0 : index
    %get3A_1455 = vector.load %arg5[%get3A_1453, %get3A_1454] : memref<10000x1xi32, #tpu.memory_space<vmem>>, vector<500x1xi32>
    %eq3A_1456 = vector.broadcast %get3A_1455 : vector<500x1xi32> to vector<500x64xi32>
    %eq3A_1457 = vector.broadcast %iota3A_18 : vector<1x64xi32> to vector<500x64xi32>
    %eq3A_1458 = arith.cmpi eq, %eq3A_1456, %eq3A_1457 : vector<500x64xi32>
    %convert_element_type3A_1459 = arith.extui %eq3A_1458 : vector<500x64xi1> to vector<500x64xi32>
    %convert_element_type3A_1460 = arith.sitofp %convert_element_type3A_1459 : vector<500x64xi32> to vector<500x64xf32>
    %get3A_1461 = arith.constant 0 : index
    %get3A_1462 = arith.constant 0 : index
    %get3A_1463 = vector.load %arg9[%get3A_1461, %get3A_1462] : memref<64x384xf32, #tpu.memory_space<vmem>>, vector<64x128xf32>
    %dot_general3A_1464 = arith.constant dense<0.000000e+00> : vector<64x128xf32>
    %dot_general3A_1465 = tpu.matmul %convert_element_type3A_1460, %mul3A_1442, %dot_general3A_1464 {dimension_numbers = #tpu.dot_dimension_numbers<[0], [0], [1], [1], [0, 1, 1, 1], [], []>, transpose_lhs_hint = false} : vector<500x64xf32>, vector<500x128xf32>, vector<64x128xf32> -> vector<64x128xf32>
    %add3A_1466 = arith.addf %get3A_1463, %dot_general3A_1465 : vector<64x128xf32>
    %swap3A_1467 = arith.constant 0 : index
    %swap3A_1468 = arith.constant 0 : index
    %swap3A_1469 = vector.load %arg9[%swap3A_1467, %swap3A_1468] : memref<64x384xf32, #tpu.memory_space<vmem>>, vector<64x128xf32>
    tpu.vector_store %arg9[%swap3A_1467, %swap3A_1468], %add3A_1466 {strides = array<i32>} : memref<64x384xf32, #tpu.memory_space<vmem>>, vector<64x128xf32>,
    %get3A_1470 = arith.constant 0 : index
    %get3A_1471 = arith.constant 128 : index
    %get3A_1472 = vector.load %arg9[%get3A_1470, %get3A_1471] : memref<64x384xf32, #tpu.memory_space<vmem>>, vector<64x128xf32>
    %dot_general3A_1473 = arith.constant dense<0.000000e+00> : vector<64x128xf32>
    %dot_general3A_1474 = tpu.matmul %convert_element_type3A_1460, %mul3A_1447, %dot_general3A_1473 {dimension_numbers = #tpu.dot_dimension_numbers<[0], [0], [1], [1], [0, 1, 1, 1], [], []>, transpose_lhs_hint = false} : vector<500x64xf32>, vector<500x128xf32>, vector<64x128xf32> -> vector<64x128xf32>
    %add3A_1475 = arith.addf %get3A_1472, %dot_general3A_1474 : vector<64x128xf32>
    %swap3A_1476 = arith.constant 0 : index
    %swap3A_1477 = arith.constant 128 : index
    %swap3A_1478 = vector.load %arg9[%swap3A_1476, %swap3A_1477] : memref<64x384xf32, #tpu.memory_space<vmem>>, vector<64x128xf32>
    tpu.vector_store %arg9[%swap3A_1476, %swap3A_1477], %add3A_1475 {strides = array<i32>} : memref<64x384xf32, #tpu.memory_space<vmem>>, vector<64x128xf32>,
    %get3A_1479 = arith.constant 0 : index
    %get3A_1480 = arith.constant 256 : index
    %get3A_1481 = vector.load %arg9[%get3A_1479, %get3A_1480] : memref<64x384xf32, #tpu.memory_space<vmem>>, vector<64x128xf32>
    %dot_general3A_1482 = arith.constant dense<0.000000e+00> : vector<64x128xf32>
    %dot_general3A_1483 = tpu.matmul %convert_element_type3A_1460, %mul3A_1452, %dot_general3A_1482 {dimension_numbers = #tpu.dot_dimension_numbers<[0], [0], [1], [1], [0, 1, 1, 1], [], []>, transpose_lhs_hint = false} : vector<500x64xf32>, vector<500x128xf32>, vector<64x128xf32> -> vector<64x128xf32>
    %add3A_1484 = arith.addf %get3A_1481, %dot_general3A_1483 : vector<64x128xf32>
    %swap3A_1485 = arith.constant 0 : index
    %swap3A_1486 = arith.constant 256 : index
    %swap3A_1487 = vector.load %arg9[%swap3A_1485, %swap3A_1486] : memref<64x384xf32, #tpu.memory_space<vmem>>, vector<64x128xf32>
    tpu.vector_store %arg9[%swap3A_1485, %swap3A_1486], %add3A_1484 {strides = array<i32>} : memref<64x384xf32, #tpu.memory_space<vmem>>, vector<64x128xf32>,
    %get3A_1488 = arith.constant 0 : index
    %get3A_1489 = arith.constant 0 : index
    %get3A_1490 = vector.load %arg11[%get3A_1488, %get3A_1489] : memref<64x128xf32, #tpu.memory_space<vmem>>, vector<64x128xf32>
    %reduce_sum3A_1491 = arith.constant dense<0.000000e+00> : vector<64xf32>
    %reduce_sum3A_1492 = vector.multi_reduction <add>, %convert_element_type3A_1460, %reduce_sum3A_1491 [0] : vector<500x64xf32> to vector<64xf32>
    %broadcast_in_dim3A_1493 = vector.shape_cast %reduce_sum3A_1492 : vector<64xf32> to vector<1x64xf32>
    %transpose3A_1494 = tpu.transpose %broadcast_in_dim3A_1493, [1, 0] : vector<1x64xf32> -> vector<64x1xf32>
    %add3A_1495 = vector.broadcast %transpose3A_1494 : vector<64x1xf32> to vector<64x128xf32>
    %add3A_1496 = arith.addf %get3A_1490, %add3A_1495 : vector<64x128xf32>
    %swap3A_1497 = arith.constant 0 : index
    %swap3A_1498 = arith.constant 0 : index
    %swap3A_1499 = vector.load %arg11[%swap3A_1497, %swap3A_1498] : memref<64x128xf32, #tpu.memory_space<vmem>>, vector<64x128xf32>
    tpu.vector_store %arg11[%swap3A_1497, %swap3A_1498], %add3A_1496 {strides = array<i32>} : memref<64x128xf32, #tpu.memory_space<vmem>>, vector<64x128xf32>,
    %reduce_min3A_1500 = vector.shape_cast %get3A_1455 : vector<500x1xi32> to vector<1x500x1xi32>
    %reduce_min3A_1501 = arith.constant dense<2147483647> : vector<1xi32>
    %reduce_min3A_1502 = vector.multi_reduction <minsi>, %reduce_min3A_1500, %reduce_min3A_1501 [1, 2] : vector<1x500x1xi32> to vector<1xi32>
    %reduce_min3A_1503 = vector.shape_cast %reduce_min3A_1502 : vector<1xi32> to vector<1x1x1xi32>
    %reduce_min3A_1504 = vector.extract %reduce_min3A_1503[0, 0, 0] : i32 from vector<1x1x1xi32>
    %reduce_max3A_1505 = vector.shape_cast %get3A_1455 : vector<500x1xi32> to vector<1x500x1xi32>
    %reduce_max3A_1506 = arith.constant dense<-2147483648> : vector<1xi32>
    %reduce_max3A_1507 = vector.multi_reduction <maxsi>, %reduce_max3A_1505, %reduce_max3A_1506 [1, 2] : vector<1x500x1xi32> to vector<1xi32>
    %reduce_max3A_1508 = vector.shape_cast %reduce_max3A_1507 : vector<1xi32> to vector<1x1x1xi32>
    %reduce_max3A_1509 = vector.extract %reduce_max3A_1508[0, 0, 0] : i32 from vector<1x1x1xi32>
    %add3A_1510 = arith.constant 1 : i32
    %add3A_1511 = arith.addi %reduce_max3A_1509, %add3A_1510 : i32
    %while3A_1512 = arith.constant 0 : i32
    %while3A_1513 = arith.subi %add3A_1511, %reduce_min3A_1504 : i32
    %while3A_1514 = arith.addi %reduce_min3A_1504, %while3A_1513 : i32
    %while3A_1515 = arith.constant 1 : i32
    %while3A_1516 = arith.divsi %while3A_1513, %while3A_1515 : i32
    %while3A_1517 = arith.muli %while3A_1516, %while3A_1515 : i32
    %while3A_1518 = arith.addi %reduce_min3A_1504, %while3A_1517 : i32
    %while3A_1519 = arith.constant 1 : i32
    scf.for %while3A_1720 = %reduce_min3A_1504 to %while3A_1518 step %while3A_1519  : i32 {
      %eq3A_1721 = vector.broadcast %while3A_1720 : i32 to vector<500x1xi32>
      %eq3A_1722 = arith.cmpi eq, %get3A_1455, %eq3A_1721 : vector<500x1xi32>
      %eq3A_1723 = vector.broadcast %while3A_1720 : i32 to vector<64x1xi32>
      %eq3A_1724 = arith.cmpi eq, %iota3A, %eq3A_1723 : vector<64x1xi32>
      %jit3A_1725 = arith.constant 0xFF800000 : f32
      %broadcast_in_dim3A_1726 = vector.shape_cast %eq3A_1722 : vector<500x1xi1> to vector<500x1xi1>
      %broadcast_in_dim3A_1727 = vector.broadcast %broadcast_in_dim3A_1726 : vector<500x1xi1> to vector<500x128xi1>
      %broadcast_in_dim3A_1728 = vector.broadcast %jit3A_1725 : f32 to vector<500x128xf32>
      %select_n3A_1729 = arith.select %broadcast_in_dim3A_1727, %mul3A_1442, %broadcast_in_dim3A_1728 : vector<500x128xi1>, vector<500x128xf32>
      %reduce_max3A_1730 = arith.constant dense<0xFF800000> : vector<128xf32>
      %reduce_max3A_1731 = vector.multi_reduction <maximumf>, %select_n3A_1729, %reduce_max3A_1730 [0] : vector<500x128xf32> to vector<128xf32>
      %broadcast_in_dim3A_1732 = vector.shape_cast %reduce_max3A_1731 : vector<128xf32> to vector<1x128xf32>
      %jit3A_1733 = arith.constant 0xFF800000 : f32
      %broadcast_in_dim3A_1734 = vector.shape_cast %eq3A_1722 : vector<500x1xi1> to vector<500x1xi1>
      %broadcast_in_dim3A_1735 = vector.broadcast %broadcast_in_dim3A_1734 : vector<500x1xi1> to vector<500x128xi1>
      %broadcast_in_dim3A_1736 = vector.broadcast %jit3A_1733 : f32 to vector<500x128xf32>
      %select_n3A_1737 = arith.select %broadcast_in_dim3A_1735, %mul3A_1447, %broadcast_in_dim3A_1736 : vector<500x128xi1>, vector<500x128xf32>
      %reduce_max3A_1738 = arith.constant dense<0xFF800000> : vector<128xf32>
      %reduce_max3A_1739 = vector.multi_reduction <maximumf>, %select_n3A_1737, %reduce_max3A_1738 [0] : vector<500x128xf32> to vector<128xf32>
      %broadcast_in_dim3A_1740 = vector.shape_cast %reduce_max3A_1739 : vector<128xf32> to vector<1x128xf32>
      %jit3A_1741 = arith.constant 0xFF800000 : f32
      %broadcast_in_dim3A_1742 = vector.shape_cast %eq3A_1722 : vector<500x1xi1> to vector<500x1xi1>
      %broadcast_in_dim3A_1743 = vector.broadcast %broadcast_in_dim3A_1742 : vector<500x1xi1> to vector<500x128xi1>
      %broadcast_in_dim3A_1744 = vector.broadcast %jit3A_1741 : f32 to vector<500x128xf32>
      %select_n3A_1745 = arith.select %broadcast_in_dim3A_1743, %mul3A_1452, %broadcast_in_dim3A_1744 : vector<500x128xi1>, vector<500x128xf32>
      %reduce_max3A_1746 = arith.constant dense<0xFF800000> : vector<128xf32>
      %reduce_max3A_1747 = vector.multi_reduction <maximumf>, %select_n3A_1745, %reduce_max3A_1746 [0] : vector<500x128xf32> to vector<128xf32>
      %broadcast_in_dim3A_1748 = vector.shape_cast %reduce_max3A_1747 : vector<128xf32> to vector<1x128xf32>
      %concatenate3A_1749 = tpu.concatenate %broadcast_in_dim3A_1732, %broadcast_in_dim3A_1740, %broadcast_in_dim3A_1748 in 1 : vector<1x128xf32>, vector<1x128xf32>, vector<1x128xf32> -> vector<1x384xf32>
      %get3A_1750 = arith.constant 0 : index
      %get3A_1751 = arith.constant 0 : index
      %get3A_1752 = vector.load %arg10[%get3A_1750, %get3A_1751] : memref<64x384xf32, #tpu.memory_space<vmem>>, vector<64x384xf32>
      %jit3A_1753 = arith.constant 0xFF800000 : f32
      %broadcast_in_dim3A_1754 = vector.shape_cast %eq3A_1724 : vector<64x1xi1> to vector<64x1xi1>
      %broadcast_in_dim3A_1755 = vector.broadcast %broadcast_in_dim3A_1754 : vector<64x1xi1> to vector<64x384xi1>
      %broadcast_in_dim3A_1756 = vector.shape_cast %concatenate3A_1749 : vector<1x384xf32> to vector<1x384xf32>
      %broadcast_in_dim3A_1757 = vector.broadcast %broadcast_in_dim3A_1756 : vector<1x384xf32> to vector<64x384xf32>
      %broadcast_in_dim3A_1758 = vector.broadcast %jit3A_1753 : f32 to vector<64x384xf32>
      %select_n3A_1759 = arith.select %broadcast_in_dim3A_1755, %broadcast_in_dim3A_1757, %broadcast_in_dim3A_1758 : vector<64x384xi1>, vector<64x384xf32>
      %max3A_1760 = arith.maximumf %get3A_1752, %select_n3A_1759 : vector<64x384xf32>
      %swap3A_1761 = arith.constant 0 : index
      %swap3A_1762 = arith.constant 0 : index
      %swap3A_1763 = vector.load %arg10[%swap3A_1761, %swap3A_1762] : memref<64x384xf32, #tpu.memory_space<vmem>>, vector<64x384xf32>
      tpu.vector_store %arg10[%swap3A_1761, %swap3A_1762], %max3A_1760 {strides = array<i32>} : memref<64x384xf32, #tpu.memory_space<vmem>>, vector<64x384xf32>,
    }
    %while3A_1520 = arith.constant 1 : i32
    scf.for %while3A_1720 = %while3A_1518 to %while3A_1514 step %while3A_1520  : i32 {
      %eq3A_1721 = vector.broadcast %while3A_1720 : i32 to vector<500x1xi32>
      %eq3A_1722 = arith.cmpi eq, %get3A_1455, %eq3A_1721 : vector<500x1xi32>
      %eq3A_1723 = vector.broadcast %while3A_1720 : i32 to vector<64x1xi32>
      %eq3A_1724 = arith.cmpi eq, %iota3A, %eq3A_1723 : vector<64x1xi32>
      %jit3A_1725 = arith.constant 0xFF800000 : f32
      %broadcast_in_dim3A_1726 = vector.shape_cast %eq3A_1722 : vector<500x1xi1> to vector<500x1xi1>
      %broadcast_in_dim3A_1727 = vector.broadcast %broadcast_in_dim3A_1726 : vector<500x1xi1> to vector<500x128xi1>
      %broadcast_in_dim3A_1728 = vector.broadcast %jit3A_1725 : f32 to vector<500x128xf32>
      %select_n3A_1729 = arith.select %broadcast_in_dim3A_1727, %mul3A_1442, %broadcast_in_dim3A_1728 : vector<500x128xi1>, vector<500x128xf32>
      %reduce_max3A_1730 = arith.constant dense<0xFF800000> : vector<128xf32>
      %reduce_max3A_1731 = vector.multi_reduction <maximumf>, %select_n3A_1729, %reduce_max3A_1730 [0] : vector<500x128xf32> to vector<128xf32>
      %broadcast_in_dim3A_1732 = vector.shape_cast %reduce_max3A_1731 : vector<128xf32> to vector<1x128xf32>
      %jit3A_1733 = arith.constant 0xFF800000 : f32
      %broadcast_in_dim3A_1734 = vector.shape_cast %eq3A_1722 : vector<500x1xi1> to vector<500x1xi1>
      %broadcast_in_dim3A_1735 = vector.broadcast %broadcast_in_dim3A_1734 : vector<500x1xi1> to vector<500x128xi1>
      %broadcast_in_dim3A_1736 = vector.broadcast %jit3A_1733 : f32 to vector<500x128xf32>
      %select_n3A_1737 = arith.select %broadcast_in_dim3A_1735, %mul3A_1447, %broadcast_in_dim3A_1736 : vector<500x128xi1>, vector<500x128xf32>
      %reduce_max3A_1738 = arith.constant dense<0xFF800000> : vector<128xf32>
      %reduce_max3A_1739 = vector.multi_reduction <maximumf>, %select_n3A_1737, %reduce_max3A_1738 [0] : vector<500x128xf32> to vector<128xf32>
      %broadcast_in_dim3A_1740 = vector.shape_cast %reduce_max3A_1739 : vector<128xf32> to vector<1x128xf32>
      %jit3A_1741 = arith.constant 0xFF800000 : f32
      %broadcast_in_dim3A_1742 = vector.shape_cast %eq3A_1722 : vector<500x1xi1> to vector<500x1xi1>
      %broadcast_in_dim3A_1743 = vector.broadcast %broadcast_in_dim3A_1742 : vector<500x1xi1> to vector<500x128xi1>
      %broadcast_in_dim3A_1744 = vector.broadcast %jit3A_1741 : f32 to vector<500x128xf32>
      %select_n3A_1745 = arith.select %broadcast_in_dim3A_1743, %mul3A_1452, %broadcast_in_dim3A_1744 : vector<500x128xi1>, vector<500x128xf32>
      %reduce_max3A_1746 = arith.constant dense<0xFF800000> : vector<128xf32>
      %reduce_max3A_1747 = vector.multi_reduction <maximumf>, %select_n3A_1745, %reduce_max3A_1746 [0] : vector<500x128xf32> to vector<128xf32>
      %broadcast_in_dim3A_1748 = vector.shape_cast %reduce_max3A_1747 : vector<128xf32> to vector<1x128xf32>
      %concatenate3A_1749 = tpu.concatenate %broadcast_in_dim3A_1732, %broadcast_in_dim3A_1740, %broadcast_in_dim3A_1748 in 1 : vector<1x128xf32>, vector<1x128xf32>, vector<1x128xf32> -> vector<1x384xf32>
      %get3A_1750 = arith.constant 0 : index
      %get3A_1751 = arith.constant 0 : index
      %get3A_1752 = vector.load %arg10[%get3A_1750, %get3A_1751] : memref<64x384xf32, #tpu.memory_space<vmem>>, vector<64x384xf32>
      %jit3A_1753 = arith.constant 0xFF800000 : f32
      %broadcast_in_dim3A_1754 = vector.shape_cast %eq3A_1724 : vector<64x1xi1> to vector<64x1xi1>
      %broadcast_in_dim3A_1755 = vector.broadcast %broadcast_in_dim3A_1754 : vector<64x1xi1> to vector<64x384xi1>
      %broadcast_in_dim3A_1756 = vector.shape_cast %concatenate3A_1749 : vector<1x384xf32> to vector<1x384xf32>
      %broadcast_in_dim3A_1757 = vector.broadcast %broadcast_in_dim3A_1756 : vector<1x384xf32> to vector<64x384xf32>
      %broadcast_in_dim3A_1758 = vector.broadcast %jit3A_1753 : f32 to vector<64x384xf32>
      %select_n3A_1759 = arith.select %broadcast_in_dim3A_1755, %broadcast_in_dim3A_1757, %broadcast_in_dim3A_1758 : vector<64x384xi1>, vector<64x384xf32>
      %max3A_1760 = arith.maximumf %get3A_1752, %select_n3A_1759 : vector<64x384xf32>
      %swap3A_1761 = arith.constant 0 : index
      %swap3A_1762 = arith.constant 0 : index
      %swap3A_1763 = vector.load %arg10[%swap3A_1761, %swap3A_1762] : memref<64x384xf32, #tpu.memory_space<vmem>>, vector<64x384xf32>
      tpu.vector_store %arg10[%swap3A_1761, %swap3A_1762], %max3A_1760 {strides = array<i32>} : memref<64x384xf32, #tpu.memory_space<vmem>>, vector<64x384xf32>,
    }
    %slice3A_1521 = vector.extract_strided_slice %tanh3A {offsets = [9000, 0], sizes = [500, 1], strides = [1, 1]} : vector<10000x1xf32> to vector<500x1xf32>
    %get3A_1522 = arith.constant 9000 : index
    %get3A_1523 = arith.constant 0 : index
    %get3A_1524 = vector.load %arg0[%get3A_1522, %get3A_1523] : memref<10240x128xf32, #tpu.memory_space<vmem>>, vector<500x128xf32>
    %mul3A_1525 = vector.broadcast %slice3A_1521 : vector<500x1xf32> to vector<500x128xf32>
    %mul3A_1526 = arith.mulf %get3A_1524, %mul3A_1525 : vector<500x128xf32>
    %get3A_1527 = arith.constant 9000 : index
    %get3A_1528 = arith.constant 0 : index
    %get3A_1529 = vector.load %arg1[%get3A_1527, %get3A_1528] : memref<10240x128xf32, #tpu.memory_space<vmem>>, vector<500x128xf32>
    %mul3A_1530 = vector.broadcast %slice3A_1521 : vector<500x1xf32> to vector<500x128xf32>
    %mul3A_1531 = arith.mulf %get3A_1529, %mul3A_1530 : vector<500x128xf32>
    %get3A_1532 = arith.constant 9000 : index
    %get3A_1533 = arith.constant 0 : index
    %get3A_1534 = vector.load %arg2[%get3A_1532, %get3A_1533] : memref<10240x128xf32, #tpu.memory_space<vmem>>, vector<500x128xf32>
    %mul3A_1535 = vector.broadcast %slice3A_1521 : vector<500x1xf32> to vector<500x128xf32>
    %mul3A_1536 = arith.mulf %get3A_1534, %mul3A_1535 : vector<500x128xf32>
    %get3A_1537 = arith.constant 9000 : index
    %get3A_1538 = arith.constant 0 : index
    %get3A_1539 = vector.load %arg5[%get3A_1537, %get3A_1538] : memref<10000x1xi32, #tpu.memory_space<vmem>>, vector<500x1xi32>
    %eq3A_1540 = vector.broadcast %get3A_1539 : vector<500x1xi32> to vector<500x64xi32>
    %eq3A_1541 = vector.broadcast %iota3A_18 : vector<1x64xi32> to vector<500x64xi32>
    %eq3A_1542 = arith.cmpi eq, %eq3A_1540, %eq3A_1541 : vector<500x64xi32>
    %convert_element_type3A_1543 = arith.extui %eq3A_1542 : vector<500x64xi1> to vector<500x64xi32>
    %convert_element_type3A_1544 = arith.sitofp %convert_element_type3A_1543 : vector<500x64xi32> to vector<500x64xf32>
    %get3A_1545 = arith.constant 0 : index
    %get3A_1546 = arith.constant 0 : index
    %get3A_1547 = vector.load %arg9[%get3A_1545, %get3A_1546] : memref<64x384xf32, #tpu.memory_space<vmem>>, vector<64x128xf32>
    %dot_general3A_1548 = arith.constant dense<0.000000e+00> : vector<64x128xf32>
    %dot_general3A_1549 = tpu.matmul %convert_element_type3A_1544, %mul3A_1526, %dot_general3A_1548 {dimension_numbers = #tpu.dot_dimension_numbers<[0], [0], [1], [1], [0, 1, 1, 1], [], []>, transpose_lhs_hint = false} : vector<500x64xf32>, vector<500x128xf32>, vector<64x128xf32> -> vector<64x128xf32>
    %add3A_1550 = arith.addf %get3A_1547, %dot_general3A_1549 : vector<64x128xf32>
    %swap3A_1551 = arith.constant 0 : index
    %swap3A_1552 = arith.constant 0 : index
    %swap3A_1553 = vector.load %arg9[%swap3A_1551, %swap3A_1552] : memref<64x384xf32, #tpu.memory_space<vmem>>, vector<64x128xf32>
    tpu.vector_store %arg9[%swap3A_1551, %swap3A_1552], %add3A_1550 {strides = array<i32>} : memref<64x384xf32, #tpu.memory_space<vmem>>, vector<64x128xf32>,
    %get3A_1554 = arith.constant 0 : index
    %get3A_1555 = arith.constant 128 : index
    %get3A_1556 = vector.load %arg9[%get3A_1554, %get3A_1555] : memref<64x384xf32, #tpu.memory_space<vmem>>, vector<64x128xf32>
    %dot_general3A_1557 = arith.constant dense<0.000000e+00> : vector<64x128xf32>
    %dot_general3A_1558 = tpu.matmul %convert_element_type3A_1544, %mul3A_1531, %dot_general3A_1557 {dimension_numbers = #tpu.dot_dimension_numbers<[0], [0], [1], [1], [0, 1, 1, 1], [], []>, transpose_lhs_hint = false} : vector<500x64xf32>, vector<500x128xf32>, vector<64x128xf32> -> vector<64x128xf32>
    %add3A_1559 = arith.addf %get3A_1556, %dot_general3A_1558 : vector<64x128xf32>
    %swap3A_1560 = arith.constant 0 : index
    %swap3A_1561 = arith.constant 128 : index
    %swap3A_1562 = vector.load %arg9[%swap3A_1560, %swap3A_1561] : memref<64x384xf32, #tpu.memory_space<vmem>>, vector<64x128xf32>
    tpu.vector_store %arg9[%swap3A_1560, %swap3A_1561], %add3A_1559 {strides = array<i32>} : memref<64x384xf32, #tpu.memory_space<vmem>>, vector<64x128xf32>,
    %get3A_1563 = arith.constant 0 : index
    %get3A_1564 = arith.constant 256 : index
    %get3A_1565 = vector.load %arg9[%get3A_1563, %get3A_1564] : memref<64x384xf32, #tpu.memory_space<vmem>>, vector<64x128xf32>
    %dot_general3A_1566 = arith.constant dense<0.000000e+00> : vector<64x128xf32>
    %dot_general3A_1567 = tpu.matmul %convert_element_type3A_1544, %mul3A_1536, %dot_general3A_1566 {dimension_numbers = #tpu.dot_dimension_numbers<[0], [0], [1], [1], [0, 1, 1, 1], [], []>, transpose_lhs_hint = false} : vector<500x64xf32>, vector<500x128xf32>, vector<64x128xf32> -> vector<64x128xf32>
    %add3A_1568 = arith.addf %get3A_1565, %dot_general3A_1567 : vector<64x128xf32>
    %swap3A_1569 = arith.constant 0 : index
    %swap3A_1570 = arith.constant 256 : index
    %swap3A_1571 = vector.load %arg9[%swap3A_1569, %swap3A_1570] : memref<64x384xf32, #tpu.memory_space<vmem>>, vector<64x128xf32>
    tpu.vector_store %arg9[%swap3A_1569, %swap3A_1570], %add3A_1568 {strides = array<i32>} : memref<64x384xf32, #tpu.memory_space<vmem>>, vector<64x128xf32>,
    %get3A_1572 = arith.constant 0 : index
    %get3A_1573 = arith.constant 0 : index
    %get3A_1574 = vector.load %arg11[%get3A_1572, %get3A_1573] : memref<64x128xf32, #tpu.memory_space<vmem>>, vector<64x128xf32>
    %reduce_sum3A_1575 = arith.constant dense<0.000000e+00> : vector<64xf32>
    %reduce_sum3A_1576 = vector.multi_reduction <add>, %convert_element_type3A_1544, %reduce_sum3A_1575 [0] : vector<500x64xf32> to vector<64xf32>
    %broadcast_in_dim3A_1577 = vector.shape_cast %reduce_sum3A_1576 : vector<64xf32> to vector<1x64xf32>
    %transpose3A_1578 = tpu.transpose %broadcast_in_dim3A_1577, [1, 0] : vector<1x64xf32> -> vector<64x1xf32>
    %add3A_1579 = vector.broadcast %transpose3A_1578 : vector<64x1xf32> to vector<64x128xf32>
    %add3A_1580 = arith.addf %get3A_1574, %add3A_1579 : vector<64x128xf32>
    %swap3A_1581 = arith.constant 0 : index
    %swap3A_1582 = arith.constant 0 : index
    %swap3A_1583 = vector.load %arg11[%swap3A_1581, %swap3A_1582] : memref<64x128xf32, #tpu.memory_space<vmem>>, vector<64x128xf32>
    tpu.vector_store %arg11[%swap3A_1581, %swap3A_1582], %add3A_1580 {strides = array<i32>} : memref<64x128xf32, #tpu.memory_space<vmem>>, vector<64x128xf32>,
    %reduce_min3A_1584 = vector.shape_cast %get3A_1539 : vector<500x1xi32> to vector<1x500x1xi32>
    %reduce_min3A_1585 = arith.constant dense<2147483647> : vector<1xi32>
    %reduce_min3A_1586 = vector.multi_reduction <minsi>, %reduce_min3A_1584, %reduce_min3A_1585 [1, 2] : vector<1x500x1xi32> to vector<1xi32>
    %reduce_min3A_1587 = vector.shape_cast %reduce_min3A_1586 : vector<1xi32> to vector<1x1x1xi32>
    %reduce_min3A_1588 = vector.extract %reduce_min3A_1587[0, 0, 0] : i32 from vector<1x1x1xi32>
    %reduce_max3A_1589 = vector.shape_cast %get3A_1539 : vector<500x1xi32> to vector<1x500x1xi32>
    %reduce_max3A_1590 = arith.constant dense<-2147483648> : vector<1xi32>
    %reduce_max3A_1591 = vector.multi_reduction <maxsi>, %reduce_max3A_1589, %reduce_max3A_1590 [1, 2] : vector<1x500x1xi32> to vector<1xi32>
    %reduce_max3A_1592 = vector.shape_cast %reduce_max3A_1591 : vector<1xi32> to vector<1x1x1xi32>
    %reduce_max3A_1593 = vector.extract %reduce_max3A_1592[0, 0, 0] : i32 from vector<1x1x1xi32>
    %add3A_1594 = arith.constant 1 : i32
    %add3A_1595 = arith.addi %reduce_max3A_1593, %add3A_1594 : i32
    %while3A_1596 = arith.constant 0 : i32
    %while3A_1597 = arith.subi %add3A_1595, %reduce_min3A_1588 : i32
    %while3A_1598 = arith.addi %reduce_min3A_1588, %while3A_1597 : i32
    %while3A_1599 = arith.constant 1 : i32
    %while3A_1600 = arith.divsi %while3A_1597, %while3A_1599 : i32
    %while3A_1601 = arith.muli %while3A_1600, %while3A_1599 : i32
    %while3A_1602 = arith.addi %reduce_min3A_1588, %while3A_1601 : i32
    %while3A_1603 = arith.constant 1 : i32
    scf.for %while3A_1720 = %reduce_min3A_1588 to %while3A_1602 step %while3A_1603  : i32 {
      %eq3A_1721 = vector.broadcast %while3A_1720 : i32 to vector<500x1xi32>
      %eq3A_1722 = arith.cmpi eq, %get3A_1539, %eq3A_1721 : vector<500x1xi32>
      %eq3A_1723 = vector.broadcast %while3A_1720 : i32 to vector<64x1xi32>
      %eq3A_1724 = arith.cmpi eq, %iota3A, %eq3A_1723 : vector<64x1xi32>
      %jit3A_1725 = arith.constant 0xFF800000 : f32
      %broadcast_in_dim3A_1726 = vector.shape_cast %eq3A_1722 : vector<500x1xi1> to vector<500x1xi1>
      %broadcast_in_dim3A_1727 = vector.broadcast %broadcast_in_dim3A_1726 : vector<500x1xi1> to vector<500x128xi1>
      %broadcast_in_dim3A_1728 = vector.broadcast %jit3A_1725 : f32 to vector<500x128xf32>
      %select_n3A_1729 = arith.select %broadcast_in_dim3A_1727, %mul3A_1526, %broadcast_in_dim3A_1728 : vector<500x128xi1>, vector<500x128xf32>
      %reduce_max3A_1730 = arith.constant dense<0xFF800000> : vector<128xf32>
      %reduce_max3A_1731 = vector.multi_reduction <maximumf>, %select_n3A_1729, %reduce_max3A_1730 [0] : vector<500x128xf32> to vector<128xf32>
      %broadcast_in_dim3A_1732 = vector.shape_cast %reduce_max3A_1731 : vector<128xf32> to vector<1x128xf32>
      %jit3A_1733 = arith.constant 0xFF800000 : f32
      %broadcast_in_dim3A_1734 = vector.shape_cast %eq3A_1722 : vector<500x1xi1> to vector<500x1xi1>
      %broadcast_in_dim3A_1735 = vector.broadcast %broadcast_in_dim3A_1734 : vector<500x1xi1> to vector<500x128xi1>
      %broadcast_in_dim3A_1736 = vector.broadcast %jit3A_1733 : f32 to vector<500x128xf32>
      %select_n3A_1737 = arith.select %broadcast_in_dim3A_1735, %mul3A_1531, %broadcast_in_dim3A_1736 : vector<500x128xi1>, vector<500x128xf32>
      %reduce_max3A_1738 = arith.constant dense<0xFF800000> : vector<128xf32>
      %reduce_max3A_1739 = vector.multi_reduction <maximumf>, %select_n3A_1737, %reduce_max3A_1738 [0] : vector<500x128xf32> to vector<128xf32>
      %broadcast_in_dim3A_1740 = vector.shape_cast %reduce_max3A_1739 : vector<128xf32> to vector<1x128xf32>
      %jit3A_1741 = arith.constant 0xFF800000 : f32
      %broadcast_in_dim3A_1742 = vector.shape_cast %eq3A_1722 : vector<500x1xi1> to vector<500x1xi1>
      %broadcast_in_dim3A_1743 = vector.broadcast %broadcast_in_dim3A_1742 : vector<500x1xi1> to vector<500x128xi1>
      %broadcast_in_dim3A_1744 = vector.broadcast %jit3A_1741 : f32 to vector<500x128xf32>
      %select_n3A_1745 = arith.select %broadcast_in_dim3A_1743, %mul3A_1536, %broadcast_in_dim3A_1744 : vector<500x128xi1>, vector<500x128xf32>
      %reduce_max3A_1746 = arith.constant dense<0xFF800000> : vector<128xf32>
      %reduce_max3A_1747 = vector.multi_reduction <maximumf>, %select_n3A_1745, %reduce_max3A_1746 [0] : vector<500x128xf32> to vector<128xf32>
      %broadcast_in_dim3A_1748 = vector.shape_cast %reduce_max3A_1747 : vector<128xf32> to vector<1x128xf32>
      %concatenate3A_1749 = tpu.concatenate %broadcast_in_dim3A_1732, %broadcast_in_dim3A_1740, %broadcast_in_dim3A_1748 in 1 : vector<1x128xf32>, vector<1x128xf32>, vector<1x128xf32> -> vector<1x384xf32>
      %get3A_1750 = arith.constant 0 : index
      %get3A_1751 = arith.constant 0 : index
      %get3A_1752 = vector.load %arg10[%get3A_1750, %get3A_1751] : memref<64x384xf32, #tpu.memory_space<vmem>>, vector<64x384xf32>
      %jit3A_1753 = arith.constant 0xFF800000 : f32
      %broadcast_in_dim3A_1754 = vector.shape_cast %eq3A_1724 : vector<64x1xi1> to vector<64x1xi1>
      %broadcast_in_dim3A_1755 = vector.broadcast %broadcast_in_dim3A_1754 : vector<64x1xi1> to vector<64x384xi1>
      %broadcast_in_dim3A_1756 = vector.shape_cast %concatenate3A_1749 : vector<1x384xf32> to vector<1x384xf32>
      %broadcast_in_dim3A_1757 = vector.broadcast %broadcast_in_dim3A_1756 : vector<1x384xf32> to vector<64x384xf32>
      %broadcast_in_dim3A_1758 = vector.broadcast %jit3A_1753 : f32 to vector<64x384xf32>
      %select_n3A_1759 = arith.select %broadcast_in_dim3A_1755, %broadcast_in_dim3A_1757, %broadcast_in_dim3A_1758 : vector<64x384xi1>, vector<64x384xf32>
      %max3A_1760 = arith.maximumf %get3A_1752, %select_n3A_1759 : vector<64x384xf32>
      %swap3A_1761 = arith.constant 0 : index
      %swap3A_1762 = arith.constant 0 : index
      %swap3A_1763 = vector.load %arg10[%swap3A_1761, %swap3A_1762] : memref<64x384xf32, #tpu.memory_space<vmem>>, vector<64x384xf32>
      tpu.vector_store %arg10[%swap3A_1761, %swap3A_1762], %max3A_1760 {strides = array<i32>} : memref<64x384xf32, #tpu.memory_space<vmem>>, vector<64x384xf32>,
    }
    %while3A_1604 = arith.constant 1 : i32
    scf.for %while3A_1720 = %while3A_1602 to %while3A_1598 step %while3A_1604  : i32 {
      %eq3A_1721 = vector.broadcast %while3A_1720 : i32 to vector<500x1xi32>
      %eq3A_1722 = arith.cmpi eq, %get3A_1539, %eq3A_1721 : vector<500x1xi32>
      %eq3A_1723 = vector.broadcast %while3A_1720 : i32 to vector<64x1xi32>
      %eq3A_1724 = arith.cmpi eq, %iota3A, %eq3A_1723 : vector<64x1xi32>
      %jit3A_1725 = arith.constant 0xFF800000 : f32
      %broadcast_in_dim3A_1726 = vector.shape_cast %eq3A_1722 : vector<500x1xi1> to vector<500x1xi1>
      %broadcast_in_dim3A_1727 = vector.broadcast %broadcast_in_dim3A_1726 : vector<500x1xi1> to vector<500x128xi1>
      %broadcast_in_dim3A_1728 = vector.broadcast %jit3A_1725 : f32 to vector<500x128xf32>
      %select_n3A_1729 = arith.select %broadcast_in_dim3A_1727, %mul3A_1526, %broadcast_in_dim3A_1728 : vector<500x128xi1>, vector<500x128xf32>
      %reduce_max3A_1730 = arith.constant dense<0xFF800000> : vector<128xf32>
      %reduce_max3A_1731 = vector.multi_reduction <maximumf>, %select_n3A_1729, %reduce_max3A_1730 [0] : vector<500x128xf32> to vector<128xf32>
      %broadcast_in_dim3A_1732 = vector.shape_cast %reduce_max3A_1731 : vector<128xf32> to vector<1x128xf32>
      %jit3A_1733 = arith.constant 0xFF800000 : f32
      %broadcast_in_dim3A_1734 = vector.shape_cast %eq3A_1722 : vector<500x1xi1> to vector<500x1xi1>
      %broadcast_in_dim3A_1735 = vector.broadcast %broadcast_in_dim3A_1734 : vector<500x1xi1> to vector<500x128xi1>
      %broadcast_in_dim3A_1736 = vector.broadcast %jit3A_1733 : f32 to vector<500x128xf32>
      %select_n3A_1737 = arith.select %broadcast_in_dim3A_1735, %mul3A_1531, %broadcast_in_dim3A_1736 : vector<500x128xi1>, vector<500x128xf32>
      %reduce_max3A_1738 = arith.constant dense<0xFF800000> : vector<128xf32>
      %reduce_max3A_1739 = vector.multi_reduction <maximumf>, %select_n3A_1737, %reduce_max3A_1738 [0] : vector<500x128xf32> to vector<128xf32>
      %broadcast_in_dim3A_1740 = vector.shape_cast %reduce_max3A_1739 : vector<128xf32> to vector<1x128xf32>
      %jit3A_1741 = arith.constant 0xFF800000 : f32
      %broadcast_in_dim3A_1742 = vector.shape_cast %eq3A_1722 : vector<500x1xi1> to vector<500x1xi1>
      %broadcast_in_dim3A_1743 = vector.broadcast %broadcast_in_dim3A_1742 : vector<500x1xi1> to vector<500x128xi1>
      %broadcast_in_dim3A_1744 = vector.broadcast %jit3A_1741 : f32 to vector<500x128xf32>
      %select_n3A_1745 = arith.select %broadcast_in_dim3A_1743, %mul3A_1536, %broadcast_in_dim3A_1744 : vector<500x128xi1>, vector<500x128xf32>
      %reduce_max3A_1746 = arith.constant dense<0xFF800000> : vector<128xf32>
      %reduce_max3A_1747 = vector.multi_reduction <maximumf>, %select_n3A_1745, %reduce_max3A_1746 [0] : vector<500x128xf32> to vector<128xf32>
      %broadcast_in_dim3A_1748 = vector.shape_cast %reduce_max3A_1747 : vector<128xf32> to vector<1x128xf32>
      %concatenate3A_1749 = tpu.concatenate %broadcast_in_dim3A_1732, %broadcast_in_dim3A_1740, %broadcast_in_dim3A_1748 in 1 : vector<1x128xf32>, vector<1x128xf32>, vector<1x128xf32> -> vector<1x384xf32>
      %get3A_1750 = arith.constant 0 : index
      %get3A_1751 = arith.constant 0 : index
      %get3A_1752 = vector.load %arg10[%get3A_1750, %get3A_1751] : memref<64x384xf32, #tpu.memory_space<vmem>>, vector<64x384xf32>
      %jit3A_1753 = arith.constant 0xFF800000 : f32
      %broadcast_in_dim3A_1754 = vector.shape_cast %eq3A_1724 : vector<64x1xi1> to vector<64x1xi1>
      %broadcast_in_dim3A_1755 = vector.broadcast %broadcast_in_dim3A_1754 : vector<64x1xi1> to vector<64x384xi1>
      %broadcast_in_dim3A_1756 = vector.shape_cast %concatenate3A_1749 : vector<1x384xf32> to vector<1x384xf32>
      %broadcast_in_dim3A_1757 = vector.broadcast %broadcast_in_dim3A_1756 : vector<1x384xf32> to vector<64x384xf32>
      %broadcast_in_dim3A_1758 = vector.broadcast %jit3A_1753 : f32 to vector<64x384xf32>
      %select_n3A_1759 = arith.select %broadcast_in_dim3A_1755, %broadcast_in_dim3A_1757, %broadcast_in_dim3A_1758 : vector<64x384xi1>, vector<64x384xf32>
      %max3A_1760 = arith.maximumf %get3A_1752, %select_n3A_1759 : vector<64x384xf32>
      %swap3A_1761 = arith.constant 0 : index
      %swap3A_1762 = arith.constant 0 : index
      %swap3A_1763 = vector.load %arg10[%swap3A_1761, %swap3A_1762] : memref<64x384xf32, #tpu.memory_space<vmem>>, vector<64x384xf32>
      tpu.vector_store %arg10[%swap3A_1761, %swap3A_1762], %max3A_1760 {strides = array<i32>} : memref<64x384xf32, #tpu.memory_space<vmem>>, vector<64x384xf32>,
    }
    %slice3A_1605 = vector.extract_strided_slice %tanh3A {offsets = [9500, 0], sizes = [500, 1], strides = [1, 1]} : vector<10000x1xf32> to vector<500x1xf32>
    %get3A_1606 = arith.constant 9500 : index
    %get3A_1607 = arith.constant 0 : index
    %get3A_1608 = vector.load %arg0[%get3A_1606, %get3A_1607] : memref<10240x128xf32, #tpu.memory_space<vmem>>, vector<500x128xf32>
    %mul3A_1609 = vector.broadcast %slice3A_1605 : vector<500x1xf32> to vector<500x128xf32>
    %mul3A_1610 = arith.mulf %get3A_1608, %mul3A_1609 : vector<500x128xf32>
    %get3A_1611 = arith.constant 9500 : index
    %get3A_1612 = arith.constant 0 : index
    %get3A_1613 = vector.load %arg1[%get3A_1611, %get3A_1612] : memref<10240x128xf32, #tpu.memory_space<vmem>>, vector<500x128xf32>
    %mul3A_1614 = vector.broadcast %slice3A_1605 : vector<500x1xf32> to vector<500x128xf32>
    %mul3A_1615 = arith.mulf %get3A_1613, %mul3A_1614 : vector<500x128xf32>
    %get3A_1616 = arith.constant 9500 : index
    %get3A_1617 = arith.constant 0 : index
    %get3A_1618 = vector.load %arg2[%get3A_1616, %get3A_1617] : memref<10240x128xf32, #tpu.memory_space<vmem>>, vector<500x128xf32>
    %mul3A_1619 = vector.broadcast %slice3A_1605 : vector<500x1xf32> to vector<500x128xf32>
    %mul3A_1620 = arith.mulf %get3A_1618, %mul3A_1619 : vector<500x128xf32>
    %get3A_1621 = arith.constant 9500 : index
    %get3A_1622 = arith.constant 0 : index
    %get3A_1623 = vector.load %arg5[%get3A_1621, %get3A_1622] : memref<10000x1xi32, #tpu.memory_space<vmem>>, vector<500x1xi32>
    %eq3A_1624 = vector.broadcast %get3A_1623 : vector<500x1xi32> to vector<500x64xi32>
    %eq3A_1625 = vector.broadcast %iota3A_18 : vector<1x64xi32> to vector<500x64xi32>
    %eq3A_1626 = arith.cmpi eq, %eq3A_1624, %eq3A_1625 : vector<500x64xi32>
    %convert_element_type3A_1627 = arith.extui %eq3A_1626 : vector<500x64xi1> to vector<500x64xi32>
    %convert_element_type3A_1628 = arith.sitofp %convert_element_type3A_1627 : vector<500x64xi32> to vector<500x64xf32>
    %get3A_1629 = arith.constant 0 : index
    %get3A_1630 = arith.constant 0 : index
    %get3A_1631 = vector.load %arg9[%get3A_1629, %get3A_1630] : memref<64x384xf32, #tpu.memory_space<vmem>>, vector<64x128xf32>
    %dot_general3A_1632 = arith.constant dense<0.000000e+00> : vector<64x128xf32>
    %dot_general3A_1633 = tpu.matmul %convert_element_type3A_1628, %mul3A_1610, %dot_general3A_1632 {dimension_numbers = #tpu.dot_dimension_numbers<[0], [0], [1], [1], [0, 1, 1, 1], [], []>, transpose_lhs_hint = false} : vector<500x64xf32>, vector<500x128xf32>, vector<64x128xf32> -> vector<64x128xf32>
    %add3A_1634 = arith.addf %get3A_1631, %dot_general3A_1633 : vector<64x128xf32>
    %swap3A_1635 = arith.constant 0 : index
    %swap3A_1636 = arith.constant 0 : index
    %swap3A_1637 = vector.load %arg9[%swap3A_1635, %swap3A_1636] : memref<64x384xf32, #tpu.memory_space<vmem>>, vector<64x128xf32>
    tpu.vector_store %arg9[%swap3A_1635, %swap3A_1636], %add3A_1634 {strides = array<i32>} : memref<64x384xf32, #tpu.memory_space<vmem>>, vector<64x128xf32>,
    %get3A_1638 = arith.constant 0 : index
    %get3A_1639 = arith.constant 128 : index
    %get3A_1640 = vector.load %arg9[%get3A_1638, %get3A_1639] : memref<64x384xf32, #tpu.memory_space<vmem>>, vector<64x128xf32>
    %dot_general3A_1641 = arith.constant dense<0.000000e+00> : vector<64x128xf32>
    %dot_general3A_1642 = tpu.matmul %convert_element_type3A_1628, %mul3A_1615, %dot_general3A_1641 {dimension_numbers = #tpu.dot_dimension_numbers<[0], [0], [1], [1], [0, 1, 1, 1], [], []>, transpose_lhs_hint = false} : vector<500x64xf32>, vector<500x128xf32>, vector<64x128xf32> -> vector<64x128xf32>
    %add3A_1643 = arith.addf %get3A_1640, %dot_general3A_1642 : vector<64x128xf32>
    %swap3A_1644 = arith.constant 0 : index
    %swap3A_1645 = arith.constant 128 : index
    %swap3A_1646 = vector.load %arg9[%swap3A_1644, %swap3A_1645] : memref<64x384xf32, #tpu.memory_space<vmem>>, vector<64x128xf32>
    tpu.vector_store %arg9[%swap3A_1644, %swap3A_1645], %add3A_1643 {strides = array<i32>} : memref<64x384xf32, #tpu.memory_space<vmem>>, vector<64x128xf32>,
    %get3A_1647 = arith.constant 0 : index
    %get3A_1648 = arith.constant 256 : index
    %get3A_1649 = vector.load %arg9[%get3A_1647, %get3A_1648] : memref<64x384xf32, #tpu.memory_space<vmem>>, vector<64x128xf32>
    %dot_general3A_1650 = arith.constant dense<0.000000e+00> : vector<64x128xf32>
    %dot_general3A_1651 = tpu.matmul %convert_element_type3A_1628, %mul3A_1620, %dot_general3A_1650 {dimension_numbers = #tpu.dot_dimension_numbers<[0], [0], [1], [1], [0, 1, 1, 1], [], []>, transpose_lhs_hint = false} : vector<500x64xf32>, vector<500x128xf32>, vector<64x128xf32> -> vector<64x128xf32>
    %add3A_1652 = arith.addf %get3A_1649, %dot_general3A_1651 : vector<64x128xf32>
    %swap3A_1653 = arith.constant 0 : index
    %swap3A_1654 = arith.constant 256 : index
    %swap3A_1655 = vector.load %arg9[%swap3A_1653, %swap3A_1654] : memref<64x384xf32, #tpu.memory_space<vmem>>, vector<64x128xf32>
    tpu.vector_store %arg9[%swap3A_1653, %swap3A_1654], %add3A_1652 {strides = array<i32>} : memref<64x384xf32, #tpu.memory_space<vmem>>, vector<64x128xf32>,
    %get3A_1656 = arith.constant 0 : index
    %get3A_1657 = arith.constant 0 : index
    %get3A_1658 = vector.load %arg11[%get3A_1656, %get3A_1657] : memref<64x128xf32, #tpu.memory_space<vmem>>, vector<64x128xf32>
    %reduce_sum3A_1659 = arith.constant dense<0.000000e+00> : vector<64xf32>
    %reduce_sum3A_1660 = vector.multi_reduction <add>, %convert_element_type3A_1628, %reduce_sum3A_1659 [0] : vector<500x64xf32> to vector<64xf32>
    %broadcast_in_dim3A_1661 = vector.shape_cast %reduce_sum3A_1660 : vector<64xf32> to vector<1x64xf32>
    %transpose3A_1662 = tpu.transpose %broadcast_in_dim3A_1661, [1, 0] : vector<1x64xf32> -> vector<64x1xf32>
    %add3A_1663 = vector.broadcast %transpose3A_1662 : vector<64x1xf32> to vector<64x128xf32>
    %add3A_1664 = arith.addf %get3A_1658, %add3A_1663 : vector<64x128xf32>
    %swap3A_1665 = arith.constant 0 : index
    %swap3A_1666 = arith.constant 0 : index
    %swap3A_1667 = vector.load %arg11[%swap3A_1665, %swap3A_1666] : memref<64x128xf32, #tpu.memory_space<vmem>>, vector<64x128xf32>
    tpu.vector_store %arg11[%swap3A_1665, %swap3A_1666], %add3A_1664 {strides = array<i32>} : memref<64x128xf32, #tpu.memory_space<vmem>>, vector<64x128xf32>,
    %reduce_min3A_1668 = vector.shape_cast %get3A_1623 : vector<500x1xi32> to vector<1x500x1xi32>
    %reduce_min3A_1669 = arith.constant dense<2147483647> : vector<1xi32>
    %reduce_min3A_1670 = vector.multi_reduction <minsi>, %reduce_min3A_1668, %reduce_min3A_1669 [1, 2] : vector<1x500x1xi32> to vector<1xi32>
    %reduce_min3A_1671 = vector.shape_cast %reduce_min3A_1670 : vector<1xi32> to vector<1x1x1xi32>
    %reduce_min3A_1672 = vector.extract %reduce_min3A_1671[0, 0, 0] : i32 from vector<1x1x1xi32>
    %reduce_max3A_1673 = vector.shape_cast %get3A_1623 : vector<500x1xi32> to vector<1x500x1xi32>
    %reduce_max3A_1674 = arith.constant dense<-2147483648> : vector<1xi32>
    %reduce_max3A_1675 = vector.multi_reduction <maxsi>, %reduce_max3A_1673, %reduce_max3A_1674 [1, 2] : vector<1x500x1xi32> to vector<1xi32>
    %reduce_max3A_1676 = vector.shape_cast %reduce_max3A_1675 : vector<1xi32> to vector<1x1x1xi32>
    %reduce_max3A_1677 = vector.extract %reduce_max3A_1676[0, 0, 0] : i32 from vector<1x1x1xi32>
    %add3A_1678 = arith.constant 1 : i32
    %add3A_1679 = arith.addi %reduce_max3A_1677, %add3A_1678 : i32
    %while3A_1680 = arith.constant 0 : i32
    %while3A_1681 = arith.subi %add3A_1679, %reduce_min3A_1672 : i32
    %while3A_1682 = arith.addi %reduce_min3A_1672, %while3A_1681 : i32
    %while3A_1683 = arith.constant 1 : i32
    %while3A_1684 = arith.divsi %while3A_1681, %while3A_1683 : i32
    %while3A_1685 = arith.muli %while3A_1684, %while3A_1683 : i32
    %while3A_1686 = arith.addi %reduce_min3A_1672, %while3A_1685 : i32
    %while3A_1687 = arith.constant 1 : i32
    scf.for %while3A_1720 = %reduce_min3A_1672 to %while3A_1686 step %while3A_1687  : i32 {
      %eq3A_1721 = vector.broadcast %while3A_1720 : i32 to vector<500x1xi32>
      %eq3A_1722 = arith.cmpi eq, %get3A_1623, %eq3A_1721 : vector<500x1xi32>
      %eq3A_1723 = vector.broadcast %while3A_1720 : i32 to vector<64x1xi32>
      %eq3A_1724 = arith.cmpi eq, %iota3A, %eq3A_1723 : vector<64x1xi32>
      %jit3A_1725 = arith.constant 0xFF800000 : f32
      %broadcast_in_dim3A_1726 = vector.shape_cast %eq3A_1722 : vector<500x1xi1> to vector<500x1xi1>
      %broadcast_in_dim3A_1727 = vector.broadcast %broadcast_in_dim3A_1726 : vector<500x1xi1> to vector<500x128xi1>
      %broadcast_in_dim3A_1728 = vector.broadcast %jit3A_1725 : f32 to vector<500x128xf32>
      %select_n3A_1729 = arith.select %broadcast_in_dim3A_1727, %mul3A_1610, %broadcast_in_dim3A_1728 : vector<500x128xi1>, vector<500x128xf32>
      %reduce_max3A_1730 = arith.constant dense<0xFF800000> : vector<128xf32>
      %reduce_max3A_1731 = vector.multi_reduction <maximumf>, %select_n3A_1729, %reduce_max3A_1730 [0] : vector<500x128xf32> to vector<128xf32>
      %broadcast_in_dim3A_1732 = vector.shape_cast %reduce_max3A_1731 : vector<128xf32> to vector<1x128xf32>
      %jit3A_1733 = arith.constant 0xFF800000 : f32
      %broadcast_in_dim3A_1734 = vector.shape_cast %eq3A_1722 : vector<500x1xi1> to vector<500x1xi1>
      %broadcast_in_dim3A_1735 = vector.broadcast %broadcast_in_dim3A_1734 : vector<500x1xi1> to vector<500x128xi1>
      %broadcast_in_dim3A_1736 = vector.broadcast %jit3A_1733 : f32 to vector<500x128xf32>
      %select_n3A_1737 = arith.select %broadcast_in_dim3A_1735, %mul3A_1615, %broadcast_in_dim3A_1736 : vector<500x128xi1>, vector<500x128xf32>
      %reduce_max3A_1738 = arith.constant dense<0xFF800000> : vector<128xf32>
      %reduce_max3A_1739 = vector.multi_reduction <maximumf>, %select_n3A_1737, %reduce_max3A_1738 [0] : vector<500x128xf32> to vector<128xf32>
      %broadcast_in_dim3A_1740 = vector.shape_cast %reduce_max3A_1739 : vector<128xf32> to vector<1x128xf32>
      %jit3A_1741 = arith.constant 0xFF800000 : f32
      %broadcast_in_dim3A_1742 = vector.shape_cast %eq3A_1722 : vector<500x1xi1> to vector<500x1xi1>
      %broadcast_in_dim3A_1743 = vector.broadcast %broadcast_in_dim3A_1742 : vector<500x1xi1> to vector<500x128xi1>
      %broadcast_in_dim3A_1744 = vector.broadcast %jit3A_1741 : f32 to vector<500x128xf32>
      %select_n3A_1745 = arith.select %broadcast_in_dim3A_1743, %mul3A_1620, %broadcast_in_dim3A_1744 : vector<500x128xi1>, vector<500x128xf32>
      %reduce_max3A_1746 = arith.constant dense<0xFF800000> : vector<128xf32>
      %reduce_max3A_1747 = vector.multi_reduction <maximumf>, %select_n3A_1745, %reduce_max3A_1746 [0] : vector<500x128xf32> to vector<128xf32>
      %broadcast_in_dim3A_1748 = vector.shape_cast %reduce_max3A_1747 : vector<128xf32> to vector<1x128xf32>
      %concatenate3A_1749 = tpu.concatenate %broadcast_in_dim3A_1732, %broadcast_in_dim3A_1740, %broadcast_in_dim3A_1748 in 1 : vector<1x128xf32>, vector<1x128xf32>, vector<1x128xf32> -> vector<1x384xf32>
      %get3A_1750 = arith.constant 0 : index
      %get3A_1751 = arith.constant 0 : index
      %get3A_1752 = vector.load %arg10[%get3A_1750, %get3A_1751] : memref<64x384xf32, #tpu.memory_space<vmem>>, vector<64x384xf32>
      %jit3A_1753 = arith.constant 0xFF800000 : f32
      %broadcast_in_dim3A_1754 = vector.shape_cast %eq3A_1724 : vector<64x1xi1> to vector<64x1xi1>
      %broadcast_in_dim3A_1755 = vector.broadcast %broadcast_in_dim3A_1754 : vector<64x1xi1> to vector<64x384xi1>
      %broadcast_in_dim3A_1756 = vector.shape_cast %concatenate3A_1749 : vector<1x384xf32> to vector<1x384xf32>
      %broadcast_in_dim3A_1757 = vector.broadcast %broadcast_in_dim3A_1756 : vector<1x384xf32> to vector<64x384xf32>
      %broadcast_in_dim3A_1758 = vector.broadcast %jit3A_1753 : f32 to vector<64x384xf32>
      %select_n3A_1759 = arith.select %broadcast_in_dim3A_1755, %broadcast_in_dim3A_1757, %broadcast_in_dim3A_1758 : vector<64x384xi1>, vector<64x384xf32>
      %max3A_1760 = arith.maximumf %get3A_1752, %select_n3A_1759 : vector<64x384xf32>
      %swap3A_1761 = arith.constant 0 : index
      %swap3A_1762 = arith.constant 0 : index
      %swap3A_1763 = vector.load %arg10[%swap3A_1761, %swap3A_1762] : memref<64x384xf32, #tpu.memory_space<vmem>>, vector<64x384xf32>
      tpu.vector_store %arg10[%swap3A_1761, %swap3A_1762], %max3A_1760 {strides = array<i32>} : memref<64x384xf32, #tpu.memory_space<vmem>>, vector<64x384xf32>,
    }
    %while3A_1688 = arith.constant 1 : i32
    scf.for %while3A_1720 = %while3A_1686 to %while3A_1682 step %while3A_1688  : i32 {
      %eq3A_1721 = vector.broadcast %while3A_1720 : i32 to vector<500x1xi32>
      %eq3A_1722 = arith.cmpi eq, %get3A_1623, %eq3A_1721 : vector<500x1xi32>
      %eq3A_1723 = vector.broadcast %while3A_1720 : i32 to vector<64x1xi32>
      %eq3A_1724 = arith.cmpi eq, %iota3A, %eq3A_1723 : vector<64x1xi32>
      %jit3A_1725 = arith.constant 0xFF800000 : f32
      %broadcast_in_dim3A_1726 = vector.shape_cast %eq3A_1722 : vector<500x1xi1> to vector<500x1xi1>
      %broadcast_in_dim3A_1727 = vector.broadcast %broadcast_in_dim3A_1726 : vector<500x1xi1> to vector<500x128xi1>
      %broadcast_in_dim3A_1728 = vector.broadcast %jit3A_1725 : f32 to vector<500x128xf32>
      %select_n3A_1729 = arith.select %broadcast_in_dim3A_1727, %mul3A_1610, %broadcast_in_dim3A_1728 : vector<500x128xi1>, vector<500x128xf32>
      %reduce_max3A_1730 = arith.constant dense<0xFF800000> : vector<128xf32>
      %reduce_max3A_1731 = vector.multi_reduction <maximumf>, %select_n3A_1729, %reduce_max3A_1730 [0] : vector<500x128xf32> to vector<128xf32>
      %broadcast_in_dim3A_1732 = vector.shape_cast %reduce_max3A_1731 : vector<128xf32> to vector<1x128xf32>
      %jit3A_1733 = arith.constant 0xFF800000 : f32
      %broadcast_in_dim3A_1734 = vector.shape_cast %eq3A_1722 : vector<500x1xi1> to vector<500x1xi1>
      %broadcast_in_dim3A_1735 = vector.broadcast %broadcast_in_dim3A_1734 : vector<500x1xi1> to vector<500x128xi1>
      %broadcast_in_dim3A_1736 = vector.broadcast %jit3A_1733 : f32 to vector<500x128xf32>
      %select_n3A_1737 = arith.select %broadcast_in_dim3A_1735, %mul3A_1615, %broadcast_in_dim3A_1736 : vector<500x128xi1>, vector<500x128xf32>
      %reduce_max3A_1738 = arith.constant dense<0xFF800000> : vector<128xf32>
      %reduce_max3A_1739 = vector.multi_reduction <maximumf>, %select_n3A_1737, %reduce_max3A_1738 [0] : vector<500x128xf32> to vector<128xf32>
      %broadcast_in_dim3A_1740 = vector.shape_cast %reduce_max3A_1739 : vector<128xf32> to vector<1x128xf32>
      %jit3A_1741 = arith.constant 0xFF800000 : f32
      %broadcast_in_dim3A_1742 = vector.shape_cast %eq3A_1722 : vector<500x1xi1> to vector<500x1xi1>
      %broadcast_in_dim3A_1743 = vector.broadcast %broadcast_in_dim3A_1742 : vector<500x1xi1> to vector<500x128xi1>
      %broadcast_in_dim3A_1744 = vector.broadcast %jit3A_1741 : f32 to vector<500x128xf32>
      %select_n3A_1745 = arith.select %broadcast_in_dim3A_1743, %mul3A_1620, %broadcast_in_dim3A_1744 : vector<500x128xi1>, vector<500x128xf32>
      %reduce_max3A_1746 = arith.constant dense<0xFF800000> : vector<128xf32>
      %reduce_max3A_1747 = vector.multi_reduction <maximumf>, %select_n3A_1745, %reduce_max3A_1746 [0] : vector<500x128xf32> to vector<128xf32>
      %broadcast_in_dim3A_1748 = vector.shape_cast %reduce_max3A_1747 : vector<128xf32> to vector<1x128xf32>
      %concatenate3A_1749 = tpu.concatenate %broadcast_in_dim3A_1732, %broadcast_in_dim3A_1740, %broadcast_in_dim3A_1748 in 1 : vector<1x128xf32>, vector<1x128xf32>, vector<1x128xf32> -> vector<1x384xf32>
      %get3A_1750 = arith.constant 0 : index
      %get3A_1751 = arith.constant 0 : index
      %get3A_1752 = vector.load %arg10[%get3A_1750, %get3A_1751] : memref<64x384xf32, #tpu.memory_space<vmem>>, vector<64x384xf32>
      %jit3A_1753 = arith.constant 0xFF800000 : f32
      %broadcast_in_dim3A_1754 = vector.shape_cast %eq3A_1724 : vector<64x1xi1> to vector<64x1xi1>
      %broadcast_in_dim3A_1755 = vector.broadcast %broadcast_in_dim3A_1754 : vector<64x1xi1> to vector<64x384xi1>
      %broadcast_in_dim3A_1756 = vector.shape_cast %concatenate3A_1749 : vector<1x384xf32> to vector<1x384xf32>
      %broadcast_in_dim3A_1757 = vector.broadcast %broadcast_in_dim3A_1756 : vector<1x384xf32> to vector<64x384xf32>
      %broadcast_in_dim3A_1758 = vector.broadcast %jit3A_1753 : f32 to vector<64x384xf32>
      %select_n3A_1759 = arith.select %broadcast_in_dim3A_1755, %broadcast_in_dim3A_1757, %broadcast_in_dim3A_1758 : vector<64x384xi1>, vector<64x384xf32>
      %max3A_1760 = arith.maximumf %get3A_1752, %select_n3A_1759 : vector<64x384xf32>
      %swap3A_1761 = arith.constant 0 : index
      %swap3A_1762 = arith.constant 0 : index
      %swap3A_1763 = vector.load %arg10[%swap3A_1761, %swap3A_1762] : memref<64x384xf32, #tpu.memory_space<vmem>>, vector<64x384xf32>
      tpu.vector_store %arg10[%swap3A_1761, %swap3A_1762], %max3A_1760 {strides = array<i32>} : memref<64x384xf32, #tpu.memory_space<vmem>>, vector<64x384xf32>,
    }
    %get3A_1689 = arith.constant 0 : index
    %get3A_1690 = arith.constant 0 : index
    %get3A_1691 = vector.load %arg9[%get3A_1689, %get3A_1690] : memref<64x384xf32, #tpu.memory_space<vmem>>, vector<64x384xf32>
    %get3A_1692 = arith.constant 0 : index
    %get3A_1693 = arith.constant 0 : index
    %get3A_1694 = vector.load %arg11[%get3A_1692, %get3A_1693] : memref<64x128xf32, #tpu.memory_space<vmem>>, vector<64x1xf32>
    %max3A = arith.constant 1.000000e+00 : f32
    %max3A_1695 = vector.broadcast %max3A : f32 to vector<64x1xf32>
    %max3A_1696 = arith.maximumf %get3A_1694, %max3A_1695 : vector<64x1xf32>
    %div3A = vector.broadcast %max3A_1696 : vector<64x1xf32> to vector<64x384xf32>
    %div3A_1697 = arith.divf %get3A_1691, %div3A : vector<64x384xf32>
    %get3A_1698 = arith.constant 0 : index
    %get3A_1699 = arith.constant 0 : index
    %get3A_1700 = vector.load %arg10[%get3A_1698, %get3A_1699] : memref<64x384xf32, #tpu.memory_space<vmem>>, vector<64x384xf32>
    %is_finite3A = tpu.weird %get3A_1700 : vector<64x384xf32> -> vector<64x384xi1>
    %is_finite3A_1701 = arith.constant dense<true> : vector<64x384xi1>
    %is_finite3A_1702 = arith.xori %is_finite3A, %is_finite3A_1701 : vector<64x384xi1>
    %jit3A = arith.constant 0.000000e+00 : f32
    %broadcast_in_dim3A_1703 = vector.broadcast %jit3A : f32 to vector<64x384xf32>
    %select_n3A = arith.select %is_finite3A_1702, %get3A_1700, %broadcast_in_dim3A_1703 : vector<64x384xi1>, vector<64x384xf32>
    %concatenate3A = tpu.concatenate %div3A_1697, %select_n3A in 1 : vector<64x384xf32>, vector<64x384xf32> -> vector<64x768xf32>
    %get3A_1704 = arith.constant 0 : index
    %get3A_1705 = arith.constant 0 : index
    %get3A_1706 = vector.load %arg6[%get3A_1704, %get3A_1705] : memref<768x128xf32, #tpu.memory_space<vmem>>, vector<768x128xf32>
    %dot_general3A_1707 = arith.constant dense<0.000000e+00> : vector<64x128xf32>
    %dot_general3A_1708 = tpu.matmul %concatenate3A, %get3A_1706, %dot_general3A_1707 {dimension_numbers = #tpu.dot_dimension_numbers<[1], [0], [0], [1], [0, 0, 1, 1], [], []>, transpose_lhs_hint = false} : vector<64x768xf32>, vector<768x128xf32>, vector<64x128xf32> -> vector<64x128xf32>
    %get3A_1709 = arith.constant 0 : index
    %get3A_1710 = arith.constant 0 : index
    %get3A_1711 = vector.load %arg7[%get3A_1709, %get3A_1710] : memref<1x128xf32, #tpu.memory_space<vmem>>, vector<1x128xf32>
    %add3A_1712 = vector.broadcast %get3A_1711 : vector<1x128xf32> to vector<64x128xf32>
    %add3A_1713 = arith.addf %dot_general3A_1708, %add3A_1712 : vector<64x128xf32>
    %max3A_1714 = arith.constant 0.000000e+00 : f32
    %max3A_1715 = vector.broadcast %max3A_1714 : f32 to vector<64x128xf32>
    %max3A_1716 = arith.maximumf %add3A_1713, %max3A_1715 : vector<64x128xf32>
    %swap3A_1717 = arith.constant 0 : index
    %swap3A_1718 = arith.constant 0 : index
    %swap3A_1719 = vector.load %arg8[%swap3A_1717, %swap3A_1718] : memref<64x128xf32, #tpu.memory_space<vmem>>, vector<64x128xf32>
    tpu.vector_store %arg8[%swap3A_1717, %swap3A_1718], %max3A_1716 {strides = array<i32>} : memref<64x128xf32, #tpu.memory_space<vmem>>, vector<64x128xf32>,
    return
  }
}

</mosaic_0001>

<sc_bundles>
// kernel: kernel.12.cloned.1.call-start
scs
__scs_entry_jumppad:
0x0: {  	(pc) =	sbr.rel $0x88, $3  }
0x1: {  	(tag) =	ssettag $0x0;
	lr =	simm.s32 $0x1  }
0x2: {  	[smem:$0x3F94] =	sst lr;
	_ =	strace $0xD0000000  }
0x3: {  	_ = 	snop  }
0x4: {  	_ = 	snop  }
0x5: {  	_ = 	snop  }
0x6: {  	_ = 	snop  }
0x7: {  	_ = 	snop  }
__scs_overlays_trampoline_lowered:
0x8: {  	[smem:$0x3FA3] =	sst s0  }
0x9: {  	[smem:$0x3FA4] =	sst s1  }
0xa: {  	[smem:$0x3FA5] =	sst s2  }
0xb: {  	[smem:$0x3FA6] =	sst s3  }
0xc: {  	[smem:$0x3FA7] =	sst s4  }
0xd: {  	[smem:$0x3FA8] =	sst s5  }
0xe: {  	[smem:$0x3FA9] =	sst s6  }
0xf: {  	[smem:$0x3FAA] =	sst s7  }
0x10: {  	[smem:$0x3FAB] =	sst s8  }
0x11: {  	[smem:$0x3FAC] =	sst s9;
	s0 =	simm.s32 @!p0 $0x0  }
0x12: {  	s1 =	sld [smem:$0x3F92];
	s0 =	simm.s32 @p0 $0x1  }
0x13: {  	[smem:$0x3FAD] =	sst s0;
	s0 =	simm.s32 @!p1 $0x0  }
0x14: {  	s2 =	sld [smem:$0x3F91];
	s0 =	simm.s32 @p1 $0x1  }
0x15: {  	[smem:$0x3FAE] =	sst s0;
	s0 =	simm.s32 @!p2 $0x0  }
0x16: {  	s3 =	sld [smem:$0x3FDB];
	s0 =	simm.s32 @p2 $0x1  }
0x17: {  	s4 =	simm.s32 $0x1BF5;
	[smem:$0x3FB0] =	sst s0  }
0x18: {  	s0 =	sld [smem:$0x3F93];
	_ =	swait.ge [sflag:s4], $0x0  }
0x19: {  	s7 =	sld [smem:$0x3F94]  }
0x1a: {  	s8 =	sadd.s32 $0xFFFFE003, lr  }
0x1b: {  	s9 =	sadd.s32 $0xFFFFFEF7, lr;
	s5 =	simm.s32 $0xFFFFFFFF;
	p2 =	slt.u32 s8, $0xFFFFF086  }
0x1c: {  	p1 =	slt.u32 s9, $0xF7A;
	s5 =	simm.s32 @!p2 $0x0  }
0x1d: {  	s5 =	simm.s32 @p1 $0x1;
	p0 =	seq.s32 s7, s2  }
0x1e: {  	s7 =	smul.u32 @!p0 $0xF7A, s2;
	p2 =	seq.s32 @!p0 s5, $0x0  }
0x1f: {  	s9 =	smul.u32 $0xF7A, s1;
	s8 =	simm.s32 @!p0 $0x1BF5;
	p2 =	por !p2, p0  }
0x20: {  	[sflag:s8] =	ssyncset.s32 @!p0 $0xFFFFF086;
	s6 =	sadd.s32 @!p0 s3, s7;
	s7 =	simm.s32 @!p0 $0x108  }
0x21: {  	s3 =	sadd.s32 s3, s9;
	s6 =	sadd.s32 @!p0 $0x88, s6;
	s7 =	simm.s32 @p2 $0x1082  }
0x22: {  	[simem:s7], [sflag:s8] =	dma.local @!p0 [hbm:s6], $0xF7A  }
0x23: {  	s9 =	sor.u32 $0xD0000000, s2;
	s6 =	simm.s32 $0x108;
	_ =	swait.ge @!p0 [sflag:s8], $0x0  }
0x24: {  	s3 =	sadd.s32 $0x88, s3;
	s6 =	simm.s32 @!p1 $0x1082;
	[sflag:s4] =	ssyncset.s32 $0xFFFFF086  }
0x25: {  	[simem:s6], [sflag:s4] =	dma.local [hbm:s3], $0xF7A  }
0x26: {  	[smem:$0x3F94] =	sst s1;
	(tag) =	ssettag s2;
	_ =	strace s9  }
0x27: {  	s1 =	sld [smem:$0x3FA4]  }
0x28: {  	s2 =	sld [smem:$0x3FA5]  }
0x29: {  	s4 =	sld [smem:$0x3FA7]  }
0x2a: {  	p0 =	seq.s32 s5, $0x0;
	s5 =	sld [smem:$0x3FA8]  }
0x2b: {  	s6 =	sld [smem:$0x3FA9]  }
0x2c: {  	s7 =	sld [smem:$0x3FAA]  }
0x2d: {  	s3 =	simm.s32 $0x108;
	s8 =	sld [smem:$0x3FAB]  }
0x2e: {  	s3 =	simm.s32 @!p0 $0x1082;
	s9 =	sld [smem:$0x3FAC]  }
0x2f: {  	lr =	sadd.s32 s0, s3;
	s0 =	sld [smem:$0x3FA3]  }
0x30: {  	s3 =	sld [smem:$0x3FA6]  }
0x31: {  	[smem:$0x3FAF] =	sst s10  }
0x32: {  	s10 =	sld [smem:$0x3FAD];
	_ =	sdelay $0x3  }
0x33: {  	p0 =	seq.s32 s10, $0x1;
	s10 =	sld [smem:$0x3FAF];
	_ =	sdelay $0x3  }
0x34: {  	[smem:$0x3FAF] =	sst s10  }
0x35: {  	s10 =	sld [smem:$0x3FAE];
	_ =	sdelay $0x3  }
0x36: {  	p1 =	seq.s32 s10, $0x1;
	s10 =	sld [smem:$0x3FAF];
	_ =	sdelay $0x3  }
0x37: {  	[smem:$0x3FAF] =	sst s10  }
0x38: {  	s10 =	sld [smem:$0x3FB0]  }
0x39: {  	_ = 	snop;
	(pc) =	sbr.ind lr, $3  }
0x3a: {  	_ = 	snop  }
0x3b: {  	_ = 	snop  }
0x3c: {  	p2 =	seq.s32 s10, $0x1;
	s10 =	sld [smem:$0x3FAF]  }
0x3d: {  	_ =	shalt  }
0x3e: {  	_ =	shalt  }
0x3f: {  	_ =	shalt  }
0x40: {  	_ =	shalt  }
0x41: {  	_ =	shalt  }
0x42: {  	_ =	shalt  }
0x43: {  	_ =	shalt  }
0x44: {  	_ =	shalt  }
0x45: {  	_ =	shalt  }
0x46: {  	_ =	shalt  }
0x47: {  	_ =	shalt  }
0x48: {  	_ =	shalt  }
0x49: {  	_ =	shalt  }
0x4a: {  	_ =	shalt  }
0x4b: {  	_ =	shalt  }
0x4c: {  	_ =	shalt  }
0x4d: {  	_ =	shalt  }
0x4e: {  	_ =	shalt  }
0x4f: {  	_ =	shalt  }
0x50: {  	_ =	shalt  }
0x51: {  	_ =	shalt  }
0x52: {  	_ =	shalt  }
0x53: {  	_ =	shalt  }
0x54: {  	_ =	shalt  }
0x55: {  	_ =	shalt  }
0x56: {  	_ =	shalt  }
0x57: {  	_ =	shalt  }
0x58: {  	_ =	shalt  }
0x59: {  	_ =	shalt  }
0x5a: {  	_ =	shalt  }
0x5b: {  	_ =	shalt  }
0x5c: {  	_ =	shalt  }
0x5d: {  	_ =	shalt  }
0x5e: {  	_ =	shalt  }
0x5f: {  	_ =	shalt  }
0x60: {  	_ =	shalt  }
0x61: {  	_ =	shalt  }
0x62: {  	_ =	shalt  }
0x63: {  	_ =	shalt  }
0x64: {  	_ =	shalt  }
0x65: {  	_ =	shalt  }
0x66: {  	_ =	shalt  }
0x67: {  	_ =	shalt  }
0x68: {  	_ =	shalt  }
0x69: {  	_ =	shalt  }
0x6a: {  	_ =	shalt  }
0x6b: {  	_ =	shalt  }
0x6c: {  	_ =	shalt  }
0x6d: {  	_ =	shalt  }
0x6e: {  	_ =	shalt  }
0x6f: {  	_ =	shalt  }
0x70: {  	_ =	shalt  }
0x71: {  	_ =	shalt  }
0x72: {  	_ =	shalt  }
0x73: {  	_ =	shalt  }
0x74: {  	_ =	shalt  }
0x75: {  	_ =	shalt  }
0x76: {  	_ =	shalt  }
0x77: {  	_ =	shalt  }
0x78: {  	_ =	shalt  }
0x79: {  	_ =	shalt  }
0x7a: {  	_ =	shalt  }
0x7b: {  	_ =	shalt  }
0x7c: {  	_ =	shalt  }
0x7d: {  	_ =	shalt  }
0x7e: {  	_ =	shalt  }
0x7f: {  	_ =	shalt  }
0x80: {  	_ =	shalt  }
0x81: {  	_ =	shalt  }
0x82: {  	_ =	shalt  }
0x83: {  	_ =	shalt  }
0x84: {  	_ =	shalt  }
0x85: {  	_ =	shalt  }
0x86: {  	_ =	shalt  }
0x87: {  	_ =	shalt  }
.Lfunc_end0:
.L_simem_size_0:
called_computation_lowered:
.L_overlay_start_0:
0x88: {  	s2 =	sld [smem:$0x3FD9]  }
0x89: {  	s3 =	sld [smem:$0x3FFE];
	_ =	sdelay $0x1  }
0x8a: {  	s1 =	srdreg.scid  }
0x8b: {  	s0 =	sand.u32 $0x1, s1  }
0x8c: {  	s16 =	sshll.u32 s0, $0xA;
	s2 =	sadd.s32 s3, s2  }
0x8d: {  	s2 =	sadd.s32 s2, s16  }
0x8e: {  	[smem:$0x3FBB] =	sst s2  }
0x8f: {  	_ = 	snop  }
0x90: {  	(tm) =	ssettm $0x1  }
0x91: {  	s17 =	sld [smem:$0x3FFB];
	_ =	sdelay $0x3  }
0x92: {  	_ =	strace s17  }
0x93: {  	s2 =	sld [smem:$0x3FFC];
	_ =	sdelay $0x3  }
0x94: {  	_ =	strace s2  }
0x95: {  	s2 =	sld [smem:$0x3FFD];
	_ =	sdelay $0x3  }
0x96: {  	_ =	strace s2  }
0x97: {  	_ =	strace $0x8FFFFFFF  }
0x98: {  	s18 =	sld [smem:$0x3FDB];
	_ =	sdelay $0x1  }
0x99: {  	s19 =	simm.s32 $_scs_section_size  }
0x9a: {  	s4 =	simm.s32 $_size__tile_overlayer_lowered;
	s5 =	simm.s32 $_tile_overlayer_lowered  }
0x9b: {  	s22 =	simm.s32 $0x1BFF;
	s21 =	sshll.u32 s5, $0x1;
	s2 =	sadd.s32 s19, s18  }
0x9c: {  	s6 =	simm.s32 $0x0;
	s20 =	sshll.u32 s4, $0x1;
	s4 =	sadd.s32 s21, s2  }
0x9d: {  	[timem:s6], [sflag:s22] =	dma.local [hbm:s4], s20  }
0x9e: {  	_ =	swait.ge [sflag:s22], s20  }
0x9f: {  	s3 =	ssub.s32 $0x0, s20;
	[sflag:s22] =	ssyncset.done $0x0  }
0xa0: {  	[sflag:s22] =	ssyncadd.s32 s3;
	_ =	sdelay $0x1  }
0xa1: {  	s23 =	simm.s32 $0x1B8B  }
0xa2: {  	_ =	swait.ge [sflag:s23], $0x1  }
0xa3: {  	[sflag:s23] =	ssyncset.done $0x0  }
0xa4: {  	s25 =	simm.s32 $0x1B8E;
	s24 =	sld [smem:$0x3FFE];
	[sflag:s23] =	ssyncadd.s32 $0xFFFFFFFF  }
0xa5: {  	s26 =	simm.s32 $execute0_lowered;
	[smem:$0x3FD2] =	sst s25  }
0xa6: {  	s4 =	sshll.u32 s26, $0x1;
	_ =	strace $0x80000046;
	[dreg:$0x1] =	wrdreg $0xFFFFFFFF  }
0xa7: {  	s28 =	simm.s32 $_size_execute0_lowered;
	s2 =	sadd.s32 s2, s4;
	[dreg:$0x0] =	wrdreg $0x0  }
0xa8: {  	s4 =	sshll.u32 s28, $0x1;
	[dreg:$0x2] =	wrdreg s2  }
0xa9: {  	[dreg:$0x3] =	wrdreg s4  }
0xaa: {  	[dreg:$0x4] =	wrdreg $0xC0  }
0xab: {  	_ =	task [dreg:s6], $0x5FFFF  }
0xac: {  	[dreg:$0x1] =	wrdreg $0xFFFFFFFF  }
0xad: {  	[dreg:$0x0] =	wrdreg $0x60  }
0xae: {  	[dreg:$0x2] =	wrdreg s24  }
0xaf: {  	[dreg:$0x3] =	wrdreg $0xA8000  }
0xb0: {  	[dreg:$0x4] =	wrdreg $0x9  }
0xb1: {  	_ =	task.clear_ibuf [dreg:s6], $0x5FFFF;
	_ =	strace $0x90000046  }
0xb2: {  	s29 =	simm.s32 $0x9;
	_ =	strace $0x80000048  }
0xb3: {  	_ =	swait.ge [sflag:s29], $0x1  }
0xb4: {  	[sflag:s29] =	ssyncadd.s32 $0xFFFFFFFF  }
0xb5: {  	_ =	strace $0x90000048  }
0xb6: {  	_ =	sfence  }
0xb7: {  	s30 =	sld [smem:$0x0];
	_ =	sdelay $0x2  }
0xb8: {  	s31 =	sshll.u32 s1, $0xD;
	s1 =	sshrl.u32 s1, $0x2  }
0xb9: {  	s3 =	sand.u32 $0x4000, s31;
	s1 =	sadd.s32 s1, s30  }
0xba: {  	s0 =	sor.u32 s3, s0;
	s1 =	sshll.u32 s1, $0x11  }
0xbb: {  	s0 =	sor.u32 s1, s0  }
0xbc: {  	s0 =	sadd.s32 $0x8F2B, s0  }
0xbd: {  	[sflag:s0] =	ssyncadd.remote.s32 $0x1  }
0xbe: {  	_ =	sfence.sel $0xFFFF  }
0xbf: {  	[dreg:$0x0] =	wrdreg $0xFFFFFFFF;
	(pc) =	sbr.abs _section_cstart, $3  }
0xc0: {  	[dreg:$0x1] =	wrdreg $0xFFFFFFFF  }
0xc1: {  	_ =	task.clear_ibuf [dreg:s6], $0x2FFFF;
	_ =	strace $0x9FFFFFFF  }
0xc2: {  	(tm) =	ssettm $0x7FFFFFFF  }
0xc3: {  	_ =	shalt  }
tec
execute0_lowered:
.L_overlay_start_1:
0x0: {  	(tag) =	ssettag $0x1  }
0x1: {  	s11 =	rddreg [dreg:$0x0]  }
0x2: {  	s1 =	rddreg [dreg:$0x1]  }
0x3: {  	s0 =	rddreg [dreg:$0x2];
	s2 =	simm.s32 $0x0  }
0x4: {  	s3 =	srdreg.scid;
	s18 =	simm.s32 $0x6BA00;
	s19 =	simm.s32 $0x2800  }
0x5: {  	s20 =	simm.s32 $0x6800;
	s21 =	simm.s32 $0x2;
	s22 =	simm.s32 $0x1380  }
0x6: {  	s23 =	simm.s32 $0x2700;
	s24 =	simm.s32 $0x2780;
	s25 =	simm.s32 $0x0  }
0x7: {  	[smem:$0x7FF] =	sst s2;
	s4 =	sadd.s32 $0x1A000, s11;
	s12 =	sadd.s32 $0x6000, s11  }
0x8: {  	s8 =	sand.u32 $0x1, s3;
	s13 =	sadd.s32 $0x10000, s11;
	s3 =	stileid.u32  }
0x9: {  	s5 =	sadd.s32 $0x41200, s11;
	_ =	strace $0x80000047;
	s6 =	ssub.s32 $0x2, s8  }
0xa: {  	s9 =	sshll.u32 s8, $0x4;
	s10 =	smul.u32 $0x50000, s3;
	p0 =	seq.s32 s8, $0x1  }
0xb: {  	s16 =	smul.u32 $0x2800, s3;
	s7 =	sshrl.u32 s6, $0x1;
	s26 =	sor.u32 s3, s9  }
0xc: {  	s18 =	simm.s32 @!p0 $0x43A00;
	s14 =	ssub.s32 s6, s7;
	s28 =	sshrl.u32 s10, $0x2  }
0xd: {  	s6 =	sshll.u32 s3, $0x6;
	s29 =	smul.u32 $0x2800, s26;
	s31 =	sadd.s32 s18, s11  }
0xe: {  	s18 =	simm.s32 $0x80;
	s15 =	sadd.s32 s28, s1;
	s7 =	sor.u32 $0x1C01, s6  }
0xf: {  	s8 =	smax.u32 s14, $0x1;
	s17 =	sshrl.u32 s29, $0x3;
	s14 =	sshrl.u32 s15, $0x3  }
0x10: {  	s15 =	simm.s32 $0x1;
	s9 =	sadd.s32 s12, s17;
	s30 =	sadd.s32 $0x280, s17  }
0x11: {  	s10 =	sadd.s32 s13, s17;
	s17 =	simm.s32 $0x1400;
	s11 =	sadd.s32 s12, s30  }
0x12: {  	s12 =	sadd.s32 s13, s30;
	s13 =	sadd.s32 s31, s16;
	s16 =	simm.s32 $0x3  }
.LBB2_1:
0x13: {  	[spmem:s14], [sflag:s7] =	dma.local [hbm:s5], $0x2800  }
0x14: {  	_ =	swait.ge [sflag:s15], $0x2800  }
0x15: {  	[sflag:s15] =	ssyncset.done $0x0  }
0x16: {  	[sflag:s15] =	ssyncadd.s32 $0xFFFFD800  }
0x17: {  	[bflag:$0x0] =	sbarrier.arrive $0xFFFF  }
0x18: {  	[tilespmem:s2], [sflag:$0x3] =	stream.linear.gather [hbm4b:s9+s2], $0x1400, $0x38;
	[tilespmem:$0x1E800] =	vst v63  }
0x19: {  	_ =	swait.ge [sflag:s16], $0x1400  }
0x1a: {  	[sflag:s16] =	ssyncset.done $0x0  }
0x1b: {  	[sflag:s16] =	ssyncadd.s32 $0xFFFFEC00  }
0x1c: {  	[tilespmem:s17], [sflag:$0x3] =	stream.linear.gather [hbm4b:s10+s2], $0x1400, $0x38;
	[tilespmem:$0x1E800] =	vst v63  }
0x1d: {  	_ =	swait.ge [sflag:s16], $0x1400  }
0x1e: {  	[sflag:s16] =	ssyncset.done $0x0  }
0x1f: {  	[sflag:s16] =	ssyncadd.s32 $0xFFFFEC00  }
0x20: {  	[tilespmem:s19], [sflag:$0x1] =	stream.indirect.gather [hbm4b:s4+s18], $0x80, s2, s18, $0xb8;
	[tilespmem:$0x1E800] =	vst v63  }
0x21: {  	s26 =	simm.s32 $0x80  }
0x22: {  	[tilespmem:s20], [sflag:$0x2] =	stream.indirect.gather [hbm4b:s4+s18], $0x80, s26, s18, $0xb8;
	[tilespmem:$0x1E800] =	vst v63  }
0x23: {  	_ =	swait.ge [sflag:s15], $0x4000  }
0x24: {  	[sflag:s15] =	ssyncset.done $0x0  }
0x25: {  	s29 =	simm.s32 $0x1400;
	[sflag:s15] =	ssyncadd.s32 $0xFFFFC000  }
0x26: {  	[spmem:s1] =	stream.indirect.scatter.add.f32 [tilespmem:s19], [sflag:$0x3], $0x80, s29, s18, $0xb8;
	[tilespmem:$0x1E800] =	vst v63  }
0x27: {  	_ =	swait.ge [sflag:s16], $0x4000  }
0x28: {  	[sflag:s16] =	ssyncset.done $0x0  }
0x29: {  	s30 =	simm.s32 $0x100;
	[sflag:s16] =	ssyncadd.s32 $0xFFFFC000  }
0x2a: {  	[tilespmem:s19], [sflag:$0x1] =	stream.indirect.gather [hbm4b:s4+s18], $0x80, s30, s18, $0xb8;
	[tilespmem:$0x1E800] =	vst v63  }
0x2b: {  	_ =	swait.ge [sflag:s21], $0x4000  }
0x2c: {  	[sflag:s21] =	ssyncset.done $0x0  }
0x2d: {  	s31 =	simm.s32 $0x1480;
	[sflag:s21] =	ssyncadd.s32 $0xFFFFC000  }
0x2e: {  	[spmem:s1] =	stream.indirect.scatter.add.f32 [tilespmem:s20], [sflag:$0x3], $0x80, s31, s18, $0xb8;
	[tilespmem:$0x1E800] =	vst v63  }
0x2f: {  	_ =	swait.ge [sflag:s16], $0x4000  }
0x30: {  	s28 =	simm.s32 $0x800;
	s26 =	simm.s32 $0x100;
	[sflag:s16] =	ssyncset.done $0x0  }
.LBB2_2:
0x31: {  	s29 =	sadd.s32 $0x80, s26  }
0x32: {  	[sflag:s16] =	ssyncadd.s32 $0xFFFFC000;
	s30 =	smov.u32 s28;
	s31 =	sadd.s32 $0x400, s28  }
0x33: {  	[tilespmem:s20], [sflag:$0x2] =	stream.indirect.gather [hbm4b:s4+s18], $0x80, s29, s18, $0xb8;
	[tilespmem:$0x1E800] =	vst v63  }
0x34: {  	p0 =	sne.s32 s28, $0x4800;
	_ =	swait.ge [sflag:s15], $0x4000  }
0x35: {  	[sflag:s15] =	ssyncset.done $0x0  }
0x36: {  	s28 =	sadd.s32 $0x1400, s26;
	[sflag:s15] =	ssyncadd.s32 $0xFFFFC000  }
0x37: {  	[spmem:s1] =	stream.indirect.scatter.add.f32 [tilespmem:s19], [sflag:$0x3], $0x80, s28, s18, $0xb8;
	[tilespmem:$0x1E800] =	vst v63  }
0x38: {  	_ =	swait.ge [sflag:s16], $0x4000  }
0x39: {  	[sflag:s16] =	ssyncset.done $0x0  }
0x3a: {  	s28 =	sadd.s32 $0x100, s26;
	[sflag:s16] =	ssyncadd.s32 $0xFFFFC000  }
0x3b: {  	[tilespmem:s19], [sflag:$0x1] =	stream.indirect.gather [hbm4b:s4+s18], $0x80, s28, s18, $0xb8;
	[tilespmem:$0x1E800] =	vst v63  }
0x3c: {  	_ =	swait.ge [sflag:s21], $0x4000  }
.Ltmp0:
0x3d: {  	[sflag:s21] =	ssyncset.done $0x0;
	(pc) =	sbr.rel @p0 .LBB2_2-.Ltmp0, $4  }
0x3e: {  	s26 =	sadd.s32 $0x1480, s26;
	[sflag:s21] =	ssyncadd.s32 $0xFFFFC000  }
0x3f: {  	[spmem:s1] =	stream.indirect.scatter.add.f32 [tilespmem:s20], [sflag:$0x3], $0x80, s26, s18, $0xb8;
	[tilespmem:$0x1E800] =	vst v63  }
0x40: {  	_ =	swait.ge [sflag:s16], $0x4000  }
0x41: {  	s28 =	smov.u32 s31;
	s26 =	sshra.s32 s30, $0x2;
	[sflag:s16] =	ssyncset.done $0x0  }
0x42: {  	s28 =	sadd.s32 $0x80, s26;
	[sflag:s16] =	ssyncadd.s32 $0xFFFFC000  }
0x43: {  	[tilespmem:s20], [sflag:$0x2] =	stream.indirect.gather [hbm4b:s4+s18], $0x80, s28, s18, $0xb8;
	[tilespmem:$0x1E800] =	vst v63  }
0x44: {  	_ =	swait.ge [sflag:s15], $0x4000  }
0x45: {  	[sflag:s15] =	ssyncset.done $0x0  }
0x46: {  	s28 =	sadd.s32 $0x1400, s26;
	[sflag:s15] =	ssyncadd.s32 $0xFFFFC000  }
0x47: {  	[spmem:s1] =	stream.indirect.scatter.add.f32 [tilespmem:s19], [sflag:$0x3], $0x80, s28, s18, $0xb8;
	[tilespmem:$0x1E800] =	vst v63  }
0x48: {  	_ =	swait.ge [sflag:s16], $0x4000  }
0x49: {  	[sflag:s16] =	ssyncset.done $0x0  }
0x4a: {  	s28 =	sadd.s32 $0x100, s26;
	[sflag:s16] =	ssyncadd.s32 $0xFFFFC000  }
0x4b: {  	[tilespmem:s19], [sflag:$0x1] =	stream.indirect.gather [hbm4b:s4+s18], $0x80, s28, s18, $0xb8;
	[tilespmem:$0x1E800] =	vst v63  }
0x4c: {  	_ =	swait.ge [sflag:s21], $0x4000  }
0x4d: {  	[sflag:s21] =	ssyncset.done $0x0  }
0x4e: {  	s29 =	sadd.s32 $0x1480, s26;
	[sflag:s21] =	ssyncadd.s32 $0xFFFFC000  }
0x4f: {  	[spmem:s1] =	stream.indirect.scatter.add.f32 [tilespmem:s20], [sflag:$0x3], $0x80, s29, s18, $0xb8;
	[tilespmem:$0x1E800] =	vst v63  }
0x50: {  	_ =	swait.ge [sflag:s16], $0x4000  }
0x51: {  	[sflag:s16] =	ssyncset.done $0x0  }
0x52: {  	[sflag:s16] =	ssyncadd.s32 $0xFFFFC000  }
0x53: {  	[tilespmem:s20], [sflag:$0x2] =	stream.indirect.gather [hbm4b:s4+s18], $0x80, s22, s18, $0xb8;
	[tilespmem:$0x1E800] =	vst v63  }
0x54: {  	_ =	swait.ge [sflag:s15], $0x4000  }
0x55: {  	[sflag:s15] =	ssyncset.done $0x0  }
0x56: {  	[sflag:s15] =	ssyncadd.s32 $0xFFFFC000  }
0x57: {  	[spmem:s1] =	stream.indirect.scatter.add.f32 [tilespmem:s19], [sflag:$0x3], $0x80, s23, s18, $0xb8;
	[tilespmem:$0x1E800] =	vst v63  }
0x58: {  	_ =	swait.ge [sflag:s16], $0x4000  }
0x59: {  	[sflag:s16] =	ssyncset.done $0x0  }
0x5a: {  	[sflag:s16] =	ssyncadd.s32 $0xFFFFC000  }
0x5b: {  	_ =	swait.ge [sflag:s21], $0x4000  }
0x5c: {  	[sflag:s21] =	ssyncset.done $0x0  }
0x5d: {  	[sflag:s21] =	ssyncadd.s32 $0xFFFFC000  }
0x5e: {  	[spmem:s1] =	stream.indirect.scatter.add.f32 [tilespmem:s20], [sflag:$0x3], $0x80, s24, s18, $0xb8;
	[tilespmem:$0x1E800] =	vst v63  }
0x5f: {  	_ =	swait.ge [sflag:s16], $0x4000  }
0x60: {  	[sflag:s16] =	ssyncset.done $0x0  }
0x61: {  	s30 =	simm.s32 $0x0;
	[sflag:s16] =	ssyncadd.s32 $0xFFFFC000  }
0x62: {  	[tilespmem:s30], [sflag:$0x3] =	stream.linear.gather [hbm4b:s11+s30], $0x1400, $0x38;
	[tilespmem:$0x1E800] =	vst v63  }
0x63: {  	_ =	swait.ge [sflag:s16], $0x1400  }
0x64: {  	[sflag:s16] =	ssyncset.done $0x0  }
0x65: {  	[sflag:s16] =	ssyncadd.s32 $0xFFFFEC00  }
0x66: {  	[tilespmem:s17], [sflag:$0x3] =	stream.linear.gather [hbm4b:s12+s30], $0x1400, $0x38;
	[tilespmem:$0x1E800] =	vst v63  }
0x67: {  	_ =	swait.ge [sflag:s16], $0x1400  }
0x68: {  	[sflag:s16] =	ssyncset.done $0x0  }
0x69: {  	[sflag:s16] =	ssyncadd.s32 $0xFFFFEC00  }
0x6a: {  	[tilespmem:s19], [sflag:$0x1] =	stream.indirect.gather [hbm4b:s4+s18], $0x80, s30, s18, $0xb8;
	[tilespmem:$0x1E800] =	vst v63  }
0x6b: {  	s31 =	simm.s32 $0x80  }
0x6c: {  	[tilespmem:s20], [sflag:$0x2] =	stream.indirect.gather [hbm4b:s4+s18], $0x80, s31, s18, $0xb8;
	[tilespmem:$0x1E800] =	vst v63  }
0x6d: {  	_ =	swait.ge [sflag:s15], $0x4000  }
0x6e: {  	[sflag:s15] =	ssyncset.done $0x0  }
0x6f: {  	s29 =	simm.s32 $0x1400;
	[sflag:s15] =	ssyncadd.s32 $0xFFFFC000  }
0x70: {  	[spmem:s1] =	stream.indirect.scatter.add.f32 [tilespmem:s19], [sflag:$0x3], $0x80, s29, s18, $0xb8;
	[tilespmem:$0x1E800] =	vst v63  }
0x71: {  	_ =	swait.ge [sflag:s16], $0x4000  }
0x72: {  	[sflag:s16] =	ssyncset.done $0x0  }
0x73: {  	s30 =	simm.s32 $0x100;
	[sflag:s16] =	ssyncadd.s32 $0xFFFFC000  }
0x74: {  	[tilespmem:s19], [sflag:$0x1] =	stream.indirect.gather [hbm4b:s4+s18], $0x80, s30, s18, $0xb8;
	[tilespmem:$0x1E800] =	vst v63  }
0x75: {  	_ =	swait.ge [sflag:s21], $0x4000  }
0x76: {  	[sflag:s21] =	ssyncset.done $0x0  }
0x77: {  	s31 =	simm.s32 $0x1480;
	[sflag:s21] =	ssyncadd.s32 $0xFFFFC000  }
0x78: {  	[spmem:s1] =	stream.indirect.scatter.add.f32 [tilespmem:s20], [sflag:$0x3], $0x80, s31, s18, $0xb8;
	[tilespmem:$0x1E800] =	vst v63  }
0x79: {  	_ =	swait.ge [sflag:s16], $0x4000  }
0x7a: {  	s26 =	simm.s32 $0x100;
	s28 =	simm.s32 $0x800;
	[sflag:s16] =	ssyncset.done $0x0  }
.LBB2_4:
0x7b: {  	s29 =	sadd.s32 $0x80, s26  }
0x7c: {  	[sflag:s16] =	ssyncadd.s32 $0xFFFFC000;
	s30 =	smov.u32 s28;
	s31 =	sadd.s32 $0x400, s28  }
0x7d: {  	[tilespmem:s20], [sflag:$0x2] =	stream.indirect.gather [hbm4b:s4+s18], $0x80, s29, s18, $0xb8;
	[tilespmem:$0x1E800] =	vst v63  }
0x7e: {  	p0 =	sne.s32 s28, $0x4800;
	_ =	swait.ge [sflag:s15], $0x4000  }
0x7f: {  	[sflag:s15] =	ssyncset.done $0x0  }
0x80: {  	s28 =	sadd.s32 $0x1400, s26;
	[sflag:s15] =	ssyncadd.s32 $0xFFFFC000  }
0x81: {  	[spmem:s1] =	stream.indirect.scatter.add.f32 [tilespmem:s19], [sflag:$0x3], $0x80, s28, s18, $0xb8;
	[tilespmem:$0x1E800] =	vst v63  }
0x82: {  	_ =	swait.ge [sflag:s16], $0x4000  }
0x83: {  	[sflag:s16] =	ssyncset.done $0x0  }
0x84: {  	s28 =	sadd.s32 $0x100, s26;
	[sflag:s16] =	ssyncadd.s32 $0xFFFFC000  }
0x85: {  	[tilespmem:s19], [sflag:$0x1] =	stream.indirect.gather [hbm4b:s4+s18], $0x80, s28, s18, $0xb8;
	[tilespmem:$0x1E800] =	vst v63  }
0x86: {  	_ =	swait.ge [sflag:s21], $0x4000  }
.Ltmp1:
0x87: {  	[sflag:s21] =	ssyncset.done $0x0;
	(pc) =	sbr.rel @p0 .LBB2_4-.Ltmp1, $4  }
0x88: {  	s26 =	sadd.s32 $0x1480, s26;
	[sflag:s21] =	ssyncadd.s32 $0xFFFFC000  }
0x89: {  	[spmem:s1] =	stream.indirect.scatter.add.f32 [tilespmem:s20], [sflag:$0x3], $0x80, s26, s18, $0xb8;
	[tilespmem:$0x1E800] =	vst v63  }
0x8a: {  	_ =	swait.ge [sflag:s16], $0x4000  }
0x8b: {  	s28 =	smov.u32 s31;
	s26 =	sshra.s32 s30, $0x2;
	[sflag:s16] =	ssyncset.done $0x0  }
0x8c: {  	s28 =	sadd.s32 $0x80, s26;
	[sflag:s16] =	ssyncadd.s32 $0xFFFFC000  }
0x8d: {  	[tilespmem:s20], [sflag:$0x2] =	stream.indirect.gather [hbm4b:s4+s18], $0x80, s28, s18, $0xb8;
	[tilespmem:$0x1E800] =	vst v63  }
0x8e: {  	_ =	swait.ge [sflag:s15], $0x4000  }
0x8f: {  	[sflag:s15] =	ssyncset.done $0x0  }
0x90: {  	s31 =	sadd.s32 $0x1400, s26;
	[sflag:s15] =	ssyncadd.s32 $0xFFFFC000  }
0x91: {  	[spmem:s1] =	stream.indirect.scatter.add.f32 [tilespmem:s19], [sflag:$0x3], $0x80, s31, s18, $0xb8;
	[tilespmem:$0x1E800] =	vst v63  }
0x92: {  	_ =	swait.ge [sflag:s16], $0x4000  }
0x93: {  	[sflag:s16] =	ssyncset.done $0x0  }
0x94: {  	s29 =	sadd.s32 $0x100, s26;
	[sflag:s16] =	ssyncadd.s32 $0xFFFFC000  }
0x95: {  	[tilespmem:s19], [sflag:$0x1] =	stream.indirect.gather [hbm4b:s4+s18], $0x80, s29, s18, $0xb8;
	[tilespmem:$0x1E800] =	vst v63  }
0x96: {  	_ =	swait.ge [sflag:s21], $0x4000  }
0x97: {  	[sflag:s21] =	ssyncset.done $0x0  }
0x98: {  	s30 =	sadd.s32 $0x1480, s26;
	[sflag:s21] =	ssyncadd.s32 $0xFFFFC000  }
0x99: {  	[spmem:s1] =	stream.indirect.scatter.add.f32 [tilespmem:s20], [sflag:$0x3], $0x80, s30, s18, $0xb8;
	[tilespmem:$0x1E800] =	vst v63  }
0x9a: {  	_ =	swait.ge [sflag:s16], $0x4000  }
0x9b: {  	[sflag:s16] =	ssyncset.done $0x0  }
0x9c: {  	[sflag:s16] =	ssyncadd.s32 $0xFFFFC000  }
0x9d: {  	[tilespmem:s20], [sflag:$0x2] =	stream.indirect.gather [hbm4b:s4+s18], $0x80, s22, s18, $0xb8;
	[tilespmem:$0x1E800] =	vst v63  }
0x9e: {  	_ =	swait.ge [sflag:s15], $0x4000  }
0x9f: {  	[sflag:s15] =	ssyncset.done $0x0  }
0xa0: {  	[sflag:s15] =	ssyncadd.s32 $0xFFFFC000  }
0xa1: {  	[spmem:s1] =	stream.indirect.scatter.add.f32 [tilespmem:s19], [sflag:$0x3], $0x80, s23, s18, $0xb8;
	[tilespmem:$0x1E800] =	vst v63  }
0xa2: {  	_ =	swait.ge [sflag:s16], $0x4000  }
0xa3: {  	[sflag:s16] =	ssyncset.done $0x0  }
0xa4: {  	[sflag:s16] =	ssyncadd.s32 $0xFFFFC000  }
0xa5: {  	_ =	swait.ge [sflag:s21], $0x4000  }
0xa6: {  	[sflag:s21] =	ssyncset.done $0x0  }
0xa7: {  	[sflag:s21] =	ssyncadd.s32 $0xFFFFC000  }
0xa8: {  	[spmem:s1] =	stream.indirect.scatter.add.f32 [tilespmem:s20], [sflag:$0x3], $0x80, s24, s18, $0xb8;
	[tilespmem:$0x1E800] =	vst v63  }
0xa9: {  	_ =	swait.ge [sflag:s16], $0x4000  }
0xaa: {  	s25 =	sadd.s32 $0x1, s25;
	[sflag:s16] =	ssyncset.done $0x0  }
0xab: {  	p0 =	sne.s32 s25, s8;
	[sflag:s16] =	ssyncadd.s32 $0xFFFFC000  }
.Ltmp2:
0xac: {  	s31 =	sor.u32 $0x1C03, s6;
	[bflag:$0x0] =	sbarrier.arrive $0xFFFF;
	(pc) =	sbr.rel @p0 .LBB2_1-.Ltmp2, $4  }
0xad: {  	[hbm:s13], [sflag:s31] =	dma.local [spmem:s14], $0x2800  }
0xae: {  	_ =	swait.ge [sflag:s16], $0x2800  }
0xaf: {  	[sflag:s16] =	ssyncset.done $0x0  }
0xb0: {  	[sflag:s16] =	ssyncadd.s32 $0xFFFFD800  }
0xb1: {  	_ =	sfence.sel $0x180000  }
0xb2: {  	[bflag:$0x0] =	sbarrier.arrive $0xFFFF  }
0xb3: {  	p0 =	sne.s32 s3, $0x0;
	_ =	strace $0x90000047  }
0xb4: {  	s0 =	sadd.s32 @!p0 $0x100000, s0;
	[bflag:$0x2] =	sbarrier.arrive $0xFFFF  }
0xb5: {  	[sflag:s0] =	ssyncadd.tile.s32 @!p0 $0x1;
	_ =	shalt  }
.Lfunc_end2:
_tile_overlayer_lowered:
.L_overlay_start_2:
0xb6: {  	(tag) =	ssettag $0x2  }
0xb7: {  	s0 =	rddreg [dreg:$0x0];
	s2 =	stileid.u32  }
0xb8: {  	s1 =	rddreg [dreg:$0x1];
	p0 =	sne.s32 s2, $0x0  }
0xb9: {  	s3 =	rddreg [dreg:$0x2];
	[bflag:$0x3] =	sbarrier.arrive $0xFFFF;
	s2 =	simm.s32 @!p0 $0x1C03  }
0xba: {  	[timem:s3], [sflag:s2] =	dma.local @!p0 [hbm:s0], s1  }
0xbb: {  	s0 =	simm.s32 @!p0 $0x3  }
0xbc: {  	_ =	swait.ge @!p0 [sflag:s0], s1  }
0xbd: {  	s1 =	ssub.s32 @!p0 $0x0, s1;
	[sflag:s0] =	ssyncset.done @!p0 $0x0  }
0xbe: {  	[sflag:s0] =	ssyncadd.s32 @!p0 s1  }
0xbf: {  	[bflag:$0x3] =	sbarrier.arrive $0xFFFF  }
0xc0: {  	_ =	shalt  }

// kernel: kernel.15.cloned.1.call-start
scs
__scs_entry_jumppad:
0x0: {  	(pc) =	sbr.rel $0x88, $3  }
0x1: {  	(tag) =	ssettag $0x0;
	lr =	simm.s32 $0x1  }
0x2: {  	[smem:$0x3F94] =	sst lr;
	_ =	strace $0xD0000000  }
0x3: {  	_ = 	snop  }
0x4: {  	_ = 	snop  }
0x5: {  	_ = 	snop  }
0x6: {  	_ = 	snop  }
0x7: {  	_ = 	snop  }
__scs_overlays_trampoline_lowered:
0x8: {  	[smem:$0x3FA3] =	sst s0  }
0x9: {  	[smem:$0x3FA4] =	sst s1  }
0xa: {  	[smem:$0x3FA5] =	sst s2  }
0xb: {  	[smem:$0x3FA6] =	sst s3  }
0xc: {  	[smem:$0x3FA7] =	sst s4  }
0xd: {  	[smem:$0x3FA8] =	sst s5  }
0xe: {  	[smem:$0x3FA9] =	sst s6  }
0xf: {  	[smem:$0x3FAA] =	sst s7  }
0x10: {  	[smem:$0x3FAB] =	sst s8  }
0x11: {  	[smem:$0x3FAC] =	sst s9;
	s0 =	simm.s32 @!p0 $0x0  }
0x12: {  	s1 =	sld [smem:$0x3F92];
	s0 =	simm.s32 @p0 $0x1  }
0x13: {  	[smem:$0x3FAD] =	sst s0;
	s0 =	simm.s32 @!p1 $0x0  }
0x14: {  	s2 =	sld [smem:$0x3F91];
	s0 =	simm.s32 @p1 $0x1  }
0x15: {  	[smem:$0x3FAE] =	sst s0;
	s0 =	simm.s32 @!p2 $0x0  }
0x16: {  	s3 =	sld [smem:$0x3FDB];
	s0 =	simm.s32 @p2 $0x1  }
0x17: {  	s4 =	simm.s32 $0x1BF5;
	[smem:$0x3FB0] =	sst s0  }
0x18: {  	s0 =	sld [smem:$0x3F93];
	_ =	swait.ge [sflag:s4], $0x0  }
0x19: {  	s7 =	sld [smem:$0x3F94]  }
0x1a: {  	s8 =	sadd.s32 $0xFFFFE003, lr  }
0x1b: {  	s9 =	sadd.s32 $0xFFFFFEF7, lr;
	s5 =	simm.s32 $0xFFFFFFFF;
	p2 =	slt.u32 s8, $0xFFFFF086  }
0x1c: {  	p1 =	slt.u32 s9, $0xF7A;
	s5 =	simm.s32 @!p2 $0x0  }
0x1d: {  	s5 =	simm.s32 @p1 $0x1;
	p0 =	seq.s32 s7, s2  }
0x1e: {  	s7 =	smul.u32 @!p0 $0xF7A, s2;
	p2 =	seq.s32 @!p0 s5, $0x0  }
0x1f: {  	s9 =	smul.u32 $0xF7A, s1;
	s8 =	simm.s32 @!p0 $0x1BF5;
	p2 =	por !p2, p0  }
0x20: {  	[sflag:s8] =	ssyncset.s32 @!p0 $0xFFFFF086;
	s6 =	sadd.s32 @!p0 s3, s7;
	s7 =	simm.s32 @!p0 $0x108  }
0x21: {  	s3 =	sadd.s32 s3, s9;
	s6 =	sadd.s32 @!p0 $0x88, s6;
	s7 =	simm.s32 @p2 $0x1082  }
0x22: {  	[simem:s7], [sflag:s8] =	dma.local @!p0 [hbm:s6], $0xF7A  }
0x23: {  	s9 =	sor.u32 $0xD0000000, s2;
	s6 =	simm.s32 $0x108;
	_ =	swait.ge @!p0 [sflag:s8], $0x0  }
0x24: {  	s3 =	sadd.s32 $0x88, s3;
	s6 =	simm.s32 @!p1 $0x1082;
	[sflag:s4] =	ssyncset.s32 $0xFFFFF086  }
0x25: {  	[simem:s6], [sflag:s4] =	dma.local [hbm:s3], $0xF7A  }
0x26: {  	[smem:$0x3F94] =	sst s1;
	(tag) =	ssettag s2;
	_ =	strace s9  }
0x27: {  	s1 =	sld [smem:$0x3FA4]  }
0x28: {  	s2 =	sld [smem:$0x3FA5]  }
0x29: {  	s4 =	sld [smem:$0x3FA7]  }
0x2a: {  	p0 =	seq.s32 s5, $0x0;
	s5 =	sld [smem:$0x3FA8]  }
0x2b: {  	s6 =	sld [smem:$0x3FA9]  }
0x2c: {  	s7 =	sld [smem:$0x3FAA]  }
0x2d: {  	s3 =	simm.s32 $0x108;
	s8 =	sld [smem:$0x3FAB]  }
0x2e: {  	s3 =	simm.s32 @!p0 $0x1082;
	s9 =	sld [smem:$0x3FAC]  }
0x2f: {  	lr =	sadd.s32 s0, s3;
	s0 =	sld [smem:$0x3FA3]  }
0x30: {  	s3 =	sld [smem:$0x3FA6]  }
0x31: {  	[smem:$0x3FAF] =	sst s10  }
0x32: {  	s10 =	sld [smem:$0x3FAD];
	_ =	sdelay $0x3  }
0x33: {  	p0 =	seq.s32 s10, $0x1;
	s10 =	sld [smem:$0x3FAF];
	_ =	sdelay $0x3  }
0x34: {  	[smem:$0x3FAF] =	sst s10  }
0x35: {  	s10 =	sld [smem:$0x3FAE];
	_ =	sdelay $0x3  }
0x36: {  	p1 =	seq.s32 s10, $0x1;
	s10 =	sld [smem:$0x3FAF];
	_ =	sdelay $0x3  }
0x37: {  	[smem:$0x3FAF] =	sst s10  }
0x38: {  	s10 =	sld [smem:$0x3FB0]  }
0x39: {  	_ = 	snop;
	(pc) =	sbr.ind lr, $3  }
0x3a: {  	_ = 	snop  }
0x3b: {  	_ = 	snop  }
0x3c: {  	p2 =	seq.s32 s10, $0x1;
	s10 =	sld [smem:$0x3FAF]  }
0x3d: {  	_ =	shalt  }
0x3e: {  	_ =	shalt  }
0x3f: {  	_ =	shalt  }
0x40: {  	_ =	shalt  }
0x41: {  	_ =	shalt  }
0x42: {  	_ =	shalt  }
0x43: {  	_ =	shalt  }
0x44: {  	_ =	shalt  }
0x45: {  	_ =	shalt  }
0x46: {  	_ =	shalt  }
0x47: {  	_ =	shalt  }
0x48: {  	_ =	shalt  }
0x49: {  	_ =	shalt  }
0x4a: {  	_ =	shalt  }
0x4b: {  	_ =	shalt  }
0x4c: {  	_ =	shalt  }
0x4d: {  	_ =	shalt  }
0x4e: {  	_ =	shalt  }
0x4f: {  	_ =	shalt  }
0x50: {  	_ =	shalt  }
0x51: {  	_ =	shalt  }
0x52: {  	_ =	shalt  }
0x53: {  	_ =	shalt  }
0x54: {  	_ =	shalt  }
0x55: {  	_ =	shalt  }
0x56: {  	_ =	shalt  }
0x57: {  	_ =	shalt  }
0x58: {  	_ =	shalt  }
0x59: {  	_ =	shalt  }
0x5a: {  	_ =	shalt  }
0x5b: {  	_ =	shalt  }
0x5c: {  	_ =	shalt  }
0x5d: {  	_ =	shalt  }
0x5e: {  	_ =	shalt  }
0x5f: {  	_ =	shalt  }
0x60: {  	_ =	shalt  }
0x61: {  	_ =	shalt  }
0x62: {  	_ =	shalt  }
0x63: {  	_ =	shalt  }
0x64: {  	_ =	shalt  }
0x65: {  	_ =	shalt  }
0x66: {  	_ =	shalt  }
0x67: {  	_ =	shalt  }
0x68: {  	_ =	shalt  }
0x69: {  	_ =	shalt  }
0x6a: {  	_ =	shalt  }
0x6b: {  	_ =	shalt  }
0x6c: {  	_ =	shalt  }
0x6d: {  	_ =	shalt  }
0x6e: {  	_ =	shalt  }
0x6f: {  	_ =	shalt  }
0x70: {  	_ =	shalt  }
0x71: {  	_ =	shalt  }
0x72: {  	_ =	shalt  }
0x73: {  	_ =	shalt  }
0x74: {  	_ =	shalt  }
0x75: {  	_ =	shalt  }
0x76: {  	_ =	shalt  }
0x77: {  	_ =	shalt  }
0x78: {  	_ =	shalt  }
0x79: {  	_ =	shalt  }
0x7a: {  	_ =	shalt  }
0x7b: {  	_ =	shalt  }
0x7c: {  	_ =	shalt  }
0x7d: {  	_ =	shalt  }
0x7e: {  	_ =	shalt  }
0x7f: {  	_ =	shalt  }
0x80: {  	_ =	shalt  }
0x81: {  	_ =	shalt  }
0x82: {  	_ =	shalt  }
0x83: {  	_ =	shalt  }
0x84: {  	_ =	shalt  }
0x85: {  	_ =	shalt  }
0x86: {  	_ =	shalt  }
0x87: {  	_ =	shalt  }
.Lfunc_end0:
.L_simem_size_0:
called_computation.1_lowered:
.L_overlay_start_0:
0x88: {  	s2 =	sld [smem:$0x3FD9]  }
0x89: {  	s3 =	sld [smem:$0x3FFE];
	_ =	sdelay $0x1  }
0x8a: {  	s1 =	srdreg.scid  }
0x8b: {  	s0 =	sand.u32 $0x1, s1  }
0x8c: {  	s16 =	sshll.u32 s0, $0xA;
	s2 =	sadd.s32 s3, s2  }
0x8d: {  	s2 =	sadd.s32 s2, s16  }
0x8e: {  	[smem:$0x3FBB] =	sst s2  }
0x8f: {  	_ = 	snop  }
0x90: {  	(tm) =	ssettm $0x1  }
0x91: {  	s17 =	sld [smem:$0x3FFB];
	_ =	sdelay $0x3  }
0x92: {  	_ =	strace s17  }
0x93: {  	s2 =	sld [smem:$0x3FFC];
	_ =	sdelay $0x3  }
0x94: {  	_ =	strace s2  }
0x95: {  	s2 =	sld [smem:$0x3FFD];
	_ =	sdelay $0x3  }
0x96: {  	_ =	strace s2  }
0x97: {  	_ =	strace $0x8FFFFFFF  }
0x98: {  	s18 =	sld [smem:$0x3FDB];
	_ =	sdelay $0x1  }
0x99: {  	s19 =	simm.s32 $_scs_section_size  }
0x9a: {  	s4 =	simm.s32 $_size__tile_overlayer_lowered;
	s5 =	simm.s32 $_tile_overlayer_lowered  }
0x9b: {  	s22 =	simm.s32 $0x1BFF;
	s21 =	sshll.u32 s5, $0x1;
	s2 =	sadd.s32 s19, s18  }
0x9c: {  	s6 =	simm.s32 $0x0;
	s20 =	sshll.u32 s4, $0x1;
	s4 =	sadd.s32 s21, s2  }
0x9d: {  	[timem:s6], [sflag:s22] =	dma.local [hbm:s4], s20  }
0x9e: {  	_ =	swait.ge [sflag:s22], s20  }
0x9f: {  	s3 =	ssub.s32 $0x0, s20;
	[sflag:s22] =	ssyncset.done $0x0  }
0xa0: {  	[sflag:s22] =	ssyncadd.s32 s3;
	_ =	sdelay $0x1  }
0xa1: {  	s23 =	simm.s32 $0x1B8B  }
0xa2: {  	_ =	swait.ge [sflag:s23], $0x1  }
0xa3: {  	[sflag:s23] =	ssyncset.done $0x0  }
0xa4: {  	s25 =	simm.s32 $0x1B8E;
	s24 =	sld [smem:$0x3FFE];
	[sflag:s23] =	ssyncadd.s32 $0xFFFFFFFF  }
0xa5: {  	s26 =	simm.s32 $execute0_lowered;
	[smem:$0x3FD2] =	sst s25  }
0xa6: {  	s4 =	sshll.u32 s26, $0x1;
	_ =	strace $0x80000049;
	[dreg:$0x1] =	wrdreg $0xFFFFFFFF  }
0xa7: {  	s28 =	simm.s32 $_size_execute0_lowered;
	s2 =	sadd.s32 s2, s4;
	[dreg:$0x0] =	wrdreg $0x0  }
0xa8: {  	s4 =	sshll.u32 s28, $0x1;
	[dreg:$0x2] =	wrdreg s2  }
0xa9: {  	[dreg:$0x3] =	wrdreg s4  }
0xaa: {  	[dreg:$0x4] =	wrdreg $0xC0  }
0xab: {  	_ =	task [dreg:s6], $0x5FFFF  }
0xac: {  	[dreg:$0x1] =	wrdreg $0xFFFFFFFF  }
0xad: {  	[dreg:$0x0] =	wrdreg $0x60  }
0xae: {  	[dreg:$0x2] =	wrdreg s24  }
0xaf: {  	[dreg:$0x3] =	wrdreg $0xA8000  }
0xb0: {  	[dreg:$0x4] =	wrdreg $0x9  }
0xb1: {  	_ =	task.clear_ibuf [dreg:s6], $0x5FFFF;
	_ =	strace $0x90000049  }
0xb2: {  	s29 =	simm.s32 $0x9;
	_ =	strace $0x8000004B  }
0xb3: {  	_ =	swait.ge [sflag:s29], $0x1  }
0xb4: {  	[sflag:s29] =	ssyncadd.s32 $0xFFFFFFFF  }
0xb5: {  	_ =	strace $0x9000004B  }
0xb6: {  	_ =	sfence  }
0xb7: {  	s30 =	sld [smem:$0x0];
	_ =	sdelay $0x2  }
0xb8: {  	s31 =	sshll.u32 s1, $0xD;
	s1 =	sshrl.u32 s1, $0x2  }
0xb9: {  	s3 =	sand.u32 $0x4000, s31;
	s1 =	sadd.s32 s1, s30  }
0xba: {  	s0 =	sor.u32 s3, s0;
	s1 =	sshll.u32 s1, $0x11  }
0xbb: {  	s0 =	sor.u32 s1, s0  }
0xbc: {  	s0 =	sadd.s32 $0x8F2B, s0  }
0xbd: {  	[sflag:s0] =	ssyncadd.remote.s32 $0x1  }
0xbe: {  	_ =	sfence.sel $0xFFFF  }
0xbf: {  	[dreg:$0x0] =	wrdreg $0xFFFFFFFF;
	(pc) =	sbr.abs _section_cstart, $3  }
0xc0: {  	[dreg:$0x1] =	wrdreg $0xFFFFFFFF  }
0xc1: {  	_ =	task.clear_ibuf [dreg:s6], $0x2FFFF;
	_ =	strace $0x9FFFFFFF  }
0xc2: {  	(tm) =	ssettm $0x7FFFFFFF  }
0xc3: {  	_ =	shalt  }
tec
execute0_lowered:
.L_overlay_start_1:
0x0: {  	(tag) =	ssettag $0x1  }
0x1: {  	s11 =	rddreg [dreg:$0x0]  }
0x2: {  	s1 =	rddreg [dreg:$0x1]  }
0x3: {  	s0 =	rddreg [dreg:$0x2];
	s2 =	simm.s32 $0x0  }
0x4: {  	s3 =	srdreg.scid;
	s18 =	simm.s32 $0x93A00;
	s19 =	simm.s32 $0x2800  }
0x5: {  	s20 =	simm.s32 $0x6800;
	s21 =	simm.s32 $0x2;
	s22 =	simm.s32 $0x1380  }
0x6: {  	s23 =	simm.s32 $0x2700;
	s24 =	simm.s32 $0x2780;
	s25 =	simm.s32 $0x0  }
0x7: {  	[smem:$0x7FF] =	sst s2;
	s4 =	sadd.s32 $0x43A00, s11;
	s12 =	sadd.s32 $0x6000, s11  }
0x8: {  	s8 =	sand.u32 $0x1, s3;
	s13 =	sadd.s32 $0x10000, s11;
	s3 =	stileid.u32  }
0x9: {  	s5 =	sadd.s32 $0x41200, s11;
	_ =	strace $0x8000004A;
	s6 =	ssub.s32 $0x2, s8  }
0xa: {  	s9 =	sshll.u32 s8, $0x4;
	s10 =	smul.u32 $0x50000, s3;
	p0 =	seq.s32 s8, $0x1  }
0xb: {  	s16 =	smul.u32 $0x2800, s3;
	s7 =	sshrl.u32 s6, $0x1;
	s26 =	sor.u32 s3, s9  }
0xc: {  	s18 =	simm.s32 @!p0 $0x6BA00;
	s14 =	ssub.s32 s6, s7;
	s28 =	sshrl.u32 s10, $0x2  }
0xd: {  	s6 =	sshll.u32 s3, $0x6;
	s29 =	smul.u32 $0x2800, s26;
	s31 =	sadd.s32 s18, s11  }
0xe: {  	s18 =	simm.s32 $0x80;
	s15 =	sadd.s32 s28, s1;
	s7 =	sor.u32 $0x1C01, s6  }
0xf: {  	s8 =	smax.u32 s14, $0x1;
	s17 =	sshrl.u32 s29, $0x3;
	s14 =	sshrl.u32 s15, $0x3  }
0x10: {  	s15 =	simm.s32 $0x1;
	s9 =	sadd.s32 s12, s17;
	s30 =	sadd.s32 $0x280, s17  }
0x11: {  	s10 =	sadd.s32 s13, s17;
	s17 =	simm.s32 $0x1400;
	s11 =	sadd.s32 s12, s30  }
0x12: {  	s12 =	sadd.s32 s13, s30;
	s13 =	sadd.s32 s31, s16;
	s16 =	simm.s32 $0x3  }
.LBB2_1:
0x13: {  	[spmem:s14], [sflag:s7] =	dma.local [hbm:s5], $0x2800  }
0x14: {  	_ =	swait.ge [sflag:s15], $0x2800  }
0x15: {  	[sflag:s15] =	ssyncset.done $0x0  }
0x16: {  	[sflag:s15] =	ssyncadd.s32 $0xFFFFD800  }
0x17: {  	[bflag:$0x0] =	sbarrier.arrive $0xFFFF  }
0x18: {  	[tilespmem:s2], [sflag:$0x3] =	stream.linear.gather [hbm4b:s9+s2], $0x1400, $0x38;
	[tilespmem:$0x1E800] =	vst v63  }
0x19: {  	_ =	swait.ge [sflag:s16], $0x1400  }
0x1a: {  	[sflag:s16] =	ssyncset.done $0x0  }
0x1b: {  	[sflag:s16] =	ssyncadd.s32 $0xFFFFEC00  }
0x1c: {  	[tilespmem:s17], [sflag:$0x3] =	stream.linear.gather [hbm4b:s10+s2], $0x1400, $0x38;
	[tilespmem:$0x1E800] =	vst v63  }
0x1d: {  	_ =	swait.ge [sflag:s16], $0x1400  }
0x1e: {  	[sflag:s16] =	ssyncset.done $0x0  }
0x1f: {  	[sflag:s16] =	ssyncadd.s32 $0xFFFFEC00  }
0x20: {  	[tilespmem:s19], [sflag:$0x1] =	stream.indirect.gather [hbm4b:s4+s18], $0x80, s2, s18, $0xb8;
	[tilespmem:$0x1E800] =	vst v63  }
0x21: {  	s26 =	simm.s32 $0x80  }
0x22: {  	[tilespmem:s20], [sflag:$0x2] =	stream.indirect.gather [hbm4b:s4+s18], $0x80, s26, s18, $0xb8;
	[tilespmem:$0x1E800] =	vst v63  }
0x23: {  	_ =	swait.ge [sflag:s15], $0x4000  }
0x24: {  	[sflag:s15] =	ssyncset.done $0x0  }
0x25: {  	s29 =	simm.s32 $0x1400;
	[sflag:s15] =	ssyncadd.s32 $0xFFFFC000  }
0x26: {  	[spmem:s1] =	stream.indirect.scatter.add.f32 [tilespmem:s19], [sflag:$0x3], $0x80, s29, s18, $0xb8;
	[tilespmem:$0x1E800] =	vst v63  }
0x27: {  	_ =	swait.ge [sflag:s16], $0x4000  }
0x28: {  	[sflag:s16] =	ssyncset.done $0x0  }
0x29: {  	s30 =	simm.s32 $0x100;
	[sflag:s16] =	ssyncadd.s32 $0xFFFFC000  }
0x2a: {  	[tilespmem:s19], [sflag:$0x1] =	stream.indirect.gather [hbm4b:s4+s18], $0x80, s30, s18, $0xb8;
	[tilespmem:$0x1E800] =	vst v63  }
0x2b: {  	_ =	swait.ge [sflag:s21], $0x4000  }
0x2c: {  	[sflag:s21] =	ssyncset.done $0x0  }
0x2d: {  	s31 =	simm.s32 $0x1480;
	[sflag:s21] =	ssyncadd.s32 $0xFFFFC000  }
0x2e: {  	[spmem:s1] =	stream.indirect.scatter.add.f32 [tilespmem:s20], [sflag:$0x3], $0x80, s31, s18, $0xb8;
	[tilespmem:$0x1E800] =	vst v63  }
0x2f: {  	_ =	swait.ge [sflag:s16], $0x4000  }
0x30: {  	s28 =	simm.s32 $0x800;
	s26 =	simm.s32 $0x100;
	[sflag:s16] =	ssyncset.done $0x0  }
.LBB2_2:
0x31: {  	s29 =	sadd.s32 $0x80, s26  }
0x32: {  	[sflag:s16] =	ssyncadd.s32 $0xFFFFC000;
	s30 =	smov.u32 s28;
	s31 =	sadd.s32 $0x400, s28  }
0x33: {  	[tilespmem:s20], [sflag:$0x2] =	stream.indirect.gather [hbm4b:s4+s18], $0x80, s29, s18, $0xb8;
	[tilespmem:$0x1E800] =	vst v63  }
0x34: {  	p0 =	sne.s32 s28, $0x4800;
	_ =	swait.ge [sflag:s15], $0x4000  }
0x35: {  	[sflag:s15] =	ssyncset.done $0x0  }
0x36: {  	s28 =	sadd.s32 $0x1400, s26;
	[sflag:s15] =	ssyncadd.s32 $0xFFFFC000  }
0x37: {  	[spmem:s1] =	stream.indirect.scatter.add.f32 [tilespmem:s19], [sflag:$0x3], $0x80, s28, s18, $0xb8;
	[tilespmem:$0x1E800] =	vst v63  }
0x38: {  	_ =	swait.ge [sflag:s16], $0x4000  }
0x39: {  	[sflag:s16] =	ssyncset.done $0x0  }
0x3a: {  	s28 =	sadd.s32 $0x100, s26;
	[sflag:s16] =	ssyncadd.s32 $0xFFFFC000  }
0x3b: {  	[tilespmem:s19], [sflag:$0x1] =	stream.indirect.gather [hbm4b:s4+s18], $0x80, s28, s18, $0xb8;
	[tilespmem:$0x1E800] =	vst v63  }
0x3c: {  	_ =	swait.ge [sflag:s21], $0x4000  }
.Ltmp0:
0x3d: {  	[sflag:s21] =	ssyncset.done $0x0;
	(pc) =	sbr.rel @p0 .LBB2_2-.Ltmp0, $4  }
0x3e: {  	s26 =	sadd.s32 $0x1480, s26;
	[sflag:s21] =	ssyncadd.s32 $0xFFFFC000  }
0x3f: {  	[spmem:s1] =	stream.indirect.scatter.add.f32 [tilespmem:s20], [sflag:$0x3], $0x80, s26, s18, $0xb8;
	[tilespmem:$0x1E800] =	vst v63  }
0x40: {  	_ =	swait.ge [sflag:s16], $0x4000  }
0x41: {  	s28 =	smov.u32 s31;
	s26 =	sshra.s32 s30, $0x2;
	[sflag:s16] =	ssyncset.done $0x0  }
0x42: {  	s28 =	sadd.s32 $0x80, s26;
	[sflag:s16] =	ssyncadd.s32 $0xFFFFC000  }
0x43: {  	[tilespmem:s20], [sflag:$0x2] =	stream.indirect.gather [hbm4b:s4+s18], $0x80, s28, s18, $0xb8;
	[tilespmem:$0x1E800] =	vst v63  }
0x44: {  	_ =	swait.ge [sflag:s15], $0x4000  }
0x45: {  	[sflag:s15] =	ssyncset.done $0x0  }
0x46: {  	s28 =	sadd.s32 $0x1400, s26;
	[sflag:s15] =	ssyncadd.s32 $0xFFFFC000  }
0x47: {  	[spmem:s1] =	stream.indirect.scatter.add.f32 [tilespmem:s19], [sflag:$0x3], $0x80, s28, s18, $0xb8;
	[tilespmem:$0x1E800] =	vst v63  }
0x48: {  	_ =	swait.ge [sflag:s16], $0x4000  }
0x49: {  	[sflag:s16] =	ssyncset.done $0x0  }
0x4a: {  	s28 =	sadd.s32 $0x100, s26;
	[sflag:s16] =	ssyncadd.s32 $0xFFFFC000  }
0x4b: {  	[tilespmem:s19], [sflag:$0x1] =	stream.indirect.gather [hbm4b:s4+s18], $0x80, s28, s18, $0xb8;
	[tilespmem:$0x1E800] =	vst v63  }
0x4c: {  	_ =	swait.ge [sflag:s21], $0x4000  }
0x4d: {  	[sflag:s21] =	ssyncset.done $0x0  }
0x4e: {  	s29 =	sadd.s32 $0x1480, s26;
	[sflag:s21] =	ssyncadd.s32 $0xFFFFC000  }
0x4f: {  	[spmem:s1] =	stream.indirect.scatter.add.f32 [tilespmem:s20], [sflag:$0x3], $0x80, s29, s18, $0xb8;
	[tilespmem:$0x1E800] =	vst v63  }
0x50: {  	_ =	swait.ge [sflag:s16], $0x4000  }
0x51: {  	[sflag:s16] =	ssyncset.done $0x0  }
0x52: {  	[sflag:s16] =	ssyncadd.s32 $0xFFFFC000  }
0x53: {  	[tilespmem:s20], [sflag:$0x2] =	stream.indirect.gather [hbm4b:s4+s18], $0x80, s22, s18, $0xb8;
	[tilespmem:$0x1E800] =	vst v63  }
0x54: {  	_ =	swait.ge [sflag:s15], $0x4000  }
0x55: {  	[sflag:s15] =	ssyncset.done $0x0  }
0x56: {  	[sflag:s15] =	ssyncadd.s32 $0xFFFFC000  }
0x57: {  	[spmem:s1] =	stream.indirect.scatter.add.f32 [tilespmem:s19], [sflag:$0x3], $0x80, s23, s18, $0xb8;
	[tilespmem:$0x1E800] =	vst v63  }
0x58: {  	_ =	swait.ge [sflag:s16], $0x4000  }
0x59: {  	[sflag:s16] =	ssyncset.done $0x0  }
0x5a: {  	[sflag:s16] =	ssyncadd.s32 $0xFFFFC000  }
0x5b: {  	_ =	swait.ge [sflag:s21], $0x4000  }
0x5c: {  	[sflag:s21] =	ssyncset.done $0x0  }
0x5d: {  	[sflag:s21] =	ssyncadd.s32 $0xFFFFC000  }
0x5e: {  	[spmem:s1] =	stream.indirect.scatter.add.f32 [tilespmem:s20], [sflag:$0x3], $0x80, s24, s18, $0xb8;
	[tilespmem:$0x1E800] =	vst v63  }
0x5f: {  	_ =	swait.ge [sflag:s16], $0x4000  }
0x60: {  	[sflag:s16] =	ssyncset.done $0x0  }
0x61: {  	s30 =	simm.s32 $0x0;
	[sflag:s16] =	ssyncadd.s32 $0xFFFFC000  }
0x62: {  	[tilespmem:s30], [sflag:$0x3] =	stream.linear.gather [hbm4b:s11+s30], $0x1400, $0x38;
	[tilespmem:$0x1E800] =	vst v63  }
0x63: {  	_ =	swait.ge [sflag:s16], $0x1400  }
0x64: {  	[sflag:s16] =	ssyncset.done $0x0  }
0x65: {  	[sflag:s16] =	ssyncadd.s32 $0xFFFFEC00  }
0x66: {  	[tilespmem:s17], [sflag:$0x3] =	stream.linear.gather [hbm4b:s12+s30], $0x1400, $0x38;
	[tilespmem:$0x1E800] =	vst v63  }
0x67: {  	_ =	swait.ge [sflag:s16], $0x1400  }
0x68: {  	[sflag:s16] =	ssyncset.done $0x0  }
0x69: {  	[sflag:s16] =	ssyncadd.s32 $0xFFFFEC00  }
0x6a: {  	[tilespmem:s19], [sflag:$0x1] =	stream.indirect.gather [hbm4b:s4+s18], $0x80, s30, s18, $0xb8;
	[tilespmem:$0x1E800] =	vst v63  }
0x6b: {  	s31 =	simm.s32 $0x80  }
0x6c: {  	[tilespmem:s20], [sflag:$0x2] =	stream.indirect.gather [hbm4b:s4+s18], $0x80, s31, s18, $0xb8;
	[tilespmem:$0x1E800] =	vst v63  }
0x6d: {  	_ =	swait.ge [sflag:s15], $0x4000  }
0x6e: {  	[sflag:s15] =	ssyncset.done $0x0  }
0x6f: {  	s29 =	simm.s32 $0x1400;
	[sflag:s15] =	ssyncadd.s32 $0xFFFFC000  }
0x70: {  	[spmem:s1] =	stream.indirect.scatter.add.f32 [tilespmem:s19], [sflag:$0x3], $0x80, s29, s18, $0xb8;
	[tilespmem:$0x1E800] =	vst v63  }
0x71: {  	_ =	swait.ge [sflag:s16], $0x4000  }
0x72: {  	[sflag:s16] =	ssyncset.done $0x0  }
0x73: {  	s30 =	simm.s32 $0x100;
	[sflag:s16] =	ssyncadd.s32 $0xFFFFC000  }
0x74: {  	[tilespmem:s19], [sflag:$0x1] =	stream.indirect.gather [hbm4b:s4+s18], $0x80, s30, s18, $0xb8;
	[tilespmem:$0x1E800] =	vst v63  }
0x75: {  	_ =	swait.ge [sflag:s21], $0x4000  }
0x76: {  	[sflag:s21] =	ssyncset.done $0x0  }
0x77: {  	s31 =	simm.s32 $0x1480;
	[sflag:s21] =	ssyncadd.s32 $0xFFFFC000  }
0x78: {  	[spmem:s1] =	stream.indirect.scatter.add.f32 [tilespmem:s20], [sflag:$0x3], $0x80, s31, s18, $0xb8;
	[tilespmem:$0x1E800] =	vst v63  }
0x79: {  	_ =	swait.ge [sflag:s16], $0x4000  }
0x7a: {  	s26 =	simm.s32 $0x100;
	s28 =	simm.s32 $0x800;
	[sflag:s16] =	ssyncset.done $0x0  }
.LBB2_4:
0x7b: {  	s29 =	sadd.s32 $0x80, s26  }
0x7c: {  	[sflag:s16] =	ssyncadd.s32 $0xFFFFC000;
	s30 =	smov.u32 s28;
	s31 =	sadd.s32 $0x400, s28  }
0x7d: {  	[tilespmem:s20], [sflag:$0x2] =	stream.indirect.gather [hbm4b:s4+s18], $0x80, s29, s18, $0xb8;
	[tilespmem:$0x1E800] =	vst v63  }
0x7e: {  	p0 =	sne.s32 s28, $0x4800;
	_ =	swait.ge [sflag:s15], $0x4000  }
0x7f: {  	[sflag:s15] =	ssyncset.done $0x0  }
0x80: {  	s28 =	sadd.s32 $0x1400, s26;
	[sflag:s15] =	ssyncadd.s32 $0xFFFFC000  }
0x81: {  	[spmem:s1] =	stream.indirect.scatter.add.f32 [tilespmem:s19], [sflag:$0x3], $0x80, s28, s18, $0xb8;
	[tilespmem:$0x1E800] =	vst v63  }
0x82: {  	_ =	swait.ge [sflag:s16], $0x4000  }
0x83: {  	[sflag:s16] =	ssyncset.done $0x0  }
0x84: {  	s28 =	sadd.s32 $0x100, s26;
	[sflag:s16] =	ssyncadd.s32 $0xFFFFC000  }
0x85: {  	[tilespmem:s19], [sflag:$0x1] =	stream.indirect.gather [hbm4b:s4+s18], $0x80, s28, s18, $0xb8;
	[tilespmem:$0x1E800] =	vst v63  }
0x86: {  	_ =	swait.ge [sflag:s21], $0x4000  }
.Ltmp1:
0x87: {  	[sflag:s21] =	ssyncset.done $0x0;
	(pc) =	sbr.rel @p0 .LBB2_4-.Ltmp1, $4  }
0x88: {  	s26 =	sadd.s32 $0x1480, s26;
	[sflag:s21] =	ssyncadd.s32 $0xFFFFC000  }
0x89: {  	[spmem:s1] =	stream.indirect.scatter.add.f32 [tilespmem:s20], [sflag:$0x3], $0x80, s26, s18, $0xb8;
	[tilespmem:$0x1E800] =	vst v63  }
0x8a: {  	_ =	swait.ge [sflag:s16], $0x4000  }
0x8b: {  	s28 =	smov.u32 s31;
	s26 =	sshra.s32 s30, $0x2;
	[sflag:s16] =	ssyncset.done $0x0  }
0x8c: {  	s28 =	sadd.s32 $0x80, s26;
	[sflag:s16] =	ssyncadd.s32 $0xFFFFC000  }
0x8d: {  	[tilespmem:s20], [sflag:$0x2] =	stream.indirect.gather [hbm4b:s4+s18], $0x80, s28, s18, $0xb8;
	[tilespmem:$0x1E800] =	vst v63  }
0x8e: {  	_ =	swait.ge [sflag:s15], $0x4000  }
0x8f: {  	[sflag:s15] =	ssyncset.done $0x0  }
0x90: {  	s31 =	sadd.s32 $0x1400, s26;
	[sflag:s15] =	ssyncadd.s32 $0xFFFFC000  }
0x91: {  	[spmem:s1] =	stream.indirect.scatter.add.f32 [tilespmem:s19], [sflag:$0x3], $0x80, s31, s18, $0xb8;
	[tilespmem:$0x1E800] =	vst v63  }
0x92: {  	_ =	swait.ge [sflag:s16], $0x4000  }
0x93: {  	[sflag:s16] =	ssyncset.done $0x0  }
0x94: {  	s29 =	sadd.s32 $0x100, s26;
	[sflag:s16] =	ssyncadd.s32 $0xFFFFC000  }
0x95: {  	[tilespmem:s19], [sflag:$0x1] =	stream.indirect.gather [hbm4b:s4+s18], $0x80, s29, s18, $0xb8;
	[tilespmem:$0x1E800] =	vst v63  }
0x96: {  	_ =	swait.ge [sflag:s21], $0x4000  }
0x97: {  	[sflag:s21] =	ssyncset.done $0x0  }
0x98: {  	s30 =	sadd.s32 $0x1480, s26;
	[sflag:s21] =	ssyncadd.s32 $0xFFFFC000  }
0x99: {  	[spmem:s1] =	stream.indirect.scatter.add.f32 [tilespmem:s20], [sflag:$0x3], $0x80, s30, s18, $0xb8;
	[tilespmem:$0x1E800] =	vst v63  }
0x9a: {  	_ =	swait.ge [sflag:s16], $0x4000  }
0x9b: {  	[sflag:s16] =	ssyncset.done $0x0  }
0x9c: {  	[sflag:s16] =	ssyncadd.s32 $0xFFFFC000  }
0x9d: {  	[tilespmem:s20], [sflag:$0x2] =	stream.indirect.gather [hbm4b:s4+s18], $0x80, s22, s18, $0xb8;
	[tilespmem:$0x1E800] =	vst v63  }
0x9e: {  	_ =	swait.ge [sflag:s15], $0x4000  }
0x9f: {  	[sflag:s15] =	ssyncset.done $0x0  }
0xa0: {  	[sflag:s15] =	ssyncadd.s32 $0xFFFFC000  }
0xa1: {  	[spmem:s1] =	stream.indirect.scatter.add.f32 [tilespmem:s19], [sflag:$0x3], $0x80, s23, s18, $0xb8;
	[tilespmem:$0x1E800] =	vst v63  }
0xa2: {  	_ =	swait.ge [sflag:s16], $0x4000  }
0xa3: {  	[sflag:s16] =	ssyncset.done $0x0  }
0xa4: {  	[sflag:s16] =	ssyncadd.s32 $0xFFFFC000  }
0xa5: {  	_ =	swait.ge [sflag:s21], $0x4000  }
0xa6: {  	[sflag:s21] =	ssyncset.done $0x0  }
0xa7: {  	[sflag:s21] =	ssyncadd.s32 $0xFFFFC000  }
0xa8: {  	[spmem:s1] =	stream.indirect.scatter.add.f32 [tilespmem:s20], [sflag:$0x3], $0x80, s24, s18, $0xb8;
	[tilespmem:$0x1E800] =	vst v63  }
0xa9: {  	_ =	swait.ge [sflag:s16], $0x4000  }
0xaa: {  	s25 =	sadd.s32 $0x1, s25;
	[sflag:s16] =	ssyncset.done $0x0  }
0xab: {  	p0 =	sne.s32 s25, s8;
	[sflag:s16] =	ssyncadd.s32 $0xFFFFC000  }
.Ltmp2:
0xac: {  	s31 =	sor.u32 $0x1C03, s6;
	[bflag:$0x0] =	sbarrier.arrive $0xFFFF;
	(pc) =	sbr.rel @p0 .LBB2_1-.Ltmp2, $4  }
0xad: {  	[hbm:s13], [sflag:s31] =	dma.local [spmem:s14], $0x2800  }
0xae: {  	_ =	swait.ge [sflag:s16], $0x2800  }
0xaf: {  	[sflag:s16] =	ssyncset.done $0x0  }
0xb0: {  	[sflag:s16] =	ssyncadd.s32 $0xFFFFD800  }
0xb1: {  	_ =	sfence.sel $0x180000  }
0xb2: {  	[bflag:$0x0] =	sbarrier.arrive $0xFFFF  }
0xb3: {  	p0 =	sne.s32 s3, $0x0;
	_ =	strace $0x9000004A  }
0xb4: {  	s0 =	sadd.s32 @!p0 $0x100000, s0;
	[bflag:$0x2] =	sbarrier.arrive $0xFFFF  }
0xb5: {  	[sflag:s0] =	ssyncadd.tile.s32 @!p0 $0x1;
	_ =	shalt  }
.Lfunc_end2:
_tile_overlayer_lowered:
.L_overlay_start_2:
0xb6: {  	(tag) =	ssettag $0x2  }
0xb7: {  	s0 =	rddreg [dreg:$0x0];
	s2 =	stileid.u32  }
0xb8: {  	s1 =	rddreg [dreg:$0x1];
	p0 =	sne.s32 s2, $0x0  }
0xb9: {  	s3 =	rddreg [dreg:$0x2];
	[bflag:$0x3] =	sbarrier.arrive $0xFFFF;
	s2 =	simm.s32 @!p0 $0x1C03  }
0xba: {  	[timem:s3], [sflag:s2] =	dma.local @!p0 [hbm:s0], s1  }
0xbb: {  	s0 =	simm.s32 @!p0 $0x3  }
0xbc: {  	_ =	swait.ge @!p0 [sflag:s0], s1  }
0xbd: {  	s1 =	ssub.s32 @!p0 $0x0, s1;
	[sflag:s0] =	ssyncset.done @!p0 $0x0  }
0xbe: {  	[sflag:s0] =	ssyncadd.s32 @!p0 s1  }
0xbf: {  	[bflag:$0x3] =	sbarrier.arrive $0xFFFF  }
0xc0: {  	_ =	shalt  }

// kernel: kernel.18.cloned.1.call-start
scs
__scs_entry_jumppad:
0x0: {  	(pc) =	sbr.rel $0x88, $3  }
0x1: {  	(tag) =	ssettag $0x0;
	lr =	simm.s32 $0x1  }
0x2: {  	[smem:$0x3F94] =	sst lr;
	_ =	strace $0xD0000000  }
0x3: {  	_ = 	snop  }
0x4: {  	_ = 	snop  }
0x5: {  	_ = 	snop  }
0x6: {  	_ = 	snop  }
0x7: {  	_ = 	snop  }
__scs_overlays_trampoline_lowered:
0x8: {  	[smem:$0x3FA3] =	sst s0  }
0x9: {  	[smem:$0x3FA4] =	sst s1  }
0xa: {  	[smem:$0x3FA5] =	sst s2  }
0xb: {  	[smem:$0x3FA6] =	sst s3  }
0xc: {  	[smem:$0x3FA7] =	sst s4  }
0xd: {  	[smem:$0x3FA8] =	sst s5  }
0xe: {  	[smem:$0x3FA9] =	sst s6  }
0xf: {  	[smem:$0x3FAA] =	sst s7  }
0x10: {  	[smem:$0x3FAB] =	sst s8  }
0x11: {  	[smem:$0x3FAC] =	sst s9;
	s0 =	simm.s32 @!p0 $0x0  }
0x12: {  	s1 =	sld [smem:$0x3F92];
	s0 =	simm.s32 @p0 $0x1  }
0x13: {  	[smem:$0x3FAD] =	sst s0;
	s0 =	simm.s32 @!p1 $0x0  }
0x14: {  	s2 =	sld [smem:$0x3F91];
	s0 =	simm.s32 @p1 $0x1  }
0x15: {  	[smem:$0x3FAE] =	sst s0;
	s0 =	simm.s32 @!p2 $0x0  }
0x16: {  	s3 =	sld [smem:$0x3FDB];
	s0 =	simm.s32 @p2 $0x1  }
0x17: {  	s4 =	simm.s32 $0x1BF5;
	[smem:$0x3FB0] =	sst s0  }
0x18: {  	s0 =	sld [smem:$0x3F93];
	_ =	swait.ge [sflag:s4], $0x0  }
0x19: {  	s7 =	sld [smem:$0x3F94]  }
0x1a: {  	s8 =	sadd.s32 $0xFFFFE003, lr  }
0x1b: {  	s9 =	sadd.s32 $0xFFFFFEF7, lr;
	s5 =	simm.s32 $0xFFFFFFFF;
	p2 =	slt.u32 s8, $0xFFFFF086  }
0x1c: {  	p1 =	slt.u32 s9, $0xF7A;
	s5 =	simm.s32 @!p2 $0x0  }
0x1d: {  	s5 =	simm.s32 @p1 $0x1;
	p0 =	seq.s32 s7, s2  }
0x1e: {  	s7 =	smul.u32 @!p0 $0xF7A, s2;
	p2 =	seq.s32 @!p0 s5, $0x0  }
0x1f: {  	s9 =	smul.u32 $0xF7A, s1;
	s8 =	simm.s32 @!p0 $0x1BF5;
	p2 =	por !p2, p0  }
0x20: {  	[sflag:s8] =	ssyncset.s32 @!p0 $0xFFFFF086;
	s6 =	sadd.s32 @!p0 s3, s7;
	s7 =	simm.s32 @!p0 $0x108  }
0x21: {  	s3 =	sadd.s32 s3, s9;
	s6 =	sadd.s32 @!p0 $0x88, s6;
	s7 =	simm.s32 @p2 $0x1082  }
0x22: {  	[simem:s7], [sflag:s8] =	dma.local @!p0 [hbm:s6], $0xF7A  }
0x23: {  	s9 =	sor.u32 $0xD0000000, s2;
	s6 =	simm.s32 $0x108;
	_ =	swait.ge @!p0 [sflag:s8], $0x0  }
0x24: {  	s3 =	sadd.s32 $0x88, s3;
	s6 =	simm.s32 @!p1 $0x1082;
	[sflag:s4] =	ssyncset.s32 $0xFFFFF086  }
0x25: {  	[simem:s6], [sflag:s4] =	dma.local [hbm:s3], $0xF7A  }
0x26: {  	[smem:$0x3F94] =	sst s1;
	(tag) =	ssettag s2;
	_ =	strace s9  }
0x27: {  	s1 =	sld [smem:$0x3FA4]  }
0x28: {  	s2 =	sld [smem:$0x3FA5]  }
0x29: {  	s4 =	sld [smem:$0x3FA7]  }
0x2a: {  	p0 =	seq.s32 s5, $0x0;
	s5 =	sld [smem:$0x3FA8]  }
0x2b: {  	s6 =	sld [smem:$0x3FA9]  }
0x2c: {  	s7 =	sld [smem:$0x3FAA]  }
0x2d: {  	s3 =	simm.s32 $0x108;
	s8 =	sld [smem:$0x3FAB]  }
0x2e: {  	s3 =	simm.s32 @!p0 $0x1082;
	s9 =	sld [smem:$0x3FAC]  }
0x2f: {  	lr =	sadd.s32 s0, s3;
	s0 =	sld [smem:$0x3FA3]  }
0x30: {  	s3 =	sld [smem:$0x3FA6]  }
0x31: {  	[smem:$0x3FAF] =	sst s10  }
0x32: {  	s10 =	sld [smem:$0x3FAD];
	_ =	sdelay $0x3  }
0x33: {  	p0 =	seq.s32 s10, $0x1;
	s10 =	sld [smem:$0x3FAF];
	_ =	sdelay $0x3  }
0x34: {  	[smem:$0x3FAF] =	sst s10  }
0x35: {  	s10 =	sld [smem:$0x3FAE];
	_ =	sdelay $0x3  }
0x36: {  	p1 =	seq.s32 s10, $0x1;
	s10 =	sld [smem:$0x3FAF];
	_ =	sdelay $0x3  }
0x37: {  	[smem:$0x3FAF] =	sst s10  }
0x38: {  	s10 =	sld [smem:$0x3FB0]  }
0x39: {  	_ = 	snop;
	(pc) =	sbr.ind lr, $3  }
0x3a: {  	_ = 	snop  }
0x3b: {  	_ = 	snop  }
0x3c: {  	p2 =	seq.s32 s10, $0x1;
	s10 =	sld [smem:$0x3FAF]  }
0x3d: {  	_ =	shalt  }
0x3e: {  	_ =	shalt  }
0x3f: {  	_ =	shalt  }
0x40: {  	_ =	shalt  }
0x41: {  	_ =	shalt  }
0x42: {  	_ =	shalt  }
0x43: {  	_ =	shalt  }
0x44: {  	_ =	shalt  }
0x45: {  	_ =	shalt  }
0x46: {  	_ =	shalt  }
0x47: {  	_ =	shalt  }
0x48: {  	_ =	shalt  }
0x49: {  	_ =	shalt  }
0x4a: {  	_ =	shalt  }
0x4b: {  	_ =	shalt  }
0x4c: {  	_ =	shalt  }
0x4d: {  	_ =	shalt  }
0x4e: {  	_ =	shalt  }
0x4f: {  	_ =	shalt  }
0x50: {  	_ =	shalt  }
0x51: {  	_ =	shalt  }
0x52: {  	_ =	shalt  }
0x53: {  	_ =	shalt  }
0x54: {  	_ =	shalt  }
0x55: {  	_ =	shalt  }
0x56: {  	_ =	shalt  }
0x57: {  	_ =	shalt  }
0x58: {  	_ =	shalt  }
0x59: {  	_ =	shalt  }
0x5a: {  	_ =	shalt  }
0x5b: {  	_ =	shalt  }
0x5c: {  	_ =	shalt  }
0x5d: {  	_ =	shalt  }
0x5e: {  	_ =	shalt  }
0x5f: {  	_ =	shalt  }
0x60: {  	_ =	shalt  }
0x61: {  	_ =	shalt  }
0x62: {  	_ =	shalt  }
0x63: {  	_ =	shalt  }
0x64: {  	_ =	shalt  }
0x65: {  	_ =	shalt  }
0x66: {  	_ =	shalt  }
0x67: {  	_ =	shalt  }
0x68: {  	_ =	shalt  }
0x69: {  	_ =	shalt  }
0x6a: {  	_ =	shalt  }
0x6b: {  	_ =	shalt  }
0x6c: {  	_ =	shalt  }
0x6d: {  	_ =	shalt  }
0x6e: {  	_ =	shalt  }
0x6f: {  	_ =	shalt  }
0x70: {  	_ =	shalt  }
0x71: {  	_ =	shalt  }
0x72: {  	_ =	shalt  }
0x73: {  	_ =	shalt  }
0x74: {  	_ =	shalt  }
0x75: {  	_ =	shalt  }
0x76: {  	_ =	shalt  }
0x77: {  	_ =	shalt  }
0x78: {  	_ =	shalt  }
0x79: {  	_ =	shalt  }
0x7a: {  	_ =	shalt  }
0x7b: {  	_ =	shalt  }
0x7c: {  	_ =	shalt  }
0x7d: {  	_ =	shalt  }
0x7e: {  	_ =	shalt  }
0x7f: {  	_ =	shalt  }
0x80: {  	_ =	shalt  }
0x81: {  	_ =	shalt  }
0x82: {  	_ =	shalt  }
0x83: {  	_ =	shalt  }
0x84: {  	_ =	shalt  }
0x85: {  	_ =	shalt  }
0x86: {  	_ =	shalt  }
0x87: {  	_ =	shalt  }
.Lfunc_end0:
.L_simem_size_0:
called_computation.2_lowered:
.L_overlay_start_0:
0x88: {  	s2 =	sld [smem:$0x3FD9]  }
0x89: {  	s3 =	sld [smem:$0x3FFE];
	_ =	sdelay $0x1  }
0x8a: {  	s1 =	srdreg.scid  }
0x8b: {  	s0 =	sand.u32 $0x1, s1  }
0x8c: {  	s16 =	sshll.u32 s0, $0xA;
	s2 =	sadd.s32 s3, s2  }
0x8d: {  	s2 =	sadd.s32 s2, s16  }
0x8e: {  	[smem:$0x3FBB] =	sst s2  }
0x8f: {  	_ = 	snop  }
0x90: {  	(tm) =	ssettm $0x1  }
0x91: {  	s17 =	sld [smem:$0x3FFB];
	_ =	sdelay $0x3  }
0x92: {  	_ =	strace s17  }
0x93: {  	s2 =	sld [smem:$0x3FFC];
	_ =	sdelay $0x3  }
0x94: {  	_ =	strace s2  }
0x95: {  	s2 =	sld [smem:$0x3FFD];
	_ =	sdelay $0x3  }
0x96: {  	_ =	strace s2  }
0x97: {  	_ =	strace $0x8FFFFFFF  }
0x98: {  	s18 =	sld [smem:$0x3FDB];
	_ =	sdelay $0x1  }
0x99: {  	s19 =	simm.s32 $_scs_section_size  }
0x9a: {  	s4 =	simm.s32 $_size__tile_overlayer_lowered;
	s5 =	simm.s32 $_tile_overlayer_lowered  }
0x9b: {  	s22 =	simm.s32 $0x1BFF;
	s21 =	sshll.u32 s5, $0x1;
	s2 =	sadd.s32 s19, s18  }
0x9c: {  	s6 =	simm.s32 $0x0;
	s20 =	sshll.u32 s4, $0x1;
	s4 =	sadd.s32 s21, s2  }
0x9d: {  	[timem:s6], [sflag:s22] =	dma.local [hbm:s4], s20  }
0x9e: {  	_ =	swait.ge [sflag:s22], s20  }
0x9f: {  	s3 =	ssub.s32 $0x0, s20;
	[sflag:s22] =	ssyncset.done $0x0  }
0xa0: {  	[sflag:s22] =	ssyncadd.s32 s3;
	_ =	sdelay $0x1  }
0xa1: {  	s23 =	simm.s32 $0x1B8B  }
0xa2: {  	_ =	swait.ge [sflag:s23], $0x1  }
0xa3: {  	[sflag:s23] =	ssyncset.done $0x0  }
0xa4: {  	s25 =	simm.s32 $0x1B8E;
	s24 =	sld [smem:$0x3FFE];
	[sflag:s23] =	ssyncadd.s32 $0xFFFFFFFF  }
0xa5: {  	s26 =	simm.s32 $execute0_lowered;
	[smem:$0x3FD2] =	sst s25  }
0xa6: {  	s4 =	sshll.u32 s26, $0x1;
	_ =	strace $0x8000004C;
	[dreg:$0x1] =	wrdreg $0xFFFFFFFF  }
0xa7: {  	s28 =	simm.s32 $_size_execute0_lowered;
	s2 =	sadd.s32 s2, s4;
	[dreg:$0x0] =	wrdreg $0x0  }
0xa8: {  	s4 =	sshll.u32 s28, $0x1;
	[dreg:$0x2] =	wrdreg s2  }
0xa9: {  	[dreg:$0x3] =	wrdreg s4  }
0xaa: {  	[dreg:$0x4] =	wrdreg $0xC0  }
0xab: {  	_ =	task [dreg:s6], $0x5FFFF  }
0xac: {  	[dreg:$0x1] =	wrdreg $0xFFFFFFFF  }
0xad: {  	[dreg:$0x0] =	wrdreg $0x60  }
0xae: {  	[dreg:$0x2] =	wrdreg s24  }
0xaf: {  	[dreg:$0x3] =	wrdreg $0xA8000  }
0xb0: {  	[dreg:$0x4] =	wrdreg $0x9  }
0xb1: {  	_ =	task.clear_ibuf [dreg:s6], $0x5FFFF;
	_ =	strace $0x9000004C  }
0xb2: {  	s29 =	simm.s32 $0x9;
	_ =	strace $0x8000004E  }
0xb3: {  	_ =	swait.ge [sflag:s29], $0x1  }
0xb4: {  	[sflag:s29] =	ssyncadd.s32 $0xFFFFFFFF  }
0xb5: {  	_ =	strace $0x9000004E  }
0xb6: {  	_ =	sfence  }
0xb7: {  	s30 =	sld [smem:$0x0];
	_ =	sdelay $0x2  }
0xb8: {  	s31 =	sshll.u32 s1, $0xD;
	s1 =	sshrl.u32 s1, $0x2  }
0xb9: {  	s3 =	sand.u32 $0x4000, s31;
	s1 =	sadd.s32 s1, s30  }
0xba: {  	s0 =	sor.u32 s3, s0;
	s1 =	sshll.u32 s1, $0x11  }
0xbb: {  	s0 =	sor.u32 s1, s0  }
0xbc: {  	s0 =	sadd.s32 $0x8F2B, s0  }
0xbd: {  	[sflag:s0] =	ssyncadd.remote.s32 $0x1  }
0xbe: {  	_ =	sfence.sel $0xFFFF  }
0xbf: {  	[dreg:$0x0] =	wrdreg $0xFFFFFFFF;
	(pc) =	sbr.abs _section_cstart, $3  }
0xc0: {  	[dreg:$0x1] =	wrdreg $0xFFFFFFFF  }
0xc1: {  	_ =	task.clear_ibuf [dreg:s6], $0x2FFFF;
	_ =	strace $0x9FFFFFFF  }
0xc2: {  	(tm) =	ssettm $0x7FFFFFFF  }
0xc3: {  	_ =	shalt  }
tec
execute0_lowered:
.L_overlay_start_1:
0x0: {  	(tag) =	ssettag $0x1  }
0x1: {  	s11 =	rddreg [dreg:$0x0]  }
0x2: {  	s1 =	rddreg [dreg:$0x1]  }
0x3: {  	s0 =	rddreg [dreg:$0x2];
	s2 =	simm.s32 $0x0  }
0x4: {  	s3 =	srdreg.scid;
	s18 =	simm.s32 $0xBBA00;
	s19 =	simm.s32 $0x2800  }
0x5: {  	s20 =	simm.s32 $0x6800;
	s21 =	simm.s32 $0x2;
	s22 =	simm.s32 $0x1380  }
0x6: {  	s23 =	simm.s32 $0x2700;
	s24 =	simm.s32 $0x2780;
	s25 =	simm.s32 $0x0  }
0x7: {  	[smem:$0x7FF] =	sst s2;
	s4 =	sadd.s32 $0x43A00, s11;
	s12 =	sadd.s32 $0x6000, s11  }
0x8: {  	s8 =	sand.u32 $0x1, s3;
	s13 =	sadd.s32 $0x10000, s11;
	s3 =	stileid.u32  }
0x9: {  	s5 =	sadd.s32 $0x41200, s11;
	_ =	strace $0x8000004D;
	s6 =	ssub.s32 $0x2, s8  }
0xa: {  	s9 =	sshll.u32 s8, $0x4;
	s10 =	smul.u32 $0x50000, s3;
	p0 =	seq.s32 s8, $0x1  }
0xb: {  	s16 =	smul.u32 $0x2800, s3;
	s7 =	sshrl.u32 s6, $0x1;
	s26 =	sor.u32 s3, s9  }
0xc: {  	s18 =	simm.s32 @!p0 $0x93A00;
	s14 =	ssub.s32 s6, s7;
	s28 =	sshrl.u32 s10, $0x2  }
0xd: {  	s6 =	sshll.u32 s3, $0x6;
	s29 =	smul.u32 $0x2800, s26;
	s31 =	sadd.s32 s18, s11  }
0xe: {  	s18 =	simm.s32 $0x80;
	s15 =	sadd.s32 s28, s1;
	s7 =	sor.u32 $0x1C01, s6  }
0xf: {  	s8 =	smax.u32 s14, $0x1;
	s17 =	sshrl.u32 s29, $0x3;
	s14 =	sshrl.u32 s15, $0x3  }
0x10: {  	s15 =	simm.s32 $0x1;
	s9 =	sadd.s32 s12, s17;
	s30 =	sadd.s32 $0x280, s17  }
0x11: {  	s10 =	sadd.s32 s13, s17;
	s17 =	simm.s32 $0x1400;
	s11 =	sadd.s32 s12, s30  }
0x12: {  	s12 =	sadd.s32 s13, s30;
	s13 =	sadd.s32 s31, s16;
	s16 =	simm.s32 $0x3  }
.LBB2_1:
0x13: {  	[spmem:s14], [sflag:s7] =	dma.local [hbm:s5], $0x2800  }
0x14: {  	_ =	swait.ge [sflag:s15], $0x2800  }
0x15: {  	[sflag:s15] =	ssyncset.done $0x0  }
0x16: {  	[sflag:s15] =	ssyncadd.s32 $0xFFFFD800  }
0x17: {  	[bflag:$0x0] =	sbarrier.arrive $0xFFFF  }
0x18: {  	[tilespmem:s2], [sflag:$0x3] =	stream.linear.gather [hbm4b:s9+s2], $0x1400, $0x38;
	[tilespmem:$0x1E800] =	vst v63  }
0x19: {  	_ =	swait.ge [sflag:s16], $0x1400  }
0x1a: {  	[sflag:s16] =	ssyncset.done $0x0  }
0x1b: {  	[sflag:s16] =	ssyncadd.s32 $0xFFFFEC00  }
0x1c: {  	[tilespmem:s17], [sflag:$0x3] =	stream.linear.gather [hbm4b:s10+s2], $0x1400, $0x38;
	[tilespmem:$0x1E800] =	vst v63  }
0x1d: {  	_ =	swait.ge [sflag:s16], $0x1400  }
0x1e: {  	[sflag:s16] =	ssyncset.done $0x0  }
0x1f: {  	[sflag:s16] =	ssyncadd.s32 $0xFFFFEC00  }
0x20: {  	[tilespmem:s19], [sflag:$0x1] =	stream.indirect.gather [hbm4b:s4+s18], $0x80, s2, s18, $0xb8;
	[tilespmem:$0x1E800] =	vst v63  }
0x21: {  	s26 =	simm.s32 $0x80  }
0x22: {  	[tilespmem:s20], [sflag:$0x2] =	stream.indirect.gather [hbm4b:s4+s18], $0x80, s26, s18, $0xb8;
	[tilespmem:$0x1E800] =	vst v63  }
0x23: {  	_ =	swait.ge [sflag:s15], $0x4000  }
0x24: {  	[sflag:s15] =	ssyncset.done $0x0  }
0x25: {  	s29 =	simm.s32 $0x1400;
	[sflag:s15] =	ssyncadd.s32 $0xFFFFC000  }
0x26: {  	[spmem:s1] =	stream.indirect.scatter.add.f32 [tilespmem:s19], [sflag:$0x3], $0x80, s29, s18, $0xb8;
	[tilespmem:$0x1E800] =	vst v63  }
0x27: {  	_ =	swait.ge [sflag:s16], $0x4000  }
0x28: {  	[sflag:s16] =	ssyncset.done $0x0  }
0x29: {  	s30 =	simm.s32 $0x100;
	[sflag:s16] =	ssyncadd.s32 $0xFFFFC000  }
0x2a: {  	[tilespmem:s19], [sflag:$0x1] =	stream.indirect.gather [hbm4b:s4+s18], $0x80, s30, s18, $0xb8;
	[tilespmem:$0x1E800] =	vst v63  }
0x2b: {  	_ =	swait.ge [sflag:s21], $0x4000  }
0x2c: {  	[sflag:s21] =	ssyncset.done $0x0  }
0x2d: {  	s31 =	simm.s32 $0x1480;
	[sflag:s21] =	ssyncadd.s32 $0xFFFFC000  }
0x2e: {  	[spmem:s1] =	stream.indirect.scatter.add.f32 [tilespmem:s20], [sflag:$0x3], $0x80, s31, s18, $0xb8;
	[tilespmem:$0x1E800] =	vst v63  }
0x2f: {  	_ =	swait.ge [sflag:s16], $0x4000  }
0x30: {  	s28 =	simm.s32 $0x800;
	s26 =	simm.s32 $0x100;
	[sflag:s16] =	ssyncset.done $0x0  }
.LBB2_2:
0x31: {  	s29 =	sadd.s32 $0x80, s26  }
0x32: {  	[sflag:s16] =	ssyncadd.s32 $0xFFFFC000;
	s30 =	smov.u32 s28;
	s31 =	sadd.s32 $0x400, s28  }
0x33: {  	[tilespmem:s20], [sflag:$0x2] =	stream.indirect.gather [hbm4b:s4+s18], $0x80, s29, s18, $0xb8;
	[tilespmem:$0x1E800] =	vst v63  }
0x34: {  	p0 =	sne.s32 s28, $0x4800;
	_ =	swait.ge [sflag:s15], $0x4000  }
0x35: {  	[sflag:s15] =	ssyncset.done $0x0  }
0x36: {  	s28 =	sadd.s32 $0x1400, s26;
	[sflag:s15] =	ssyncadd.s32 $0xFFFFC000  }
0x37: {  	[spmem:s1] =	stream.indirect.scatter.add.f32 [tilespmem:s19], [sflag:$0x3], $0x80, s28, s18, $0xb8;
	[tilespmem:$0x1E800] =	vst v63  }
0x38: {  	_ =	swait.ge [sflag:s16], $0x4000  }
0x39: {  	[sflag:s16] =	ssyncset.done $0x0  }
0x3a: {  	s28 =	sadd.s32 $0x100, s26;
	[sflag:s16] =	ssyncadd.s32 $0xFFFFC000  }
0x3b: {  	[tilespmem:s19], [sflag:$0x1] =	stream.indirect.gather [hbm4b:s4+s18], $0x80, s28, s18, $0xb8;
	[tilespmem:$0x1E800] =	vst v63  }
0x3c: {  	_ =	swait.ge [sflag:s21], $0x4000  }
.Ltmp0:
0x3d: {  	[sflag:s21] =	ssyncset.done $0x0;
	(pc) =	sbr.rel @p0 .LBB2_2-.Ltmp0, $4  }
0x3e: {  	s26 =	sadd.s32 $0x1480, s26;
	[sflag:s21] =	ssyncadd.s32 $0xFFFFC000  }
0x3f: {  	[spmem:s1] =	stream.indirect.scatter.add.f32 [tilespmem:s20], [sflag:$0x3], $0x80, s26, s18, $0xb8;
	[tilespmem:$0x1E800] =	vst v63  }
0x40: {  	_ =	swait.ge [sflag:s16], $0x4000  }
0x41: {  	s28 =	smov.u32 s31;
	s26 =	sshra.s32 s30, $0x2;
	[sflag:s16] =	ssyncset.done $0x0  }
0x42: {  	s28 =	sadd.s32 $0x80, s26;
	[sflag:s16] =	ssyncadd.s32 $0xFFFFC000  }
0x43: {  	[tilespmem:s20], [sflag:$0x2] =	stream.indirect.gather [hbm4b:s4+s18], $0x80, s28, s18, $0xb8;
	[tilespmem:$0x1E800] =	vst v63  }
0x44: {  	_ =	swait.ge [sflag:s15], $0x4000  }
0x45: {  	[sflag:s15] =	ssyncset.done $0x0  }
0x46: {  	s28 =	sadd.s32 $0x1400, s26;
	[sflag:s15] =	ssyncadd.s32 $0xFFFFC000  }
0x47: {  	[spmem:s1] =	stream.indirect.scatter.add.f32 [tilespmem:s19], [sflag:$0x3], $0x80, s28, s18, $0xb8;
	[tilespmem:$0x1E800] =	vst v63  }
0x48: {  	_ =	swait.ge [sflag:s16], $0x4000  }
0x49: {  	[sflag:s16] =	ssyncset.done $0x0  }
0x4a: {  	s28 =	sadd.s32 $0x100, s26;
	[sflag:s16] =	ssyncadd.s32 $0xFFFFC000  }
0x4b: {  	[tilespmem:s19], [sflag:$0x1] =	stream.indirect.gather [hbm4b:s4+s18], $0x80, s28, s18, $0xb8;
	[tilespmem:$0x1E800] =	vst v63  }
0x4c: {  	_ =	swait.ge [sflag:s21], $0x4000  }
0x4d: {  	[sflag:s21] =	ssyncset.done $0x0  }
0x4e: {  	s29 =	sadd.s32 $0x1480, s26;
	[sflag:s21] =	ssyncadd.s32 $0xFFFFC000  }
0x4f: {  	[spmem:s1] =	stream.indirect.scatter.add.f32 [tilespmem:s20], [sflag:$0x3], $0x80, s29, s18, $0xb8;
	[tilespmem:$0x1E800] =	vst v63  }
0x50: {  	_ =	swait.ge [sflag:s16], $0x4000  }
0x51: {  	[sflag:s16] =	ssyncset.done $0x0  }
0x52: {  	[sflag:s16] =	ssyncadd.s32 $0xFFFFC000  }
0x53: {  	[tilespmem:s20], [sflag:$0x2] =	stream.indirect.gather [hbm4b:s4+s18], $0x80, s22, s18, $0xb8;
	[tilespmem:$0x1E800] =	vst v63  }
0x54: {  	_ =	swait.ge [sflag:s15], $0x4000  }
0x55: {  	[sflag:s15] =	ssyncset.done $0x0  }
0x56: {  	[sflag:s15] =	ssyncadd.s32 $0xFFFFC000  }
0x57: {  	[spmem:s1] =	stream.indirect.scatter.add.f32 [tilespmem:s19], [sflag:$0x3], $0x80, s23, s18, $0xb8;
	[tilespmem:$0x1E800] =	vst v63  }
0x58: {  	_ =	swait.ge [sflag:s16], $0x4000  }
0x59: {  	[sflag:s16] =	ssyncset.done $0x0  }
0x5a: {  	[sflag:s16] =	ssyncadd.s32 $0xFFFFC000  }
0x5b: {  	_ =	swait.ge [sflag:s21], $0x4000  }
0x5c: {  	[sflag:s21] =	ssyncset.done $0x0  }
0x5d: {  	[sflag:s21] =	ssyncadd.s32 $0xFFFFC000  }
0x5e: {  	[spmem:s1] =	stream.indirect.scatter.add.f32 [tilespmem:s20], [sflag:$0x3], $0x80, s24, s18, $0xb8;
	[tilespmem:$0x1E800] =	vst v63  }
0x5f: {  	_ =	swait.ge [sflag:s16], $0x4000  }
0x60: {  	[sflag:s16] =	ssyncset.done $0x0  }
0x61: {  	s30 =	simm.s32 $0x0;
	[sflag:s16] =	ssyncadd.s32 $0xFFFFC000  }
0x62: {  	[tilespmem:s30], [sflag:$0x3] =	stream.linear.gather [hbm4b:s11+s30], $0x1400, $0x38;
	[tilespmem:$0x1E800] =	vst v63  }
0x63: {  	_ =	swait.ge [sflag:s16], $0x1400  }
0x64: {  	[sflag:s16] =	ssyncset.done $0x0  }
0x65: {  	[sflag:s16] =	ssyncadd.s32 $0xFFFFEC00  }
0x66: {  	[tilespmem:s17], [sflag:$0x3] =	stream.linear.gather [hbm4b:s12+s30], $0x1400, $0x38;
	[tilespmem:$0x1E800] =	vst v63  }
0x67: {  	_ =	swait.ge [sflag:s16], $0x1400  }
0x68: {  	[sflag:s16] =	ssyncset.done $0x0  }
0x69: {  	[sflag:s16] =	ssyncadd.s32 $0xFFFFEC00  }
0x6a: {  	[tilespmem:s19], [sflag:$0x1] =	stream.indirect.gather [hbm4b:s4+s18], $0x80, s30, s18, $0xb8;
	[tilespmem:$0x1E800] =	vst v63  }
0x6b: {  	s31 =	simm.s32 $0x80  }
0x6c: {  	[tilespmem:s20], [sflag:$0x2] =	stream.indirect.gather [hbm4b:s4+s18], $0x80, s31, s18, $0xb8;
	[tilespmem:$0x1E800] =	vst v63  }
0x6d: {  	_ =	swait.ge [sflag:s15], $0x4000  }
0x6e: {  	[sflag:s15] =	ssyncset.done $0x0  }
0x6f: {  	s29 =	simm.s32 $0x1400;
	[sflag:s15] =	ssyncadd.s32 $0xFFFFC000  }
0x70: {  	[spmem:s1] =	stream.indirect.scatter.add.f32 [tilespmem:s19], [sflag:$0x3], $0x80, s29, s18, $0xb8;
	[tilespmem:$0x1E800] =	vst v63  }
0x71: {  	_ =	swait.ge [sflag:s16], $0x4000  }
0x72: {  	[sflag:s16] =	ssyncset.done $0x0  }
0x73: {  	s30 =	simm.s32 $0x100;
	[sflag:s16] =	ssyncadd.s32 $0xFFFFC000  }
0x74: {  	[tilespmem:s19], [sflag:$0x1] =	stream.indirect.gather [hbm4b:s4+s18], $0x80, s30, s18, $0xb8;
	[tilespmem:$0x1E800] =	vst v63  }
0x75: {  	_ =	swait.ge [sflag:s21], $0x4000  }
0x76: {  	[sflag:s21] =	ssyncset.done $0x0  }
0x77: {  	s31 =	simm.s32 $0x1480;
	[sflag:s21] =	ssyncadd.s32 $0xFFFFC000  }
0x78: {  	[spmem:s1] =	stream.indirect.scatter.add.f32 [tilespmem:s20], [sflag:$0x3], $0x80, s31, s18, $0xb8;
	[tilespmem:$0x1E800] =	vst v63  }
0x79: {  	_ =	swait.ge [sflag:s16], $0x4000  }
0x7a: {  	s26 =	simm.s32 $0x100;
	s28 =	simm.s32 $0x800;
	[sflag:s16] =	ssyncset.done $0x0  }
.LBB2_4:
0x7b: {  	s29 =	sadd.s32 $0x80, s26  }
0x7c: {  	[sflag:s16] =	ssyncadd.s32 $0xFFFFC000;
	s30 =	smov.u32 s28;
	s31 =	sadd.s32 $0x400, s28  }
0x7d: {  	[tilespmem:s20], [sflag:$0x2] =	stream.indirect.gather [hbm4b:s4+s18], $0x80, s29, s18, $0xb8;
	[tilespmem:$0x1E800] =	vst v63  }
0x7e: {  	p0 =	sne.s32 s28, $0x4800;
	_ =	swait.ge [sflag:s15], $0x4000  }
0x7f: {  	[sflag:s15] =	ssyncset.done $0x0  }
0x80: {  	s28 =	sadd.s32 $0x1400, s26;
	[sflag:s15] =	ssyncadd.s32 $0xFFFFC000  }
0x81: {  	[spmem:s1] =	stream.indirect.scatter.add.f32 [tilespmem:s19], [sflag:$0x3], $0x80, s28, s18, $0xb8;
	[tilespmem:$0x1E800] =	vst v63  }
0x82: {  	_ =	swait.ge [sflag:s16], $0x4000  }
0x83: {  	[sflag:s16] =	ssyncset.done $0x0  }
0x84: {  	s28 =	sadd.s32 $0x100, s26;
	[sflag:s16] =	ssyncadd.s32 $0xFFFFC000  }
0x85: {  	[tilespmem:s19], [sflag:$0x1] =	stream.indirect.gather [hbm4b:s4+s18], $0x80, s28, s18, $0xb8;
	[tilespmem:$0x1E800] =	vst v63  }
0x86: {  	_ =	swait.ge [sflag:s21], $0x4000  }
.Ltmp1:
0x87: {  	[sflag:s21] =	ssyncset.done $0x0;
	(pc) =	sbr.rel @p0 .LBB2_4-.Ltmp1, $4  }
0x88: {  	s26 =	sadd.s32 $0x1480, s26;
	[sflag:s21] =	ssyncadd.s32 $0xFFFFC000  }
0x89: {  	[spmem:s1] =	stream.indirect.scatter.add.f32 [tilespmem:s20], [sflag:$0x3], $0x80, s26, s18, $0xb8;
	[tilespmem:$0x1E800] =	vst v63  }
0x8a: {  	_ =	swait.ge [sflag:s16], $0x4000  }
0x8b: {  	s28 =	smov.u32 s31;
	s26 =	sshra.s32 s30, $0x2;
	[sflag:s16] =	ssyncset.done $0x0  }
0x8c: {  	s28 =	sadd.s32 $0x80, s26;
	[sflag:s16] =	ssyncadd.s32 $0xFFFFC000  }
0x8d: {  	[tilespmem:s20], [sflag:$0x2] =	stream.indirect.gather [hbm4b:s4+s18], $0x80, s28, s18, $0xb8;
	[tilespmem:$0x1E800] =	vst v63  }
0x8e: {  	_ =	swait.ge [sflag:s15], $0x4000  }
0x8f: {  	[sflag:s15] =	ssyncset.done $0x0  }
0x90: {  	s31 =	sadd.s32 $0x1400, s26;
	[sflag:s15] =	ssyncadd.s32 $0xFFFFC000  }
0x91: {  	[spmem:s1] =	stream.indirect.scatter.add.f32 [tilespmem:s19], [sflag:$0x3], $0x80, s31, s18, $0xb8;
	[tilespmem:$0x1E800] =	vst v63  }
0x92: {  	_ =	swait.ge [sflag:s16], $0x4000  }
0x93: {  	[sflag:s16] =	ssyncset.done $0x0  }
0x94: {  	s29 =	sadd.s32 $0x100, s26;
	[sflag:s16] =	ssyncadd.s32 $0xFFFFC000  }
0x95: {  	[tilespmem:s19], [sflag:$0x1] =	stream.indirect.gather [hbm4b:s4+s18], $0x80, s29, s18, $0xb8;
	[tilespmem:$0x1E800] =	vst v63  }
0x96: {  	_ =	swait.ge [sflag:s21], $0x4000  }
0x97: {  	[sflag:s21] =	ssyncset.done $0x0  }
0x98: {  	s30 =	sadd.s32 $0x1480, s26;
	[sflag:s21] =	ssyncadd.s32 $0xFFFFC000  }
0x99: {  	[spmem:s1] =	stream.indirect.scatter.add.f32 [tilespmem:s20], [sflag:$0x3], $0x80, s30, s18, $0xb8;
	[tilespmem:$0x1E800] =	vst v63  }
0x9a: {  	_ =	swait.ge [sflag:s16], $0x4000  }
0x9b: {  	[sflag:s16] =	ssyncset.done $0x0  }
0x9c: {  	[sflag:s16] =	ssyncadd.s32 $0xFFFFC000  }
0x9d: {  	[tilespmem:s20], [sflag:$0x2] =	stream.indirect.gather [hbm4b:s4+s18], $0x80, s22, s18, $0xb8;
	[tilespmem:$0x1E800] =	vst v63  }
0x9e: {  	_ =	swait.ge [sflag:s15], $0x4000  }
0x9f: {  	[sflag:s15] =	ssyncset.done $0x0  }
0xa0: {  	[sflag:s15] =	ssyncadd.s32 $0xFFFFC000  }
0xa1: {  	[spmem:s1] =	stream.indirect.scatter.add.f32 [tilespmem:s19], [sflag:$0x3], $0x80, s23, s18, $0xb8;
	[tilespmem:$0x1E800] =	vst v63  }
0xa2: {  	_ =	swait.ge [sflag:s16], $0x4000  }
0xa3: {  	[sflag:s16] =	ssyncset.done $0x0  }
0xa4: {  	[sflag:s16] =	ssyncadd.s32 $0xFFFFC000  }
0xa5: {  	_ =	swait.ge [sflag:s21], $0x4000  }
0xa6: {  	[sflag:s21] =	ssyncset.done $0x0  }
0xa7: {  	[sflag:s21] =	ssyncadd.s32 $0xFFFFC000  }
0xa8: {  	[spmem:s1] =	stream.indirect.scatter.add.f32 [tilespmem:s20], [sflag:$0x3], $0x80, s24, s18, $0xb8;
	[tilespmem:$0x1E800] =	vst v63  }
0xa9: {  	_ =	swait.ge [sflag:s16], $0x4000  }
0xaa: {  	s25 =	sadd.s32 $0x1, s25;
	[sflag:s16] =	ssyncset.done $0x0  }
0xab: {  	p0 =	sne.s32 s25, s8;
	[sflag:s16] =	ssyncadd.s32 $0xFFFFC000  }
.Ltmp2:
0xac: {  	s31 =	sor.u32 $0x1C03, s6;
	[bflag:$0x0] =	sbarrier.arrive $0xFFFF;
	(pc) =	sbr.rel @p0 .LBB2_1-.Ltmp2, $4  }
0xad: {  	[hbm:s13], [sflag:s31] =	dma.local [spmem:s14], $0x2800  }
0xae: {  	_ =	swait.ge [sflag:s16], $0x2800  }
0xaf: {  	[sflag:s16] =	ssyncset.done $0x0  }
0xb0: {  	[sflag:s16] =	ssyncadd.s32 $0xFFFFD800  }
0xb1: {  	_ =	sfence.sel $0x180000  }
0xb2: {  	[bflag:$0x0] =	sbarrier.arrive $0xFFFF  }
0xb3: {  	p0 =	sne.s32 s3, $0x0;
	_ =	strace $0x9000004D  }
0xb4: {  	s0 =	sadd.s32 @!p0 $0x100000, s0;
	[bflag:$0x2] =	sbarrier.arrive $0xFFFF  }
0xb5: {  	[sflag:s0] =	ssyncadd.tile.s32 @!p0 $0x1;
	_ =	shalt  }
.Lfunc_end2:
_tile_overlayer_lowered:
.L_overlay_start_2:
0xb6: {  	(tag) =	ssettag $0x2  }
0xb7: {  	s0 =	rddreg [dreg:$0x0];
	s2 =	stileid.u32  }
0xb8: {  	s1 =	rddreg [dreg:$0x1];
	p0 =	sne.s32 s2, $0x0  }
0xb9: {  	s3 =	rddreg [dreg:$0x2];
	[bflag:$0x3] =	sbarrier.arrive $0xFFFF;
	s2 =	simm.s32 @!p0 $0x1C03  }
0xba: {  	[timem:s3], [sflag:s2] =	dma.local @!p0 [hbm:s0], s1  }
0xbb: {  	s0 =	simm.s32 @!p0 $0x3  }
0xbc: {  	_ =	swait.ge @!p0 [sflag:s0], s1  }
0xbd: {  	s1 =	ssub.s32 @!p0 $0x0, s1;
	[sflag:s0] =	ssyncset.done @!p0 $0x0  }
0xbe: {  	[sflag:s0] =	ssyncadd.s32 @!p0 s1  }
0xbf: {  	[bflag:$0x3] =	sbarrier.arrive $0xFFFF  }
0xc0: {  	_ =	shalt  }

// kernel: kernel.21.cloned.1.call-start
scs
__scs_entry_jumppad:
0x0: {  	(pc) =	sbr.rel $0x88, $3  }
0x1: {  	(tag) =	ssettag $0x0;
	lr =	simm.s32 $0x1  }
0x2: {  	[smem:$0x3F94] =	sst lr;
	_ =	strace $0xD0000000  }
0x3: {  	_ = 	snop  }
0x4: {  	_ = 	snop  }
0x5: {  	_ = 	snop  }
0x6: {  	_ = 	snop  }
0x7: {  	_ = 	snop  }
__scs_overlays_trampoline_lowered:
0x8: {  	[smem:$0x3FA3] =	sst s0  }
0x9: {  	[smem:$0x3FA4] =	sst s1  }
0xa: {  	[smem:$0x3FA5] =	sst s2  }
0xb: {  	[smem:$0x3FA6] =	sst s3  }
0xc: {  	[smem:$0x3FA7] =	sst s4  }
0xd: {  	[smem:$0x3FA8] =	sst s5  }
0xe: {  	[smem:$0x3FA9] =	sst s6  }
0xf: {  	[smem:$0x3FAA] =	sst s7  }
0x10: {  	[smem:$0x3FAB] =	sst s8  }
0x11: {  	[smem:$0x3FAC] =	sst s9;
	s0 =	simm.s32 @!p0 $0x0  }
0x12: {  	s1 =	sld [smem:$0x3F92];
	s0 =	simm.s32 @p0 $0x1  }
0x13: {  	[smem:$0x3FAD] =	sst s0;
	s0 =	simm.s32 @!p1 $0x0  }
0x14: {  	s2 =	sld [smem:$0x3F91];
	s0 =	simm.s32 @p1 $0x1  }
0x15: {  	[smem:$0x3FAE] =	sst s0;
	s0 =	simm.s32 @!p2 $0x0  }
0x16: {  	s3 =	sld [smem:$0x3FDB];
	s0 =	simm.s32 @p2 $0x1  }
0x17: {  	s4 =	simm.s32 $0x1BF5;
	[smem:$0x3FB0] =	sst s0  }
0x18: {  	s0 =	sld [smem:$0x3F93];
	_ =	swait.ge [sflag:s4], $0x0  }
0x19: {  	s7 =	sld [smem:$0x3F94]  }
0x1a: {  	s8 =	sadd.s32 $0xFFFFE003, lr  }
0x1b: {  	s9 =	sadd.s32 $0xFFFFFEF7, lr;
	s5 =	simm.s32 $0xFFFFFFFF;
	p2 =	slt.u32 s8, $0xFFFFF086  }
0x1c: {  	p1 =	slt.u32 s9, $0xF7A;
	s5 =	simm.s32 @!p2 $0x0  }
0x1d: {  	s5 =	simm.s32 @p1 $0x1;
	p0 =	seq.s32 s7, s2  }
0x1e: {  	s7 =	smul.u32 @!p0 $0xF7A, s2;
	p2 =	seq.s32 @!p0 s5, $0x0  }
0x1f: {  	s9 =	smul.u32 $0xF7A, s1;
	s8 =	simm.s32 @!p0 $0x1BF5;
	p2 =	por !p2, p0  }
0x20: {  	[sflag:s8] =	ssyncset.s32 @!p0 $0xFFFFF086;
	s6 =	sadd.s32 @!p0 s3, s7;
	s7 =	simm.s32 @!p0 $0x108  }
0x21: {  	s3 =	sadd.s32 s3, s9;
	s6 =	sadd.s32 @!p0 $0x88, s6;
	s7 =	simm.s32 @p2 $0x1082  }
0x22: {  	[simem:s7], [sflag:s8] =	dma.local @!p0 [hbm:s6], $0xF7A  }
0x23: {  	s9 =	sor.u32 $0xD0000000, s2;
	s6 =	simm.s32 $0x108;
	_ =	swait.ge @!p0 [sflag:s8], $0x0  }
0x24: {  	s3 =	sadd.s32 $0x88, s3;
	s6 =	simm.s32 @!p1 $0x1082;
	[sflag:s4] =	ssyncset.s32 $0xFFFFF086  }
0x25: {  	[simem:s6], [sflag:s4] =	dma.local [hbm:s3], $0xF7A  }
0x26: {  	[smem:$0x3F94] =	sst s1;
	(tag) =	ssettag s2;
	_ =	strace s9  }
0x27: {  	s1 =	sld [smem:$0x3FA4]  }
0x28: {  	s2 =	sld [smem:$0x3FA5]  }
0x29: {  	s4 =	sld [smem:$0x3FA7]  }
0x2a: {  	p0 =	seq.s32 s5, $0x0;
	s5 =	sld [smem:$0x3FA8]  }
0x2b: {  	s6 =	sld [smem:$0x3FA9]  }
0x2c: {  	s7 =	sld [smem:$0x3FAA]  }
0x2d: {  	s3 =	simm.s32 $0x108;
	s8 =	sld [smem:$0x3FAB]  }
0x2e: {  	s3 =	simm.s32 @!p0 $0x1082;
	s9 =	sld [smem:$0x3FAC]  }
0x2f: {  	lr =	sadd.s32 s0, s3;
	s0 =	sld [smem:$0x3FA3]  }
0x30: {  	s3 =	sld [smem:$0x3FA6]  }
0x31: {  	[smem:$0x3FAF] =	sst s10  }
0x32: {  	s10 =	sld [smem:$0x3FAD];
	_ =	sdelay $0x3  }
0x33: {  	p0 =	seq.s32 s10, $0x1;
	s10 =	sld [smem:$0x3FAF];
	_ =	sdelay $0x3  }
0x34: {  	[smem:$0x3FAF] =	sst s10  }
0x35: {  	s10 =	sld [smem:$0x3FAE];
	_ =	sdelay $0x3  }
0x36: {  	p1 =	seq.s32 s10, $0x1;
	s10 =	sld [smem:$0x3FAF];
	_ =	sdelay $0x3  }
0x37: {  	[smem:$0x3FAF] =	sst s10  }
0x38: {  	s10 =	sld [smem:$0x3FB0]  }
0x39: {  	_ = 	snop;
	(pc) =	sbr.ind lr, $3  }
0x3a: {  	_ = 	snop  }
0x3b: {  	_ = 	snop  }
0x3c: {  	p2 =	seq.s32 s10, $0x1;
	s10 =	sld [smem:$0x3FAF]  }
0x3d: {  	_ =	shalt  }
0x3e: {  	_ =	shalt  }
0x3f: {  	_ =	shalt  }
0x40: {  	_ =	shalt  }
0x41: {  	_ =	shalt  }
0x42: {  	_ =	shalt  }
0x43: {  	_ =	shalt  }
0x44: {  	_ =	shalt  }
0x45: {  	_ =	shalt  }
0x46: {  	_ =	shalt  }
0x47: {  	_ =	shalt  }
0x48: {  	_ =	shalt  }
0x49: {  	_ =	shalt  }
0x4a: {  	_ =	shalt  }
0x4b: {  	_ =	shalt  }
0x4c: {  	_ =	shalt  }
0x4d: {  	_ =	shalt  }
0x4e: {  	_ =	shalt  }
0x4f: {  	_ =	shalt  }
0x50: {  	_ =	shalt  }
0x51: {  	_ =	shalt  }
0x52: {  	_ =	shalt  }
0x53: {  	_ =	shalt  }
0x54: {  	_ =	shalt  }
0x55: {  	_ =	shalt  }
0x56: {  	_ =	shalt  }
0x57: {  	_ =	shalt  }
0x58: {  	_ =	shalt  }
0x59: {  	_ =	shalt  }
0x5a: {  	_ =	shalt  }
0x5b: {  	_ =	shalt  }
0x5c: {  	_ =	shalt  }
0x5d: {  	_ =	shalt  }
0x5e: {  	_ =	shalt  }
0x5f: {  	_ =	shalt  }
0x60: {  	_ =	shalt  }
0x61: {  	_ =	shalt  }
0x62: {  	_ =	shalt  }
0x63: {  	_ =	shalt  }
0x64: {  	_ =	shalt  }
0x65: {  	_ =	shalt  }
0x66: {  	_ =	shalt  }
0x67: {  	_ =	shalt  }
0x68: {  	_ =	shalt  }
0x69: {  	_ =	shalt  }
0x6a: {  	_ =	shalt  }
0x6b: {  	_ =	shalt  }
0x6c: {  	_ =	shalt  }
0x6d: {  	_ =	shalt  }
0x6e: {  	_ =	shalt  }
0x6f: {  	_ =	shalt  }
0x70: {  	_ =	shalt  }
0x71: {  	_ =	shalt  }
0x72: {  	_ =	shalt  }
0x73: {  	_ =	shalt  }
0x74: {  	_ =	shalt  }
0x75: {  	_ =	shalt  }
0x76: {  	_ =	shalt  }
0x77: {  	_ =	shalt  }
0x78: {  	_ =	shalt  }
0x79: {  	_ =	shalt  }
0x7a: {  	_ =	shalt  }
0x7b: {  	_ =	shalt  }
0x7c: {  	_ =	shalt  }
0x7d: {  	_ =	shalt  }
0x7e: {  	_ =	shalt  }
0x7f: {  	_ =	shalt  }
0x80: {  	_ =	shalt  }
0x81: {  	_ =	shalt  }
0x82: {  	_ =	shalt  }
0x83: {  	_ =	shalt  }
0x84: {  	_ =	shalt  }
0x85: {  	_ =	shalt  }
0x86: {  	_ =	shalt  }
0x87: {  	_ =	shalt  }
.Lfunc_end0:
.L_simem_size_0:
called_computation.3_lowered:
.L_overlay_start_0:
0x88: {  	s2 =	sld [smem:$0x3FD9]  }
0x89: {  	s3 =	sld [smem:$0x3FFE];
	_ =	sdelay $0x1  }
0x8a: {  	s1 =	srdreg.scid  }
0x8b: {  	s0 =	sand.u32 $0x1, s1  }
0x8c: {  	s16 =	sshll.u32 s0, $0xA;
	s2 =	sadd.s32 s3, s2  }
0x8d: {  	s2 =	sadd.s32 s2, s16  }
0x8e: {  	[smem:$0x3FBB] =	sst s2  }
0x8f: {  	_ = 	snop  }
0x90: {  	(tm) =	ssettm $0x1  }
0x91: {  	s17 =	sld [smem:$0x3FFB];
	_ =	sdelay $0x3  }
0x92: {  	_ =	strace s17  }
0x93: {  	s2 =	sld [smem:$0x3FFC];
	_ =	sdelay $0x3  }
0x94: {  	_ =	strace s2  }
0x95: {  	s2 =	sld [smem:$0x3FFD];
	_ =	sdelay $0x3  }
0x96: {  	_ =	strace s2  }
0x97: {  	_ =	strace $0x8FFFFFFF  }
0x98: {  	s18 =	sld [smem:$0x3FDB];
	_ =	sdelay $0x1  }
0x99: {  	s19 =	simm.s32 $_scs_section_size  }
0x9a: {  	s4 =	simm.s32 $_size__tile_overlayer_lowered;
	s5 =	simm.s32 $_tile_overlayer_lowered  }
0x9b: {  	s22 =	simm.s32 $0x1BFF;
	s21 =	sshll.u32 s5, $0x1;
	s2 =	sadd.s32 s19, s18  }
0x9c: {  	s6 =	simm.s32 $0x0;
	s20 =	sshll.u32 s4, $0x1;
	s4 =	sadd.s32 s21, s2  }
0x9d: {  	[timem:s6], [sflag:s22] =	dma.local [hbm:s4], s20  }
0x9e: {  	_ =	swait.ge [sflag:s22], s20  }
0x9f: {  	s3 =	ssub.s32 $0x0, s20;
	[sflag:s22] =	ssyncset.done $0x0  }
0xa0: {  	[sflag:s22] =	ssyncadd.s32 s3;
	_ =	sdelay $0x1  }
0xa1: {  	s23 =	simm.s32 $0x1B8B  }
0xa2: {  	_ =	swait.ge [sflag:s23], $0x1  }
0xa3: {  	[sflag:s23] =	ssyncset.done $0x0  }
0xa4: {  	s25 =	simm.s32 $0x1B8E;
	s24 =	sld [smem:$0x3FFE];
	[sflag:s23] =	ssyncadd.s32 $0xFFFFFFFF  }
0xa5: {  	s26 =	simm.s32 $execute0_lowered;
	[smem:$0x3FD2] =	sst s25  }
0xa6: {  	s4 =	sshll.u32 s26, $0x1;
	_ =	strace $0x8000004F;
	[dreg:$0x1] =	wrdreg $0xFFFFFFFF  }
0xa7: {  	s28 =	simm.s32 $_size_execute0_lowered;
	s2 =	sadd.s32 s2, s4;
	[dreg:$0x0] =	wrdreg $0x0  }
0xa8: {  	s4 =	sshll.u32 s28, $0x1;
	[dreg:$0x2] =	wrdreg s2  }
0xa9: {  	[dreg:$0x3] =	wrdreg s4  }
0xaa: {  	[dreg:$0x4] =	wrdreg $0xC0  }
0xab: {  	_ =	task [dreg:s6], $0x5FFFF  }
0xac: {  	[dreg:$0x1] =	wrdreg $0xFFFFFFFF  }
0xad: {  	[dreg:$0x0] =	wrdreg $0x60  }
0xae: {  	[dreg:$0x2] =	wrdreg s24  }
0xaf: {  	[dreg:$0x3] =	wrdreg $0x68000  }
0xb0: {  	[dreg:$0x4] =	wrdreg $0x9  }
0xb1: {  	_ =	task.clear_ibuf [dreg:s6], $0x5FFFF;
	_ =	strace $0x9000004F  }
0xb2: {  	s29 =	simm.s32 $0x9;
	_ =	strace $0x80000051  }
0xb3: {  	_ =	swait.ge [sflag:s29], $0x1  }
0xb4: {  	[sflag:s29] =	ssyncadd.s32 $0xFFFFFFFF  }
0xb5: {  	_ =	strace $0x90000051  }
0xb6: {  	_ =	sfence  }
0xb7: {  	s30 =	sld [smem:$0x0];
	_ =	sdelay $0x2  }
0xb8: {  	s31 =	sshll.u32 s1, $0xD;
	s1 =	sshrl.u32 s1, $0x2  }
0xb9: {  	s3 =	sand.u32 $0x4000, s31;
	s1 =	sadd.s32 s1, s30  }
0xba: {  	s0 =	sor.u32 s3, s0;
	s1 =	sshll.u32 s1, $0x11  }
0xbb: {  	s0 =	sor.u32 s1, s0  }
0xbc: {  	s0 =	sadd.s32 $0x8F2B, s0  }
0xbd: {  	[sflag:s0] =	ssyncadd.remote.s32 $0x1  }
0xbe: {  	_ =	sfence.sel $0xFFFF  }
0xbf: {  	[dreg:$0x0] =	wrdreg $0xFFFFFFFF;
	(pc) =	sbr.abs _section_cstart, $3  }
0xc0: {  	[dreg:$0x1] =	wrdreg $0xFFFFFFFF  }
0xc1: {  	_ =	task.clear_ibuf [dreg:s6], $0x2FFFF;
	_ =	strace $0x9FFFFFFF  }
0xc2: {  	(tm) =	ssettm $0x7FFFFFFF  }
0xc3: {  	_ =	shalt  }
tec
execute0_lowered:
.L_overlay_start_1:
0x0: {  	(tag) =	ssettag $0x1  }
0x1: {  	s0 =	rddreg [dreg:$0x0]  }
0x2: {  	s1 =	rddreg [dreg:$0x1]  }
0x3: {  	s2 =	simm.s32 $0x0;
	s5 =	srdreg.scid;
	s10 =	stileid.u32  }
0x4: {  	s14 =	simm.s32 $0x1;
	s15 =	simm.s32 $0x3;
	s16 =	simm.s32 $0x200  }
0x5: {  	s17 =	simm.s32 $0x2800;
	s18 =	simm.s32 $0x4800;
	s20 =	simm.s32 $0x2  }
0x6: {  	s21 =	simm.s32 $0x1600;
	s28 =	simm.s32 $0x1C00;
	s29 =	simm.s32 $0xC00  }
0x7: {  	s30 =	simm.s32 $0x1E00;
	s31 =	simm.s32 $0xE00;
	s19 =	simm.s32 $0x0  }
0x8: {  	[smem:$0x7FF] =	sst s2;
	s3 =	sadd.s32 $0x1A000, s0;
	s4 =	sadd.s32 $0x6000, s0  }
0x9: {  	s5 =	sand.u32 $0x1, s5;
	s6 =	sadd.s32 $0x10000, s0;
	s7 =	sadd.s32 $0x1F000, s0  }
0xa: {  	s24 =	smul.u32 $0x2800, s10;
	_ =	strace $0x80000050;
	[dreg:$0x3] =	wrdreg s7  }
0xb: {  	s22 =	ssub.s32 $0x2, s5;
	s9 =	sshll.u32 s5, $0x4;
	p0 =	seq.s32 s5, $0x1  }
0xc: {  	s5 =	simm.s32 $0x1F600;
	s8 =	sshrl.u32 s22, $0x1;
	s23 =	sor.u32 s10, s9  }
0xd: {  	s10 =	sshll.u32 s10, $0x6;
	s11 =	sadd.s32 s24, s1;
	s5 =	simm.s32 @!p0 $0x24600  }
0xe: {  	s25 =	sshrl.u32 s24, $0x3;
	s24 =	simm.s32 $0x800;
	s9 =	simm.s32 $0x1200  }
0xf: {  	s7 =	ssub.s32 s22, s8;
	[dreg:$0x4] =	wrdreg s10;
	s10 =	sor.u32 $0x1C01, s10  }
0x10: {  	s0 =	sadd.s32 s5, s0;
	s13 =	sshrl.u32 s11, $0x3;
	s22 =	simm.s32 $0x600  }
0x11: {  	s5 =	simm.s32 $0x1000;
	s8 =	simm.s32 $0x2400;
	s11 =	simm.s32 $0x2600  }
0x12: {  	[dreg:$0x5] =	wrdreg s10;
	s10 =	smul.u32 $0x2800, s23;
	s26 =	smax.u32 s7, $0x1  }
0x13: {  	s0 =	sadd.s32 s0, s25;
	s23 =	simm.s32 $0x1800;
	[dreg:$0x8] =	wrdreg s13  }
0x14: {  	s25 =	simm.s32 $0x1A00;
	s7 =	simm.s32 $0x2200;
	[dreg:$0x6] =	wrdreg s26  }
0x15: {  	[dreg:$0x7] =	wrdreg s0;
	s26 =	simm.s32 $0xA00;
	s0 =	simm.s32 $0x2000  }
.LBB2_1:
0x16: {  	[dreg:$0x9] =	wrdreg s19  }
0x17: {  	s12 =	rddreg [dreg:$0x3]  }
0x18: {  	s19 =	smov.u32 s13;
	s13 =	rddreg [dreg:$0x5]  }
0x19: {  	[spmem:s19], [sflag:s13] =	dma.local [hbm:s12], $0x500  }
0x1a: {  	_ =	swait.ge [sflag:s14], $0x500  }
0x1b: {  	[sflag:s14] =	ssyncset.done $0x0  }
0x1c: {  	p0 =	por $0x1, $0x1;
	[sflag:s14] =	ssyncadd.s32 $0xFFFFFB00  }
0x1d: {  	s13 =	simm.s32 $0x0;
	s19 =	simm.s32 $0x400;
	[bflag:$0x0] =	sbarrier.arrive $0xFFFF  }
.LBB2_2:
0x1e: {  	s13 =	sadd.s32 s10, s13  }
0x1f: {  	s13 =	sshrl.u32 s13, $0x3  }
0x20: {  	s12 =	sadd.s32 s4, s13  }
0x21: {  	[tilespmem:s2], [sflag:$0x3] =	stream.linear.gather [hbm4b:s12+s2], $0x1400, $0x38;
	[tilespmem:$0x9000] =	vst v63  }
0x22: {  	_ =	swait.ge [sflag:s15], $0x1400  }
0x23: {  	[sflag:s15] =	ssyncset.done $0x0  }
0x24: {  	s12 =	sadd.s32 s6, s13;
	s13 =	simm.s32 $0x1400;
	[sflag:s15] =	ssyncadd.s32 $0xFFFFEC00  }
0x25: {  	[tilespmem:s13], [sflag:$0x3] =	stream.linear.gather [hbm4b:s12+s2], $0x1400, $0x38;
	[tilespmem:$0x9000] =	vst v63  }
0x26: {  	_ =	swait.ge [sflag:s15], $0x1400  }
0x27: {  	[sflag:s15] =	ssyncset.done $0x0  }
0x28: {  	[sflag:s15] =	ssyncadd.s32 $0xFFFFEC00  }
0x29: {  	[tilespmem:s17], [sflag:$0x1] =	stream.indirect.gather [hbm4b:s3+s16], $0x10, s2, s16, $0xb8;
	[tilespmem:$0x9000] =	vst v63  }
0x2a: {  	_ = 	snop  }
0x2b: {  	[tilespmem:s18], [sflag:$0x2] =	stream.indirect.gather [hbm4b:s3+s16], $0x10, s16, s16, $0xb8;
	[tilespmem:$0x9000] =	vst v63  }
0x2c: {  	_ =	swait.ge [sflag:s14], $0x2000  }
0x2d: {  	[sflag:s14] =	ssyncset.done $0x0  }
0x2e: {  	[sflag:s14] =	ssyncadd.s32 $0xFFFFE000  }
0x2f: {  	[spmem:s1] =	stream.indirect.scatter.add.f32 [tilespmem:s17], [sflag:$0x3], $0x10, s13, s16, $0xb8;
	[tilespmem:$0x9000] =	vst v63  }
0x30: {  	_ =	swait.ge [sflag:s15], $0x2000  }
0x31: {  	[sflag:s15] =	ssyncset.done $0x0  }
0x32: {  	[sflag:s15] =	ssyncadd.s32 $0xFFFFE000  }
0x33: {  	[tilespmem:s17], [sflag:$0x1] =	stream.indirect.gather [hbm4b:s3+s16], $0x10, s19, s16, $0xb8;
	[tilespmem:$0x9000] =	vst v63  }
0x34: {  	_ =	swait.ge [sflag:s20], $0x2000  }
0x35: {  	[sflag:s20] =	ssyncset.done $0x0  }
0x36: {  	[sflag:s20] =	ssyncadd.s32 $0xFFFFE000  }
0x37: {  	[spmem:s1] =	stream.indirect.scatter.add.f32 [tilespmem:s18], [sflag:$0x3], $0x10, s21, s16, $0xb8;
	[tilespmem:$0x9000] =	vst v63  }
0x38: {  	_ =	swait.ge [sflag:s15], $0x2000  }
0x39: {  	[sflag:s15] =	ssyncset.done $0x0  }
0x3a: {  	[sflag:s15] =	ssyncadd.s32 $0xFFFFE000  }
0x3b: {  	[tilespmem:s18], [sflag:$0x2] =	stream.indirect.gather [hbm4b:s3+s16], $0x10, s22, s16, $0xb8;
	[tilespmem:$0x9000] =	vst v63  }
0x3c: {  	_ =	swait.ge [sflag:s14], $0x2000  }
0x3d: {  	[sflag:s14] =	ssyncset.done $0x0  }
0x3e: {  	[sflag:s14] =	ssyncadd.s32 $0xFFFFE000  }
0x3f: {  	[spmem:s1] =	stream.indirect.scatter.add.f32 [tilespmem:s17], [sflag:$0x3], $0x10, s23, s16, $0xb8;
	[tilespmem:$0x9000] =	vst v63  }
0x40: {  	_ =	swait.ge [sflag:s15], $0x2000  }
0x41: {  	[sflag:s15] =	ssyncset.done $0x0  }
0x42: {  	[sflag:s15] =	ssyncadd.s32 $0xFFFFE000  }
0x43: {  	[tilespmem:s17], [sflag:$0x1] =	stream.indirect.gather [hbm4b:s3+s16], $0x10, s24, s16, $0xb8;
	[tilespmem:$0x9000] =	vst v63  }
0x44: {  	_ =	swait.ge [sflag:s20], $0x2000  }
0x45: {  	[sflag:s20] =	ssyncset.done $0x0  }
0x46: {  	[sflag:s20] =	ssyncadd.s32 $0xFFFFE000  }
0x47: {  	[spmem:s1] =	stream.indirect.scatter.add.f32 [tilespmem:s18], [sflag:$0x3], $0x10, s25, s16, $0xb8;
	[tilespmem:$0x9000] =	vst v63  }
0x48: {  	_ =	swait.ge [sflag:s15], $0x2000  }
0x49: {  	[sflag:s15] =	ssyncset.done $0x0  }
0x4a: {  	[sflag:s15] =	ssyncadd.s32 $0xFFFFE000  }
0x4b: {  	[tilespmem:s18], [sflag:$0x2] =	stream.indirect.gather [hbm4b:s3+s16], $0x10, s26, s16, $0xb8;
	[tilespmem:$0x9000] =	vst v63  }
0x4c: {  	_ =	swait.ge [sflag:s14], $0x2000  }
0x4d: {  	[sflag:s14] =	ssyncset.done $0x0  }
0x4e: {  	[sflag:s14] =	ssyncadd.s32 $0xFFFFE000  }
0x4f: {  	[spmem:s1] =	stream.indirect.scatter.add.f32 [tilespmem:s17], [sflag:$0x3], $0x10, s28, s16, $0xb8;
	[tilespmem:$0x9000] =	vst v63  }
0x50: {  	_ =	swait.ge [sflag:s15], $0x2000  }
0x51: {  	[sflag:s15] =	ssyncset.done $0x0  }
0x52: {  	[sflag:s15] =	ssyncadd.s32 $0xFFFFE000  }
0x53: {  	[tilespmem:s17], [sflag:$0x1] =	stream.indirect.gather [hbm4b:s3+s16], $0x10, s29, s16, $0xb8;
	[tilespmem:$0x9000] =	vst v63  }
0x54: {  	_ =	swait.ge [sflag:s20], $0x2000  }
0x55: {  	[sflag:s20] =	ssyncset.done $0x0  }
0x56: {  	[sflag:s20] =	ssyncadd.s32 $0xFFFFE000  }
0x57: {  	[spmem:s1] =	stream.indirect.scatter.add.f32 [tilespmem:s18], [sflag:$0x3], $0x10, s30, s16, $0xb8;
	[tilespmem:$0x9000] =	vst v63  }
0x58: {  	_ =	swait.ge [sflag:s15], $0x2000  }
0x59: {  	[sflag:s15] =	ssyncset.done $0x0  }
0x5a: {  	[sflag:s15] =	ssyncadd.s32 $0xFFFFE000  }
0x5b: {  	[tilespmem:s18], [sflag:$0x2] =	stream.indirect.gather [hbm4b:s3+s16], $0x10, s31, s16, $0xb8;
	[tilespmem:$0x9000] =	vst v63  }
0x5c: {  	_ =	swait.ge [sflag:s14], $0x2000  }
0x5d: {  	[sflag:s14] =	ssyncset.done $0x0  }
0x5e: {  	[sflag:s14] =	ssyncadd.s32 $0xFFFFE000  }
0x5f: {  	[spmem:s1] =	stream.indirect.scatter.add.f32 [tilespmem:s17], [sflag:$0x3], $0x10, s0, s16, $0xb8;
	[tilespmem:$0x9000] =	vst v63  }
0x60: {  	_ =	swait.ge [sflag:s15], $0x2000  }
0x61: {  	[sflag:s15] =	ssyncset.done $0x0  }
0x62: {  	[sflag:s15] =	ssyncadd.s32 $0xFFFFE000  }
0x63: {  	[tilespmem:s17], [sflag:$0x1] =	stream.indirect.gather [hbm4b:s3+s16], $0x10, s5, s16, $0xb8;
	[tilespmem:$0x9000] =	vst v63  }
0x64: {  	_ =	swait.ge [sflag:s20], $0x2000  }
0x65: {  	[sflag:s20] =	ssyncset.done $0x0  }
0x66: {  	[sflag:s20] =	ssyncadd.s32 $0xFFFFE000  }
0x67: {  	[spmem:s1] =	stream.indirect.scatter.add.f32 [tilespmem:s18], [sflag:$0x3], $0x10, s7, s16, $0xb8;
	[tilespmem:$0x9000] =	vst v63  }
0x68: {  	_ =	swait.ge [sflag:s15], $0x2000  }
0x69: {  	[sflag:s15] =	ssyncset.done $0x0  }
0x6a: {  	[sflag:s15] =	ssyncadd.s32 $0xFFFFE000  }
0x6b: {  	[tilespmem:s18], [sflag:$0x2] =	stream.indirect.gather [hbm4b:s3+s16], $0x10, s9, s16, $0xb8;
	[tilespmem:$0x9000] =	vst v63  }
0x6c: {  	_ =	swait.ge [sflag:s14], $0x2000  }
0x6d: {  	[sflag:s14] =	ssyncset.done $0x0  }
0x6e: {  	[sflag:s14] =	ssyncadd.s32 $0xFFFFE000  }
0x6f: {  	[spmem:s1] =	stream.indirect.scatter.add.f32 [tilespmem:s17], [sflag:$0x3], $0x10, s8, s16, $0xb8;
	[tilespmem:$0x9000] =	vst v63  }
0x70: {  	_ =	swait.ge [sflag:s15], $0x2000  }
0x71: {  	[sflag:s15] =	ssyncset.done $0x0  }
0x72: {  	[sflag:s15] =	ssyncadd.s32 $0xFFFFE000  }
0x73: {  	_ =	swait.ge [sflag:s20], $0x2000  }
0x74: {  	p1 =	por p0, p0;
	[sflag:s20] =	ssyncset.done $0x0  }
.Ltmp0:
0x75: {  	[sflag:s20] =	ssyncadd.s32 $0xFFFFE000;
	(pc) =	sbr.rel @p1 .LBB2_2-.Ltmp0, $4  }
0x76: {  	[spmem:s1] =	stream.indirect.scatter.add.f32 [tilespmem:s18], [sflag:$0x3], $0x10, s11, s16, $0xb8;
	[tilespmem:$0x9000] =	vst v63  }
0x77: {  	_ =	swait.ge [sflag:s15], $0x2000  }
0x78: {  	[sflag:s15] =	ssyncset.done $0x0  }
0x79: {  	p0 =	por $0x0, $0x0;
	[sflag:s15] =	ssyncadd.s32 $0xFFFFE000  }
0x7a: {  	[bflag:$0x0] =	sbarrier.arrive $0xFFFF  }
0x7b: {  	s12 =	rddreg [dreg:$0x4]  }
0x7c: {  	s13 =	rddreg [dreg:$0x7]  }
0x7d: {  	s19 =	rddreg [dreg:$0x8];
	s12 =	sor.u32 $0x1C03, s12  }
0x7e: {  	[hbm:s13], [sflag:s12] =	dma.local [spmem:s19], $0x500  }
0x7f: {  	_ =	swait.ge [sflag:s15], $0x500  }
0x80: {  	s12 =	rddreg [dreg:$0x9]  }
0x81: {  	s13 =	smov.u32 s19;
	s19 =	sadd.s32 $0x1, s12;
	s12 =	rddreg [dreg:$0x6]  }
0x82: {  	p0 =	sne.s32 s19, s12  }
.Ltmp1:
0x83: {  	_ = 	snop;
	(pc) =	sbr.rel @p0 .LBB2_1-.Ltmp1, $3  }
0x84: {  	_ =	sdelay $0x1  }
0x85: {  	[sflag:s15] =	ssyncset.done $0x0  }
0x86: {  	[sflag:s15] =	ssyncadd.s32 $0xFFFFFB00  }
0x87: {  	_ =	sfence.sel $0x180000  }
0x88: {  	[bflag:$0x0] =	sbarrier.arrive $0xFFFF  }
0x89: {  	_ =	strace $0x90000050  }
0x8a: {  	s0 =	stileid.u32;
	[bflag:$0x2] =	sbarrier.arrive $0xFFFF  }
0x8b: {  	p0 =	sne.s32 s0, $0x0;
	s0 =	rddreg [dreg:$0x2]  }
0x8c: {  	s0 =	sadd.s32 @!p0 $0x100000, s0  }
0x8d: {  	[sflag:s0] =	ssyncadd.tile.s32 @!p0 $0x1;
	_ =	shalt  }
.Lfunc_end2:
_tile_overlayer_lowered:
.L_overlay_start_2:
0x8e: {  	(tag) =	ssettag $0x2  }
0x8f: {  	s0 =	rddreg [dreg:$0x0];
	s2 =	stileid.u32  }
0x90: {  	s1 =	rddreg [dreg:$0x1];
	p0 =	sne.s32 s2, $0x0  }
0x91: {  	s3 =	rddreg [dreg:$0x2];
	[bflag:$0x3] =	sbarrier.arrive $0xFFFF;
	s2 =	simm.s32 @!p0 $0x1C03  }
0x92: {  	[timem:s3], [sflag:s2] =	dma.local @!p0 [hbm:s0], s1  }
0x93: {  	s0 =	simm.s32 @!p0 $0x3  }
0x94: {  	_ =	swait.ge @!p0 [sflag:s0], s1  }
0x95: {  	s1 =	ssub.s32 @!p0 $0x0, s1;
	[sflag:s0] =	ssyncset.done @!p0 $0x0  }
0x96: {  	[sflag:s0] =	ssyncadd.s32 @!p0 s1  }
0x97: {  	[bflag:$0x3] =	sbarrier.arrive $0xFFFF  }
0x98: {  	_ =	shalt  }

</sc_bundles>
